<compile_context>
chip_gen: v7x
topology: tpu7x:2x2x1
jax: 0.10.2.dev20260603
libtpu: 0.0.44.dev20260713+nightly
codegen_flags: <defaults>
</compile_context>

<pallas_src>
import functools

import jax
import jax.numpy as jnp
from jax import lax
from jax.experimental import pallas as pl
from jax.experimental.pallas import tpu as pltpu
from jax.experimental.pallas import tpu_sc as plsc

B = 16
T = 1024
K = 4096
D = 64
HOP = 128
C = B * T
F = 4 * C
CH = 1

NC = 2
NS = 16
NW = NC * NS
C_CH = C // CH
F_CH = 4 * C_CH
C_W = C_CH // NW
F_W = 4 * C_W
NSUB = 8
C_SUB = C_W // NSUB
F_SUB = 4 * C_SUB
H_SUB = F_SUB // 2
SEG = 128
NSEG = F_SUB // SEG
NSEG_W = F_W // SEG
NSEG2 = F_W // 2 // SEG


def _sc_gather_combine(ids_flat, cb1, cb2, cb3, h):
    mesh = plsc.VectorSubcoreMesh(core_axis_name="c", subcore_axis_name="s")

    @functools.partial(
        pl.kernel,
        out_type=jax.ShapeDtypeStruct((F_CH, 2 * D), jnp.float32),
        mesh=mesh,
        scratch_types=[
            pltpu.VMEM((C_W * 7,), jnp.int32),
            pltpu.VMEM((NSEG_W, SEG), jnp.int32),
            pltpu.VMEM((NSEG2, SEG), jnp.int32),
            pltpu.VMEM((NSUB, C_SUB), jnp.int32),
            pltpu.VMEM((2, F_SUB, D), jnp.float32),
            pltpu.VMEM((2, H_SUB, D), jnp.float32),
            pltpu.VMEM((2, C_SUB, D), jnp.float32),
            pltpu.SemaphoreType.DMA,
            pltpu.SemaphoreType.DMA,
            pltpu.SemaphoreType.DMA,
            pltpu.SemaphoreType.DMA,
            pltpu.SemaphoreType.DMA,
        ],
        compiler_params=pltpu.CompilerParams(needs_layout_passes=False,
                                             use_tc_tiling_on_sc=False),
    )
    def k(ids_hbm, cb1_hbm, cb2_hbm, cb3_hbm, z_hbm,
          ids_v, idx3_v, idx2_v, idx1_v, z_v, l2_v, l1_v,
          sem_ids, sem_g0, sem_g1, sem_aux, sem_out):
        wid = lax.axis_index("s") * NC + lax.axis_index("c")
        base_c = h * C_CH + wid * C_W
        pltpu.async_copy(ids_hbm.at[pl.ds(base_c * 7, C_W * 7)],
                         ids_v, sem_ids).wait()
        lane = lax.broadcasted_iota(jnp.int32, (16,), 0)

        def build3(i, carry):
            f = lane + i * 16
            s = f & 3
            idx3_v[i >> 3, pl.ds((i & 7) * 16, 16)] = plsc.load_gather(
                ids_v, [(f >> 2) * 7 + (3 + s)]) - 2 * K
            return carry

        def build2(i, carry):
            hh = lane + i * 16
            idx2_v[i >> 3, pl.ds((i & 7) * 16, 16)] = plsc.load_gather(
                ids_v, [(hh >> 1) * 7 + (1 + (hh & 1))]) - K
            return carry

        def build1(i, carry):
            t = lane + i * 16
            idx1_v[i >> 2, pl.ds((i & 3) * 16, 16)] = plsc.load_gather(
                ids_v, [t * 7])
            return carry

        lax.fori_loop(0, F_W // 16, build3, 0)
        lax.fori_loop(0, F_W // 2 // 16, build2, 0)
        lax.fori_loop(0, F_W // 4 // 16, build1, 0)

        sem_g = (sem_g0, sem_g1)

        def fire(sub, buf):
            ds_ = [pltpu.async_copy(
                       cb3_hbm.at[idx3_v.at[NSEG * sub + g]],
                       z_v.at[buf, pl.ds(g * SEG, SEG)],
                       sem_g[buf])
                   for g in range(NSEG)]
            ds_.append(pltpu.async_copy(
                cb2_hbm.at[idx2_v.at[sub]], l2_v.at[buf], sem_aux))
            ds_.append(pltpu.async_copy(
                cb1_hbm.at[idx1_v.at[sub]], l1_v.at[buf], sem_aux))
            return ds_

        def fire_out(sub, buf):
            base_f = wid * F_W + sub * F_SUB
            return pltpu.async_copy(
                z_v.at[buf],
                z_hbm.at[pl.ds(base_f, F_SUB), pl.ds(0, D)], sem_out)

        def add_phase(buf):
            def body(tc, carry):
                a = [l1_v[buf, tc, pl.ds(c * 16, 16)] for c in range(4)]
                for u in range(2):
                    acc = [a[c] + l2_v[buf, 2 * tc + u, pl.ds(c * 16, 16)]
                           for c in range(4)]
                    for s2 in range(2):
                        fr = 4 * tc + 2 * u + s2
                        for c in range(4):
                            plsc.addupdate(
                                z_v.at[buf, fr, pl.ds(c * 16, 16)], acc[c])
                return carry
            lax.fori_loop(0, C_SUB, body, 0)

        gat_d = [None] * NSUB
        out_d = [None] * NSUB
        gat_d[0] = fire(0, 0)
        for sub in range(NSUB):
            buf = sub % 2
            for dsc in gat_d[sub]:
                dsc.wait()
            if sub + 1 < NSUB:
                if sub >= 1:
                    out_d[sub - 1].wait()
                gat_d[sub + 1] = fire(sub + 1, 1 - buf)
            add_phase(buf)
            out_d[sub] = fire_out(sub, buf)
        out_d[NSUB - 2].wait()
        out_d[NSUB - 1].wait()

    return k(ids_flat, cb1, cb2, cb3)


ROWS = 16384
STEPS = F_CH // ROWS


def _tc_body(z_ref, w_ref, b_ref, o_ref):
    acc = jnp.dot(z_ref[:, :D], w_ref[...],
                  preferred_element_type=jnp.float32)
    o_ref[...] = jnp.tanh(acc + b_ref[...])


def _tc_decode(z, W_dec, b2):
    return pl.pallas_call(
        _tc_body,
        grid=(STEPS,),
        in_specs=[
            pl.BlockSpec((ROWS, 2 * D), lambda i: (i, 0)),
            pl.BlockSpec((D, HOP), lambda i: (0, 0)),
            pl.BlockSpec((1, HOP), lambda i: (0, 0)),
        ],
        out_specs=pl.BlockSpec((ROWS, HOP), lambda i: (i, 0)),
        out_shape=jax.ShapeDtypeStruct((F, HOP), jnp.float32),
    )(z, W_dec, b2)


def kernel(ids, cb1, cb2, cb3, W_dec, b_dec):
    ids_flat = ids.reshape(-1).astype(jnp.int32)
    b2 = b_dec.reshape(1, HOP)
    z = _sc_gather_combine(ids_flat, cb1, cb2, cb3, 0)
    out = _tc_decode(z, W_dec, b2)
    return out.reshape(B, 1, 4 * T * HOP)

# --- scband reference (transcript-rebuilt; emitter-appended) ---
"""Pipeline reference for scband-snac-gasi-70609262346569 (READ-ONLY COPY).

The authoritative reference and input builder live on the scoring server;
editing this copy changes nothing except your own understanding.
"""

import jax, jax.numpy as jnp
import numpy as np

B = 16
T = 1024          # coarse frames; total interleaved ids per sample = 7*T
K = 4096          # SNAC codebook_size
D = 64            # code_dim
HOP = 128         # samples per fine frame produced by decoder head


def setup_inputs(seed: int = 0) -> dict:
    key = jax.random.key(seed)
    k1, k2, k3, k4, k5 = jax.random.split(key, 5)
    # raw codes in [0, K) for each of the 7 interleaved slots per coarse frame
    raw = jax.random.randint(k1, (B, T, 7), 0, K)
    # SnacGasi interleaving: [lvl0, lvl1, lvl1, lvl2, lvl2, lvl2, lvl2] with
    # offsets 0, K, K, 2K, 2K, 2K, 2K added per level
    offsets = jnp.array([0, 1, 1, 2, 2, 2, 2], dtype=jnp.int32) * K
    ids = (raw + offsets[None, None, :]).reshape(B, 7 * T)
    cb1 = jax.random.normal(k2, (K, D), dtype=jnp.float32)
    cb2 = jax.random.normal(k3, (K, D), dtype=jnp.float32)
    cb3 = jax.random.normal(k4, (K, D), dtype=jnp.float32)
    W_dec = jax.random.normal(k5, (D, HOP), dtype=jnp.float32) * 0.02
    b_dec = jnp.zeros((HOP,), dtype=jnp.float32)
    return {"ids": ids, "cb1": cb1, "cb2": cb2, "cb3": cb3, "W_dec": W_dec, "b_dec": b_dec}


def reference(ids, cb1, cb2, cb3, W_dec, b_dec):
    Bv, L = ids.shape
    Tv = L // 7
    r = ids.reshape(Bv, Tv, 7)
    # de-interleave per SnacGasi.decode and remove per-level vocab offsets
    i1 = r[:, :, 0]                                  # [B, T]
    i2 = (r[:, :, 1:3] - K).reshape(Bv, 2 * Tv)      # [B, 2T]
    i3 = (r[:, :, 3:7] - 2 * K).reshape(Bv, 4 * Tv)  # [B, 4T]
    # codebook lookups (VQ embed); upsample coarse levels to finest rate
    # (vq_strides [4,2,1])
    z1 = jnp.take(cb1, i1, axis=0)                   # [B, T, D]
    z2 = jnp.take(cb2, i2, axis=0)                   # [B, 2T, D]
    z3 = jnp.take(cb3, i3, axis=0)                   # [B, 4T, D]
    z = jnp.repeat(z1, 4, axis=1) + jnp.repeat(z2, 2, axis=1) + z3  # [B, 4T, D]
    # decoder head: latent -> waveform samples
    frames = jnp.tanh(z @ W_dec + b_dec)             # [B, 4T, HOP]
    audio = frames.reshape(Bv, 1, 4 * Tv * HOP)      # [B, 1, samples]
    return audio

if __name__ == "__main__":
    import jax
    _d = setup_inputs()
    print(jax.jit(kernel)(*tuple(_d.values())))

</pallas_src>

<mosaic_0001>
#map = affine_map<(d0, d1) -> (0)>
#map1 = affine_map<(d0, d1) -> (0, 0)>
module attributes {stable_mosaic.version = 14 : i64} {
  func.func @k(%arg0: i32, %arg1: i32, %arg2: memref<114688xi32, #tpu.memory_space<hbm>>, %arg3: memref<4096x64xf32, #tpu.memory_space<hbm>>, %arg4: memref<4096x64xf32, #tpu.memory_space<hbm>>, %arg5: memref<4096x64xf32, #tpu.memory_space<hbm>>, %arg6: memref<65536x128xf32, #tpu.memory_space<hbm>>, %arg7: memref<3584xi32, #tpu.memory_space<vmem>>, %arg8: memref<16x128xi32, #tpu.memory_space<vmem>>, %arg9: memref<8x128xi32, #tpu.memory_space<vmem>>, %arg10: memref<8x64xi32, #tpu.memory_space<vmem>>, %arg11: memref<2x256x64xf32, #tpu.memory_space<vmem>>, %arg12: memref<2x128x64xf32, #tpu.memory_space<vmem>>, %arg13: memref<2x64x64xf32, #tpu.memory_space<vmem>>, %arg14: memref<!tpu.dma_semaphore, #tpu.memory_space<semaphore_mem>>, %arg15: memref<!tpu.dma_semaphore, #tpu.memory_space<semaphore_mem>>, %arg16: memref<!tpu.dma_semaphore, #tpu.memory_space<semaphore_mem>>, %arg17: memref<!tpu.dma_semaphore, #tpu.memory_space<semaphore_mem>>, %arg18: memref<!tpu.dma_semaphore, #tpu.memory_space<semaphore_mem>>) attributes {dimension_semantics = [#tpu.dimension_semantics<core_parallel>, #tpu.dimension_semantics<subcore_parallel>], iteration_bounds = array<i64: 2, 16>, scalar_prefetch = 0 : i64, scratch_operands = 12 : i64, tpu.core_type = #tpu.core_type<sc_vector_subcore>, window_params = [{transform_indices = #map}, {transform_indices = #map1}, {transform_indices = #map1}, {transform_indices = #map1}, {transform_indices = #map1}]} {
    %mul3A = arith.constant 2 : i32
    %mul3A_0 = arith.muli %arg1, %mul3A : i32
    %add3A = arith.addi %mul3A_0, %arg0 : i32
    %mul3A_1 = arith.constant 512 : i32
    %mul3A_2 = arith.muli %add3A, %mul3A_1 : i32
    %add3A_3 = arith.constant 0 : i32
    %add3A_4 = arith.addi %add3A_3, %mul3A_2 : i32
    %mul3A_5 = arith.constant 7 : i32
    %mul3A_6 = arith.muli %add3A_4, %mul3A_5 : i32
    %dma_start3A = tpu.memref_slice %arg2[%mul3A_6] : memref<114688xi32, #tpu.memory_space<hbm>> -> memref<3584xi32, #tpu.memory_space<hbm>>
    %dma_start3A_7 = tpu.memref_slice %arg2[%mul3A_6] : memref<114688xi32, #tpu.memory_space<hbm>> -> memref<3584xi32, #tpu.memory_space<hbm>>
    tpu.enqueue_dma source(%dma_start3A_7 : memref<3584xi32, #tpu.memory_space<hbm>>) target(%arg7 : memref<3584xi32, #tpu.memory_space<vmem>>) target_semaphore(%arg14 : memref<!tpu.dma_semaphore, #tpu.memory_space<semaphore_mem>>)
    %dma_wait3A = tpu.memref_slice %arg2[%mul3A_6] : memref<114688xi32, #tpu.memory_space<hbm>> -> memref<3584xi32, #tpu.memory_space<hbm>>
    %dma_wait3A_8 = tpu.memref_slice %arg2[%mul3A_6] : memref<114688xi32, #tpu.memory_space<hbm>> -> memref<3584xi32, #tpu.memory_space<hbm>>
    tpu.wait_dma2 semaphore(%arg14 : memref<!tpu.dma_semaphore, #tpu.memory_space<semaphore_mem>>) src(%dma_wait3A_8 : memref<3584xi32, #tpu.memory_space<hbm>>) dst(%arg7 : memref<3584xi32, #tpu.memory_space<vmem>>)
    %iota3A = tpu.iota {dimensions = array<i32: 0>} : vector<16xi32>
    %scan3A = arith.constant 0 : i32
    %scan3A_9 = arith.constant 0 : i32
    %scan3A_10 = arith.constant 128 : i32
    %scan3A_11 = arith.addi %scan3A_9, %scan3A_10 : i32
    %scan3A_12 = arith.constant 1 : i32
    scf.for %scan3A_1082 = %scan3A_9 to %scan3A_11 step %scan3A_12  : i32 {
      %mul3A_1083 = arith.constant 16 : i32
      %mul3A_1084 = arith.muli %scan3A_1082, %mul3A_1083 : i32
      %add3A_1085 = vector.broadcast %mul3A_1084 : i32 to vector<16xi32>
      %add3A_1086 = arith.addi %iota3A, %add3A_1085 : vector<16xi32>
      %and3A = arith.constant 3 : i32
      %and3A_1087 = vector.broadcast %and3A : i32 to vector<16xi32>
      %and3A_1088 = arith.andi %add3A_1086, %and3A_1087 : vector<16xi32>
      %shift_right_arithmetic3A = arith.constant 2 : i32
      %shift_right_arithmetic3A_1089 = vector.broadcast %shift_right_arithmetic3A : i32 to vector<16xi32>
      %shift_right_arithmetic3A_1090 = arith.shrsi %add3A_1086, %shift_right_arithmetic3A_1089 : vector<16xi32>
      %mul3A_1091 = arith.constant 7 : i32
      %mul3A_1092 = vector.broadcast %mul3A_1091 : i32 to vector<16xi32>
      %mul3A_1093 = arith.muli %shift_right_arithmetic3A_1090, %mul3A_1092 : vector<16xi32>
      %add3A_1094 = arith.constant 3 : i32
      %add3A_1095 = vector.broadcast %add3A_1094 : i32 to vector<16xi32>
      %add3A_1096 = arith.addi %add3A_1095, %and3A_1088 : vector<16xi32>
      %add3A_1097 = arith.addi %mul3A_1093, %add3A_1096 : vector<16xi32>
      %gather3A = tpu.vector_load_idx %arg7[%add3A_1097] : memref<3584xi32, #tpu.memory_space<vmem>>[vector<16xi32>], vector<16xi32>,
      %sub3A = arith.constant 8192 : i32
      %sub3A_1098 = vector.broadcast %sub3A : i32 to vector<16xi32>
      %sub3A_1099 = arith.subi %gather3A, %sub3A_1098 : vector<16xi32>
      %shift_right_arithmetic3A_1100 = arith.constant 3 : i32
      %shift_right_arithmetic3A_1101 = arith.shrsi %scan3A_1082, %shift_right_arithmetic3A_1100 : i32
      %and3A_1102 = arith.constant 7 : i32
      %and3A_1103 = arith.andi %scan3A_1082, %and3A_1102 : i32
      %mul3A_1104 = arith.constant 16 : i32
      %mul3A_1105 = arith.muli %and3A_1103, %mul3A_1104 : i32
      %swap3A = arith.index_cast %shift_right_arithmetic3A_1101 : i32 to index
      %swap3A_1106 = arith.index_cast %mul3A_1105 : i32 to index
      %swap3A_1107 = tpu.vector_load %arg8[%swap3A, %swap3A_1106] {strides = array<i32>} : memref<16x128xi32, #tpu.memory_space<vmem>>, vector<16xi32>,
      tpu.vector_store %arg8[%swap3A, %swap3A_1106], %sub3A_1099 {strides = array<i32>} : memref<16x128xi32, #tpu.memory_space<vmem>>, vector<16xi32>,
    }
    %scan3A_13 = arith.constant 128 : i32
    %scan3A_14 = arith.constant 0 : i32
    %scan3A_15 = arith.constant 0 : i32
    %scan3A_16 = arith.constant 64 : i32
    %scan3A_17 = arith.addi %scan3A_15, %scan3A_16 : i32
    %scan3A_18 = arith.constant 1 : i32
    scf.for %scan3A_1082 = %scan3A_15 to %scan3A_17 step %scan3A_18  : i32 {
      %mul3A_1083 = arith.constant 16 : i32
      %mul3A_1084 = arith.muli %scan3A_1082, %mul3A_1083 : i32
      %add3A_1085 = vector.broadcast %mul3A_1084 : i32 to vector<16xi32>
      %add3A_1086 = arith.addi %iota3A, %add3A_1085 : vector<16xi32>
      %shift_right_arithmetic3A = arith.constant 1 : i32
      %shift_right_arithmetic3A_1087 = vector.broadcast %shift_right_arithmetic3A : i32 to vector<16xi32>
      %shift_right_arithmetic3A_1088 = arith.shrsi %add3A_1086, %shift_right_arithmetic3A_1087 : vector<16xi32>
      %mul3A_1089 = arith.constant 7 : i32
      %mul3A_1090 = vector.broadcast %mul3A_1089 : i32 to vector<16xi32>
      %mul3A_1091 = arith.muli %shift_right_arithmetic3A_1088, %mul3A_1090 : vector<16xi32>
      %and3A = arith.constant 1 : i32
      %and3A_1092 = vector.broadcast %and3A : i32 to vector<16xi32>
      %and3A_1093 = arith.andi %add3A_1086, %and3A_1092 : vector<16xi32>
      %add3A_1094 = arith.constant 1 : i32
      %add3A_1095 = vector.broadcast %add3A_1094 : i32 to vector<16xi32>
      %add3A_1096 = arith.addi %add3A_1095, %and3A_1093 : vector<16xi32>
      %add3A_1097 = arith.addi %mul3A_1091, %add3A_1096 : vector<16xi32>
      %gather3A = tpu.vector_load_idx %arg7[%add3A_1097] : memref<3584xi32, #tpu.memory_space<vmem>>[vector<16xi32>], vector<16xi32>,
      %sub3A = arith.constant 4096 : i32
      %sub3A_1098 = vector.broadcast %sub3A : i32 to vector<16xi32>
      %sub3A_1099 = arith.subi %gather3A, %sub3A_1098 : vector<16xi32>
      %shift_right_arithmetic3A_1100 = arith.constant 3 : i32
      %shift_right_arithmetic3A_1101 = arith.shrsi %scan3A_1082, %shift_right_arithmetic3A_1100 : i32
      %and3A_1102 = arith.constant 7 : i32
      %and3A_1103 = arith.andi %scan3A_1082, %and3A_1102 : i32
      %mul3A_1104 = arith.constant 16 : i32
      %mul3A_1105 = arith.muli %and3A_1103, %mul3A_1104 : i32
      %swap3A = arith.index_cast %shift_right_arithmetic3A_1101 : i32 to index
      %swap3A_1106 = arith.index_cast %mul3A_1105 : i32 to index
      %swap3A_1107 = tpu.vector_load %arg9[%swap3A, %swap3A_1106] {strides = array<i32>} : memref<8x128xi32, #tpu.memory_space<vmem>>, vector<16xi32>,
      tpu.vector_store %arg9[%swap3A, %swap3A_1106], %sub3A_1099 {strides = array<i32>} : memref<8x128xi32, #tpu.memory_space<vmem>>, vector<16xi32>,
    }
    %scan3A_19 = arith.constant 64 : i32
    %scan3A_20 = arith.constant 0 : i32
    %scan3A_21 = arith.constant 0 : i32
    %scan3A_22 = arith.constant 32 : i32
    %scan3A_23 = arith.addi %scan3A_21, %scan3A_22 : i32
    %scan3A_24 = arith.constant 1 : i32
    scf.for %scan3A_1082 = %scan3A_21 to %scan3A_23 step %scan3A_24  : i32 {
      %mul3A_1083 = arith.constant 16 : i32
      %mul3A_1084 = arith.muli %scan3A_1082, %mul3A_1083 : i32
      %add3A_1085 = vector.broadcast %mul3A_1084 : i32 to vector<16xi32>
      %add3A_1086 = arith.addi %iota3A, %add3A_1085 : vector<16xi32>
      %mul3A_1087 = arith.constant 7 : i32
      %mul3A_1088 = vector.broadcast %mul3A_1087 : i32 to vector<16xi32>
      %mul3A_1089 = arith.muli %add3A_1086, %mul3A_1088 : vector<16xi32>
      %gather3A = tpu.vector_load_idx %arg7[%mul3A_1089] : memref<3584xi32, #tpu.memory_space<vmem>>[vector<16xi32>], vector<16xi32>,
      %shift_right_arithmetic3A = arith.constant 2 : i32
      %shift_right_arithmetic3A_1090 = arith.shrsi %scan3A_1082, %shift_right_arithmetic3A : i32
      %and3A = arith.constant 3 : i32
      %and3A_1091 = arith.andi %scan3A_1082, %and3A : i32
      %mul3A_1092 = arith.constant 16 : i32
      %mul3A_1093 = arith.muli %and3A_1091, %mul3A_1092 : i32
      %swap3A = arith.index_cast %shift_right_arithmetic3A_1090 : i32 to index
      %swap3A_1094 = arith.index_cast %mul3A_1093 : i32 to index
      %swap3A_1095 = tpu.vector_load %arg10[%swap3A, %swap3A_1094] {strides = array<i32>} : memref<8x64xi32, #tpu.memory_space<vmem>>, vector<16xi32>,
      tpu.vector_store %arg10[%swap3A, %swap3A_1094], %gather3A {strides = array<i32>} : memref<8x64xi32, #tpu.memory_space<vmem>>, vector<16xi32>,
    }
    %scan3A_25 = arith.constant 32 : i32
    %dma_start3A_26 = arith.constant 0 : i32
    %dma_start3A_27 = arith.constant 0 : i32
    %dma_start3A_28 = arith.constant 0 : i32
    %dma_start3A_29 = arith.constant 0 : i32
    %dma_start3A_30 = tpu.memref_slice %arg11[%dma_start3A_27, %dma_start3A_28, %dma_start3A_29] : memref<2x256x64xf32, #tpu.memory_space<vmem>> -> memref<1x128x64xf32, #tpu.memory_space<vmem>>
    %dma_start3A_31 = tpu.memref_squeeze %dma_start3A_30 : memref<1x128x64xf32, #tpu.memory_space<vmem>> -> memref<128x64xf32, #tpu.memory_space<vmem>>
    %dma_start3A_32 = arith.constant 0 : i32
    %dma_start3A_33 = tpu.memref_slice %arg8[%dma_start3A_26, %dma_start3A_32] : memref<16x128xi32, #tpu.memory_space<vmem>> -> memref<1x128xi32, #tpu.memory_space<vmem>>
    %dma_start3A_34 = tpu.memref_squeeze %dma_start3A_33 : memref<1x128xi32, #tpu.memory_space<vmem>> -> memref<128xi32, #tpu.memory_space<vmem>>
    %dma_start3A_35 = arith.constant 0 : i32
    %dma_start3A_36 = arith.constant 0 : i32
    %dma_start3A_37 = tpu.memref_slice %arg5[%dma_start3A_35, %dma_start3A_36] : memref<4096x64xf32, #tpu.memory_space<hbm>> -> memref<4096x64xf32, #tpu.memory_space<hbm>>
    tpu.enqueue_indirect_dma source(%dma_start3A_37 : memref<4096x64xf32, #tpu.memory_space<hbm>>) target(%dma_start3A_31 : memref<128x64xf32, #tpu.memory_space<vmem>>) offsets(%dma_start3A_34 : memref<128xi32, #tpu.memory_space<vmem>>) semaphore(%arg15 : memref<!tpu.dma_semaphore, #tpu.memory_space<semaphore_mem>>)
    %dma_start3A_38 = arith.constant 1 : i32
    %dma_start3A_39 = arith.constant 0 : i32
    %dma_start3A_40 = arith.constant 128 : i32
    %dma_start3A_41 = arith.constant 0 : i32
    %dma_start3A_42 = tpu.memref_slice %arg11[%dma_start3A_39, %dma_start3A_40, %dma_start3A_41] : memref<2x256x64xf32, #tpu.memory_space<vmem>> -> memref<1x128x64xf32, #tpu.memory_space<vmem>>
    %dma_start3A_43 = tpu.memref_squeeze %dma_start3A_42 : memref<1x128x64xf32, #tpu.memory_space<vmem>> -> memref<128x64xf32, #tpu.memory_space<vmem>>
    %dma_start3A_44 = arith.constant 0 : i32
    %dma_start3A_45 = tpu.memref_slice %arg8[%dma_start3A_38, %dma_start3A_44] : memref<16x128xi32, #tpu.memory_space<vmem>> -> memref<1x128xi32, #tpu.memory_space<vmem>>
    %dma_start3A_46 = tpu.memref_squeeze %dma_start3A_45 : memref<1x128xi32, #tpu.memory_space<vmem>> -> memref<128xi32, #tpu.memory_space<vmem>>
    %dma_start3A_47 = arith.constant 0 : i32
    %dma_start3A_48 = arith.constant 0 : i32
    %dma_start3A_49 = tpu.memref_slice %arg5[%dma_start3A_47, %dma_start3A_48] : memref<4096x64xf32, #tpu.memory_space<hbm>> -> memref<4096x64xf32, #tpu.memory_space<hbm>>
    tpu.enqueue_indirect_dma source(%dma_start3A_49 : memref<4096x64xf32, #tpu.memory_space<hbm>>) target(%dma_start3A_43 : memref<128x64xf32, #tpu.memory_space<vmem>>) offsets(%dma_start3A_46 : memref<128xi32, #tpu.memory_space<vmem>>) semaphore(%arg15 : memref<!tpu.dma_semaphore, #tpu.memory_space<semaphore_mem>>)
    %dma_start3A_50 = arith.constant 0 : i32
    %dma_start3A_51 = arith.constant 0 : i32
    %dma_start3A_52 = arith.constant 0 : i32
    %dma_start3A_53 = arith.constant 0 : i32
    %dma_start3A_54 = tpu.memref_slice %arg12[%dma_start3A_51, %dma_start3A_52, %dma_start3A_53] : memref<2x128x64xf32, #tpu.memory_space<vmem>> -> memref<1x128x64xf32, #tpu.memory_space<vmem>>
    %dma_start3A_55 = tpu.memref_squeeze %dma_start3A_54 : memref<1x128x64xf32, #tpu.memory_space<vmem>> -> memref<128x64xf32, #tpu.memory_space<vmem>>
    %dma_start3A_56 = arith.constant 0 : i32
    %dma_start3A_57 = tpu.memref_slice %arg9[%dma_start3A_50, %dma_start3A_56] : memref<8x128xi32, #tpu.memory_space<vmem>> -> memref<1x128xi32, #tpu.memory_space<vmem>>
    %dma_start3A_58 = tpu.memref_squeeze %dma_start3A_57 : memref<1x128xi32, #tpu.memory_space<vmem>> -> memref<128xi32, #tpu.memory_space<vmem>>
    %dma_start3A_59 = arith.constant 0 : i32
    %dma_start3A_60 = arith.constant 0 : i32
    %dma_start3A_61 = tpu.memref_slice %arg4[%dma_start3A_59, %dma_start3A_60] : memref<4096x64xf32, #tpu.memory_space<hbm>> -> memref<4096x64xf32, #tpu.memory_space<hbm>>
    tpu.enqueue_indirect_dma source(%dma_start3A_61 : memref<4096x64xf32, #tpu.memory_space<hbm>>) target(%dma_start3A_55 : memref<128x64xf32, #tpu.memory_space<vmem>>) offsets(%dma_start3A_58 : memref<128xi32, #tpu.memory_space<vmem>>) semaphore(%arg17 : memref<!tpu.dma_semaphore, #tpu.memory_space<semaphore_mem>>)
    %dma_start3A_62 = arith.constant 0 : i32
    %dma_start3A_63 = arith.constant 0 : i32
    %dma_start3A_64 = arith.constant 0 : i32
    %dma_start3A_65 = arith.constant 0 : i32
    %dma_start3A_66 = tpu.memref_slice %arg13[%dma_start3A_63, %dma_start3A_64, %dma_start3A_65] : memref<2x64x64xf32, #tpu.memory_space<vmem>> -> memref<1x64x64xf32, #tpu.memory_space<vmem>>
    %dma_start3A_67 = tpu.memref_squeeze %dma_start3A_66 : memref<1x64x64xf32, #tpu.memory_space<vmem>> -> memref<64x64xf32, #tpu.memory_space<vmem>>
    %dma_start3A_68 = arith.constant 0 : i32
    %dma_start3A_69 = tpu.memref_slice %arg10[%dma_start3A_62, %dma_start3A_68] : memref<8x64xi32, #tpu.memory_space<vmem>> -> memref<1x64xi32, #tpu.memory_space<vmem>>
    %dma_start3A_70 = tpu.memref_squeeze %dma_start3A_69 : memref<1x64xi32, #tpu.memory_space<vmem>> -> memref<64xi32, #tpu.memory_space<vmem>>
    %dma_start3A_71 = arith.constant 0 : i32
    %dma_start3A_72 = arith.constant 0 : i32
    %dma_start3A_73 = tpu.memref_slice %arg3[%dma_start3A_71, %dma_start3A_72] : memref<4096x64xf32, #tpu.memory_space<hbm>> -> memref<4096x64xf32, #tpu.memory_space<hbm>>
    tpu.enqueue_indirect_dma source(%dma_start3A_73 : memref<4096x64xf32, #tpu.memory_space<hbm>>) target(%dma_start3A_67 : memref<64x64xf32, #tpu.memory_space<vmem>>) offsets(%dma_start3A_70 : memref<64xi32, #tpu.memory_space<vmem>>) semaphore(%arg17 : memref<!tpu.dma_semaphore, #tpu.memory_space<semaphore_mem>>)
    %dma_wait3A_74 = arith.constant 0 : i32
    %dma_wait3A_75 = arith.constant 0 : i32
    %dma_wait3A_76 = arith.constant 0 : i32
    %dma_wait3A_77 = arith.constant 0 : i32
    %dma_wait3A_78 = tpu.memref_slice %arg11[%dma_wait3A_75, %dma_wait3A_76, %dma_wait3A_77] : memref<2x256x64xf32, #tpu.memory_space<vmem>> -> memref<1x128x64xf32, #tpu.memory_space<vmem>>
    %dma_wait3A_79 = tpu.memref_squeeze %dma_wait3A_78 : memref<1x128x64xf32, #tpu.memory_space<vmem>> -> memref<128x64xf32, #tpu.memory_space<vmem>>
    %dma_wait3A_80 = arith.constant 0 : i32
    %dma_wait3A_81 = tpu.memref_slice %arg8[%dma_wait3A_74, %dma_wait3A_80] : memref<16x128xi32, #tpu.memory_space<vmem>> -> memref<1x128xi32, #tpu.memory_space<vmem>>
    %dma_wait3A_82 = tpu.memref_squeeze %dma_wait3A_81 : memref<1x128xi32, #tpu.memory_space<vmem>> -> memref<128xi32, #tpu.memory_space<vmem>>
    %dma_wait3A_83 = arith.constant 0 : i32
    %dma_wait3A_84 = arith.constant 0 : i32
    %dma_wait3A_85 = tpu.memref_slice %arg5[%dma_wait3A_83, %dma_wait3A_84] : memref<4096x64xf32, #tpu.memory_space<hbm>> -> memref<4096x64xf32, #tpu.memory_space<hbm>>
    tpu.wait_indirect_dma semaphore(%arg15 : memref<!tpu.dma_semaphore, #tpu.memory_space<semaphore_mem>>) src(%dma_wait3A_85 : memref<4096x64xf32, #tpu.memory_space<hbm>>) dst(%dma_wait3A_79 : memref<128x64xf32, #tpu.memory_space<vmem>>)
    %dma_wait3A_86 = arith.constant 1 : i32
    %dma_wait3A_87 = arith.constant 0 : i32
    %dma_wait3A_88 = arith.constant 128 : i32
    %dma_wait3A_89 = arith.constant 0 : i32
    %dma_wait3A_90 = tpu.memref_slice %arg11[%dma_wait3A_87, %dma_wait3A_88, %dma_wait3A_89] : memref<2x256x64xf32, #tpu.memory_space<vmem>> -> memref<1x128x64xf32, #tpu.memory_space<vmem>>
    %dma_wait3A_91 = tpu.memref_squeeze %dma_wait3A_90 : memref<1x128x64xf32, #tpu.memory_space<vmem>> -> memref<128x64xf32, #tpu.memory_space<vmem>>
    %dma_wait3A_92 = arith.constant 0 : i32
    %dma_wait3A_93 = tpu.memref_slice %arg8[%dma_wait3A_86, %dma_wait3A_92] : memref<16x128xi32, #tpu.memory_space<vmem>> -> memref<1x128xi32, #tpu.memory_space<vmem>>
    %dma_wait3A_94 = tpu.memref_squeeze %dma_wait3A_93 : memref<1x128xi32, #tpu.memory_space<vmem>> -> memref<128xi32, #tpu.memory_space<vmem>>
    %dma_wait3A_95 = arith.constant 0 : i32
    %dma_wait3A_96 = arith.constant 0 : i32
    %dma_wait3A_97 = tpu.memref_slice %arg5[%dma_wait3A_95, %dma_wait3A_96] : memref<4096x64xf32, #tpu.memory_space<hbm>> -> memref<4096x64xf32, #tpu.memory_space<hbm>>
    tpu.wait_indirect_dma semaphore(%arg15 : memref<!tpu.dma_semaphore, #tpu.memory_space<semaphore_mem>>) src(%dma_wait3A_97 : memref<4096x64xf32, #tpu.memory_space<hbm>>) dst(%dma_wait3A_91 : memref<128x64xf32, #tpu.memory_space<vmem>>)
    %dma_wait3A_98 = arith.constant 0 : i32
    %dma_wait3A_99 = arith.constant 0 : i32
    %dma_wait3A_100 = arith.constant 0 : i32
    %dma_wait3A_101 = arith.constant 0 : i32
    %dma_wait3A_102 = tpu.memref_slice %arg12[%dma_wait3A_99, %dma_wait3A_100, %dma_wait3A_101] : memref<2x128x64xf32, #tpu.memory_space<vmem>> -> memref<1x128x64xf32, #tpu.memory_space<vmem>>
    %dma_wait3A_103 = tpu.memref_squeeze %dma_wait3A_102 : memref<1x128x64xf32, #tpu.memory_space<vmem>> -> memref<128x64xf32, #tpu.memory_space<vmem>>
    %dma_wait3A_104 = arith.constant 0 : i32
    %dma_wait3A_105 = tpu.memref_slice %arg9[%dma_wait3A_98, %dma_wait3A_104] : memref<8x128xi32, #tpu.memory_space<vmem>> -> memref<1x128xi32, #tpu.memory_space<vmem>>
    %dma_wait3A_106 = tpu.memref_squeeze %dma_wait3A_105 : memref<1x128xi32, #tpu.memory_space<vmem>> -> memref<128xi32, #tpu.memory_space<vmem>>
    %dma_wait3A_107 = arith.constant 0 : i32
    %dma_wait3A_108 = arith.constant 0 : i32
    %dma_wait3A_109 = tpu.memref_slice %arg4[%dma_wait3A_107, %dma_wait3A_108] : memref<4096x64xf32, #tpu.memory_space<hbm>> -> memref<4096x64xf32, #tpu.memory_space<hbm>>
    tpu.wait_indirect_dma semaphore(%arg17 : memref<!tpu.dma_semaphore, #tpu.memory_space<semaphore_mem>>) src(%dma_wait3A_109 : memref<4096x64xf32, #tpu.memory_space<hbm>>) dst(%dma_wait3A_103 : memref<128x64xf32, #tpu.memory_space<vmem>>)
    %dma_wait3A_110 = arith.constant 0 : i32
    %dma_wait3A_111 = arith.constant 0 : i32
    %dma_wait3A_112 = arith.constant 0 : i32
    %dma_wait3A_113 = arith.constant 0 : i32
    %dma_wait3A_114 = tpu.memref_slice %arg13[%dma_wait3A_111, %dma_wait3A_112, %dma_wait3A_113] : memref<2x64x64xf32, #tpu.memory_space<vmem>> -> memref<1x64x64xf32, #tpu.memory_space<vmem>>
    %dma_wait3A_115 = tpu.memref_squeeze %dma_wait3A_114 : memref<1x64x64xf32, #tpu.memory_space<vmem>> -> memref<64x64xf32, #tpu.memory_space<vmem>>
    %dma_wait3A_116 = arith.constant 0 : i32
    %dma_wait3A_117 = tpu.memref_slice %arg10[%dma_wait3A_110, %dma_wait3A_116] : memref<8x64xi32, #tpu.memory_space<vmem>> -> memref<1x64xi32, #tpu.memory_space<vmem>>
    %dma_wait3A_118 = tpu.memref_squeeze %dma_wait3A_117 : memref<1x64xi32, #tpu.memory_space<vmem>> -> memref<64xi32, #tpu.memory_space<vmem>>
    %dma_wait3A_119 = arith.constant 0 : i32
    %dma_wait3A_120 = arith.constant 0 : i32
    %dma_wait3A_121 = tpu.memref_slice %arg3[%dma_wait3A_119, %dma_wait3A_120] : memref<4096x64xf32, #tpu.memory_space<hbm>> -> memref<4096x64xf32, #tpu.memory_space<hbm>>
    tpu.wait_indirect_dma semaphore(%arg17 : memref<!tpu.dma_semaphore, #tpu.memory_space<semaphore_mem>>) src(%dma_wait3A_121 : memref<4096x64xf32, #tpu.memory_space<hbm>>) dst(%dma_wait3A_115 : memref<64x64xf32, #tpu.memory_space<vmem>>)
    %dma_start3A_122 = arith.constant 2 : i32
    %dma_start3A_123 = arith.constant 1 : i32
    %dma_start3A_124 = arith.constant 0 : i32
    %dma_start3A_125 = arith.constant 0 : i32
    %dma_start3A_126 = tpu.memref_slice %arg11[%dma_start3A_123, %dma_start3A_124, %dma_start3A_125] : memref<2x256x64xf32, #tpu.memory_space<vmem>> -> memref<1x128x64xf32, #tpu.memory_space<vmem>>
    %dma_start3A_127 = tpu.memref_squeeze %dma_start3A_126 : memref<1x128x64xf32, #tpu.memory_space<vmem>> -> memref<128x64xf32, #tpu.memory_space<vmem>>
    %dma_start3A_128 = arith.constant 0 : i32
    %dma_start3A_129 = tpu.memref_slice %arg8[%dma_start3A_122, %dma_start3A_128] : memref<16x128xi32, #tpu.memory_space<vmem>> -> memref<1x128xi32, #tpu.memory_space<vmem>>
    %dma_start3A_130 = tpu.memref_squeeze %dma_start3A_129 : memref<1x128xi32, #tpu.memory_space<vmem>> -> memref<128xi32, #tpu.memory_space<vmem>>
    %dma_start3A_131 = arith.constant 0 : i32
    %dma_start3A_132 = arith.constant 0 : i32
    %dma_start3A_133 = tpu.memref_slice %arg5[%dma_start3A_131, %dma_start3A_132] : memref<4096x64xf32, #tpu.memory_space<hbm>> -> memref<4096x64xf32, #tpu.memory_space<hbm>>
    tpu.enqueue_indirect_dma source(%dma_start3A_133 : memref<4096x64xf32, #tpu.memory_space<hbm>>) target(%dma_start3A_127 : memref<128x64xf32, #tpu.memory_space<vmem>>) offsets(%dma_start3A_130 : memref<128xi32, #tpu.memory_space<vmem>>) semaphore(%arg16 : memref<!tpu.dma_semaphore, #tpu.memory_space<semaphore_mem>>)
    %dma_start3A_134 = arith.constant 3 : i32
    %dma_start3A_135 = arith.constant 1 : i32
    %dma_start3A_136 = arith.constant 128 : i32
    %dma_start3A_137 = arith.constant 0 : i32
    %dma_start3A_138 = tpu.memref_slice %arg11[%dma_start3A_135, %dma_start3A_136, %dma_start3A_137] : memref<2x256x64xf32, #tpu.memory_space<vmem>> -> memref<1x128x64xf32, #tpu.memory_space<vmem>>
    %dma_start3A_139 = tpu.memref_squeeze %dma_start3A_138 : memref<1x128x64xf32, #tpu.memory_space<vmem>> -> memref<128x64xf32, #tpu.memory_space<vmem>>
    %dma_start3A_140 = arith.constant 0 : i32
    %dma_start3A_141 = tpu.memref_slice %arg8[%dma_start3A_134, %dma_start3A_140] : memref<16x128xi32, #tpu.memory_space<vmem>> -> memref<1x128xi32, #tpu.memory_space<vmem>>
    %dma_start3A_142 = tpu.memref_squeeze %dma_start3A_141 : memref<1x128xi32, #tpu.memory_space<vmem>> -> memref<128xi32, #tpu.memory_space<vmem>>
    %dma_start3A_143 = arith.constant 0 : i32
    %dma_start3A_144 = arith.constant 0 : i32
    %dma_start3A_145 = tpu.memref_slice %arg5[%dma_start3A_143, %dma_start3A_144] : memref<4096x64xf32, #tpu.memory_space<hbm>> -> memref<4096x64xf32, #tpu.memory_space<hbm>>
    tpu.enqueue_indirect_dma source(%dma_start3A_145 : memref<4096x64xf32, #tpu.memory_space<hbm>>) target(%dma_start3A_139 : memref<128x64xf32, #tpu.memory_space<vmem>>) offsets(%dma_start3A_142 : memref<128xi32, #tpu.memory_space<vmem>>) semaphore(%arg16 : memref<!tpu.dma_semaphore, #tpu.memory_space<semaphore_mem>>)
    %dma_start3A_146 = arith.constant 1 : i32
    %dma_start3A_147 = arith.constant 1 : i32
    %dma_start3A_148 = arith.constant 0 : i32
    %dma_start3A_149 = arith.constant 0 : i32
    %dma_start3A_150 = tpu.memref_slice %arg12[%dma_start3A_147, %dma_start3A_148, %dma_start3A_149] : memref<2x128x64xf32, #tpu.memory_space<vmem>> -> memref<1x128x64xf32, #tpu.memory_space<vmem>>
    %dma_start3A_151 = tpu.memref_squeeze %dma_start3A_150 : memref<1x128x64xf32, #tpu.memory_space<vmem>> -> memref<128x64xf32, #tpu.memory_space<vmem>>
    %dma_start3A_152 = arith.constant 0 : i32
    %dma_start3A_153 = tpu.memref_slice %arg9[%dma_start3A_146, %dma_start3A_152] : memref<8x128xi32, #tpu.memory_space<vmem>> -> memref<1x128xi32, #tpu.memory_space<vmem>>
    %dma_start3A_154 = tpu.memref_squeeze %dma_start3A_153 : memref<1x128xi32, #tpu.memory_space<vmem>> -> memref<128xi32, #tpu.memory_space<vmem>>
    %dma_start3A_155 = arith.constant 0 : i32
    %dma_start3A_156 = arith.constant 0 : i32
    %dma_start3A_157 = tpu.memref_slice %arg4[%dma_start3A_155, %dma_start3A_156] : memref<4096x64xf32, #tpu.memory_space<hbm>> -> memref<4096x64xf32, #tpu.memory_space<hbm>>
    tpu.enqueue_indirect_dma source(%dma_start3A_157 : memref<4096x64xf32, #tpu.memory_space<hbm>>) target(%dma_start3A_151 : memref<128x64xf32, #tpu.memory_space<vmem>>) offsets(%dma_start3A_154 : memref<128xi32, #tpu.memory_space<vmem>>) semaphore(%arg17 : memref<!tpu.dma_semaphore, #tpu.memory_space<semaphore_mem>>)
    %dma_start3A_158 = arith.constant 1 : i32
    %dma_start3A_159 = arith.constant 1 : i32
    %dma_start3A_160 = arith.constant 0 : i32
    %dma_start3A_161 = arith.constant 0 : i32
    %dma_start3A_162 = tpu.memref_slice %arg13[%dma_start3A_159, %dma_start3A_160, %dma_start3A_161] : memref<2x64x64xf32, #tpu.memory_space<vmem>> -> memref<1x64x64xf32, #tpu.memory_space<vmem>>
    %dma_start3A_163 = tpu.memref_squeeze %dma_start3A_162 : memref<1x64x64xf32, #tpu.memory_space<vmem>> -> memref<64x64xf32, #tpu.memory_space<vmem>>
    %dma_start3A_164 = arith.constant 0 : i32
    %dma_start3A_165 = tpu.memref_slice %arg10[%dma_start3A_158, %dma_start3A_164] : memref<8x64xi32, #tpu.memory_space<vmem>> -> memref<1x64xi32, #tpu.memory_space<vmem>>
    %dma_start3A_166 = tpu.memref_squeeze %dma_start3A_165 : memref<1x64xi32, #tpu.memory_space<vmem>> -> memref<64xi32, #tpu.memory_space<vmem>>
    %dma_start3A_167 = arith.constant 0 : i32
    %dma_start3A_168 = arith.constant 0 : i32
    %dma_start3A_169 = tpu.memref_slice %arg3[%dma_start3A_167, %dma_start3A_168] : memref<4096x64xf32, #tpu.memory_space<hbm>> -> memref<4096x64xf32, #tpu.memory_space<hbm>>
    tpu.enqueue_indirect_dma source(%dma_start3A_169 : memref<4096x64xf32, #tpu.memory_space<hbm>>) target(%dma_start3A_163 : memref<64x64xf32, #tpu.memory_space<vmem>>) offsets(%dma_start3A_166 : memref<64xi32, #tpu.memory_space<vmem>>) semaphore(%arg17 : memref<!tpu.dma_semaphore, #tpu.memory_space<semaphore_mem>>)
    %scan3A_170 = arith.constant 0 : i32
    %scan3A_171 = arith.constant 0 : i32
    %scan3A_172 = arith.constant 64 : i32
    %scan3A_173 = arith.addi %scan3A_171, %scan3A_172 : i32
    %scan3A_174 = arith.constant 1 : i32
    scf.for %scan3A_1082 = %scan3A_171 to %scan3A_173 step %scan3A_174  : i32 {
      %get3A = arith.constant 0 : i32
      %get3A_1083 = arith.index_cast %get3A : i32 to index
      %get3A_1084 = arith.index_cast %scan3A_1082 : i32 to index
      %get3A_1085 = arith.constant 0 : index
      %get3A_1086 = tpu.vector_load %arg13[%get3A_1083, %get3A_1084, %get3A_1085] {strides = array<i32>} : memref<2x64x64xf32, #tpu.memory_space<vmem>>, vector<16xf32>,
      %get3A_1087 = arith.constant 0 : i32
      %get3A_1088 = arith.index_cast %get3A_1087 : i32 to index
      %get3A_1089 = arith.index_cast %scan3A_1082 : i32 to index
      %get3A_1090 = arith.constant 16 : index
      %get3A_1091 = tpu.vector_load %arg13[%get3A_1088, %get3A_1089, %get3A_1090] {strides = array<i32>} : memref<2x64x64xf32, #tpu.memory_space<vmem>>, vector<16xf32>,
      %get3A_1092 = arith.constant 0 : i32
      %get3A_1093 = arith.index_cast %get3A_1092 : i32 to index
      %get3A_1094 = arith.index_cast %scan3A_1082 : i32 to index
      %get3A_1095 = arith.constant 32 : index
      %get3A_1096 = tpu.vector_load %arg13[%get3A_1093, %get3A_1094, %get3A_1095] {strides = array<i32>} : memref<2x64x64xf32, #tpu.memory_space<vmem>>, vector<16xf32>,
      %get3A_1097 = arith.constant 0 : i32
      %get3A_1098 = arith.index_cast %get3A_1097 : i32 to index
      %get3A_1099 = arith.index_cast %scan3A_1082 : i32 to index
      %get3A_1100 = arith.constant 48 : index
      %get3A_1101 = tpu.vector_load %arg13[%get3A_1098, %get3A_1099, %get3A_1100] {strides = array<i32>} : memref<2x64x64xf32, #tpu.memory_space<vmem>>, vector<16xf32>,
      %mul3A_1102 = arith.constant 2 : i32
      %mul3A_1103 = arith.muli %mul3A_1102, %scan3A_1082 : i32
      %add3A_1104 = arith.constant 0 : i32
      %add3A_1105 = arith.addi %mul3A_1103, %add3A_1104 : i32
      %get3A_1106 = arith.constant 0 : i32
      %get3A_1107 = arith.index_cast %get3A_1106 : i32 to index
      %get3A_1108 = arith.index_cast %add3A_1105 : i32 to index
      %get3A_1109 = arith.constant 0 : index
      %get3A_1110 = tpu.vector_load %arg12[%get3A_1107, %get3A_1108, %get3A_1109] {strides = array<i32>} : memref<2x128x64xf32, #tpu.memory_space<vmem>>, vector<16xf32>,
      %add3A_1111 = arith.addf %get3A_1086, %get3A_1110 : vector<16xf32>
      %mul3A_1112 = arith.constant 2 : i32
      %mul3A_1113 = arith.muli %mul3A_1112, %scan3A_1082 : i32
      %add3A_1114 = arith.constant 0 : i32
      %add3A_1115 = arith.addi %mul3A_1113, %add3A_1114 : i32
      %get3A_1116 = arith.constant 0 : i32
      %get3A_1117 = arith.index_cast %get3A_1116 : i32 to index
      %get3A_1118 = arith.index_cast %add3A_1115 : i32 to index
      %get3A_1119 = arith.constant 16 : index
      %get3A_1120 = tpu.vector_load %arg12[%get3A_1117, %get3A_1118, %get3A_1119] {strides = array<i32>} : memref<2x128x64xf32, #tpu.memory_space<vmem>>, vector<16xf32>,
      %add3A_1121 = arith.addf %get3A_1091, %get3A_1120 : vector<16xf32>
      %mul3A_1122 = arith.constant 2 : i32
      %mul3A_1123 = arith.muli %mul3A_1122, %scan3A_1082 : i32
      %add3A_1124 = arith.constant 0 : i32
      %add3A_1125 = arith.addi %mul3A_1123, %add3A_1124 : i32
      %get3A_1126 = arith.constant 0 : i32
      %get3A_1127 = arith.index_cast %get3A_1126 : i32 to index
      %get3A_1128 = arith.index_cast %add3A_1125 : i32 to index
      %get3A_1129 = arith.constant 32 : index
      %get3A_1130 = tpu.vector_load %arg12[%get3A_1127, %get3A_1128, %get3A_1129] {strides = array<i32>} : memref<2x128x64xf32, #tpu.memory_space<vmem>>, vector<16xf32>,
      %add3A_1131 = arith.addf %get3A_1096, %get3A_1130 : vector<16xf32>
      %mul3A_1132 = arith.constant 2 : i32
      %mul3A_1133 = arith.muli %mul3A_1132, %scan3A_1082 : i32
      %add3A_1134 = arith.constant 0 : i32
      %add3A_1135 = arith.addi %mul3A_1133, %add3A_1134 : i32
      %get3A_1136 = arith.constant 0 : i32
      %get3A_1137 = arith.index_cast %get3A_1136 : i32 to index
      %get3A_1138 = arith.index_cast %add3A_1135 : i32 to index
      %get3A_1139 = arith.constant 48 : index
      %get3A_1140 = tpu.vector_load %arg12[%get3A_1137, %get3A_1138, %get3A_1139] {strides = array<i32>} : memref<2x128x64xf32, #tpu.memory_space<vmem>>, vector<16xf32>,
      %add3A_1141 = arith.addf %get3A_1101, %get3A_1140 : vector<16xf32>
      %mul3A_1142 = arith.constant 4 : i32
      %mul3A_1143 = arith.muli %mul3A_1142, %scan3A_1082 : i32
      %add3A_1144 = arith.constant 0 : i32
      %add3A_1145 = arith.addi %mul3A_1143, %add3A_1144 : i32
      %add3A_1146 = arith.constant 0 : i32
      %add3A_1147 = arith.addi %add3A_1145, %add3A_1146 : i32
      %swap3A = arith.constant 0 : i32
      %swap3A_1148 = arith.index_cast %swap3A : i32 to index
      %swap3A_1149 = arith.index_cast %add3A_1147 : i32 to index
      %swap3A_1150 = arith.constant 0 : index
      %swap3A_1151 = tpu.vector_load %arg11[%swap3A_1148, %swap3A_1149, %swap3A_1150] {strides = array<i32>} : memref<2x256x64xf32, #tpu.memory_space<vmem>>, vector<16xf32>,
      tpu.vector_store %arg11[%swap3A_1148, %swap3A_1149, %swap3A_1150], %add3A_1111 {add = true, strides = array<i32>} : memref<2x256x64xf32, #tpu.memory_space<vmem>>, vector<16xf32>,
      %swap3A_1152 = arith.constant 0 : i32
      %swap3A_1153 = arith.index_cast %swap3A_1152 : i32 to index
      %swap3A_1154 = arith.index_cast %add3A_1147 : i32 to index
      %swap3A_1155 = arith.constant 16 : index
      %swap3A_1156 = tpu.vector_load %arg11[%swap3A_1153, %swap3A_1154, %swap3A_1155] {strides = array<i32>} : memref<2x256x64xf32, #tpu.memory_space<vmem>>, vector<16xf32>,
      tpu.vector_store %arg11[%swap3A_1153, %swap3A_1154, %swap3A_1155], %add3A_1121 {add = true, strides = array<i32>} : memref<2x256x64xf32, #tpu.memory_space<vmem>>, vector<16xf32>,
      %swap3A_1157 = arith.constant 0 : i32
      %swap3A_1158 = arith.index_cast %swap3A_1157 : i32 to index
      %swap3A_1159 = arith.index_cast %add3A_1147 : i32 to index
      %swap3A_1160 = arith.constant 32 : index
      %swap3A_1161 = tpu.vector_load %arg11[%swap3A_1158, %swap3A_1159, %swap3A_1160] {strides = array<i32>} : memref<2x256x64xf32, #tpu.memory_space<vmem>>, vector<16xf32>,
      tpu.vector_store %arg11[%swap3A_1158, %swap3A_1159, %swap3A_1160], %add3A_1131 {add = true, strides = array<i32>} : memref<2x256x64xf32, #tpu.memory_space<vmem>>, vector<16xf32>,
      %swap3A_1162 = arith.constant 0 : i32
      %swap3A_1163 = arith.index_cast %swap3A_1162 : i32 to index
      %swap3A_1164 = arith.index_cast %add3A_1147 : i32 to index
      %swap3A_1165 = arith.constant 48 : index
      %swap3A_1166 = tpu.vector_load %arg11[%swap3A_1163, %swap3A_1164, %swap3A_1165] {strides = array<i32>} : memref<2x256x64xf32, #tpu.memory_space<vmem>>, vector<16xf32>,
      tpu.vector_store %arg11[%swap3A_1163, %swap3A_1164, %swap3A_1165], %add3A_1141 {add = true, strides = array<i32>} : memref<2x256x64xf32, #tpu.memory_space<vmem>>, vector<16xf32>,
      %mul3A_1167 = arith.constant 4 : i32
      %mul3A_1168 = arith.muli %mul3A_1167, %scan3A_1082 : i32
      %add3A_1169 = arith.constant 0 : i32
      %add3A_1170 = arith.addi %mul3A_1168, %add3A_1169 : i32
      %add3A_1171 = arith.constant 1 : i32
      %add3A_1172 = arith.addi %add3A_1170, %add3A_1171 : i32
      %swap3A_1173 = arith.constant 0 : i32
      %swap3A_1174 = arith.index_cast %swap3A_1173 : i32 to index
      %swap3A_1175 = arith.index_cast %add3A_1172 : i32 to index
      %swap3A_1176 = arith.constant 0 : index
      %swap3A_1177 = tpu.vector_load %arg11[%swap3A_1174, %swap3A_1175, %swap3A_1176] {strides = array<i32>} : memref<2x256x64xf32, #tpu.memory_space<vmem>>, vector<16xf32>,
      tpu.vector_store %arg11[%swap3A_1174, %swap3A_1175, %swap3A_1176], %add3A_1111 {add = true, strides = array<i32>} : memref<2x256x64xf32, #tpu.memory_space<vmem>>, vector<16xf32>,
      %swap3A_1178 = arith.constant 0 : i32
      %swap3A_1179 = arith.index_cast %swap3A_1178 : i32 to index
      %swap3A_1180 = arith.index_cast %add3A_1172 : i32 to index
      %swap3A_1181 = arith.constant 16 : index
      %swap3A_1182 = tpu.vector_load %arg11[%swap3A_1179, %swap3A_1180, %swap3A_1181] {strides = array<i32>} : memref<2x256x64xf32, #tpu.memory_space<vmem>>, vector<16xf32>,
      tpu.vector_store %arg11[%swap3A_1179, %swap3A_1180, %swap3A_1181], %add3A_1121 {add = true, strides = array<i32>} : memref<2x256x64xf32, #tpu.memory_space<vmem>>, vector<16xf32>,
      %swap3A_1183 = arith.constant 0 : i32
      %swap3A_1184 = arith.index_cast %swap3A_1183 : i32 to index
      %swap3A_1185 = arith.index_cast %add3A_1172 : i32 to index
      %swap3A_1186 = arith.constant 32 : index
      %swap3A_1187 = tpu.vector_load %arg11[%swap3A_1184, %swap3A_1185, %swap3A_1186] {strides = array<i32>} : memref<2x256x64xf32, #tpu.memory_space<vmem>>, vector<16xf32>,
      tpu.vector_store %arg11[%swap3A_1184, %swap3A_1185, %swap3A_1186], %add3A_1131 {add = true, strides = array<i32>} : memref<2x256x64xf32, #tpu.memory_space<vmem>>, vector<16xf32>,
      %swap3A_1188 = arith.constant 0 : i32
      %swap3A_1189 = arith.index_cast %swap3A_1188 : i32 to index
      %swap3A_1190 = arith.index_cast %add3A_1172 : i32 to index
      %swap3A_1191 = arith.constant 48 : index
      %swap3A_1192 = tpu.vector_load %arg11[%swap3A_1189, %swap3A_1190, %swap3A_1191] {strides = array<i32>} : memref<2x256x64xf32, #tpu.memory_space<vmem>>, vector<16xf32>,
      tpu.vector_store %arg11[%swap3A_1189, %swap3A_1190, %swap3A_1191], %add3A_1141 {add = true, strides = array<i32>} : memref<2x256x64xf32, #tpu.memory_space<vmem>>, vector<16xf32>,
      %mul3A_1193 = arith.constant 2 : i32
      %mul3A_1194 = arith.muli %mul3A_1193, %scan3A_1082 : i32
      %add3A_1195 = arith.constant 1 : i32
      %add3A_1196 = arith.addi %mul3A_1194, %add3A_1195 : i32
      %get3A_1197 = arith.constant 0 : i32
      %get3A_1198 = arith.index_cast %get3A_1197 : i32 to index
      %get3A_1199 = arith.index_cast %add3A_1196 : i32 to index
      %get3A_1200 = arith.constant 0 : index
      %get3A_1201 = tpu.vector_load %arg12[%get3A_1198, %get3A_1199, %get3A_1200] {strides = array<i32>} : memref<2x128x64xf32, #tpu.memory_space<vmem>>, vector<16xf32>,
      %add3A_1202 = arith.addf %get3A_1086, %get3A_1201 : vector<16xf32>
      %mul3A_1203 = arith.constant 2 : i32
      %mul3A_1204 = arith.muli %mul3A_1203, %scan3A_1082 : i32
      %add3A_1205 = arith.constant 1 : i32
      %add3A_1206 = arith.addi %mul3A_1204, %add3A_1205 : i32
      %get3A_1207 = arith.constant 0 : i32
      %get3A_1208 = arith.index_cast %get3A_1207 : i32 to index
      %get3A_1209 = arith.index_cast %add3A_1206 : i32 to index
      %get3A_1210 = arith.constant 16 : index
      %get3A_1211 = tpu.vector_load %arg12[%get3A_1208, %get3A_1209, %get3A_1210] {strides = array<i32>} : memref<2x128x64xf32, #tpu.memory_space<vmem>>, vector<16xf32>,
      %add3A_1212 = arith.addf %get3A_1091, %get3A_1211 : vector<16xf32>
      %mul3A_1213 = arith.constant 2 : i32
      %mul3A_1214 = arith.muli %mul3A_1213, %scan3A_1082 : i32
      %add3A_1215 = arith.constant 1 : i32
      %add3A_1216 = arith.addi %mul3A_1214, %add3A_1215 : i32
      %get3A_1217 = arith.constant 0 : i32
      %get3A_1218 = arith.index_cast %get3A_1217 : i32 to index
      %get3A_1219 = arith.index_cast %add3A_1216 : i32 to index
      %get3A_1220 = arith.constant 32 : index
      %get3A_1221 = tpu.vector_load %arg12[%get3A_1218, %get3A_1219, %get3A_1220] {strides = array<i32>} : memref<2x128x64xf32, #tpu.memory_space<vmem>>, vector<16xf32>,
      %add3A_1222 = arith.addf %get3A_1096, %get3A_1221 : vector<16xf32>
      %mul3A_1223 = arith.constant 2 : i32
      %mul3A_1224 = arith.muli %mul3A_1223, %scan3A_1082 : i32
      %add3A_1225 = arith.constant 1 : i32
      %add3A_1226 = arith.addi %mul3A_1224, %add3A_1225 : i32
      %get3A_1227 = arith.constant 0 : i32
      %get3A_1228 = arith.index_cast %get3A_1227 : i32 to index
      %get3A_1229 = arith.index_cast %add3A_1226 : i32 to index
      %get3A_1230 = arith.constant 48 : index
      %get3A_1231 = tpu.vector_load %arg12[%get3A_1228, %get3A_1229, %get3A_1230] {strides = array<i32>} : memref<2x128x64xf32, #tpu.memory_space<vmem>>, vector<16xf32>,
      %add3A_1232 = arith.addf %get3A_1101, %get3A_1231 : vector<16xf32>
      %mul3A_1233 = arith.constant 4 : i32
      %mul3A_1234 = arith.muli %mul3A_1233, %scan3A_1082 : i32
      %add3A_1235 = arith.constant 2 : i32
      %add3A_1236 = arith.addi %mul3A_1234, %add3A_1235 : i32
      %add3A_1237 = arith.constant 0 : i32
      %add3A_1238 = arith.addi %add3A_1236, %add3A_1237 : i32
      %swap3A_1239 = arith.constant 0 : i32
      %swap3A_1240 = arith.index_cast %swap3A_1239 : i32 to index
      %swap3A_1241 = arith.index_cast %add3A_1238 : i32 to index
      %swap3A_1242 = arith.constant 0 : index
      %swap3A_1243 = tpu.vector_load %arg11[%swap3A_1240, %swap3A_1241, %swap3A_1242] {strides = array<i32>} : memref<2x256x64xf32, #tpu.memory_space<vmem>>, vector<16xf32>,
      tpu.vector_store %arg11[%swap3A_1240, %swap3A_1241, %swap3A_1242], %add3A_1202 {add = true, strides = array<i32>} : memref<2x256x64xf32, #tpu.memory_space<vmem>>, vector<16xf32>,
      %swap3A_1244 = arith.constant 0 : i32
      %swap3A_1245 = arith.index_cast %swap3A_1244 : i32 to index
      %swap3A_1246 = arith.index_cast %add3A_1238 : i32 to index
      %swap3A_1247 = arith.constant 16 : index
      %swap3A_1248 = tpu.vector_load %arg11[%swap3A_1245, %swap3A_1246, %swap3A_1247] {strides = array<i32>} : memref<2x256x64xf32, #tpu.memory_space<vmem>>, vector<16xf32>,
      tpu.vector_store %arg11[%swap3A_1245, %swap3A_1246, %swap3A_1247], %add3A_1212 {add = true, strides = array<i32>} : memref<2x256x64xf32, #tpu.memory_space<vmem>>, vector<16xf32>,
      %swap3A_1249 = arith.constant 0 : i32
      %swap3A_1250 = arith.index_cast %swap3A_1249 : i32 to index
      %swap3A_1251 = arith.index_cast %add3A_1238 : i32 to index
      %swap3A_1252 = arith.constant 32 : index
      %swap3A_1253 = tpu.vector_load %arg11[%swap3A_1250, %swap3A_1251, %swap3A_1252] {strides = array<i32>} : memref<2x256x64xf32, #tpu.memory_space<vmem>>, vector<16xf32>,
      tpu.vector_store %arg11[%swap3A_1250, %swap3A_1251, %swap3A_1252], %add3A_1222 {add = true, strides = array<i32>} : memref<2x256x64xf32, #tpu.memory_space<vmem>>, vector<16xf32>,
      %swap3A_1254 = arith.constant 0 : i32
      %swap3A_1255 = arith.index_cast %swap3A_1254 : i32 to index
      %swap3A_1256 = arith.index_cast %add3A_1238 : i32 to index
      %swap3A_1257 = arith.constant 48 : index
      %swap3A_1258 = tpu.vector_load %arg11[%swap3A_1255, %swap3A_1256, %swap3A_1257] {strides = array<i32>} : memref<2x256x64xf32, #tpu.memory_space<vmem>>, vector<16xf32>,
      tpu.vector_store %arg11[%swap3A_1255, %swap3A_1256, %swap3A_1257], %add3A_1232 {add = true, strides = array<i32>} : memref<2x256x64xf32, #tpu.memory_space<vmem>>, vector<16xf32>,
      %mul3A_1259 = arith.constant 4 : i32
      %mul3A_1260 = arith.muli %mul3A_1259, %scan3A_1082 : i32
      %add3A_1261 = arith.constant 2 : i32
      %add3A_1262 = arith.addi %mul3A_1260, %add3A_1261 : i32
      %add3A_1263 = arith.constant 1 : i32
      %add3A_1264 = arith.addi %add3A_1262, %add3A_1263 : i32
      %swap3A_1265 = arith.constant 0 : i32
      %swap3A_1266 = arith.index_cast %swap3A_1265 : i32 to index
      %swap3A_1267 = arith.index_cast %add3A_1264 : i32 to index
      %swap3A_1268 = arith.constant 0 : index
      %swap3A_1269 = tpu.vector_load %arg11[%swap3A_1266, %swap3A_1267, %swap3A_1268] {strides = array<i32>} : memref<2x256x64xf32, #tpu.memory_space<vmem>>, vector<16xf32>,
      tpu.vector_store %arg11[%swap3A_1266, %swap3A_1267, %swap3A_1268], %add3A_1202 {add = true, strides = array<i32>} : memref<2x256x64xf32, #tpu.memory_space<vmem>>, vector<16xf32>,
      %swap3A_1270 = arith.constant 0 : i32
      %swap3A_1271 = arith.index_cast %swap3A_1270 : i32 to index
      %swap3A_1272 = arith.index_cast %add3A_1264 : i32 to index
      %swap3A_1273 = arith.constant 16 : index
      %swap3A_1274 = tpu.vector_load %arg11[%swap3A_1271, %swap3A_1272, %swap3A_1273] {strides = array<i32>} : memref<2x256x64xf32, #tpu.memory_space<vmem>>, vector<16xf32>,
      tpu.vector_store %arg11[%swap3A_1271, %swap3A_1272, %swap3A_1273], %add3A_1212 {add = true, strides = array<i32>} : memref<2x256x64xf32, #tpu.memory_space<vmem>>, vector<16xf32>,
      %swap3A_1275 = arith.constant 0 : i32
      %swap3A_1276 = arith.index_cast %swap3A_1275 : i32 to index
      %swap3A_1277 = arith.index_cast %add3A_1264 : i32 to index
      %swap3A_1278 = arith.constant 32 : index
      %swap3A_1279 = tpu.vector_load %arg11[%swap3A_1276, %swap3A_1277, %swap3A_1278] {strides = array<i32>} : memref<2x256x64xf32, #tpu.memory_space<vmem>>, vector<16xf32>,
      tpu.vector_store %arg11[%swap3A_1276, %swap3A_1277, %swap3A_1278], %add3A_1222 {add = true, strides = array<i32>} : memref<2x256x64xf32, #tpu.memory_space<vmem>>, vector<16xf32>,
      %swap3A_1280 = arith.constant 0 : i32
      %swap3A_1281 = arith.index_cast %swap3A_1280 : i32 to index
      %swap3A_1282 = arith.index_cast %add3A_1264 : i32 to index
      %swap3A_1283 = arith.constant 48 : index
      %swap3A_1284 = tpu.vector_load %arg11[%swap3A_1281, %swap3A_1282, %swap3A_1283] {strides = array<i32>} : memref<2x256x64xf32, #tpu.memory_space<vmem>>, vector<16xf32>,
      tpu.vector_store %arg11[%swap3A_1281, %swap3A_1282, %swap3A_1283], %add3A_1232 {add = true, strides = array<i32>} : memref<2x256x64xf32, #tpu.memory_space<vmem>>, vector<16xf32>,
    }
    %scan3A_175 = arith.constant 64 : i32
    %mul3A_176 = arith.constant 2048 : i32
    %mul3A_177 = arith.muli %add3A, %mul3A_176 : i32
    %add3A_178 = arith.constant 0 : i32
    %add3A_179 = arith.addi %mul3A_177, %add3A_178 : i32
    %dma_start3A_180 = arith.constant 0 : i32
    %dma_start3A_181 = arith.constant 0 : i32
    %dma_start3A_182 = arith.constant 0 : i32
    %dma_start3A_183 = tpu.memref_slice %arg11[%dma_start3A_180, %dma_start3A_181, %dma_start3A_182] : memref<2x256x64xf32, #tpu.memory_space<vmem>> -> memref<1x256x64xf32, #tpu.memory_space<vmem>>
    %dma_start3A_184 = tpu.memref_squeeze %dma_start3A_183 : memref<1x256x64xf32, #tpu.memory_space<vmem>> -> memref<256x64xf32, #tpu.memory_space<vmem>>
    %dma_start3A_185 = arith.constant 0 : i32
    %dma_start3A_186 = tpu.memref_slice %arg6[%add3A_179, %dma_start3A_185] : memref<65536x128xf32, #tpu.memory_space<hbm>> -> memref<256x64xf32, #tpu.memory_space<hbm>>
    %dma_start3A_187 = arith.constant 0 : i32
    %dma_start3A_188 = tpu.memref_slice %arg6[%add3A_179, %dma_start3A_187] : memref<65536x128xf32, #tpu.memory_space<hbm>> -> memref<256x64xf32, #tpu.memory_space<hbm>>
    %dma_start3A_189 = arith.constant 0 : i32
    %dma_start3A_190 = arith.constant 0 : i32
    %dma_start3A_191 = tpu.memref_slice %arg11[%dma_start3A_180, %dma_start3A_189, %dma_start3A_190] : memref<2x256x64xf32, #tpu.memory_space<vmem>> -> memref<1x256x64xf32, #tpu.memory_space<vmem>>
    %dma_start3A_192 = tpu.memref_squeeze %dma_start3A_191 : memref<1x256x64xf32, #tpu.memory_space<vmem>> -> memref<256x64xf32, #tpu.memory_space<vmem>>
    tpu.enqueue_dma source(%dma_start3A_192 : memref<256x64xf32, #tpu.memory_space<vmem>>) target(%dma_start3A_188 : memref<256x64xf32, #tpu.memory_space<hbm>>) target_semaphore(%arg18 : memref<!tpu.dma_semaphore, #tpu.memory_space<semaphore_mem>>)
    %dma_wait3A_193 = arith.constant 2 : i32
    %dma_wait3A_194 = arith.constant 1 : i32
    %dma_wait3A_195 = arith.constant 0 : i32
    %dma_wait3A_196 = arith.constant 0 : i32
    %dma_wait3A_197 = tpu.memref_slice %arg11[%dma_wait3A_194, %dma_wait3A_195, %dma_wait3A_196] : memref<2x256x64xf32, #tpu.memory_space<vmem>> -> memref<1x128x64xf32, #tpu.memory_space<vmem>>
    %dma_wait3A_198 = tpu.memref_squeeze %dma_wait3A_197 : memref<1x128x64xf32, #tpu.memory_space<vmem>> -> memref<128x64xf32, #tpu.memory_space<vmem>>
    %dma_wait3A_199 = arith.constant 0 : i32
    %dma_wait3A_200 = tpu.memref_slice %arg8[%dma_wait3A_193, %dma_wait3A_199] : memref<16x128xi32, #tpu.memory_space<vmem>> -> memref<1x128xi32, #tpu.memory_space<vmem>>
    %dma_wait3A_201 = tpu.memref_squeeze %dma_wait3A_200 : memref<1x128xi32, #tpu.memory_space<vmem>> -> memref<128xi32, #tpu.memory_space<vmem>>
    %dma_wait3A_202 = arith.constant 0 : i32
    %dma_wait3A_203 = arith.constant 0 : i32
    %dma_wait3A_204 = tpu.memref_slice %arg5[%dma_wait3A_202, %dma_wait3A_203] : memref<4096x64xf32, #tpu.memory_space<hbm>> -> memref<4096x64xf32, #tpu.memory_space<hbm>>
    tpu.wait_indirect_dma semaphore(%arg16 : memref<!tpu.dma_semaphore, #tpu.memory_space<semaphore_mem>>) src(%dma_wait3A_204 : memref<4096x64xf32, #tpu.memory_space<hbm>>) dst(%dma_wait3A_198 : memref<128x64xf32, #tpu.memory_space<vmem>>)
    %dma_wait3A_205 = arith.constant 3 : i32
    %dma_wait3A_206 = arith.constant 1 : i32
    %dma_wait3A_207 = arith.constant 128 : i32
    %dma_wait3A_208 = arith.constant 0 : i32
    %dma_wait3A_209 = tpu.memref_slice %arg11[%dma_wait3A_206, %dma_wait3A_207, %dma_wait3A_208] : memref<2x256x64xf32, #tpu.memory_space<vmem>> -> memref<1x128x64xf32, #tpu.memory_space<vmem>>
    %dma_wait3A_210 = tpu.memref_squeeze %dma_wait3A_209 : memref<1x128x64xf32, #tpu.memory_space<vmem>> -> memref<128x64xf32, #tpu.memory_space<vmem>>
    %dma_wait3A_211 = arith.constant 0 : i32
    %dma_wait3A_212 = tpu.memref_slice %arg8[%dma_wait3A_205, %dma_wait3A_211] : memref<16x128xi32, #tpu.memory_space<vmem>> -> memref<1x128xi32, #tpu.memory_space<vmem>>
    %dma_wait3A_213 = tpu.memref_squeeze %dma_wait3A_212 : memref<1x128xi32, #tpu.memory_space<vmem>> -> memref<128xi32, #tpu.memory_space<vmem>>
    %dma_wait3A_214 = arith.constant 0 : i32
    %dma_wait3A_215 = arith.constant 0 : i32
    %dma_wait3A_216 = tpu.memref_slice %arg5[%dma_wait3A_214, %dma_wait3A_215] : memref<4096x64xf32, #tpu.memory_space<hbm>> -> memref<4096x64xf32, #tpu.memory_space<hbm>>
    tpu.wait_indirect_dma semaphore(%arg16 : memref<!tpu.dma_semaphore, #tpu.memory_space<semaphore_mem>>) src(%dma_wait3A_216 : memref<4096x64xf32, #tpu.memory_space<hbm>>) dst(%dma_wait3A_210 : memref<128x64xf32, #tpu.memory_space<vmem>>)
    %dma_wait3A_217 = arith.constant 1 : i32
    %dma_wait3A_218 = arith.constant 1 : i32
    %dma_wait3A_219 = arith.constant 0 : i32
    %dma_wait3A_220 = arith.constant 0 : i32
    %dma_wait3A_221 = tpu.memref_slice %arg12[%dma_wait3A_218, %dma_wait3A_219, %dma_wait3A_220] : memref<2x128x64xf32, #tpu.memory_space<vmem>> -> memref<1x128x64xf32, #tpu.memory_space<vmem>>
    %dma_wait3A_222 = tpu.memref_squeeze %dma_wait3A_221 : memref<1x128x64xf32, #tpu.memory_space<vmem>> -> memref<128x64xf32, #tpu.memory_space<vmem>>
    %dma_wait3A_223 = arith.constant 0 : i32
    %dma_wait3A_224 = tpu.memref_slice %arg9[%dma_wait3A_217, %dma_wait3A_223] : memref<8x128xi32, #tpu.memory_space<vmem>> -> memref<1x128xi32, #tpu.memory_space<vmem>>
    %dma_wait3A_225 = tpu.memref_squeeze %dma_wait3A_224 : memref<1x128xi32, #tpu.memory_space<vmem>> -> memref<128xi32, #tpu.memory_space<vmem>>
    %dma_wait3A_226 = arith.constant 0 : i32
    %dma_wait3A_227 = arith.constant 0 : i32
    %dma_wait3A_228 = tpu.memref_slice %arg4[%dma_wait3A_226, %dma_wait3A_227] : memref<4096x64xf32, #tpu.memory_space<hbm>> -> memref<4096x64xf32, #tpu.memory_space<hbm>>
    tpu.wait_indirect_dma semaphore(%arg17 : memref<!tpu.dma_semaphore, #tpu.memory_space<semaphore_mem>>) src(%dma_wait3A_228 : memref<4096x64xf32, #tpu.memory_space<hbm>>) dst(%dma_wait3A_222 : memref<128x64xf32, #tpu.memory_space<vmem>>)
    %dma_wait3A_229 = arith.constant 1 : i32
    %dma_wait3A_230 = arith.constant 1 : i32
    %dma_wait3A_231 = arith.constant 0 : i32
    %dma_wait3A_232 = arith.constant 0 : i32
    %dma_wait3A_233 = tpu.memref_slice %arg13[%dma_wait3A_230, %dma_wait3A_231, %dma_wait3A_232] : memref<2x64x64xf32, #tpu.memory_space<vmem>> -> memref<1x64x64xf32, #tpu.memory_space<vmem>>
    %dma_wait3A_234 = tpu.memref_squeeze %dma_wait3A_233 : memref<1x64x64xf32, #tpu.memory_space<vmem>> -> memref<64x64xf32, #tpu.memory_space<vmem>>
    %dma_wait3A_235 = arith.constant 0 : i32
    %dma_wait3A_236 = tpu.memref_slice %arg10[%dma_wait3A_229, %dma_wait3A_235] : memref<8x64xi32, #tpu.memory_space<vmem>> -> memref<1x64xi32, #tpu.memory_space<vmem>>
    %dma_wait3A_237 = tpu.memref_squeeze %dma_wait3A_236 : memref<1x64xi32, #tpu.memory_space<vmem>> -> memref<64xi32, #tpu.memory_space<vmem>>
    %dma_wait3A_238 = arith.constant 0 : i32
    %dma_wait3A_239 = arith.constant 0 : i32
    %dma_wait3A_240 = tpu.memref_slice %arg3[%dma_wait3A_238, %dma_wait3A_239] : memref<4096x64xf32, #tpu.memory_space<hbm>> -> memref<4096x64xf32, #tpu.memory_space<hbm>>
    tpu.wait_indirect_dma semaphore(%arg17 : memref<!tpu.dma_semaphore, #tpu.memory_space<semaphore_mem>>) src(%dma_wait3A_240 : memref<4096x64xf32, #tpu.memory_space<hbm>>) dst(%dma_wait3A_234 : memref<64x64xf32, #tpu.memory_space<vmem>>)
    %dma_wait3A_241 = arith.constant 0 : i32
    %dma_wait3A_242 = arith.constant 0 : i32
    %dma_wait3A_243 = arith.constant 0 : i32
    %dma_wait3A_244 = tpu.memref_slice %arg11[%dma_wait3A_241, %dma_wait3A_242, %dma_wait3A_243] : memref<2x256x64xf32, #tpu.memory_space<vmem>> -> memref<1x256x64xf32, #tpu.memory_space<vmem>>
    %dma_wait3A_245 = tpu.memref_squeeze %dma_wait3A_244 : memref<1x256x64xf32, #tpu.memory_space<vmem>> -> memref<256x64xf32, #tpu.memory_space<vmem>>
    %dma_wait3A_246 = arith.constant 0 : i32
    %dma_wait3A_247 = tpu.memref_slice %arg6[%add3A_179, %dma_wait3A_246] : memref<65536x128xf32, #tpu.memory_space<hbm>> -> memref<256x64xf32, #tpu.memory_space<hbm>>
    %dma_wait3A_248 = arith.constant 0 : i32
    %dma_wait3A_249 = tpu.memref_slice %arg6[%add3A_179, %dma_wait3A_248] : memref<65536x128xf32, #tpu.memory_space<hbm>> -> memref<256x64xf32, #tpu.memory_space<hbm>>
    %dma_wait3A_250 = arith.constant 0 : i32
    %dma_wait3A_251 = arith.constant 0 : i32
    %dma_wait3A_252 = tpu.memref_slice %arg11[%dma_wait3A_241, %dma_wait3A_250, %dma_wait3A_251] : memref<2x256x64xf32, #tpu.memory_space<vmem>> -> memref<1x256x64xf32, #tpu.memory_space<vmem>>
    %dma_wait3A_253 = tpu.memref_squeeze %dma_wait3A_252 : memref<1x256x64xf32, #tpu.memory_space<vmem>> -> memref<256x64xf32, #tpu.memory_space<vmem>>
    tpu.wait_dma2 semaphore(%arg18 : memref<!tpu.dma_semaphore, #tpu.memory_space<semaphore_mem>>) src(%dma_wait3A_253 : memref<256x64xf32, #tpu.memory_space<vmem>>) dst(%dma_wait3A_249 : memref<256x64xf32, #tpu.memory_space<hbm>>)
    %dma_start3A_254 = arith.constant 4 : i32
    %dma_start3A_255 = arith.constant 0 : i32
    %dma_start3A_256 = arith.constant 0 : i32
    %dma_start3A_257 = arith.constant 0 : i32
    %dma_start3A_258 = tpu.memref_slice %arg11[%dma_start3A_255, %dma_start3A_256, %dma_start3A_257] : memref<2x256x64xf32, #tpu.memory_space<vmem>> -> memref<1x128x64xf32, #tpu.memory_space<vmem>>
    %dma_start3A_259 = tpu.memref_squeeze %dma_start3A_258 : memref<1x128x64xf32, #tpu.memory_space<vmem>> -> memref<128x64xf32, #tpu.memory_space<vmem>>
    %dma_start3A_260 = arith.constant 0 : i32
    %dma_start3A_261 = tpu.memref_slice %arg8[%dma_start3A_254, %dma_start3A_260] : memref<16x128xi32, #tpu.memory_space<vmem>> -> memref<1x128xi32, #tpu.memory_space<vmem>>
    %dma_start3A_262 = tpu.memref_squeeze %dma_start3A_261 : memref<1x128xi32, #tpu.memory_space<vmem>> -> memref<128xi32, #tpu.memory_space<vmem>>
    %dma_start3A_263 = arith.constant 0 : i32
    %dma_start3A_264 = arith.constant 0 : i32
    %dma_start3A_265 = tpu.memref_slice %arg5[%dma_start3A_263, %dma_start3A_264] : memref<4096x64xf32, #tpu.memory_space<hbm>> -> memref<4096x64xf32, #tpu.memory_space<hbm>>
    tpu.enqueue_indirect_dma source(%dma_start3A_265 : memref<4096x64xf32, #tpu.memory_space<hbm>>) target(%dma_start3A_259 : memref<128x64xf32, #tpu.memory_space<vmem>>) offsets(%dma_start3A_262 : memref<128xi32, #tpu.memory_space<vmem>>) semaphore(%arg15 : memref<!tpu.dma_semaphore, #tpu.memory_space<semaphore_mem>>)
    %dma_start3A_266 = arith.constant 5 : i32
    %dma_start3A_267 = arith.constant 0 : i32
    %dma_start3A_268 = arith.constant 128 : i32
    %dma_start3A_269 = arith.constant 0 : i32
    %dma_start3A_270 = tpu.memref_slice %arg11[%dma_start3A_267, %dma_start3A_268, %dma_start3A_269] : memref<2x256x64xf32, #tpu.memory_space<vmem>> -> memref<1x128x64xf32, #tpu.memory_space<vmem>>
    %dma_start3A_271 = tpu.memref_squeeze %dma_start3A_270 : memref<1x128x64xf32, #tpu.memory_space<vmem>> -> memref<128x64xf32, #tpu.memory_space<vmem>>
    %dma_start3A_272 = arith.constant 0 : i32
    %dma_start3A_273 = tpu.memref_slice %arg8[%dma_start3A_266, %dma_start3A_272] : memref<16x128xi32, #tpu.memory_space<vmem>> -> memref<1x128xi32, #tpu.memory_space<vmem>>
    %dma_start3A_274 = tpu.memref_squeeze %dma_start3A_273 : memref<1x128xi32, #tpu.memory_space<vmem>> -> memref<128xi32, #tpu.memory_space<vmem>>
    %dma_start3A_275 = arith.constant 0 : i32
    %dma_start3A_276 = arith.constant 0 : i32
    %dma_start3A_277 = tpu.memref_slice %arg5[%dma_start3A_275, %dma_start3A_276] : memref<4096x64xf32, #tpu.memory_space<hbm>> -> memref<4096x64xf32, #tpu.memory_space<hbm>>
    tpu.enqueue_indirect_dma source(%dma_start3A_277 : memref<4096x64xf32, #tpu.memory_space<hbm>>) target(%dma_start3A_271 : memref<128x64xf32, #tpu.memory_space<vmem>>) offsets(%dma_start3A_274 : memref<128xi32, #tpu.memory_space<vmem>>) semaphore(%arg15 : memref<!tpu.dma_semaphore, #tpu.memory_space<semaphore_mem>>)
    %dma_start3A_278 = arith.constant 2 : i32
    %dma_start3A_279 = arith.constant 0 : i32
    %dma_start3A_280 = arith.constant 0 : i32
    %dma_start3A_281 = arith.constant 0 : i32
    %dma_start3A_282 = tpu.memref_slice %arg12[%dma_start3A_279, %dma_start3A_280, %dma_start3A_281] : memref<2x128x64xf32, #tpu.memory_space<vmem>> -> memref<1x128x64xf32, #tpu.memory_space<vmem>>
    %dma_start3A_283 = tpu.memref_squeeze %dma_start3A_282 : memref<1x128x64xf32, #tpu.memory_space<vmem>> -> memref<128x64xf32, #tpu.memory_space<vmem>>
    %dma_start3A_284 = arith.constant 0 : i32
    %dma_start3A_285 = tpu.memref_slice %arg9[%dma_start3A_278, %dma_start3A_284] : memref<8x128xi32, #tpu.memory_space<vmem>> -> memref<1x128xi32, #tpu.memory_space<vmem>>
    %dma_start3A_286 = tpu.memref_squeeze %dma_start3A_285 : memref<1x128xi32, #tpu.memory_space<vmem>> -> memref<128xi32, #tpu.memory_space<vmem>>
    %dma_start3A_287 = arith.constant 0 : i32
    %dma_start3A_288 = arith.constant 0 : i32
    %dma_start3A_289 = tpu.memref_slice %arg4[%dma_start3A_287, %dma_start3A_288] : memref<4096x64xf32, #tpu.memory_space<hbm>> -> memref<4096x64xf32, #tpu.memory_space<hbm>>
    tpu.enqueue_indirect_dma source(%dma_start3A_289 : memref<4096x64xf32, #tpu.memory_space<hbm>>) target(%dma_start3A_283 : memref<128x64xf32, #tpu.memory_space<vmem>>) offsets(%dma_start3A_286 : memref<128xi32, #tpu.memory_space<vmem>>) semaphore(%arg17 : memref<!tpu.dma_semaphore, #tpu.memory_space<semaphore_mem>>)
    %dma_start3A_290 = arith.constant 2 : i32
    %dma_start3A_291 = arith.constant 0 : i32
    %dma_start3A_292 = arith.constant 0 : i32
    %dma_start3A_293 = arith.constant 0 : i32
    %dma_start3A_294 = tpu.memref_slice %arg13[%dma_start3A_291, %dma_start3A_292, %dma_start3A_293] : memref<2x64x64xf32, #tpu.memory_space<vmem>> -> memref<1x64x64xf32, #tpu.memory_space<vmem>>
    %dma_start3A_295 = tpu.memref_squeeze %dma_start3A_294 : memref<1x64x64xf32, #tpu.memory_space<vmem>> -> memref<64x64xf32, #tpu.memory_space<vmem>>
    %dma_start3A_296 = arith.constant 0 : i32
    %dma_start3A_297 = tpu.memref_slice %arg10[%dma_start3A_290, %dma_start3A_296] : memref<8x64xi32, #tpu.memory_space<vmem>> -> memref<1x64xi32, #tpu.memory_space<vmem>>
    %dma_start3A_298 = tpu.memref_squeeze %dma_start3A_297 : memref<1x64xi32, #tpu.memory_space<vmem>> -> memref<64xi32, #tpu.memory_space<vmem>>
    %dma_start3A_299 = arith.constant 0 : i32
    %dma_start3A_300 = arith.constant 0 : i32
    %dma_start3A_301 = tpu.memref_slice %arg3[%dma_start3A_299, %dma_start3A_300] : memref<4096x64xf32, #tpu.memory_space<hbm>> -> memref<4096x64xf32, #tpu.memory_space<hbm>>
    tpu.enqueue_indirect_dma source(%dma_start3A_301 : memref<4096x64xf32, #tpu.memory_space<hbm>>) target(%dma_start3A_295 : memref<64x64xf32, #tpu.memory_space<vmem>>) offsets(%dma_start3A_298 : memref<64xi32, #tpu.memory_space<vmem>>) semaphore(%arg17 : memref<!tpu.dma_semaphore, #tpu.memory_space<semaphore_mem>>)
    %scan3A_302 = arith.constant 0 : i32
    %scan3A_303 = arith.constant 0 : i32
    %scan3A_304 = arith.constant 64 : i32
    %scan3A_305 = arith.addi %scan3A_303, %scan3A_304 : i32
    %scan3A_306 = arith.constant 1 : i32
    scf.for %scan3A_1082 = %scan3A_303 to %scan3A_305 step %scan3A_306  : i32 {
      %get3A = arith.constant 1 : i32
      %get3A_1083 = arith.index_cast %get3A : i32 to index
      %get3A_1084 = arith.index_cast %scan3A_1082 : i32 to index
      %get3A_1085 = arith.constant 0 : index
      %get3A_1086 = tpu.vector_load %arg13[%get3A_1083, %get3A_1084, %get3A_1085] {strides = array<i32>} : memref<2x64x64xf32, #tpu.memory_space<vmem>>, vector<16xf32>,
      %get3A_1087 = arith.constant 1 : i32
      %get3A_1088 = arith.index_cast %get3A_1087 : i32 to index
      %get3A_1089 = arith.index_cast %scan3A_1082 : i32 to index
      %get3A_1090 = arith.constant 16 : index
      %get3A_1091 = tpu.vector_load %arg13[%get3A_1088, %get3A_1089, %get3A_1090] {strides = array<i32>} : memref<2x64x64xf32, #tpu.memory_space<vmem>>, vector<16xf32>,
      %get3A_1092 = arith.constant 1 : i32
      %get3A_1093 = arith.index_cast %get3A_1092 : i32 to index
      %get3A_1094 = arith.index_cast %scan3A_1082 : i32 to index
      %get3A_1095 = arith.constant 32 : index
      %get3A_1096 = tpu.vector_load %arg13[%get3A_1093, %get3A_1094, %get3A_1095] {strides = array<i32>} : memref<2x64x64xf32, #tpu.memory_space<vmem>>, vector<16xf32>,
      %get3A_1097 = arith.constant 1 : i32
      %get3A_1098 = arith.index_cast %get3A_1097 : i32 to index
      %get3A_1099 = arith.index_cast %scan3A_1082 : i32 to index
      %get3A_1100 = arith.constant 48 : index
      %get3A_1101 = tpu.vector_load %arg13[%get3A_1098, %get3A_1099, %get3A_1100] {strides = array<i32>} : memref<2x64x64xf32, #tpu.memory_space<vmem>>, vector<16xf32>,
      %mul3A_1102 = arith.constant 2 : i32
      %mul3A_1103 = arith.muli %mul3A_1102, %scan3A_1082 : i32
      %add3A_1104 = arith.constant 0 : i32
      %add3A_1105 = arith.addi %mul3A_1103, %add3A_1104 : i32
      %get3A_1106 = arith.constant 1 : i32
      %get3A_1107 = arith.index_cast %get3A_1106 : i32 to index
      %get3A_1108 = arith.index_cast %add3A_1105 : i32 to index
      %get3A_1109 = arith.constant 0 : index
      %get3A_1110 = tpu.vector_load %arg12[%get3A_1107, %get3A_1108, %get3A_1109] {strides = array<i32>} : memref<2x128x64xf32, #tpu.memory_space<vmem>>, vector<16xf32>,
      %add3A_1111 = arith.addf %get3A_1086, %get3A_1110 : vector<16xf32>
      %mul3A_1112 = arith.constant 2 : i32
      %mul3A_1113 = arith.muli %mul3A_1112, %scan3A_1082 : i32
      %add3A_1114 = arith.constant 0 : i32
      %add3A_1115 = arith.addi %mul3A_1113, %add3A_1114 : i32
      %get3A_1116 = arith.constant 1 : i32
      %get3A_1117 = arith.index_cast %get3A_1116 : i32 to index
      %get3A_1118 = arith.index_cast %add3A_1115 : i32 to index
      %get3A_1119 = arith.constant 16 : index
      %get3A_1120 = tpu.vector_load %arg12[%get3A_1117, %get3A_1118, %get3A_1119] {strides = array<i32>} : memref<2x128x64xf32, #tpu.memory_space<vmem>>, vector<16xf32>,
      %add3A_1121 = arith.addf %get3A_1091, %get3A_1120 : vector<16xf32>
      %mul3A_1122 = arith.constant 2 : i32
      %mul3A_1123 = arith.muli %mul3A_1122, %scan3A_1082 : i32
      %add3A_1124 = arith.constant 0 : i32
      %add3A_1125 = arith.addi %mul3A_1123, %add3A_1124 : i32
      %get3A_1126 = arith.constant 1 : i32
      %get3A_1127 = arith.index_cast %get3A_1126 : i32 to index
      %get3A_1128 = arith.index_cast %add3A_1125 : i32 to index
      %get3A_1129 = arith.constant 32 : index
      %get3A_1130 = tpu.vector_load %arg12[%get3A_1127, %get3A_1128, %get3A_1129] {strides = array<i32>} : memref<2x128x64xf32, #tpu.memory_space<vmem>>, vector<16xf32>,
      %add3A_1131 = arith.addf %get3A_1096, %get3A_1130 : vector<16xf32>
      %mul3A_1132 = arith.constant 2 : i32
      %mul3A_1133 = arith.muli %mul3A_1132, %scan3A_1082 : i32
      %add3A_1134 = arith.constant 0 : i32
      %add3A_1135 = arith.addi %mul3A_1133, %add3A_1134 : i32
      %get3A_1136 = arith.constant 1 : i32
      %get3A_1137 = arith.index_cast %get3A_1136 : i32 to index
      %get3A_1138 = arith.index_cast %add3A_1135 : i32 to index
      %get3A_1139 = arith.constant 48 : index
      %get3A_1140 = tpu.vector_load %arg12[%get3A_1137, %get3A_1138, %get3A_1139] {strides = array<i32>} : memref<2x128x64xf32, #tpu.memory_space<vmem>>, vector<16xf32>,
      %add3A_1141 = arith.addf %get3A_1101, %get3A_1140 : vector<16xf32>
      %mul3A_1142 = arith.constant 4 : i32
      %mul3A_1143 = arith.muli %mul3A_1142, %scan3A_1082 : i32
      %add3A_1144 = arith.constant 0 : i32
      %add3A_1145 = arith.addi %mul3A_1143, %add3A_1144 : i32
      %add3A_1146 = arith.constant 0 : i32
      %add3A_1147 = arith.addi %add3A_1145, %add3A_1146 : i32
      %swap3A = arith.constant 1 : i32
      %swap3A_1148 = arith.index_cast %swap3A : i32 to index
      %swap3A_1149 = arith.index_cast %add3A_1147 : i32 to index
      %swap3A_1150 = arith.constant 0 : index
      %swap3A_1151 = tpu.vector_load %arg11[%swap3A_1148, %swap3A_1149, %swap3A_1150] {strides = array<i32>} : memref<2x256x64xf32, #tpu.memory_space<vmem>>, vector<16xf32>,
      tpu.vector_store %arg11[%swap3A_1148, %swap3A_1149, %swap3A_1150], %add3A_1111 {add = true, strides = array<i32>} : memref<2x256x64xf32, #tpu.memory_space<vmem>>, vector<16xf32>,
      %swap3A_1152 = arith.constant 1 : i32
      %swap3A_1153 = arith.index_cast %swap3A_1152 : i32 to index
      %swap3A_1154 = arith.index_cast %add3A_1147 : i32 to index
      %swap3A_1155 = arith.constant 16 : index
      %swap3A_1156 = tpu.vector_load %arg11[%swap3A_1153, %swap3A_1154, %swap3A_1155] {strides = array<i32>} : memref<2x256x64xf32, #tpu.memory_space<vmem>>, vector<16xf32>,
      tpu.vector_store %arg11[%swap3A_1153, %swap3A_1154, %swap3A_1155], %add3A_1121 {add = true, strides = array<i32>} : memref<2x256x64xf32, #tpu.memory_space<vmem>>, vector<16xf32>,
      %swap3A_1157 = arith.constant 1 : i32
      %swap3A_1158 = arith.index_cast %swap3A_1157 : i32 to index
      %swap3A_1159 = arith.index_cast %add3A_1147 : i32 to index
      %swap3A_1160 = arith.constant 32 : index
      %swap3A_1161 = tpu.vector_load %arg11[%swap3A_1158, %swap3A_1159, %swap3A_1160] {strides = array<i32>} : memref<2x256x64xf32, #tpu.memory_space<vmem>>, vector<16xf32>,
      tpu.vector_store %arg11[%swap3A_1158, %swap3A_1159, %swap3A_1160], %add3A_1131 {add = true, strides = array<i32>} : memref<2x256x64xf32, #tpu.memory_space<vmem>>, vector<16xf32>,
      %swap3A_1162 = arith.constant 1 : i32
      %swap3A_1163 = arith.index_cast %swap3A_1162 : i32 to index
      %swap3A_1164 = arith.index_cast %add3A_1147 : i32 to index
      %swap3A_1165 = arith.constant 48 : index
      %swap3A_1166 = tpu.vector_load %arg11[%swap3A_1163, %swap3A_1164, %swap3A_1165] {strides = array<i32>} : memref<2x256x64xf32, #tpu.memory_space<vmem>>, vector<16xf32>,
      tpu.vector_store %arg11[%swap3A_1163, %swap3A_1164, %swap3A_1165], %add3A_1141 {add = true, strides = array<i32>} : memref<2x256x64xf32, #tpu.memory_space<vmem>>, vector<16xf32>,
      %mul3A_1167 = arith.constant 4 : i32
      %mul3A_1168 = arith.muli %mul3A_1167, %scan3A_1082 : i32
      %add3A_1169 = arith.constant 0 : i32
      %add3A_1170 = arith.addi %mul3A_1168, %add3A_1169 : i32
      %add3A_1171 = arith.constant 1 : i32
      %add3A_1172 = arith.addi %add3A_1170, %add3A_1171 : i32
      %swap3A_1173 = arith.constant 1 : i32
      %swap3A_1174 = arith.index_cast %swap3A_1173 : i32 to index
      %swap3A_1175 = arith.index_cast %add3A_1172 : i32 to index
      %swap3A_1176 = arith.constant 0 : index
      %swap3A_1177 = tpu.vector_load %arg11[%swap3A_1174, %swap3A_1175, %swap3A_1176] {strides = array<i32>} : memref<2x256x64xf32, #tpu.memory_space<vmem>>, vector<16xf32>,
      tpu.vector_store %arg11[%swap3A_1174, %swap3A_1175, %swap3A_1176], %add3A_1111 {add = true, strides = array<i32>} : memref<2x256x64xf32, #tpu.memory_space<vmem>>, vector<16xf32>,
      %swap3A_1178 = arith.constant 1 : i32
      %swap3A_1179 = arith.index_cast %swap3A_1178 : i32 to index
      %swap3A_1180 = arith.index_cast %add3A_1172 : i32 to index
      %swap3A_1181 = arith.constant 16 : index
      %swap3A_1182 = tpu.vector_load %arg11[%swap3A_1179, %swap3A_1180, %swap3A_1181] {strides = array<i32>} : memref<2x256x64xf32, #tpu.memory_space<vmem>>, vector<16xf32>,
      tpu.vector_store %arg11[%swap3A_1179, %swap3A_1180, %swap3A_1181], %add3A_1121 {add = true, strides = array<i32>} : memref<2x256x64xf32, #tpu.memory_space<vmem>>, vector<16xf32>,
      %swap3A_1183 = arith.constant 1 : i32
      %swap3A_1184 = arith.index_cast %swap3A_1183 : i32 to index
      %swap3A_1185 = arith.index_cast %add3A_1172 : i32 to index
      %swap3A_1186 = arith.constant 32 : index
      %swap3A_1187 = tpu.vector_load %arg11[%swap3A_1184, %swap3A_1185, %swap3A_1186] {strides = array<i32>} : memref<2x256x64xf32, #tpu.memory_space<vmem>>, vector<16xf32>,
      tpu.vector_store %arg11[%swap3A_1184, %swap3A_1185, %swap3A_1186], %add3A_1131 {add = true, strides = array<i32>} : memref<2x256x64xf32, #tpu.memory_space<vmem>>, vector<16xf32>,
      %swap3A_1188 = arith.constant 1 : i32
      %swap3A_1189 = arith.index_cast %swap3A_1188 : i32 to index
      %swap3A_1190 = arith.index_cast %add3A_1172 : i32 to index
      %swap3A_1191 = arith.constant 48 : index
      %swap3A_1192 = tpu.vector_load %arg11[%swap3A_1189, %swap3A_1190, %swap3A_1191] {strides = array<i32>} : memref<2x256x64xf32, #tpu.memory_space<vmem>>, vector<16xf32>,
      tpu.vector_store %arg11[%swap3A_1189, %swap3A_1190, %swap3A_1191], %add3A_1141 {add = true, strides = array<i32>} : memref<2x256x64xf32, #tpu.memory_space<vmem>>, vector<16xf32>,
      %mul3A_1193 = arith.constant 2 : i32
      %mul3A_1194 = arith.muli %mul3A_1193, %scan3A_1082 : i32
      %add3A_1195 = arith.constant 1 : i32
      %add3A_1196 = arith.addi %mul3A_1194, %add3A_1195 : i32
      %get3A_1197 = arith.constant 1 : i32
      %get3A_1198 = arith.index_cast %get3A_1197 : i32 to index
      %get3A_1199 = arith.index_cast %add3A_1196 : i32 to index
      %get3A_1200 = arith.constant 0 : index
      %get3A_1201 = tpu.vector_load %arg12[%get3A_1198, %get3A_1199, %get3A_1200] {strides = array<i32>} : memref<2x128x64xf32, #tpu.memory_space<vmem>>, vector<16xf32>,
      %add3A_1202 = arith.addf %get3A_1086, %get3A_1201 : vector<16xf32>
      %mul3A_1203 = arith.constant 2 : i32
      %mul3A_1204 = arith.muli %mul3A_1203, %scan3A_1082 : i32
      %add3A_1205 = arith.constant 1 : i32
      %add3A_1206 = arith.addi %mul3A_1204, %add3A_1205 : i32
      %get3A_1207 = arith.constant 1 : i32
      %get3A_1208 = arith.index_cast %get3A_1207 : i32 to index
      %get3A_1209 = arith.index_cast %add3A_1206 : i32 to index
      %get3A_1210 = arith.constant 16 : index
      %get3A_1211 = tpu.vector_load %arg12[%get3A_1208, %get3A_1209, %get3A_1210] {strides = array<i32>} : memref<2x128x64xf32, #tpu.memory_space<vmem>>, vector<16xf32>,
      %add3A_1212 = arith.addf %get3A_1091, %get3A_1211 : vector<16xf32>
      %mul3A_1213 = arith.constant 2 : i32
      %mul3A_1214 = arith.muli %mul3A_1213, %scan3A_1082 : i32
      %add3A_1215 = arith.constant 1 : i32
      %add3A_1216 = arith.addi %mul3A_1214, %add3A_1215 : i32
      %get3A_1217 = arith.constant 1 : i32
      %get3A_1218 = arith.index_cast %get3A_1217 : i32 to index
      %get3A_1219 = arith.index_cast %add3A_1216 : i32 to index
      %get3A_1220 = arith.constant 32 : index
      %get3A_1221 = tpu.vector_load %arg12[%get3A_1218, %get3A_1219, %get3A_1220] {strides = array<i32>} : memref<2x128x64xf32, #tpu.memory_space<vmem>>, vector<16xf32>,
      %add3A_1222 = arith.addf %get3A_1096, %get3A_1221 : vector<16xf32>
      %mul3A_1223 = arith.constant 2 : i32
      %mul3A_1224 = arith.muli %mul3A_1223, %scan3A_1082 : i32
      %add3A_1225 = arith.constant 1 : i32
      %add3A_1226 = arith.addi %mul3A_1224, %add3A_1225 : i32
      %get3A_1227 = arith.constant 1 : i32
      %get3A_1228 = arith.index_cast %get3A_1227 : i32 to index
      %get3A_1229 = arith.index_cast %add3A_1226 : i32 to index
      %get3A_1230 = arith.constant 48 : index
      %get3A_1231 = tpu.vector_load %arg12[%get3A_1228, %get3A_1229, %get3A_1230] {strides = array<i32>} : memref<2x128x64xf32, #tpu.memory_space<vmem>>, vector<16xf32>,
      %add3A_1232 = arith.addf %get3A_1101, %get3A_1231 : vector<16xf32>
      %mul3A_1233 = arith.constant 4 : i32
      %mul3A_1234 = arith.muli %mul3A_1233, %scan3A_1082 : i32
      %add3A_1235 = arith.constant 2 : i32
      %add3A_1236 = arith.addi %mul3A_1234, %add3A_1235 : i32
      %add3A_1237 = arith.constant 0 : i32
      %add3A_1238 = arith.addi %add3A_1236, %add3A_1237 : i32
      %swap3A_1239 = arith.constant 1 : i32
      %swap3A_1240 = arith.index_cast %swap3A_1239 : i32 to index
      %swap3A_1241 = arith.index_cast %add3A_1238 : i32 to index
      %swap3A_1242 = arith.constant 0 : index
      %swap3A_1243 = tpu.vector_load %arg11[%swap3A_1240, %swap3A_1241, %swap3A_1242] {strides = array<i32>} : memref<2x256x64xf32, #tpu.memory_space<vmem>>, vector<16xf32>,
      tpu.vector_store %arg11[%swap3A_1240, %swap3A_1241, %swap3A_1242], %add3A_1202 {add = true, strides = array<i32>} : memref<2x256x64xf32, #tpu.memory_space<vmem>>, vector<16xf32>,
      %swap3A_1244 = arith.constant 1 : i32
      %swap3A_1245 = arith.index_cast %swap3A_1244 : i32 to index
      %swap3A_1246 = arith.index_cast %add3A_1238 : i32 to index
      %swap3A_1247 = arith.constant 16 : index
      %swap3A_1248 = tpu.vector_load %arg11[%swap3A_1245, %swap3A_1246, %swap3A_1247] {strides = array<i32>} : memref<2x256x64xf32, #tpu.memory_space<vmem>>, vector<16xf32>,
      tpu.vector_store %arg11[%swap3A_1245, %swap3A_1246, %swap3A_1247], %add3A_1212 {add = true, strides = array<i32>} : memref<2x256x64xf32, #tpu.memory_space<vmem>>, vector<16xf32>,
      %swap3A_1249 = arith.constant 1 : i32
      %swap3A_1250 = arith.index_cast %swap3A_1249 : i32 to index
      %swap3A_1251 = arith.index_cast %add3A_1238 : i32 to index
      %swap3A_1252 = arith.constant 32 : index
      %swap3A_1253 = tpu.vector_load %arg11[%swap3A_1250, %swap3A_1251, %swap3A_1252] {strides = array<i32>} : memref<2x256x64xf32, #tpu.memory_space<vmem>>, vector<16xf32>,
      tpu.vector_store %arg11[%swap3A_1250, %swap3A_1251, %swap3A_1252], %add3A_1222 {add = true, strides = array<i32>} : memref<2x256x64xf32, #tpu.memory_space<vmem>>, vector<16xf32>,
      %swap3A_1254 = arith.constant 1 : i32
      %swap3A_1255 = arith.index_cast %swap3A_1254 : i32 to index
      %swap3A_1256 = arith.index_cast %add3A_1238 : i32 to index
      %swap3A_1257 = arith.constant 48 : index
      %swap3A_1258 = tpu.vector_load %arg11[%swap3A_1255, %swap3A_1256, %swap3A_1257] {strides = array<i32>} : memref<2x256x64xf32, #tpu.memory_space<vmem>>, vector<16xf32>,
      tpu.vector_store %arg11[%swap3A_1255, %swap3A_1256, %swap3A_1257], %add3A_1232 {add = true, strides = array<i32>} : memref<2x256x64xf32, #tpu.memory_space<vmem>>, vector<16xf32>,
      %mul3A_1259 = arith.constant 4 : i32
      %mul3A_1260 = arith.muli %mul3A_1259, %scan3A_1082 : i32
      %add3A_1261 = arith.constant 2 : i32
      %add3A_1262 = arith.addi %mul3A_1260, %add3A_1261 : i32
      %add3A_1263 = arith.constant 1 : i32
      %add3A_1264 = arith.addi %add3A_1262, %add3A_1263 : i32
      %swap3A_1265 = arith.constant 1 : i32
      %swap3A_1266 = arith.index_cast %swap3A_1265 : i32 to index
      %swap3A_1267 = arith.index_cast %add3A_1264 : i32 to index
      %swap3A_1268 = arith.constant 0 : index
      %swap3A_1269 = tpu.vector_load %arg11[%swap3A_1266, %swap3A_1267, %swap3A_1268] {strides = array<i32>} : memref<2x256x64xf32, #tpu.memory_space<vmem>>, vector<16xf32>,
      tpu.vector_store %arg11[%swap3A_1266, %swap3A_1267, %swap3A_1268], %add3A_1202 {add = true, strides = array<i32>} : memref<2x256x64xf32, #tpu.memory_space<vmem>>, vector<16xf32>,
      %swap3A_1270 = arith.constant 1 : i32
      %swap3A_1271 = arith.index_cast %swap3A_1270 : i32 to index
      %swap3A_1272 = arith.index_cast %add3A_1264 : i32 to index
      %swap3A_1273 = arith.constant 16 : index
      %swap3A_1274 = tpu.vector_load %arg11[%swap3A_1271, %swap3A_1272, %swap3A_1273] {strides = array<i32>} : memref<2x256x64xf32, #tpu.memory_space<vmem>>, vector<16xf32>,
      tpu.vector_store %arg11[%swap3A_1271, %swap3A_1272, %swap3A_1273], %add3A_1212 {add = true, strides = array<i32>} : memref<2x256x64xf32, #tpu.memory_space<vmem>>, vector<16xf32>,
      %swap3A_1275 = arith.constant 1 : i32
      %swap3A_1276 = arith.index_cast %swap3A_1275 : i32 to index
      %swap3A_1277 = arith.index_cast %add3A_1264 : i32 to index
      %swap3A_1278 = arith.constant 32 : index
      %swap3A_1279 = tpu.vector_load %arg11[%swap3A_1276, %swap3A_1277, %swap3A_1278] {strides = array<i32>} : memref<2x256x64xf32, #tpu.memory_space<vmem>>, vector<16xf32>,
      tpu.vector_store %arg11[%swap3A_1276, %swap3A_1277, %swap3A_1278], %add3A_1222 {add = true, strides = array<i32>} : memref<2x256x64xf32, #tpu.memory_space<vmem>>, vector<16xf32>,
      %swap3A_1280 = arith.constant 1 : i32
      %swap3A_1281 = arith.index_cast %swap3A_1280 : i32 to index
      %swap3A_1282 = arith.index_cast %add3A_1264 : i32 to index
      %swap3A_1283 = arith.constant 48 : index
      %swap3A_1284 = tpu.vector_load %arg11[%swap3A_1281, %swap3A_1282, %swap3A_1283] {strides = array<i32>} : memref<2x256x64xf32, #tpu.memory_space<vmem>>, vector<16xf32>,
      tpu.vector_store %arg11[%swap3A_1281, %swap3A_1282, %swap3A_1283], %add3A_1232 {add = true, strides = array<i32>} : memref<2x256x64xf32, #tpu.memory_space<vmem>>, vector<16xf32>,
    }
    %scan3A_307 = arith.constant 64 : i32
    %mul3A_308 = arith.constant 2048 : i32
    %mul3A_309 = arith.muli %add3A, %mul3A_308 : i32
    %add3A_310 = arith.constant 256 : i32
    %add3A_311 = arith.addi %mul3A_309, %add3A_310 : i32
    %dma_start3A_312 = arith.constant 1 : i32
    %dma_start3A_313 = arith.constant 0 : i32
    %dma_start3A_314 = arith.constant 0 : i32
    %dma_start3A_315 = tpu.memref_slice %arg11[%dma_start3A_312, %dma_start3A_313, %dma_start3A_314] : memref<2x256x64xf32, #tpu.memory_space<vmem>> -> memref<1x256x64xf32, #tpu.memory_space<vmem>>
    %dma_start3A_316 = tpu.memref_squeeze %dma_start3A_315 : memref<1x256x64xf32, #tpu.memory_space<vmem>> -> memref<256x64xf32, #tpu.memory_space<vmem>>
    %dma_start3A_317 = arith.constant 0 : i32
    %dma_start3A_318 = tpu.memref_slice %arg6[%add3A_311, %dma_start3A_317] : memref<65536x128xf32, #tpu.memory_space<hbm>> -> memref<256x64xf32, #tpu.memory_space<hbm>>
    %dma_start3A_319 = arith.constant 0 : i32
    %dma_start3A_320 = tpu.memref_slice %arg6[%add3A_311, %dma_start3A_319] : memref<65536x128xf32, #tpu.memory_space<hbm>> -> memref<256x64xf32, #tpu.memory_space<hbm>>
    %dma_start3A_321 = arith.constant 0 : i32
    %dma_start3A_322 = arith.constant 0 : i32
    %dma_start3A_323 = tpu.memref_slice %arg11[%dma_start3A_312, %dma_start3A_321, %dma_start3A_322] : memref<2x256x64xf32, #tpu.memory_space<vmem>> -> memref<1x256x64xf32, #tpu.memory_space<vmem>>
    %dma_start3A_324 = tpu.memref_squeeze %dma_start3A_323 : memref<1x256x64xf32, #tpu.memory_space<vmem>> -> memref<256x64xf32, #tpu.memory_space<vmem>>
    tpu.enqueue_dma source(%dma_start3A_324 : memref<256x64xf32, #tpu.memory_space<vmem>>) target(%dma_start3A_320 : memref<256x64xf32, #tpu.memory_space<hbm>>) target_semaphore(%arg18 : memref<!tpu.dma_semaphore, #tpu.memory_space<semaphore_mem>>)
    %dma_wait3A_325 = arith.constant 4 : i32
    %dma_wait3A_326 = arith.constant 0 : i32
    %dma_wait3A_327 = arith.constant 0 : i32
    %dma_wait3A_328 = arith.constant 0 : i32
    %dma_wait3A_329 = tpu.memref_slice %arg11[%dma_wait3A_326, %dma_wait3A_327, %dma_wait3A_328] : memref<2x256x64xf32, #tpu.memory_space<vmem>> -> memref<1x128x64xf32, #tpu.memory_space<vmem>>
    %dma_wait3A_330 = tpu.memref_squeeze %dma_wait3A_329 : memref<1x128x64xf32, #tpu.memory_space<vmem>> -> memref<128x64xf32, #tpu.memory_space<vmem>>
    %dma_wait3A_331 = arith.constant 0 : i32
    %dma_wait3A_332 = tpu.memref_slice %arg8[%dma_wait3A_325, %dma_wait3A_331] : memref<16x128xi32, #tpu.memory_space<vmem>> -> memref<1x128xi32, #tpu.memory_space<vmem>>
    %dma_wait3A_333 = tpu.memref_squeeze %dma_wait3A_332 : memref<1x128xi32, #tpu.memory_space<vmem>> -> memref<128xi32, #tpu.memory_space<vmem>>
    %dma_wait3A_334 = arith.constant 0 : i32
    %dma_wait3A_335 = arith.constant 0 : i32
    %dma_wait3A_336 = tpu.memref_slice %arg5[%dma_wait3A_334, %dma_wait3A_335] : memref<4096x64xf32, #tpu.memory_space<hbm>> -> memref<4096x64xf32, #tpu.memory_space<hbm>>
    tpu.wait_indirect_dma semaphore(%arg15 : memref<!tpu.dma_semaphore, #tpu.memory_space<semaphore_mem>>) src(%dma_wait3A_336 : memref<4096x64xf32, #tpu.memory_space<hbm>>) dst(%dma_wait3A_330 : memref<128x64xf32, #tpu.memory_space<vmem>>)
    %dma_wait3A_337 = arith.constant 5 : i32
    %dma_wait3A_338 = arith.constant 0 : i32
    %dma_wait3A_339 = arith.constant 128 : i32
    %dma_wait3A_340 = arith.constant 0 : i32
    %dma_wait3A_341 = tpu.memref_slice %arg11[%dma_wait3A_338, %dma_wait3A_339, %dma_wait3A_340] : memref<2x256x64xf32, #tpu.memory_space<vmem>> -> memref<1x128x64xf32, #tpu.memory_space<vmem>>
    %dma_wait3A_342 = tpu.memref_squeeze %dma_wait3A_341 : memref<1x128x64xf32, #tpu.memory_space<vmem>> -> memref<128x64xf32, #tpu.memory_space<vmem>>
    %dma_wait3A_343 = arith.constant 0 : i32
    %dma_wait3A_344 = tpu.memref_slice %arg8[%dma_wait3A_337, %dma_wait3A_343] : memref<16x128xi32, #tpu.memory_space<vmem>> -> memref<1x128xi32, #tpu.memory_space<vmem>>
    %dma_wait3A_345 = tpu.memref_squeeze %dma_wait3A_344 : memref<1x128xi32, #tpu.memory_space<vmem>> -> memref<128xi32, #tpu.memory_space<vmem>>
    %dma_wait3A_346 = arith.constant 0 : i32
    %dma_wait3A_347 = arith.constant 0 : i32
    %dma_wait3A_348 = tpu.memref_slice %arg5[%dma_wait3A_346, %dma_wait3A_347] : memref<4096x64xf32, #tpu.memory_space<hbm>> -> memref<4096x64xf32, #tpu.memory_space<hbm>>
    tpu.wait_indirect_dma semaphore(%arg15 : memref<!tpu.dma_semaphore, #tpu.memory_space<semaphore_mem>>) src(%dma_wait3A_348 : memref<4096x64xf32, #tpu.memory_space<hbm>>) dst(%dma_wait3A_342 : memref<128x64xf32, #tpu.memory_space<vmem>>)
    %dma_wait3A_349 = arith.constant 2 : i32
    %dma_wait3A_350 = arith.constant 0 : i32
    %dma_wait3A_351 = arith.constant 0 : i32
    %dma_wait3A_352 = arith.constant 0 : i32
    %dma_wait3A_353 = tpu.memref_slice %arg12[%dma_wait3A_350, %dma_wait3A_351, %dma_wait3A_352] : memref<2x128x64xf32, #tpu.memory_space<vmem>> -> memref<1x128x64xf32, #tpu.memory_space<vmem>>
    %dma_wait3A_354 = tpu.memref_squeeze %dma_wait3A_353 : memref<1x128x64xf32, #tpu.memory_space<vmem>> -> memref<128x64xf32, #tpu.memory_space<vmem>>
    %dma_wait3A_355 = arith.constant 0 : i32
    %dma_wait3A_356 = tpu.memref_slice %arg9[%dma_wait3A_349, %dma_wait3A_355] : memref<8x128xi32, #tpu.memory_space<vmem>> -> memref<1x128xi32, #tpu.memory_space<vmem>>
    %dma_wait3A_357 = tpu.memref_squeeze %dma_wait3A_356 : memref<1x128xi32, #tpu.memory_space<vmem>> -> memref<128xi32, #tpu.memory_space<vmem>>
    %dma_wait3A_358 = arith.constant 0 : i32
    %dma_wait3A_359 = arith.constant 0 : i32
    %dma_wait3A_360 = tpu.memref_slice %arg4[%dma_wait3A_358, %dma_wait3A_359] : memref<4096x64xf32, #tpu.memory_space<hbm>> -> memref<4096x64xf32, #tpu.memory_space<hbm>>
    tpu.wait_indirect_dma semaphore(%arg17 : memref<!tpu.dma_semaphore, #tpu.memory_space<semaphore_mem>>) src(%dma_wait3A_360 : memref<4096x64xf32, #tpu.memory_space<hbm>>) dst(%dma_wait3A_354 : memref<128x64xf32, #tpu.memory_space<vmem>>)
    %dma_wait3A_361 = arith.constant 2 : i32
    %dma_wait3A_362 = arith.constant 0 : i32
    %dma_wait3A_363 = arith.constant 0 : i32
    %dma_wait3A_364 = arith.constant 0 : i32
    %dma_wait3A_365 = tpu.memref_slice %arg13[%dma_wait3A_362, %dma_wait3A_363, %dma_wait3A_364] : memref<2x64x64xf32, #tpu.memory_space<vmem>> -> memref<1x64x64xf32, #tpu.memory_space<vmem>>
    %dma_wait3A_366 = tpu.memref_squeeze %dma_wait3A_365 : memref<1x64x64xf32, #tpu.memory_space<vmem>> -> memref<64x64xf32, #tpu.memory_space<vmem>>
    %dma_wait3A_367 = arith.constant 0 : i32
    %dma_wait3A_368 = tpu.memref_slice %arg10[%dma_wait3A_361, %dma_wait3A_367] : memref<8x64xi32, #tpu.memory_space<vmem>> -> memref<1x64xi32, #tpu.memory_space<vmem>>
    %dma_wait3A_369 = tpu.memref_squeeze %dma_wait3A_368 : memref<1x64xi32, #tpu.memory_space<vmem>> -> memref<64xi32, #tpu.memory_space<vmem>>
    %dma_wait3A_370 = arith.constant 0 : i32
    %dma_wait3A_371 = arith.constant 0 : i32
    %dma_wait3A_372 = tpu.memref_slice %arg3[%dma_wait3A_370, %dma_wait3A_371] : memref<4096x64xf32, #tpu.memory_space<hbm>> -> memref<4096x64xf32, #tpu.memory_space<hbm>>
    tpu.wait_indirect_dma semaphore(%arg17 : memref<!tpu.dma_semaphore, #tpu.memory_space<semaphore_mem>>) src(%dma_wait3A_372 : memref<4096x64xf32, #tpu.memory_space<hbm>>) dst(%dma_wait3A_366 : memref<64x64xf32, #tpu.memory_space<vmem>>)
    %dma_wait3A_373 = arith.constant 1 : i32
    %dma_wait3A_374 = arith.constant 0 : i32
    %dma_wait3A_375 = arith.constant 0 : i32
    %dma_wait3A_376 = tpu.memref_slice %arg11[%dma_wait3A_373, %dma_wait3A_374, %dma_wait3A_375] : memref<2x256x64xf32, #tpu.memory_space<vmem>> -> memref<1x256x64xf32, #tpu.memory_space<vmem>>
    %dma_wait3A_377 = tpu.memref_squeeze %dma_wait3A_376 : memref<1x256x64xf32, #tpu.memory_space<vmem>> -> memref<256x64xf32, #tpu.memory_space<vmem>>
    %dma_wait3A_378 = arith.constant 0 : i32
    %dma_wait3A_379 = tpu.memref_slice %arg6[%add3A_311, %dma_wait3A_378] : memref<65536x128xf32, #tpu.memory_space<hbm>> -> memref<256x64xf32, #tpu.memory_space<hbm>>
    %dma_wait3A_380 = arith.constant 0 : i32
    %dma_wait3A_381 = tpu.memref_slice %arg6[%add3A_311, %dma_wait3A_380] : memref<65536x128xf32, #tpu.memory_space<hbm>> -> memref<256x64xf32, #tpu.memory_space<hbm>>
    %dma_wait3A_382 = arith.constant 0 : i32
    %dma_wait3A_383 = arith.constant 0 : i32
    %dma_wait3A_384 = tpu.memref_slice %arg11[%dma_wait3A_373, %dma_wait3A_382, %dma_wait3A_383] : memref<2x256x64xf32, #tpu.memory_space<vmem>> -> memref<1x256x64xf32, #tpu.memory_space<vmem>>
    %dma_wait3A_385 = tpu.memref_squeeze %dma_wait3A_384 : memref<1x256x64xf32, #tpu.memory_space<vmem>> -> memref<256x64xf32, #tpu.memory_space<vmem>>
    tpu.wait_dma2 semaphore(%arg18 : memref<!tpu.dma_semaphore, #tpu.memory_space<semaphore_mem>>) src(%dma_wait3A_385 : memref<256x64xf32, #tpu.memory_space<vmem>>) dst(%dma_wait3A_381 : memref<256x64xf32, #tpu.memory_space<hbm>>)
    %dma_start3A_386 = arith.constant 6 : i32
    %dma_start3A_387 = arith.constant 1 : i32
    %dma_start3A_388 = arith.constant 0 : i32
    %dma_start3A_389 = arith.constant 0 : i32
    %dma_start3A_390 = tpu.memref_slice %arg11[%dma_start3A_387, %dma_start3A_388, %dma_start3A_389] : memref<2x256x64xf32, #tpu.memory_space<vmem>> -> memref<1x128x64xf32, #tpu.memory_space<vmem>>
    %dma_start3A_391 = tpu.memref_squeeze %dma_start3A_390 : memref<1x128x64xf32, #tpu.memory_space<vmem>> -> memref<128x64xf32, #tpu.memory_space<vmem>>
    %dma_start3A_392 = arith.constant 0 : i32
    %dma_start3A_393 = tpu.memref_slice %arg8[%dma_start3A_386, %dma_start3A_392] : memref<16x128xi32, #tpu.memory_space<vmem>> -> memref<1x128xi32, #tpu.memory_space<vmem>>
    %dma_start3A_394 = tpu.memref_squeeze %dma_start3A_393 : memref<1x128xi32, #tpu.memory_space<vmem>> -> memref<128xi32, #tpu.memory_space<vmem>>
    %dma_start3A_395 = arith.constant 0 : i32
    %dma_start3A_396 = arith.constant 0 : i32
    %dma_start3A_397 = tpu.memref_slice %arg5[%dma_start3A_395, %dma_start3A_396] : memref<4096x64xf32, #tpu.memory_space<hbm>> -> memref<4096x64xf32, #tpu.memory_space<hbm>>
    tpu.enqueue_indirect_dma source(%dma_start3A_397 : memref<4096x64xf32, #tpu.memory_space<hbm>>) target(%dma_start3A_391 : memref<128x64xf32, #tpu.memory_space<vmem>>) offsets(%dma_start3A_394 : memref<128xi32, #tpu.memory_space<vmem>>) semaphore(%arg16 : memref<!tpu.dma_semaphore, #tpu.memory_space<semaphore_mem>>)
    %dma_start3A_398 = arith.constant 7 : i32
    %dma_start3A_399 = arith.constant 1 : i32
    %dma_start3A_400 = arith.constant 128 : i32
    %dma_start3A_401 = arith.constant 0 : i32
    %dma_start3A_402 = tpu.memref_slice %arg11[%dma_start3A_399, %dma_start3A_400, %dma_start3A_401] : memref<2x256x64xf32, #tpu.memory_space<vmem>> -> memref<1x128x64xf32, #tpu.memory_space<vmem>>
    %dma_start3A_403 = tpu.memref_squeeze %dma_start3A_402 : memref<1x128x64xf32, #tpu.memory_space<vmem>> -> memref<128x64xf32, #tpu.memory_space<vmem>>
    %dma_start3A_404 = arith.constant 0 : i32
    %dma_start3A_405 = tpu.memref_slice %arg8[%dma_start3A_398, %dma_start3A_404] : memref<16x128xi32, #tpu.memory_space<vmem>> -> memref<1x128xi32, #tpu.memory_space<vmem>>
    %dma_start3A_406 = tpu.memref_squeeze %dma_start3A_405 : memref<1x128xi32, #tpu.memory_space<vmem>> -> memref<128xi32, #tpu.memory_space<vmem>>
    %dma_start3A_407 = arith.constant 0 : i32
    %dma_start3A_408 = arith.constant 0 : i32
    %dma_start3A_409 = tpu.memref_slice %arg5[%dma_start3A_407, %dma_start3A_408] : memref<4096x64xf32, #tpu.memory_space<hbm>> -> memref<4096x64xf32, #tpu.memory_space<hbm>>
    tpu.enqueue_indirect_dma source(%dma_start3A_409 : memref<4096x64xf32, #tpu.memory_space<hbm>>) target(%dma_start3A_403 : memref<128x64xf32, #tpu.memory_space<vmem>>) offsets(%dma_start3A_406 : memref<128xi32, #tpu.memory_space<vmem>>) semaphore(%arg16 : memref<!tpu.dma_semaphore, #tpu.memory_space<semaphore_mem>>)
    %dma_start3A_410 = arith.constant 3 : i32
    %dma_start3A_411 = arith.constant 1 : i32
    %dma_start3A_412 = arith.constant 0 : i32
    %dma_start3A_413 = arith.constant 0 : i32
    %dma_start3A_414 = tpu.memref_slice %arg12[%dma_start3A_411, %dma_start3A_412, %dma_start3A_413] : memref<2x128x64xf32, #tpu.memory_space<vmem>> -> memref<1x128x64xf32, #tpu.memory_space<vmem>>
    %dma_start3A_415 = tpu.memref_squeeze %dma_start3A_414 : memref<1x128x64xf32, #tpu.memory_space<vmem>> -> memref<128x64xf32, #tpu.memory_space<vmem>>
    %dma_start3A_416 = arith.constant 0 : i32
    %dma_start3A_417 = tpu.memref_slice %arg9[%dma_start3A_410, %dma_start3A_416] : memref<8x128xi32, #tpu.memory_space<vmem>> -> memref<1x128xi32, #tpu.memory_space<vmem>>
    %dma_start3A_418 = tpu.memref_squeeze %dma_start3A_417 : memref<1x128xi32, #tpu.memory_space<vmem>> -> memref<128xi32, #tpu.memory_space<vmem>>
    %dma_start3A_419 = arith.constant 0 : i32
    %dma_start3A_420 = arith.constant 0 : i32
    %dma_start3A_421 = tpu.memref_slice %arg4[%dma_start3A_419, %dma_start3A_420] : memref<4096x64xf32, #tpu.memory_space<hbm>> -> memref<4096x64xf32, #tpu.memory_space<hbm>>
    tpu.enqueue_indirect_dma source(%dma_start3A_421 : memref<4096x64xf32, #tpu.memory_space<hbm>>) target(%dma_start3A_415 : memref<128x64xf32, #tpu.memory_space<vmem>>) offsets(%dma_start3A_418 : memref<128xi32, #tpu.memory_space<vmem>>) semaphore(%arg17 : memref<!tpu.dma_semaphore, #tpu.memory_space<semaphore_mem>>)
    %dma_start3A_422 = arith.constant 3 : i32
    %dma_start3A_423 = arith.constant 1 : i32
    %dma_start3A_424 = arith.constant 0 : i32
    %dma_start3A_425 = arith.constant 0 : i32
    %dma_start3A_426 = tpu.memref_slice %arg13[%dma_start3A_423, %dma_start3A_424, %dma_start3A_425] : memref<2x64x64xf32, #tpu.memory_space<vmem>> -> memref<1x64x64xf32, #tpu.memory_space<vmem>>
    %dma_start3A_427 = tpu.memref_squeeze %dma_start3A_426 : memref<1x64x64xf32, #tpu.memory_space<vmem>> -> memref<64x64xf32, #tpu.memory_space<vmem>>
    %dma_start3A_428 = arith.constant 0 : i32
    %dma_start3A_429 = tpu.memref_slice %arg10[%dma_start3A_422, %dma_start3A_428] : memref<8x64xi32, #tpu.memory_space<vmem>> -> memref<1x64xi32, #tpu.memory_space<vmem>>
    %dma_start3A_430 = tpu.memref_squeeze %dma_start3A_429 : memref<1x64xi32, #tpu.memory_space<vmem>> -> memref<64xi32, #tpu.memory_space<vmem>>
    %dma_start3A_431 = arith.constant 0 : i32
    %dma_start3A_432 = arith.constant 0 : i32
    %dma_start3A_433 = tpu.memref_slice %arg3[%dma_start3A_431, %dma_start3A_432] : memref<4096x64xf32, #tpu.memory_space<hbm>> -> memref<4096x64xf32, #tpu.memory_space<hbm>>
    tpu.enqueue_indirect_dma source(%dma_start3A_433 : memref<4096x64xf32, #tpu.memory_space<hbm>>) target(%dma_start3A_427 : memref<64x64xf32, #tpu.memory_space<vmem>>) offsets(%dma_start3A_430 : memref<64xi32, #tpu.memory_space<vmem>>) semaphore(%arg17 : memref<!tpu.dma_semaphore, #tpu.memory_space<semaphore_mem>>)
    %scan3A_434 = arith.constant 0 : i32
    %scan3A_435 = arith.constant 0 : i32
    %scan3A_436 = arith.constant 64 : i32
    %scan3A_437 = arith.addi %scan3A_435, %scan3A_436 : i32
    %scan3A_438 = arith.constant 1 : i32
    scf.for %scan3A_1082 = %scan3A_435 to %scan3A_437 step %scan3A_438  : i32 {
      %get3A = arith.constant 0 : i32
      %get3A_1083 = arith.index_cast %get3A : i32 to index
      %get3A_1084 = arith.index_cast %scan3A_1082 : i32 to index
      %get3A_1085 = arith.constant 0 : index
      %get3A_1086 = tpu.vector_load %arg13[%get3A_1083, %get3A_1084, %get3A_1085] {strides = array<i32>} : memref<2x64x64xf32, #tpu.memory_space<vmem>>, vector<16xf32>,
      %get3A_1087 = arith.constant 0 : i32
      %get3A_1088 = arith.index_cast %get3A_1087 : i32 to index
      %get3A_1089 = arith.index_cast %scan3A_1082 : i32 to index
      %get3A_1090 = arith.constant 16 : index
      %get3A_1091 = tpu.vector_load %arg13[%get3A_1088, %get3A_1089, %get3A_1090] {strides = array<i32>} : memref<2x64x64xf32, #tpu.memory_space<vmem>>, vector<16xf32>,
      %get3A_1092 = arith.constant 0 : i32
      %get3A_1093 = arith.index_cast %get3A_1092 : i32 to index
      %get3A_1094 = arith.index_cast %scan3A_1082 : i32 to index
      %get3A_1095 = arith.constant 32 : index
      %get3A_1096 = tpu.vector_load %arg13[%get3A_1093, %get3A_1094, %get3A_1095] {strides = array<i32>} : memref<2x64x64xf32, #tpu.memory_space<vmem>>, vector<16xf32>,
      %get3A_1097 = arith.constant 0 : i32
      %get3A_1098 = arith.index_cast %get3A_1097 : i32 to index
      %get3A_1099 = arith.index_cast %scan3A_1082 : i32 to index
      %get3A_1100 = arith.constant 48 : index
      %get3A_1101 = tpu.vector_load %arg13[%get3A_1098, %get3A_1099, %get3A_1100] {strides = array<i32>} : memref<2x64x64xf32, #tpu.memory_space<vmem>>, vector<16xf32>,
      %mul3A_1102 = arith.constant 2 : i32
      %mul3A_1103 = arith.muli %mul3A_1102, %scan3A_1082 : i32
      %add3A_1104 = arith.constant 0 : i32
      %add3A_1105 = arith.addi %mul3A_1103, %add3A_1104 : i32
      %get3A_1106 = arith.constant 0 : i32
      %get3A_1107 = arith.index_cast %get3A_1106 : i32 to index
      %get3A_1108 = arith.index_cast %add3A_1105 : i32 to index
      %get3A_1109 = arith.constant 0 : index
      %get3A_1110 = tpu.vector_load %arg12[%get3A_1107, %get3A_1108, %get3A_1109] {strides = array<i32>} : memref<2x128x64xf32, #tpu.memory_space<vmem>>, vector<16xf32>,
      %add3A_1111 = arith.addf %get3A_1086, %get3A_1110 : vector<16xf32>
      %mul3A_1112 = arith.constant 2 : i32
      %mul3A_1113 = arith.muli %mul3A_1112, %scan3A_1082 : i32
      %add3A_1114 = arith.constant 0 : i32
      %add3A_1115 = arith.addi %mul3A_1113, %add3A_1114 : i32
      %get3A_1116 = arith.constant 0 : i32
      %get3A_1117 = arith.index_cast %get3A_1116 : i32 to index
      %get3A_1118 = arith.index_cast %add3A_1115 : i32 to index
      %get3A_1119 = arith.constant 16 : index
      %get3A_1120 = tpu.vector_load %arg12[%get3A_1117, %get3A_1118, %get3A_1119] {strides = array<i32>} : memref<2x128x64xf32, #tpu.memory_space<vmem>>, vector<16xf32>,
      %add3A_1121 = arith.addf %get3A_1091, %get3A_1120 : vector<16xf32>
      %mul3A_1122 = arith.constant 2 : i32
      %mul3A_1123 = arith.muli %mul3A_1122, %scan3A_1082 : i32
      %add3A_1124 = arith.constant 0 : i32
      %add3A_1125 = arith.addi %mul3A_1123, %add3A_1124 : i32
      %get3A_1126 = arith.constant 0 : i32
      %get3A_1127 = arith.index_cast %get3A_1126 : i32 to index
      %get3A_1128 = arith.index_cast %add3A_1125 : i32 to index
      %get3A_1129 = arith.constant 32 : index
      %get3A_1130 = tpu.vector_load %arg12[%get3A_1127, %get3A_1128, %get3A_1129] {strides = array<i32>} : memref<2x128x64xf32, #tpu.memory_space<vmem>>, vector<16xf32>,
      %add3A_1131 = arith.addf %get3A_1096, %get3A_1130 : vector<16xf32>
      %mul3A_1132 = arith.constant 2 : i32
      %mul3A_1133 = arith.muli %mul3A_1132, %scan3A_1082 : i32
      %add3A_1134 = arith.constant 0 : i32
      %add3A_1135 = arith.addi %mul3A_1133, %add3A_1134 : i32
      %get3A_1136 = arith.constant 0 : i32
      %get3A_1137 = arith.index_cast %get3A_1136 : i32 to index
      %get3A_1138 = arith.index_cast %add3A_1135 : i32 to index
      %get3A_1139 = arith.constant 48 : index
      %get3A_1140 = tpu.vector_load %arg12[%get3A_1137, %get3A_1138, %get3A_1139] {strides = array<i32>} : memref<2x128x64xf32, #tpu.memory_space<vmem>>, vector<16xf32>,
      %add3A_1141 = arith.addf %get3A_1101, %get3A_1140 : vector<16xf32>
      %mul3A_1142 = arith.constant 4 : i32
      %mul3A_1143 = arith.muli %mul3A_1142, %scan3A_1082 : i32
      %add3A_1144 = arith.constant 0 : i32
      %add3A_1145 = arith.addi %mul3A_1143, %add3A_1144 : i32
      %add3A_1146 = arith.constant 0 : i32
      %add3A_1147 = arith.addi %add3A_1145, %add3A_1146 : i32
      %swap3A = arith.constant 0 : i32
      %swap3A_1148 = arith.index_cast %swap3A : i32 to index
      %swap3A_1149 = arith.index_cast %add3A_1147 : i32 to index
      %swap3A_1150 = arith.constant 0 : index
      %swap3A_1151 = tpu.vector_load %arg11[%swap3A_1148, %swap3A_1149, %swap3A_1150] {strides = array<i32>} : memref<2x256x64xf32, #tpu.memory_space<vmem>>, vector<16xf32>,
      tpu.vector_store %arg11[%swap3A_1148, %swap3A_1149, %swap3A_1150], %add3A_1111 {add = true, strides = array<i32>} : memref<2x256x64xf32, #tpu.memory_space<vmem>>, vector<16xf32>,
      %swap3A_1152 = arith.constant 0 : i32
      %swap3A_1153 = arith.index_cast %swap3A_1152 : i32 to index
      %swap3A_1154 = arith.index_cast %add3A_1147 : i32 to index
      %swap3A_1155 = arith.constant 16 : index
      %swap3A_1156 = tpu.vector_load %arg11[%swap3A_1153, %swap3A_1154, %swap3A_1155] {strides = array<i32>} : memref<2x256x64xf32, #tpu.memory_space<vmem>>, vector<16xf32>,
      tpu.vector_store %arg11[%swap3A_1153, %swap3A_1154, %swap3A_1155], %add3A_1121 {add = true, strides = array<i32>} : memref<2x256x64xf32, #tpu.memory_space<vmem>>, vector<16xf32>,
      %swap3A_1157 = arith.constant 0 : i32
      %swap3A_1158 = arith.index_cast %swap3A_1157 : i32 to index
      %swap3A_1159 = arith.index_cast %add3A_1147 : i32 to index
      %swap3A_1160 = arith.constant 32 : index
      %swap3A_1161 = tpu.vector_load %arg11[%swap3A_1158, %swap3A_1159, %swap3A_1160] {strides = array<i32>} : memref<2x256x64xf32, #tpu.memory_space<vmem>>, vector<16xf32>,
      tpu.vector_store %arg11[%swap3A_1158, %swap3A_1159, %swap3A_1160], %add3A_1131 {add = true, strides = array<i32>} : memref<2x256x64xf32, #tpu.memory_space<vmem>>, vector<16xf32>,
      %swap3A_1162 = arith.constant 0 : i32
      %swap3A_1163 = arith.index_cast %swap3A_1162 : i32 to index
      %swap3A_1164 = arith.index_cast %add3A_1147 : i32 to index
      %swap3A_1165 = arith.constant 48 : index
      %swap3A_1166 = tpu.vector_load %arg11[%swap3A_1163, %swap3A_1164, %swap3A_1165] {strides = array<i32>} : memref<2x256x64xf32, #tpu.memory_space<vmem>>, vector<16xf32>,
      tpu.vector_store %arg11[%swap3A_1163, %swap3A_1164, %swap3A_1165], %add3A_1141 {add = true, strides = array<i32>} : memref<2x256x64xf32, #tpu.memory_space<vmem>>, vector<16xf32>,
      %mul3A_1167 = arith.constant 4 : i32
      %mul3A_1168 = arith.muli %mul3A_1167, %scan3A_1082 : i32
      %add3A_1169 = arith.constant 0 : i32
      %add3A_1170 = arith.addi %mul3A_1168, %add3A_1169 : i32
      %add3A_1171 = arith.constant 1 : i32
      %add3A_1172 = arith.addi %add3A_1170, %add3A_1171 : i32
      %swap3A_1173 = arith.constant 0 : i32
      %swap3A_1174 = arith.index_cast %swap3A_1173 : i32 to index
      %swap3A_1175 = arith.index_cast %add3A_1172 : i32 to index
      %swap3A_1176 = arith.constant 0 : index
      %swap3A_1177 = tpu.vector_load %arg11[%swap3A_1174, %swap3A_1175, %swap3A_1176] {strides = array<i32>} : memref<2x256x64xf32, #tpu.memory_space<vmem>>, vector<16xf32>,
      tpu.vector_store %arg11[%swap3A_1174, %swap3A_1175, %swap3A_1176], %add3A_1111 {add = true, strides = array<i32>} : memref<2x256x64xf32, #tpu.memory_space<vmem>>, vector<16xf32>,
      %swap3A_1178 = arith.constant 0 : i32
      %swap3A_1179 = arith.index_cast %swap3A_1178 : i32 to index
      %swap3A_1180 = arith.index_cast %add3A_1172 : i32 to index
      %swap3A_1181 = arith.constant 16 : index
      %swap3A_1182 = tpu.vector_load %arg11[%swap3A_1179, %swap3A_1180, %swap3A_1181] {strides = array<i32>} : memref<2x256x64xf32, #tpu.memory_space<vmem>>, vector<16xf32>,
      tpu.vector_store %arg11[%swap3A_1179, %swap3A_1180, %swap3A_1181], %add3A_1121 {add = true, strides = array<i32>} : memref<2x256x64xf32, #tpu.memory_space<vmem>>, vector<16xf32>,
      %swap3A_1183 = arith.constant 0 : i32
      %swap3A_1184 = arith.index_cast %swap3A_1183 : i32 to index
      %swap3A_1185 = arith.index_cast %add3A_1172 : i32 to index
      %swap3A_1186 = arith.constant 32 : index
      %swap3A_1187 = tpu.vector_load %arg11[%swap3A_1184, %swap3A_1185, %swap3A_1186] {strides = array<i32>} : memref<2x256x64xf32, #tpu.memory_space<vmem>>, vector<16xf32>,
      tpu.vector_store %arg11[%swap3A_1184, %swap3A_1185, %swap3A_1186], %add3A_1131 {add = true, strides = array<i32>} : memref<2x256x64xf32, #tpu.memory_space<vmem>>, vector<16xf32>,
      %swap3A_1188 = arith.constant 0 : i32
      %swap3A_1189 = arith.index_cast %swap3A_1188 : i32 to index
      %swap3A_1190 = arith.index_cast %add3A_1172 : i32 to index
      %swap3A_1191 = arith.constant 48 : index
      %swap3A_1192 = tpu.vector_load %arg11[%swap3A_1189, %swap3A_1190, %swap3A_1191] {strides = array<i32>} : memref<2x256x64xf32, #tpu.memory_space<vmem>>, vector<16xf32>,
      tpu.vector_store %arg11[%swap3A_1189, %swap3A_1190, %swap3A_1191], %add3A_1141 {add = true, strides = array<i32>} : memref<2x256x64xf32, #tpu.memory_space<vmem>>, vector<16xf32>,
      %mul3A_1193 = arith.constant 2 : i32
      %mul3A_1194 = arith.muli %mul3A_1193, %scan3A_1082 : i32
      %add3A_1195 = arith.constant 1 : i32
      %add3A_1196 = arith.addi %mul3A_1194, %add3A_1195 : i32
      %get3A_1197 = arith.constant 0 : i32
      %get3A_1198 = arith.index_cast %get3A_1197 : i32 to index
      %get3A_1199 = arith.index_cast %add3A_1196 : i32 to index
      %get3A_1200 = arith.constant 0 : index
      %get3A_1201 = tpu.vector_load %arg12[%get3A_1198, %get3A_1199, %get3A_1200] {strides = array<i32>} : memref<2x128x64xf32, #tpu.memory_space<vmem>>, vector<16xf32>,
      %add3A_1202 = arith.addf %get3A_1086, %get3A_1201 : vector<16xf32>
      %mul3A_1203 = arith.constant 2 : i32
      %mul3A_1204 = arith.muli %mul3A_1203, %scan3A_1082 : i32
      %add3A_1205 = arith.constant 1 : i32
      %add3A_1206 = arith.addi %mul3A_1204, %add3A_1205 : i32
      %get3A_1207 = arith.constant 0 : i32
      %get3A_1208 = arith.index_cast %get3A_1207 : i32 to index
      %get3A_1209 = arith.index_cast %add3A_1206 : i32 to index
      %get3A_1210 = arith.constant 16 : index
      %get3A_1211 = tpu.vector_load %arg12[%get3A_1208, %get3A_1209, %get3A_1210] {strides = array<i32>} : memref<2x128x64xf32, #tpu.memory_space<vmem>>, vector<16xf32>,
      %add3A_1212 = arith.addf %get3A_1091, %get3A_1211 : vector<16xf32>
      %mul3A_1213 = arith.constant 2 : i32
      %mul3A_1214 = arith.muli %mul3A_1213, %scan3A_1082 : i32
      %add3A_1215 = arith.constant 1 : i32
      %add3A_1216 = arith.addi %mul3A_1214, %add3A_1215 : i32
      %get3A_1217 = arith.constant 0 : i32
      %get3A_1218 = arith.index_cast %get3A_1217 : i32 to index
      %get3A_1219 = arith.index_cast %add3A_1216 : i32 to index
      %get3A_1220 = arith.constant 32 : index
      %get3A_1221 = tpu.vector_load %arg12[%get3A_1218, %get3A_1219, %get3A_1220] {strides = array<i32>} : memref<2x128x64xf32, #tpu.memory_space<vmem>>, vector<16xf32>,
      %add3A_1222 = arith.addf %get3A_1096, %get3A_1221 : vector<16xf32>
      %mul3A_1223 = arith.constant 2 : i32
      %mul3A_1224 = arith.muli %mul3A_1223, %scan3A_1082 : i32
      %add3A_1225 = arith.constant 1 : i32
      %add3A_1226 = arith.addi %mul3A_1224, %add3A_1225 : i32
      %get3A_1227 = arith.constant 0 : i32
      %get3A_1228 = arith.index_cast %get3A_1227 : i32 to index
      %get3A_1229 = arith.index_cast %add3A_1226 : i32 to index
      %get3A_1230 = arith.constant 48 : index
      %get3A_1231 = tpu.vector_load %arg12[%get3A_1228, %get3A_1229, %get3A_1230] {strides = array<i32>} : memref<2x128x64xf32, #tpu.memory_space<vmem>>, vector<16xf32>,
      %add3A_1232 = arith.addf %get3A_1101, %get3A_1231 : vector<16xf32>
      %mul3A_1233 = arith.constant 4 : i32
      %mul3A_1234 = arith.muli %mul3A_1233, %scan3A_1082 : i32
      %add3A_1235 = arith.constant 2 : i32
      %add3A_1236 = arith.addi %mul3A_1234, %add3A_1235 : i32
      %add3A_1237 = arith.constant 0 : i32
      %add3A_1238 = arith.addi %add3A_1236, %add3A_1237 : i32
      %swap3A_1239 = arith.constant 0 : i32
      %swap3A_1240 = arith.index_cast %swap3A_1239 : i32 to index
      %swap3A_1241 = arith.index_cast %add3A_1238 : i32 to index
      %swap3A_1242 = arith.constant 0 : index
      %swap3A_1243 = tpu.vector_load %arg11[%swap3A_1240, %swap3A_1241, %swap3A_1242] {strides = array<i32>} : memref<2x256x64xf32, #tpu.memory_space<vmem>>, vector<16xf32>,
      tpu.vector_store %arg11[%swap3A_1240, %swap3A_1241, %swap3A_1242], %add3A_1202 {add = true, strides = array<i32>} : memref<2x256x64xf32, #tpu.memory_space<vmem>>, vector<16xf32>,
      %swap3A_1244 = arith.constant 0 : i32
      %swap3A_1245 = arith.index_cast %swap3A_1244 : i32 to index
      %swap3A_1246 = arith.index_cast %add3A_1238 : i32 to index
      %swap3A_1247 = arith.constant 16 : index
      %swap3A_1248 = tpu.vector_load %arg11[%swap3A_1245, %swap3A_1246, %swap3A_1247] {strides = array<i32>} : memref<2x256x64xf32, #tpu.memory_space<vmem>>, vector<16xf32>,
      tpu.vector_store %arg11[%swap3A_1245, %swap3A_1246, %swap3A_1247], %add3A_1212 {add = true, strides = array<i32>} : memref<2x256x64xf32, #tpu.memory_space<vmem>>, vector<16xf32>,
      %swap3A_1249 = arith.constant 0 : i32
      %swap3A_1250 = arith.index_cast %swap3A_1249 : i32 to index
      %swap3A_1251 = arith.index_cast %add3A_1238 : i32 to index
      %swap3A_1252 = arith.constant 32 : index
      %swap3A_1253 = tpu.vector_load %arg11[%swap3A_1250, %swap3A_1251, %swap3A_1252] {strides = array<i32>} : memref<2x256x64xf32, #tpu.memory_space<vmem>>, vector<16xf32>,
      tpu.vector_store %arg11[%swap3A_1250, %swap3A_1251, %swap3A_1252], %add3A_1222 {add = true, strides = array<i32>} : memref<2x256x64xf32, #tpu.memory_space<vmem>>, vector<16xf32>,
      %swap3A_1254 = arith.constant 0 : i32
      %swap3A_1255 = arith.index_cast %swap3A_1254 : i32 to index
      %swap3A_1256 = arith.index_cast %add3A_1238 : i32 to index
      %swap3A_1257 = arith.constant 48 : index
      %swap3A_1258 = tpu.vector_load %arg11[%swap3A_1255, %swap3A_1256, %swap3A_1257] {strides = array<i32>} : memref<2x256x64xf32, #tpu.memory_space<vmem>>, vector<16xf32>,
      tpu.vector_store %arg11[%swap3A_1255, %swap3A_1256, %swap3A_1257], %add3A_1232 {add = true, strides = array<i32>} : memref<2x256x64xf32, #tpu.memory_space<vmem>>, vector<16xf32>,
      %mul3A_1259 = arith.constant 4 : i32
      %mul3A_1260 = arith.muli %mul3A_1259, %scan3A_1082 : i32
      %add3A_1261 = arith.constant 2 : i32
      %add3A_1262 = arith.addi %mul3A_1260, %add3A_1261 : i32
      %add3A_1263 = arith.constant 1 : i32
      %add3A_1264 = arith.addi %add3A_1262, %add3A_1263 : i32
      %swap3A_1265 = arith.constant 0 : i32
      %swap3A_1266 = arith.index_cast %swap3A_1265 : i32 to index
      %swap3A_1267 = arith.index_cast %add3A_1264 : i32 to index
      %swap3A_1268 = arith.constant 0 : index
      %swap3A_1269 = tpu.vector_load %arg11[%swap3A_1266, %swap3A_1267, %swap3A_1268] {strides = array<i32>} : memref<2x256x64xf32, #tpu.memory_space<vmem>>, vector<16xf32>,
      tpu.vector_store %arg11[%swap3A_1266, %swap3A_1267, %swap3A_1268], %add3A_1202 {add = true, strides = array<i32>} : memref<2x256x64xf32, #tpu.memory_space<vmem>>, vector<16xf32>,
      %swap3A_1270 = arith.constant 0 : i32
      %swap3A_1271 = arith.index_cast %swap3A_1270 : i32 to index
      %swap3A_1272 = arith.index_cast %add3A_1264 : i32 to index
      %swap3A_1273 = arith.constant 16 : index
      %swap3A_1274 = tpu.vector_load %arg11[%swap3A_1271, %swap3A_1272, %swap3A_1273] {strides = array<i32>} : memref<2x256x64xf32, #tpu.memory_space<vmem>>, vector<16xf32>,
      tpu.vector_store %arg11[%swap3A_1271, %swap3A_1272, %swap3A_1273], %add3A_1212 {add = true, strides = array<i32>} : memref<2x256x64xf32, #tpu.memory_space<vmem>>, vector<16xf32>,
      %swap3A_1275 = arith.constant 0 : i32
      %swap3A_1276 = arith.index_cast %swap3A_1275 : i32 to index
      %swap3A_1277 = arith.index_cast %add3A_1264 : i32 to index
      %swap3A_1278 = arith.constant 32 : index
      %swap3A_1279 = tpu.vector_load %arg11[%swap3A_1276, %swap3A_1277, %swap3A_1278] {strides = array<i32>} : memref<2x256x64xf32, #tpu.memory_space<vmem>>, vector<16xf32>,
      tpu.vector_store %arg11[%swap3A_1276, %swap3A_1277, %swap3A_1278], %add3A_1222 {add = true, strides = array<i32>} : memref<2x256x64xf32, #tpu.memory_space<vmem>>, vector<16xf32>,
      %swap3A_1280 = arith.constant 0 : i32
      %swap3A_1281 = arith.index_cast %swap3A_1280 : i32 to index
      %swap3A_1282 = arith.index_cast %add3A_1264 : i32 to index
      %swap3A_1283 = arith.constant 48 : index
      %swap3A_1284 = tpu.vector_load %arg11[%swap3A_1281, %swap3A_1282, %swap3A_1283] {strides = array<i32>} : memref<2x256x64xf32, #tpu.memory_space<vmem>>, vector<16xf32>,
      tpu.vector_store %arg11[%swap3A_1281, %swap3A_1282, %swap3A_1283], %add3A_1232 {add = true, strides = array<i32>} : memref<2x256x64xf32, #tpu.memory_space<vmem>>, vector<16xf32>,
    }
    %scan3A_439 = arith.constant 64 : i32
    %mul3A_440 = arith.constant 2048 : i32
    %mul3A_441 = arith.muli %add3A, %mul3A_440 : i32
    %add3A_442 = arith.constant 512 : i32
    %add3A_443 = arith.addi %mul3A_441, %add3A_442 : i32
    %dma_start3A_444 = arith.constant 0 : i32
    %dma_start3A_445 = arith.constant 0 : i32
    %dma_start3A_446 = arith.constant 0 : i32
    %dma_start3A_447 = tpu.memref_slice %arg11[%dma_start3A_444, %dma_start3A_445, %dma_start3A_446] : memref<2x256x64xf32, #tpu.memory_space<vmem>> -> memref<1x256x64xf32, #tpu.memory_space<vmem>>
    %dma_start3A_448 = tpu.memref_squeeze %dma_start3A_447 : memref<1x256x64xf32, #tpu.memory_space<vmem>> -> memref<256x64xf32, #tpu.memory_space<vmem>>
    %dma_start3A_449 = arith.constant 0 : i32
    %dma_start3A_450 = tpu.memref_slice %arg6[%add3A_443, %dma_start3A_449] : memref<65536x128xf32, #tpu.memory_space<hbm>> -> memref<256x64xf32, #tpu.memory_space<hbm>>
    %dma_start3A_451 = arith.constant 0 : i32
    %dma_start3A_452 = tpu.memref_slice %arg6[%add3A_443, %dma_start3A_451] : memref<65536x128xf32, #tpu.memory_space<hbm>> -> memref<256x64xf32, #tpu.memory_space<hbm>>
    %dma_start3A_453 = arith.constant 0 : i32
    %dma_start3A_454 = arith.constant 0 : i32
    %dma_start3A_455 = tpu.memref_slice %arg11[%dma_start3A_444, %dma_start3A_453, %dma_start3A_454] : memref<2x256x64xf32, #tpu.memory_space<vmem>> -> memref<1x256x64xf32, #tpu.memory_space<vmem>>
    %dma_start3A_456 = tpu.memref_squeeze %dma_start3A_455 : memref<1x256x64xf32, #tpu.memory_space<vmem>> -> memref<256x64xf32, #tpu.memory_space<vmem>>
    tpu.enqueue_dma source(%dma_start3A_456 : memref<256x64xf32, #tpu.memory_space<vmem>>) target(%dma_start3A_452 : memref<256x64xf32, #tpu.memory_space<hbm>>) target_semaphore(%arg18 : memref<!tpu.dma_semaphore, #tpu.memory_space<semaphore_mem>>)
    %dma_wait3A_457 = arith.constant 6 : i32
    %dma_wait3A_458 = arith.constant 1 : i32
    %dma_wait3A_459 = arith.constant 0 : i32
    %dma_wait3A_460 = arith.constant 0 : i32
    %dma_wait3A_461 = tpu.memref_slice %arg11[%dma_wait3A_458, %dma_wait3A_459, %dma_wait3A_460] : memref<2x256x64xf32, #tpu.memory_space<vmem>> -> memref<1x128x64xf32, #tpu.memory_space<vmem>>
    %dma_wait3A_462 = tpu.memref_squeeze %dma_wait3A_461 : memref<1x128x64xf32, #tpu.memory_space<vmem>> -> memref<128x64xf32, #tpu.memory_space<vmem>>
    %dma_wait3A_463 = arith.constant 0 : i32
    %dma_wait3A_464 = tpu.memref_slice %arg8[%dma_wait3A_457, %dma_wait3A_463] : memref<16x128xi32, #tpu.memory_space<vmem>> -> memref<1x128xi32, #tpu.memory_space<vmem>>
    %dma_wait3A_465 = tpu.memref_squeeze %dma_wait3A_464 : memref<1x128xi32, #tpu.memory_space<vmem>> -> memref<128xi32, #tpu.memory_space<vmem>>
    %dma_wait3A_466 = arith.constant 0 : i32
    %dma_wait3A_467 = arith.constant 0 : i32
    %dma_wait3A_468 = tpu.memref_slice %arg5[%dma_wait3A_466, %dma_wait3A_467] : memref<4096x64xf32, #tpu.memory_space<hbm>> -> memref<4096x64xf32, #tpu.memory_space<hbm>>
    tpu.wait_indirect_dma semaphore(%arg16 : memref<!tpu.dma_semaphore, #tpu.memory_space<semaphore_mem>>) src(%dma_wait3A_468 : memref<4096x64xf32, #tpu.memory_space<hbm>>) dst(%dma_wait3A_462 : memref<128x64xf32, #tpu.memory_space<vmem>>)
    %dma_wait3A_469 = arith.constant 7 : i32
    %dma_wait3A_470 = arith.constant 1 : i32
    %dma_wait3A_471 = arith.constant 128 : i32
    %dma_wait3A_472 = arith.constant 0 : i32
    %dma_wait3A_473 = tpu.memref_slice %arg11[%dma_wait3A_470, %dma_wait3A_471, %dma_wait3A_472] : memref<2x256x64xf32, #tpu.memory_space<vmem>> -> memref<1x128x64xf32, #tpu.memory_space<vmem>>
    %dma_wait3A_474 = tpu.memref_squeeze %dma_wait3A_473 : memref<1x128x64xf32, #tpu.memory_space<vmem>> -> memref<128x64xf32, #tpu.memory_space<vmem>>
    %dma_wait3A_475 = arith.constant 0 : i32
    %dma_wait3A_476 = tpu.memref_slice %arg8[%dma_wait3A_469, %dma_wait3A_475] : memref<16x128xi32, #tpu.memory_space<vmem>> -> memref<1x128xi32, #tpu.memory_space<vmem>>
    %dma_wait3A_477 = tpu.memref_squeeze %dma_wait3A_476 : memref<1x128xi32, #tpu.memory_space<vmem>> -> memref<128xi32, #tpu.memory_space<vmem>>
    %dma_wait3A_478 = arith.constant 0 : i32
    %dma_wait3A_479 = arith.constant 0 : i32
    %dma_wait3A_480 = tpu.memref_slice %arg5[%dma_wait3A_478, %dma_wait3A_479] : memref<4096x64xf32, #tpu.memory_space<hbm>> -> memref<4096x64xf32, #tpu.memory_space<hbm>>
    tpu.wait_indirect_dma semaphore(%arg16 : memref<!tpu.dma_semaphore, #tpu.memory_space<semaphore_mem>>) src(%dma_wait3A_480 : memref<4096x64xf32, #tpu.memory_space<hbm>>) dst(%dma_wait3A_474 : memref<128x64xf32, #tpu.memory_space<vmem>>)
    %dma_wait3A_481 = arith.constant 3 : i32
    %dma_wait3A_482 = arith.constant 1 : i32
    %dma_wait3A_483 = arith.constant 0 : i32
    %dma_wait3A_484 = arith.constant 0 : i32
    %dma_wait3A_485 = tpu.memref_slice %arg12[%dma_wait3A_482, %dma_wait3A_483, %dma_wait3A_484] : memref<2x128x64xf32, #tpu.memory_space<vmem>> -> memref<1x128x64xf32, #tpu.memory_space<vmem>>
    %dma_wait3A_486 = tpu.memref_squeeze %dma_wait3A_485 : memref<1x128x64xf32, #tpu.memory_space<vmem>> -> memref<128x64xf32, #tpu.memory_space<vmem>>
    %dma_wait3A_487 = arith.constant 0 : i32
    %dma_wait3A_488 = tpu.memref_slice %arg9[%dma_wait3A_481, %dma_wait3A_487] : memref<8x128xi32, #tpu.memory_space<vmem>> -> memref<1x128xi32, #tpu.memory_space<vmem>>
    %dma_wait3A_489 = tpu.memref_squeeze %dma_wait3A_488 : memref<1x128xi32, #tpu.memory_space<vmem>> -> memref<128xi32, #tpu.memory_space<vmem>>
    %dma_wait3A_490 = arith.constant 0 : i32
    %dma_wait3A_491 = arith.constant 0 : i32
    %dma_wait3A_492 = tpu.memref_slice %arg4[%dma_wait3A_490, %dma_wait3A_491] : memref<4096x64xf32, #tpu.memory_space<hbm>> -> memref<4096x64xf32, #tpu.memory_space<hbm>>
    tpu.wait_indirect_dma semaphore(%arg17 : memref<!tpu.dma_semaphore, #tpu.memory_space<semaphore_mem>>) src(%dma_wait3A_492 : memref<4096x64xf32, #tpu.memory_space<hbm>>) dst(%dma_wait3A_486 : memref<128x64xf32, #tpu.memory_space<vmem>>)
    %dma_wait3A_493 = arith.constant 3 : i32
    %dma_wait3A_494 = arith.constant 1 : i32
    %dma_wait3A_495 = arith.constant 0 : i32
    %dma_wait3A_496 = arith.constant 0 : i32
    %dma_wait3A_497 = tpu.memref_slice %arg13[%dma_wait3A_494, %dma_wait3A_495, %dma_wait3A_496] : memref<2x64x64xf32, #tpu.memory_space<vmem>> -> memref<1x64x64xf32, #tpu.memory_space<vmem>>
    %dma_wait3A_498 = tpu.memref_squeeze %dma_wait3A_497 : memref<1x64x64xf32, #tpu.memory_space<vmem>> -> memref<64x64xf32, #tpu.memory_space<vmem>>
    %dma_wait3A_499 = arith.constant 0 : i32
    %dma_wait3A_500 = tpu.memref_slice %arg10[%dma_wait3A_493, %dma_wait3A_499] : memref<8x64xi32, #tpu.memory_space<vmem>> -> memref<1x64xi32, #tpu.memory_space<vmem>>
    %dma_wait3A_501 = tpu.memref_squeeze %dma_wait3A_500 : memref<1x64xi32, #tpu.memory_space<vmem>> -> memref<64xi32, #tpu.memory_space<vmem>>
    %dma_wait3A_502 = arith.constant 0 : i32
    %dma_wait3A_503 = arith.constant 0 : i32
    %dma_wait3A_504 = tpu.memref_slice %arg3[%dma_wait3A_502, %dma_wait3A_503] : memref<4096x64xf32, #tpu.memory_space<hbm>> -> memref<4096x64xf32, #tpu.memory_space<hbm>>
    tpu.wait_indirect_dma semaphore(%arg17 : memref<!tpu.dma_semaphore, #tpu.memory_space<semaphore_mem>>) src(%dma_wait3A_504 : memref<4096x64xf32, #tpu.memory_space<hbm>>) dst(%dma_wait3A_498 : memref<64x64xf32, #tpu.memory_space<vmem>>)
    %dma_wait3A_505 = arith.constant 0 : i32
    %dma_wait3A_506 = arith.constant 0 : i32
    %dma_wait3A_507 = arith.constant 0 : i32
    %dma_wait3A_508 = tpu.memref_slice %arg11[%dma_wait3A_505, %dma_wait3A_506, %dma_wait3A_507] : memref<2x256x64xf32, #tpu.memory_space<vmem>> -> memref<1x256x64xf32, #tpu.memory_space<vmem>>
    %dma_wait3A_509 = tpu.memref_squeeze %dma_wait3A_508 : memref<1x256x64xf32, #tpu.memory_space<vmem>> -> memref<256x64xf32, #tpu.memory_space<vmem>>
    %dma_wait3A_510 = arith.constant 0 : i32
    %dma_wait3A_511 = tpu.memref_slice %arg6[%add3A_443, %dma_wait3A_510] : memref<65536x128xf32, #tpu.memory_space<hbm>> -> memref<256x64xf32, #tpu.memory_space<hbm>>
    %dma_wait3A_512 = arith.constant 0 : i32
    %dma_wait3A_513 = tpu.memref_slice %arg6[%add3A_443, %dma_wait3A_512] : memref<65536x128xf32, #tpu.memory_space<hbm>> -> memref<256x64xf32, #tpu.memory_space<hbm>>
    %dma_wait3A_514 = arith.constant 0 : i32
    %dma_wait3A_515 = arith.constant 0 : i32
    %dma_wait3A_516 = tpu.memref_slice %arg11[%dma_wait3A_505, %dma_wait3A_514, %dma_wait3A_515] : memref<2x256x64xf32, #tpu.memory_space<vmem>> -> memref<1x256x64xf32, #tpu.memory_space<vmem>>
    %dma_wait3A_517 = tpu.memref_squeeze %dma_wait3A_516 : memref<1x256x64xf32, #tpu.memory_space<vmem>> -> memref<256x64xf32, #tpu.memory_space<vmem>>
    tpu.wait_dma2 semaphore(%arg18 : memref<!tpu.dma_semaphore, #tpu.memory_space<semaphore_mem>>) src(%dma_wait3A_517 : memref<256x64xf32, #tpu.memory_space<vmem>>) dst(%dma_wait3A_513 : memref<256x64xf32, #tpu.memory_space<hbm>>)
    %dma_start3A_518 = arith.constant 8 : i32
    %dma_start3A_519 = arith.constant 0 : i32
    %dma_start3A_520 = arith.constant 0 : i32
    %dma_start3A_521 = arith.constant 0 : i32
    %dma_start3A_522 = tpu.memref_slice %arg11[%dma_start3A_519, %dma_start3A_520, %dma_start3A_521] : memref<2x256x64xf32, #tpu.memory_space<vmem>> -> memref<1x128x64xf32, #tpu.memory_space<vmem>>
    %dma_start3A_523 = tpu.memref_squeeze %dma_start3A_522 : memref<1x128x64xf32, #tpu.memory_space<vmem>> -> memref<128x64xf32, #tpu.memory_space<vmem>>
    %dma_start3A_524 = arith.constant 0 : i32
    %dma_start3A_525 = tpu.memref_slice %arg8[%dma_start3A_518, %dma_start3A_524] : memref<16x128xi32, #tpu.memory_space<vmem>> -> memref<1x128xi32, #tpu.memory_space<vmem>>
    %dma_start3A_526 = tpu.memref_squeeze %dma_start3A_525 : memref<1x128xi32, #tpu.memory_space<vmem>> -> memref<128xi32, #tpu.memory_space<vmem>>
    %dma_start3A_527 = arith.constant 0 : i32
    %dma_start3A_528 = arith.constant 0 : i32
    %dma_start3A_529 = tpu.memref_slice %arg5[%dma_start3A_527, %dma_start3A_528] : memref<4096x64xf32, #tpu.memory_space<hbm>> -> memref<4096x64xf32, #tpu.memory_space<hbm>>
    tpu.enqueue_indirect_dma source(%dma_start3A_529 : memref<4096x64xf32, #tpu.memory_space<hbm>>) target(%dma_start3A_523 : memref<128x64xf32, #tpu.memory_space<vmem>>) offsets(%dma_start3A_526 : memref<128xi32, #tpu.memory_space<vmem>>) semaphore(%arg15 : memref<!tpu.dma_semaphore, #tpu.memory_space<semaphore_mem>>)
    %dma_start3A_530 = arith.constant 9 : i32
    %dma_start3A_531 = arith.constant 0 : i32
    %dma_start3A_532 = arith.constant 128 : i32
    %dma_start3A_533 = arith.constant 0 : i32
    %dma_start3A_534 = tpu.memref_slice %arg11[%dma_start3A_531, %dma_start3A_532, %dma_start3A_533] : memref<2x256x64xf32, #tpu.memory_space<vmem>> -> memref<1x128x64xf32, #tpu.memory_space<vmem>>
    %dma_start3A_535 = tpu.memref_squeeze %dma_start3A_534 : memref<1x128x64xf32, #tpu.memory_space<vmem>> -> memref<128x64xf32, #tpu.memory_space<vmem>>
    %dma_start3A_536 = arith.constant 0 : i32
    %dma_start3A_537 = tpu.memref_slice %arg8[%dma_start3A_530, %dma_start3A_536] : memref<16x128xi32, #tpu.memory_space<vmem>> -> memref<1x128xi32, #tpu.memory_space<vmem>>
    %dma_start3A_538 = tpu.memref_squeeze %dma_start3A_537 : memref<1x128xi32, #tpu.memory_space<vmem>> -> memref<128xi32, #tpu.memory_space<vmem>>
    %dma_start3A_539 = arith.constant 0 : i32
    %dma_start3A_540 = arith.constant 0 : i32
    %dma_start3A_541 = tpu.memref_slice %arg5[%dma_start3A_539, %dma_start3A_540] : memref<4096x64xf32, #tpu.memory_space<hbm>> -> memref<4096x64xf32, #tpu.memory_space<hbm>>
    tpu.enqueue_indirect_dma source(%dma_start3A_541 : memref<4096x64xf32, #tpu.memory_space<hbm>>) target(%dma_start3A_535 : memref<128x64xf32, #tpu.memory_space<vmem>>) offsets(%dma_start3A_538 : memref<128xi32, #tpu.memory_space<vmem>>) semaphore(%arg15 : memref<!tpu.dma_semaphore, #tpu.memory_space<semaphore_mem>>)
    %dma_start3A_542 = arith.constant 4 : i32
    %dma_start3A_543 = arith.constant 0 : i32
    %dma_start3A_544 = arith.constant 0 : i32
    %dma_start3A_545 = arith.constant 0 : i32
    %dma_start3A_546 = tpu.memref_slice %arg12[%dma_start3A_543, %dma_start3A_544, %dma_start3A_545] : memref<2x128x64xf32, #tpu.memory_space<vmem>> -> memref<1x128x64xf32, #tpu.memory_space<vmem>>
    %dma_start3A_547 = tpu.memref_squeeze %dma_start3A_546 : memref<1x128x64xf32, #tpu.memory_space<vmem>> -> memref<128x64xf32, #tpu.memory_space<vmem>>
    %dma_start3A_548 = arith.constant 0 : i32
    %dma_start3A_549 = tpu.memref_slice %arg9[%dma_start3A_542, %dma_start3A_548] : memref<8x128xi32, #tpu.memory_space<vmem>> -> memref<1x128xi32, #tpu.memory_space<vmem>>
    %dma_start3A_550 = tpu.memref_squeeze %dma_start3A_549 : memref<1x128xi32, #tpu.memory_space<vmem>> -> memref<128xi32, #tpu.memory_space<vmem>>
    %dma_start3A_551 = arith.constant 0 : i32
    %dma_start3A_552 = arith.constant 0 : i32
    %dma_start3A_553 = tpu.memref_slice %arg4[%dma_start3A_551, %dma_start3A_552] : memref<4096x64xf32, #tpu.memory_space<hbm>> -> memref<4096x64xf32, #tpu.memory_space<hbm>>
    tpu.enqueue_indirect_dma source(%dma_start3A_553 : memref<4096x64xf32, #tpu.memory_space<hbm>>) target(%dma_start3A_547 : memref<128x64xf32, #tpu.memory_space<vmem>>) offsets(%dma_start3A_550 : memref<128xi32, #tpu.memory_space<vmem>>) semaphore(%arg17 : memref<!tpu.dma_semaphore, #tpu.memory_space<semaphore_mem>>)
    %dma_start3A_554 = arith.constant 4 : i32
    %dma_start3A_555 = arith.constant 0 : i32
    %dma_start3A_556 = arith.constant 0 : i32
    %dma_start3A_557 = arith.constant 0 : i32
    %dma_start3A_558 = tpu.memref_slice %arg13[%dma_start3A_555, %dma_start3A_556, %dma_start3A_557] : memref<2x64x64xf32, #tpu.memory_space<vmem>> -> memref<1x64x64xf32, #tpu.memory_space<vmem>>
    %dma_start3A_559 = tpu.memref_squeeze %dma_start3A_558 : memref<1x64x64xf32, #tpu.memory_space<vmem>> -> memref<64x64xf32, #tpu.memory_space<vmem>>
    %dma_start3A_560 = arith.constant 0 : i32
    %dma_start3A_561 = tpu.memref_slice %arg10[%dma_start3A_554, %dma_start3A_560] : memref<8x64xi32, #tpu.memory_space<vmem>> -> memref<1x64xi32, #tpu.memory_space<vmem>>
    %dma_start3A_562 = tpu.memref_squeeze %dma_start3A_561 : memref<1x64xi32, #tpu.memory_space<vmem>> -> memref<64xi32, #tpu.memory_space<vmem>>
    %dma_start3A_563 = arith.constant 0 : i32
    %dma_start3A_564 = arith.constant 0 : i32
    %dma_start3A_565 = tpu.memref_slice %arg3[%dma_start3A_563, %dma_start3A_564] : memref<4096x64xf32, #tpu.memory_space<hbm>> -> memref<4096x64xf32, #tpu.memory_space<hbm>>
    tpu.enqueue_indirect_dma source(%dma_start3A_565 : memref<4096x64xf32, #tpu.memory_space<hbm>>) target(%dma_start3A_559 : memref<64x64xf32, #tpu.memory_space<vmem>>) offsets(%dma_start3A_562 : memref<64xi32, #tpu.memory_space<vmem>>) semaphore(%arg17 : memref<!tpu.dma_semaphore, #tpu.memory_space<semaphore_mem>>)
    %scan3A_566 = arith.constant 0 : i32
    %scan3A_567 = arith.constant 0 : i32
    %scan3A_568 = arith.constant 64 : i32
    %scan3A_569 = arith.addi %scan3A_567, %scan3A_568 : i32
    %scan3A_570 = arith.constant 1 : i32
    scf.for %scan3A_1082 = %scan3A_567 to %scan3A_569 step %scan3A_570  : i32 {
      %get3A = arith.constant 1 : i32
      %get3A_1083 = arith.index_cast %get3A : i32 to index
      %get3A_1084 = arith.index_cast %scan3A_1082 : i32 to index
      %get3A_1085 = arith.constant 0 : index
      %get3A_1086 = tpu.vector_load %arg13[%get3A_1083, %get3A_1084, %get3A_1085] {strides = array<i32>} : memref<2x64x64xf32, #tpu.memory_space<vmem>>, vector<16xf32>,
      %get3A_1087 = arith.constant 1 : i32
      %get3A_1088 = arith.index_cast %get3A_1087 : i32 to index
      %get3A_1089 = arith.index_cast %scan3A_1082 : i32 to index
      %get3A_1090 = arith.constant 16 : index
      %get3A_1091 = tpu.vector_load %arg13[%get3A_1088, %get3A_1089, %get3A_1090] {strides = array<i32>} : memref<2x64x64xf32, #tpu.memory_space<vmem>>, vector<16xf32>,
      %get3A_1092 = arith.constant 1 : i32
      %get3A_1093 = arith.index_cast %get3A_1092 : i32 to index
      %get3A_1094 = arith.index_cast %scan3A_1082 : i32 to index
      %get3A_1095 = arith.constant 32 : index
      %get3A_1096 = tpu.vector_load %arg13[%get3A_1093, %get3A_1094, %get3A_1095] {strides = array<i32>} : memref<2x64x64xf32, #tpu.memory_space<vmem>>, vector<16xf32>,
      %get3A_1097 = arith.constant 1 : i32
      %get3A_1098 = arith.index_cast %get3A_1097 : i32 to index
      %get3A_1099 = arith.index_cast %scan3A_1082 : i32 to index
      %get3A_1100 = arith.constant 48 : index
      %get3A_1101 = tpu.vector_load %arg13[%get3A_1098, %get3A_1099, %get3A_1100] {strides = array<i32>} : memref<2x64x64xf32, #tpu.memory_space<vmem>>, vector<16xf32>,
      %mul3A_1102 = arith.constant 2 : i32
      %mul3A_1103 = arith.muli %mul3A_1102, %scan3A_1082 : i32
      %add3A_1104 = arith.constant 0 : i32
      %add3A_1105 = arith.addi %mul3A_1103, %add3A_1104 : i32
      %get3A_1106 = arith.constant 1 : i32
      %get3A_1107 = arith.index_cast %get3A_1106 : i32 to index
      %get3A_1108 = arith.index_cast %add3A_1105 : i32 to index
      %get3A_1109 = arith.constant 0 : index
      %get3A_1110 = tpu.vector_load %arg12[%get3A_1107, %get3A_1108, %get3A_1109] {strides = array<i32>} : memref<2x128x64xf32, #tpu.memory_space<vmem>>, vector<16xf32>,
      %add3A_1111 = arith.addf %get3A_1086, %get3A_1110 : vector<16xf32>
      %mul3A_1112 = arith.constant 2 : i32
      %mul3A_1113 = arith.muli %mul3A_1112, %scan3A_1082 : i32
      %add3A_1114 = arith.constant 0 : i32
      %add3A_1115 = arith.addi %mul3A_1113, %add3A_1114 : i32
      %get3A_1116 = arith.constant 1 : i32
      %get3A_1117 = arith.index_cast %get3A_1116 : i32 to index
      %get3A_1118 = arith.index_cast %add3A_1115 : i32 to index
      %get3A_1119 = arith.constant 16 : index
      %get3A_1120 = tpu.vector_load %arg12[%get3A_1117, %get3A_1118, %get3A_1119] {strides = array<i32>} : memref<2x128x64xf32, #tpu.memory_space<vmem>>, vector<16xf32>,
      %add3A_1121 = arith.addf %get3A_1091, %get3A_1120 : vector<16xf32>
      %mul3A_1122 = arith.constant 2 : i32
      %mul3A_1123 = arith.muli %mul3A_1122, %scan3A_1082 : i32
      %add3A_1124 = arith.constant 0 : i32
      %add3A_1125 = arith.addi %mul3A_1123, %add3A_1124 : i32
      %get3A_1126 = arith.constant 1 : i32
      %get3A_1127 = arith.index_cast %get3A_1126 : i32 to index
      %get3A_1128 = arith.index_cast %add3A_1125 : i32 to index
      %get3A_1129 = arith.constant 32 : index
      %get3A_1130 = tpu.vector_load %arg12[%get3A_1127, %get3A_1128, %get3A_1129] {strides = array<i32>} : memref<2x128x64xf32, #tpu.memory_space<vmem>>, vector<16xf32>,
      %add3A_1131 = arith.addf %get3A_1096, %get3A_1130 : vector<16xf32>
      %mul3A_1132 = arith.constant 2 : i32
      %mul3A_1133 = arith.muli %mul3A_1132, %scan3A_1082 : i32
      %add3A_1134 = arith.constant 0 : i32
      %add3A_1135 = arith.addi %mul3A_1133, %add3A_1134 : i32
      %get3A_1136 = arith.constant 1 : i32
      %get3A_1137 = arith.index_cast %get3A_1136 : i32 to index
      %get3A_1138 = arith.index_cast %add3A_1135 : i32 to index
      %get3A_1139 = arith.constant 48 : index
      %get3A_1140 = tpu.vector_load %arg12[%get3A_1137, %get3A_1138, %get3A_1139] {strides = array<i32>} : memref<2x128x64xf32, #tpu.memory_space<vmem>>, vector<16xf32>,
      %add3A_1141 = arith.addf %get3A_1101, %get3A_1140 : vector<16xf32>
      %mul3A_1142 = arith.constant 4 : i32
      %mul3A_1143 = arith.muli %mul3A_1142, %scan3A_1082 : i32
      %add3A_1144 = arith.constant 0 : i32
      %add3A_1145 = arith.addi %mul3A_1143, %add3A_1144 : i32
      %add3A_1146 = arith.constant 0 : i32
      %add3A_1147 = arith.addi %add3A_1145, %add3A_1146 : i32
      %swap3A = arith.constant 1 : i32
      %swap3A_1148 = arith.index_cast %swap3A : i32 to index
      %swap3A_1149 = arith.index_cast %add3A_1147 : i32 to index
      %swap3A_1150 = arith.constant 0 : index
      %swap3A_1151 = tpu.vector_load %arg11[%swap3A_1148, %swap3A_1149, %swap3A_1150] {strides = array<i32>} : memref<2x256x64xf32, #tpu.memory_space<vmem>>, vector<16xf32>,
      tpu.vector_store %arg11[%swap3A_1148, %swap3A_1149, %swap3A_1150], %add3A_1111 {add = true, strides = array<i32>} : memref<2x256x64xf32, #tpu.memory_space<vmem>>, vector<16xf32>,
      %swap3A_1152 = arith.constant 1 : i32
      %swap3A_1153 = arith.index_cast %swap3A_1152 : i32 to index
      %swap3A_1154 = arith.index_cast %add3A_1147 : i32 to index
      %swap3A_1155 = arith.constant 16 : index
      %swap3A_1156 = tpu.vector_load %arg11[%swap3A_1153, %swap3A_1154, %swap3A_1155] {strides = array<i32>} : memref<2x256x64xf32, #tpu.memory_space<vmem>>, vector<16xf32>,
      tpu.vector_store %arg11[%swap3A_1153, %swap3A_1154, %swap3A_1155], %add3A_1121 {add = true, strides = array<i32>} : memref<2x256x64xf32, #tpu.memory_space<vmem>>, vector<16xf32>,
      %swap3A_1157 = arith.constant 1 : i32
      %swap3A_1158 = arith.index_cast %swap3A_1157 : i32 to index
      %swap3A_1159 = arith.index_cast %add3A_1147 : i32 to index
      %swap3A_1160 = arith.constant 32 : index
      %swap3A_1161 = tpu.vector_load %arg11[%swap3A_1158, %swap3A_1159, %swap3A_1160] {strides = array<i32>} : memref<2x256x64xf32, #tpu.memory_space<vmem>>, vector<16xf32>,
      tpu.vector_store %arg11[%swap3A_1158, %swap3A_1159, %swap3A_1160], %add3A_1131 {add = true, strides = array<i32>} : memref<2x256x64xf32, #tpu.memory_space<vmem>>, vector<16xf32>,
      %swap3A_1162 = arith.constant 1 : i32
      %swap3A_1163 = arith.index_cast %swap3A_1162 : i32 to index
      %swap3A_1164 = arith.index_cast %add3A_1147 : i32 to index
      %swap3A_1165 = arith.constant 48 : index
      %swap3A_1166 = tpu.vector_load %arg11[%swap3A_1163, %swap3A_1164, %swap3A_1165] {strides = array<i32>} : memref<2x256x64xf32, #tpu.memory_space<vmem>>, vector<16xf32>,
      tpu.vector_store %arg11[%swap3A_1163, %swap3A_1164, %swap3A_1165], %add3A_1141 {add = true, strides = array<i32>} : memref<2x256x64xf32, #tpu.memory_space<vmem>>, vector<16xf32>,
      %mul3A_1167 = arith.constant 4 : i32
      %mul3A_1168 = arith.muli %mul3A_1167, %scan3A_1082 : i32
      %add3A_1169 = arith.constant 0 : i32
      %add3A_1170 = arith.addi %mul3A_1168, %add3A_1169 : i32
      %add3A_1171 = arith.constant 1 : i32
      %add3A_1172 = arith.addi %add3A_1170, %add3A_1171 : i32
      %swap3A_1173 = arith.constant 1 : i32
      %swap3A_1174 = arith.index_cast %swap3A_1173 : i32 to index
      %swap3A_1175 = arith.index_cast %add3A_1172 : i32 to index
      %swap3A_1176 = arith.constant 0 : index
      %swap3A_1177 = tpu.vector_load %arg11[%swap3A_1174, %swap3A_1175, %swap3A_1176] {strides = array<i32>} : memref<2x256x64xf32, #tpu.memory_space<vmem>>, vector<16xf32>,
      tpu.vector_store %arg11[%swap3A_1174, %swap3A_1175, %swap3A_1176], %add3A_1111 {add = true, strides = array<i32>} : memref<2x256x64xf32, #tpu.memory_space<vmem>>, vector<16xf32>,
      %swap3A_1178 = arith.constant 1 : i32
      %swap3A_1179 = arith.index_cast %swap3A_1178 : i32 to index
      %swap3A_1180 = arith.index_cast %add3A_1172 : i32 to index
      %swap3A_1181 = arith.constant 16 : index
      %swap3A_1182 = tpu.vector_load %arg11[%swap3A_1179, %swap3A_1180, %swap3A_1181] {strides = array<i32>} : memref<2x256x64xf32, #tpu.memory_space<vmem>>, vector<16xf32>,
      tpu.vector_store %arg11[%swap3A_1179, %swap3A_1180, %swap3A_1181], %add3A_1121 {add = true, strides = array<i32>} : memref<2x256x64xf32, #tpu.memory_space<vmem>>, vector<16xf32>,
      %swap3A_1183 = arith.constant 1 : i32
      %swap3A_1184 = arith.index_cast %swap3A_1183 : i32 to index
      %swap3A_1185 = arith.index_cast %add3A_1172 : i32 to index
      %swap3A_1186 = arith.constant 32 : index
      %swap3A_1187 = tpu.vector_load %arg11[%swap3A_1184, %swap3A_1185, %swap3A_1186] {strides = array<i32>} : memref<2x256x64xf32, #tpu.memory_space<vmem>>, vector<16xf32>,
      tpu.vector_store %arg11[%swap3A_1184, %swap3A_1185, %swap3A_1186], %add3A_1131 {add = true, strides = array<i32>} : memref<2x256x64xf32, #tpu.memory_space<vmem>>, vector<16xf32>,
      %swap3A_1188 = arith.constant 1 : i32
      %swap3A_1189 = arith.index_cast %swap3A_1188 : i32 to index
      %swap3A_1190 = arith.index_cast %add3A_1172 : i32 to index
      %swap3A_1191 = arith.constant 48 : index
      %swap3A_1192 = tpu.vector_load %arg11[%swap3A_1189, %swap3A_1190, %swap3A_1191] {strides = array<i32>} : memref<2x256x64xf32, #tpu.memory_space<vmem>>, vector<16xf32>,
      tpu.vector_store %arg11[%swap3A_1189, %swap3A_1190, %swap3A_1191], %add3A_1141 {add = true, strides = array<i32>} : memref<2x256x64xf32, #tpu.memory_space<vmem>>, vector<16xf32>,
      %mul3A_1193 = arith.constant 2 : i32
      %mul3A_1194 = arith.muli %mul3A_1193, %scan3A_1082 : i32
      %add3A_1195 = arith.constant 1 : i32
      %add3A_1196 = arith.addi %mul3A_1194, %add3A_1195 : i32
      %get3A_1197 = arith.constant 1 : i32
      %get3A_1198 = arith.index_cast %get3A_1197 : i32 to index
      %get3A_1199 = arith.index_cast %add3A_1196 : i32 to index
      %get3A_1200 = arith.constant 0 : index
      %get3A_1201 = tpu.vector_load %arg12[%get3A_1198, %get3A_1199, %get3A_1200] {strides = array<i32>} : memref<2x128x64xf32, #tpu.memory_space<vmem>>, vector<16xf32>,
      %add3A_1202 = arith.addf %get3A_1086, %get3A_1201 : vector<16xf32>
      %mul3A_1203 = arith.constant 2 : i32
      %mul3A_1204 = arith.muli %mul3A_1203, %scan3A_1082 : i32
      %add3A_1205 = arith.constant 1 : i32
      %add3A_1206 = arith.addi %mul3A_1204, %add3A_1205 : i32
      %get3A_1207 = arith.constant 1 : i32
      %get3A_1208 = arith.index_cast %get3A_1207 : i32 to index
      %get3A_1209 = arith.index_cast %add3A_1206 : i32 to index
      %get3A_1210 = arith.constant 16 : index
      %get3A_1211 = tpu.vector_load %arg12[%get3A_1208, %get3A_1209, %get3A_1210] {strides = array<i32>} : memref<2x128x64xf32, #tpu.memory_space<vmem>>, vector<16xf32>,
      %add3A_1212 = arith.addf %get3A_1091, %get3A_1211 : vector<16xf32>
      %mul3A_1213 = arith.constant 2 : i32
      %mul3A_1214 = arith.muli %mul3A_1213, %scan3A_1082 : i32
      %add3A_1215 = arith.constant 1 : i32
      %add3A_1216 = arith.addi %mul3A_1214, %add3A_1215 : i32
      %get3A_1217 = arith.constant 1 : i32
      %get3A_1218 = arith.index_cast %get3A_1217 : i32 to index
      %get3A_1219 = arith.index_cast %add3A_1216 : i32 to index
      %get3A_1220 = arith.constant 32 : index
      %get3A_1221 = tpu.vector_load %arg12[%get3A_1218, %get3A_1219, %get3A_1220] {strides = array<i32>} : memref<2x128x64xf32, #tpu.memory_space<vmem>>, vector<16xf32>,
      %add3A_1222 = arith.addf %get3A_1096, %get3A_1221 : vector<16xf32>
      %mul3A_1223 = arith.constant 2 : i32
      %mul3A_1224 = arith.muli %mul3A_1223, %scan3A_1082 : i32
      %add3A_1225 = arith.constant 1 : i32
      %add3A_1226 = arith.addi %mul3A_1224, %add3A_1225 : i32
      %get3A_1227 = arith.constant 1 : i32
      %get3A_1228 = arith.index_cast %get3A_1227 : i32 to index
      %get3A_1229 = arith.index_cast %add3A_1226 : i32 to index
      %get3A_1230 = arith.constant 48 : index
      %get3A_1231 = tpu.vector_load %arg12[%get3A_1228, %get3A_1229, %get3A_1230] {strides = array<i32>} : memref<2x128x64xf32, #tpu.memory_space<vmem>>, vector<16xf32>,
      %add3A_1232 = arith.addf %get3A_1101, %get3A_1231 : vector<16xf32>
      %mul3A_1233 = arith.constant 4 : i32
      %mul3A_1234 = arith.muli %mul3A_1233, %scan3A_1082 : i32
      %add3A_1235 = arith.constant 2 : i32
      %add3A_1236 = arith.addi %mul3A_1234, %add3A_1235 : i32
      %add3A_1237 = arith.constant 0 : i32
      %add3A_1238 = arith.addi %add3A_1236, %add3A_1237 : i32
      %swap3A_1239 = arith.constant 1 : i32
      %swap3A_1240 = arith.index_cast %swap3A_1239 : i32 to index
      %swap3A_1241 = arith.index_cast %add3A_1238 : i32 to index
      %swap3A_1242 = arith.constant 0 : index
      %swap3A_1243 = tpu.vector_load %arg11[%swap3A_1240, %swap3A_1241, %swap3A_1242] {strides = array<i32>} : memref<2x256x64xf32, #tpu.memory_space<vmem>>, vector<16xf32>,
      tpu.vector_store %arg11[%swap3A_1240, %swap3A_1241, %swap3A_1242], %add3A_1202 {add = true, strides = array<i32>} : memref<2x256x64xf32, #tpu.memory_space<vmem>>, vector<16xf32>,
      %swap3A_1244 = arith.constant 1 : i32
      %swap3A_1245 = arith.index_cast %swap3A_1244 : i32 to index
      %swap3A_1246 = arith.index_cast %add3A_1238 : i32 to index
      %swap3A_1247 = arith.constant 16 : index
      %swap3A_1248 = tpu.vector_load %arg11[%swap3A_1245, %swap3A_1246, %swap3A_1247] {strides = array<i32>} : memref<2x256x64xf32, #tpu.memory_space<vmem>>, vector<16xf32>,
      tpu.vector_store %arg11[%swap3A_1245, %swap3A_1246, %swap3A_1247], %add3A_1212 {add = true, strides = array<i32>} : memref<2x256x64xf32, #tpu.memory_space<vmem>>, vector<16xf32>,
      %swap3A_1249 = arith.constant 1 : i32
      %swap3A_1250 = arith.index_cast %swap3A_1249 : i32 to index
      %swap3A_1251 = arith.index_cast %add3A_1238 : i32 to index
      %swap3A_1252 = arith.constant 32 : index
      %swap3A_1253 = tpu.vector_load %arg11[%swap3A_1250, %swap3A_1251, %swap3A_1252] {strides = array<i32>} : memref<2x256x64xf32, #tpu.memory_space<vmem>>, vector<16xf32>,
      tpu.vector_store %arg11[%swap3A_1250, %swap3A_1251, %swap3A_1252], %add3A_1222 {add = true, strides = array<i32>} : memref<2x256x64xf32, #tpu.memory_space<vmem>>, vector<16xf32>,
      %swap3A_1254 = arith.constant 1 : i32
      %swap3A_1255 = arith.index_cast %swap3A_1254 : i32 to index
      %swap3A_1256 = arith.index_cast %add3A_1238 : i32 to index
      %swap3A_1257 = arith.constant 48 : index
      %swap3A_1258 = tpu.vector_load %arg11[%swap3A_1255, %swap3A_1256, %swap3A_1257] {strides = array<i32>} : memref<2x256x64xf32, #tpu.memory_space<vmem>>, vector<16xf32>,
      tpu.vector_store %arg11[%swap3A_1255, %swap3A_1256, %swap3A_1257], %add3A_1232 {add = true, strides = array<i32>} : memref<2x256x64xf32, #tpu.memory_space<vmem>>, vector<16xf32>,
      %mul3A_1259 = arith.constant 4 : i32
      %mul3A_1260 = arith.muli %mul3A_1259, %scan3A_1082 : i32
      %add3A_1261 = arith.constant 2 : i32
      %add3A_1262 = arith.addi %mul3A_1260, %add3A_1261 : i32
      %add3A_1263 = arith.constant 1 : i32
      %add3A_1264 = arith.addi %add3A_1262, %add3A_1263 : i32
      %swap3A_1265 = arith.constant 1 : i32
      %swap3A_1266 = arith.index_cast %swap3A_1265 : i32 to index
      %swap3A_1267 = arith.index_cast %add3A_1264 : i32 to index
      %swap3A_1268 = arith.constant 0 : index
      %swap3A_1269 = tpu.vector_load %arg11[%swap3A_1266, %swap3A_1267, %swap3A_1268] {strides = array<i32>} : memref<2x256x64xf32, #tpu.memory_space<vmem>>, vector<16xf32>,
      tpu.vector_store %arg11[%swap3A_1266, %swap3A_1267, %swap3A_1268], %add3A_1202 {add = true, strides = array<i32>} : memref<2x256x64xf32, #tpu.memory_space<vmem>>, vector<16xf32>,
      %swap3A_1270 = arith.constant 1 : i32
      %swap3A_1271 = arith.index_cast %swap3A_1270 : i32 to index
      %swap3A_1272 = arith.index_cast %add3A_1264 : i32 to index
      %swap3A_1273 = arith.constant 16 : index
      %swap3A_1274 = tpu.vector_load %arg11[%swap3A_1271, %swap3A_1272, %swap3A_1273] {strides = array<i32>} : memref<2x256x64xf32, #tpu.memory_space<vmem>>, vector<16xf32>,
      tpu.vector_store %arg11[%swap3A_1271, %swap3A_1272, %swap3A_1273], %add3A_1212 {add = true, strides = array<i32>} : memref<2x256x64xf32, #tpu.memory_space<vmem>>, vector<16xf32>,
      %swap3A_1275 = arith.constant 1 : i32
      %swap3A_1276 = arith.index_cast %swap3A_1275 : i32 to index
      %swap3A_1277 = arith.index_cast %add3A_1264 : i32 to index
      %swap3A_1278 = arith.constant 32 : index
      %swap3A_1279 = tpu.vector_load %arg11[%swap3A_1276, %swap3A_1277, %swap3A_1278] {strides = array<i32>} : memref<2x256x64xf32, #tpu.memory_space<vmem>>, vector<16xf32>,
      tpu.vector_store %arg11[%swap3A_1276, %swap3A_1277, %swap3A_1278], %add3A_1222 {add = true, strides = array<i32>} : memref<2x256x64xf32, #tpu.memory_space<vmem>>, vector<16xf32>,
      %swap3A_1280 = arith.constant 1 : i32
      %swap3A_1281 = arith.index_cast %swap3A_1280 : i32 to index
      %swap3A_1282 = arith.index_cast %add3A_1264 : i32 to index
      %swap3A_1283 = arith.constant 48 : index
      %swap3A_1284 = tpu.vector_load %arg11[%swap3A_1281, %swap3A_1282, %swap3A_1283] {strides = array<i32>} : memref<2x256x64xf32, #tpu.memory_space<vmem>>, vector<16xf32>,
      tpu.vector_store %arg11[%swap3A_1281, %swap3A_1282, %swap3A_1283], %add3A_1232 {add = true, strides = array<i32>} : memref<2x256x64xf32, #tpu.memory_space<vmem>>, vector<16xf32>,
    }
    %scan3A_571 = arith.constant 64 : i32
    %mul3A_572 = arith.constant 2048 : i32
    %mul3A_573 = arith.muli %add3A, %mul3A_572 : i32
    %add3A_574 = arith.constant 768 : i32
    %add3A_575 = arith.addi %mul3A_573, %add3A_574 : i32
    %dma_start3A_576 = arith.constant 1 : i32
    %dma_start3A_577 = arith.constant 0 : i32
    %dma_start3A_578 = arith.constant 0 : i32
    %dma_start3A_579 = tpu.memref_slice %arg11[%dma_start3A_576, %dma_start3A_577, %dma_start3A_578] : memref<2x256x64xf32, #tpu.memory_space<vmem>> -> memref<1x256x64xf32, #tpu.memory_space<vmem>>
    %dma_start3A_580 = tpu.memref_squeeze %dma_start3A_579 : memref<1x256x64xf32, #tpu.memory_space<vmem>> -> memref<256x64xf32, #tpu.memory_space<vmem>>
    %dma_start3A_581 = arith.constant 0 : i32
    %dma_start3A_582 = tpu.memref_slice %arg6[%add3A_575, %dma_start3A_581] : memref<65536x128xf32, #tpu.memory_space<hbm>> -> memref<256x64xf32, #tpu.memory_space<hbm>>
    %dma_start3A_583 = arith.constant 0 : i32
    %dma_start3A_584 = tpu.memref_slice %arg6[%add3A_575, %dma_start3A_583] : memref<65536x128xf32, #tpu.memory_space<hbm>> -> memref<256x64xf32, #tpu.memory_space<hbm>>
    %dma_start3A_585 = arith.constant 0 : i32
    %dma_start3A_586 = arith.constant 0 : i32
    %dma_start3A_587 = tpu.memref_slice %arg11[%dma_start3A_576, %dma_start3A_585, %dma_start3A_586] : memref<2x256x64xf32, #tpu.memory_space<vmem>> -> memref<1x256x64xf32, #tpu.memory_space<vmem>>
    %dma_start3A_588 = tpu.memref_squeeze %dma_start3A_587 : memref<1x256x64xf32, #tpu.memory_space<vmem>> -> memref<256x64xf32, #tpu.memory_space<vmem>>
    tpu.enqueue_dma source(%dma_start3A_588 : memref<256x64xf32, #tpu.memory_space<vmem>>) target(%dma_start3A_584 : memref<256x64xf32, #tpu.memory_space<hbm>>) target_semaphore(%arg18 : memref<!tpu.dma_semaphore, #tpu.memory_space<semaphore_mem>>)
    %dma_wait3A_589 = arith.constant 8 : i32
    %dma_wait3A_590 = arith.constant 0 : i32
    %dma_wait3A_591 = arith.constant 0 : i32
    %dma_wait3A_592 = arith.constant 0 : i32
    %dma_wait3A_593 = tpu.memref_slice %arg11[%dma_wait3A_590, %dma_wait3A_591, %dma_wait3A_592] : memref<2x256x64xf32, #tpu.memory_space<vmem>> -> memref<1x128x64xf32, #tpu.memory_space<vmem>>
    %dma_wait3A_594 = tpu.memref_squeeze %dma_wait3A_593 : memref<1x128x64xf32, #tpu.memory_space<vmem>> -> memref<128x64xf32, #tpu.memory_space<vmem>>
    %dma_wait3A_595 = arith.constant 0 : i32
    %dma_wait3A_596 = tpu.memref_slice %arg8[%dma_wait3A_589, %dma_wait3A_595] : memref<16x128xi32, #tpu.memory_space<vmem>> -> memref<1x128xi32, #tpu.memory_space<vmem>>
    %dma_wait3A_597 = tpu.memref_squeeze %dma_wait3A_596 : memref<1x128xi32, #tpu.memory_space<vmem>> -> memref<128xi32, #tpu.memory_space<vmem>>
    %dma_wait3A_598 = arith.constant 0 : i32
    %dma_wait3A_599 = arith.constant 0 : i32
    %dma_wait3A_600 = tpu.memref_slice %arg5[%dma_wait3A_598, %dma_wait3A_599] : memref<4096x64xf32, #tpu.memory_space<hbm>> -> memref<4096x64xf32, #tpu.memory_space<hbm>>
    tpu.wait_indirect_dma semaphore(%arg15 : memref<!tpu.dma_semaphore, #tpu.memory_space<semaphore_mem>>) src(%dma_wait3A_600 : memref<4096x64xf32, #tpu.memory_space<hbm>>) dst(%dma_wait3A_594 : memref<128x64xf32, #tpu.memory_space<vmem>>)
    %dma_wait3A_601 = arith.constant 9 : i32
    %dma_wait3A_602 = arith.constant 0 : i32
    %dma_wait3A_603 = arith.constant 128 : i32
    %dma_wait3A_604 = arith.constant 0 : i32
    %dma_wait3A_605 = tpu.memref_slice %arg11[%dma_wait3A_602, %dma_wait3A_603, %dma_wait3A_604] : memref<2x256x64xf32, #tpu.memory_space<vmem>> -> memref<1x128x64xf32, #tpu.memory_space<vmem>>
    %dma_wait3A_606 = tpu.memref_squeeze %dma_wait3A_605 : memref<1x128x64xf32, #tpu.memory_space<vmem>> -> memref<128x64xf32, #tpu.memory_space<vmem>>
    %dma_wait3A_607 = arith.constant 0 : i32
    %dma_wait3A_608 = tpu.memref_slice %arg8[%dma_wait3A_601, %dma_wait3A_607] : memref<16x128xi32, #tpu.memory_space<vmem>> -> memref<1x128xi32, #tpu.memory_space<vmem>>
    %dma_wait3A_609 = tpu.memref_squeeze %dma_wait3A_608 : memref<1x128xi32, #tpu.memory_space<vmem>> -> memref<128xi32, #tpu.memory_space<vmem>>
    %dma_wait3A_610 = arith.constant 0 : i32
    %dma_wait3A_611 = arith.constant 0 : i32
    %dma_wait3A_612 = tpu.memref_slice %arg5[%dma_wait3A_610, %dma_wait3A_611] : memref<4096x64xf32, #tpu.memory_space<hbm>> -> memref<4096x64xf32, #tpu.memory_space<hbm>>
    tpu.wait_indirect_dma semaphore(%arg15 : memref<!tpu.dma_semaphore, #tpu.memory_space<semaphore_mem>>) src(%dma_wait3A_612 : memref<4096x64xf32, #tpu.memory_space<hbm>>) dst(%dma_wait3A_606 : memref<128x64xf32, #tpu.memory_space<vmem>>)
    %dma_wait3A_613 = arith.constant 4 : i32
    %dma_wait3A_614 = arith.constant 0 : i32
    %dma_wait3A_615 = arith.constant 0 : i32
    %dma_wait3A_616 = arith.constant 0 : i32
    %dma_wait3A_617 = tpu.memref_slice %arg12[%dma_wait3A_614, %dma_wait3A_615, %dma_wait3A_616] : memref<2x128x64xf32, #tpu.memory_space<vmem>> -> memref<1x128x64xf32, #tpu.memory_space<vmem>>
    %dma_wait3A_618 = tpu.memref_squeeze %dma_wait3A_617 : memref<1x128x64xf32, #tpu.memory_space<vmem>> -> memref<128x64xf32, #tpu.memory_space<vmem>>
    %dma_wait3A_619 = arith.constant 0 : i32
    %dma_wait3A_620 = tpu.memref_slice %arg9[%dma_wait3A_613, %dma_wait3A_619] : memref<8x128xi32, #tpu.memory_space<vmem>> -> memref<1x128xi32, #tpu.memory_space<vmem>>
    %dma_wait3A_621 = tpu.memref_squeeze %dma_wait3A_620 : memref<1x128xi32, #tpu.memory_space<vmem>> -> memref<128xi32, #tpu.memory_space<vmem>>
    %dma_wait3A_622 = arith.constant 0 : i32
    %dma_wait3A_623 = arith.constant 0 : i32
    %dma_wait3A_624 = tpu.memref_slice %arg4[%dma_wait3A_622, %dma_wait3A_623] : memref<4096x64xf32, #tpu.memory_space<hbm>> -> memref<4096x64xf32, #tpu.memory_space<hbm>>
    tpu.wait_indirect_dma semaphore(%arg17 : memref<!tpu.dma_semaphore, #tpu.memory_space<semaphore_mem>>) src(%dma_wait3A_624 : memref<4096x64xf32, #tpu.memory_space<hbm>>) dst(%dma_wait3A_618 : memref<128x64xf32, #tpu.memory_space<vmem>>)
    %dma_wait3A_625 = arith.constant 4 : i32
    %dma_wait3A_626 = arith.constant 0 : i32
    %dma_wait3A_627 = arith.constant 0 : i32
    %dma_wait3A_628 = arith.constant 0 : i32
    %dma_wait3A_629 = tpu.memref_slice %arg13[%dma_wait3A_626, %dma_wait3A_627, %dma_wait3A_628] : memref<2x64x64xf32, #tpu.memory_space<vmem>> -> memref<1x64x64xf32, #tpu.memory_space<vmem>>
    %dma_wait3A_630 = tpu.memref_squeeze %dma_wait3A_629 : memref<1x64x64xf32, #tpu.memory_space<vmem>> -> memref<64x64xf32, #tpu.memory_space<vmem>>
    %dma_wait3A_631 = arith.constant 0 : i32
    %dma_wait3A_632 = tpu.memref_slice %arg10[%dma_wait3A_625, %dma_wait3A_631] : memref<8x64xi32, #tpu.memory_space<vmem>> -> memref<1x64xi32, #tpu.memory_space<vmem>>
    %dma_wait3A_633 = tpu.memref_squeeze %dma_wait3A_632 : memref<1x64xi32, #tpu.memory_space<vmem>> -> memref<64xi32, #tpu.memory_space<vmem>>
    %dma_wait3A_634 = arith.constant 0 : i32
    %dma_wait3A_635 = arith.constant 0 : i32
    %dma_wait3A_636 = tpu.memref_slice %arg3[%dma_wait3A_634, %dma_wait3A_635] : memref<4096x64xf32, #tpu.memory_space<hbm>> -> memref<4096x64xf32, #tpu.memory_space<hbm>>
    tpu.wait_indirect_dma semaphore(%arg17 : memref<!tpu.dma_semaphore, #tpu.memory_space<semaphore_mem>>) src(%dma_wait3A_636 : memref<4096x64xf32, #tpu.memory_space<hbm>>) dst(%dma_wait3A_630 : memref<64x64xf32, #tpu.memory_space<vmem>>)
    %dma_wait3A_637 = arith.constant 1 : i32
    %dma_wait3A_638 = arith.constant 0 : i32
    %dma_wait3A_639 = arith.constant 0 : i32
    %dma_wait3A_640 = tpu.memref_slice %arg11[%dma_wait3A_637, %dma_wait3A_638, %dma_wait3A_639] : memref<2x256x64xf32, #tpu.memory_space<vmem>> -> memref<1x256x64xf32, #tpu.memory_space<vmem>>
    %dma_wait3A_641 = tpu.memref_squeeze %dma_wait3A_640 : memref<1x256x64xf32, #tpu.memory_space<vmem>> -> memref<256x64xf32, #tpu.memory_space<vmem>>
    %dma_wait3A_642 = arith.constant 0 : i32
    %dma_wait3A_643 = tpu.memref_slice %arg6[%add3A_575, %dma_wait3A_642] : memref<65536x128xf32, #tpu.memory_space<hbm>> -> memref<256x64xf32, #tpu.memory_space<hbm>>
    %dma_wait3A_644 = arith.constant 0 : i32
    %dma_wait3A_645 = tpu.memref_slice %arg6[%add3A_575, %dma_wait3A_644] : memref<65536x128xf32, #tpu.memory_space<hbm>> -> memref<256x64xf32, #tpu.memory_space<hbm>>
    %dma_wait3A_646 = arith.constant 0 : i32
    %dma_wait3A_647 = arith.constant 0 : i32
    %dma_wait3A_648 = tpu.memref_slice %arg11[%dma_wait3A_637, %dma_wait3A_646, %dma_wait3A_647] : memref<2x256x64xf32, #tpu.memory_space<vmem>> -> memref<1x256x64xf32, #tpu.memory_space<vmem>>
    %dma_wait3A_649 = tpu.memref_squeeze %dma_wait3A_648 : memref<1x256x64xf32, #tpu.memory_space<vmem>> -> memref<256x64xf32, #tpu.memory_space<vmem>>
    tpu.wait_dma2 semaphore(%arg18 : memref<!tpu.dma_semaphore, #tpu.memory_space<semaphore_mem>>) src(%dma_wait3A_649 : memref<256x64xf32, #tpu.memory_space<vmem>>) dst(%dma_wait3A_645 : memref<256x64xf32, #tpu.memory_space<hbm>>)
    %dma_start3A_650 = arith.constant 10 : i32
    %dma_start3A_651 = arith.constant 1 : i32
    %dma_start3A_652 = arith.constant 0 : i32
    %dma_start3A_653 = arith.constant 0 : i32
    %dma_start3A_654 = tpu.memref_slice %arg11[%dma_start3A_651, %dma_start3A_652, %dma_start3A_653] : memref<2x256x64xf32, #tpu.memory_space<vmem>> -> memref<1x128x64xf32, #tpu.memory_space<vmem>>
    %dma_start3A_655 = tpu.memref_squeeze %dma_start3A_654 : memref<1x128x64xf32, #tpu.memory_space<vmem>> -> memref<128x64xf32, #tpu.memory_space<vmem>>
    %dma_start3A_656 = arith.constant 0 : i32
    %dma_start3A_657 = tpu.memref_slice %arg8[%dma_start3A_650, %dma_start3A_656] : memref<16x128xi32, #tpu.memory_space<vmem>> -> memref<1x128xi32, #tpu.memory_space<vmem>>
    %dma_start3A_658 = tpu.memref_squeeze %dma_start3A_657 : memref<1x128xi32, #tpu.memory_space<vmem>> -> memref<128xi32, #tpu.memory_space<vmem>>
    %dma_start3A_659 = arith.constant 0 : i32
    %dma_start3A_660 = arith.constant 0 : i32
    %dma_start3A_661 = tpu.memref_slice %arg5[%dma_start3A_659, %dma_start3A_660] : memref<4096x64xf32, #tpu.memory_space<hbm>> -> memref<4096x64xf32, #tpu.memory_space<hbm>>
    tpu.enqueue_indirect_dma source(%dma_start3A_661 : memref<4096x64xf32, #tpu.memory_space<hbm>>) target(%dma_start3A_655 : memref<128x64xf32, #tpu.memory_space<vmem>>) offsets(%dma_start3A_658 : memref<128xi32, #tpu.memory_space<vmem>>) semaphore(%arg16 : memref<!tpu.dma_semaphore, #tpu.memory_space<semaphore_mem>>)
    %dma_start3A_662 = arith.constant 11 : i32
    %dma_start3A_663 = arith.constant 1 : i32
    %dma_start3A_664 = arith.constant 128 : i32
    %dma_start3A_665 = arith.constant 0 : i32
    %dma_start3A_666 = tpu.memref_slice %arg11[%dma_start3A_663, %dma_start3A_664, %dma_start3A_665] : memref<2x256x64xf32, #tpu.memory_space<vmem>> -> memref<1x128x64xf32, #tpu.memory_space<vmem>>
    %dma_start3A_667 = tpu.memref_squeeze %dma_start3A_666 : memref<1x128x64xf32, #tpu.memory_space<vmem>> -> memref<128x64xf32, #tpu.memory_space<vmem>>
    %dma_start3A_668 = arith.constant 0 : i32
    %dma_start3A_669 = tpu.memref_slice %arg8[%dma_start3A_662, %dma_start3A_668] : memref<16x128xi32, #tpu.memory_space<vmem>> -> memref<1x128xi32, #tpu.memory_space<vmem>>
    %dma_start3A_670 = tpu.memref_squeeze %dma_start3A_669 : memref<1x128xi32, #tpu.memory_space<vmem>> -> memref<128xi32, #tpu.memory_space<vmem>>
    %dma_start3A_671 = arith.constant 0 : i32
    %dma_start3A_672 = arith.constant 0 : i32
    %dma_start3A_673 = tpu.memref_slice %arg5[%dma_start3A_671, %dma_start3A_672] : memref<4096x64xf32, #tpu.memory_space<hbm>> -> memref<4096x64xf32, #tpu.memory_space<hbm>>
    tpu.enqueue_indirect_dma source(%dma_start3A_673 : memref<4096x64xf32, #tpu.memory_space<hbm>>) target(%dma_start3A_667 : memref<128x64xf32, #tpu.memory_space<vmem>>) offsets(%dma_start3A_670 : memref<128xi32, #tpu.memory_space<vmem>>) semaphore(%arg16 : memref<!tpu.dma_semaphore, #tpu.memory_space<semaphore_mem>>)
    %dma_start3A_674 = arith.constant 5 : i32
    %dma_start3A_675 = arith.constant 1 : i32
    %dma_start3A_676 = arith.constant 0 : i32
    %dma_start3A_677 = arith.constant 0 : i32
    %dma_start3A_678 = tpu.memref_slice %arg12[%dma_start3A_675, %dma_start3A_676, %dma_start3A_677] : memref<2x128x64xf32, #tpu.memory_space<vmem>> -> memref<1x128x64xf32, #tpu.memory_space<vmem>>
    %dma_start3A_679 = tpu.memref_squeeze %dma_start3A_678 : memref<1x128x64xf32, #tpu.memory_space<vmem>> -> memref<128x64xf32, #tpu.memory_space<vmem>>
    %dma_start3A_680 = arith.constant 0 : i32
    %dma_start3A_681 = tpu.memref_slice %arg9[%dma_start3A_674, %dma_start3A_680] : memref<8x128xi32, #tpu.memory_space<vmem>> -> memref<1x128xi32, #tpu.memory_space<vmem>>
    %dma_start3A_682 = tpu.memref_squeeze %dma_start3A_681 : memref<1x128xi32, #tpu.memory_space<vmem>> -> memref<128xi32, #tpu.memory_space<vmem>>
    %dma_start3A_683 = arith.constant 0 : i32
    %dma_start3A_684 = arith.constant 0 : i32
    %dma_start3A_685 = tpu.memref_slice %arg4[%dma_start3A_683, %dma_start3A_684] : memref<4096x64xf32, #tpu.memory_space<hbm>> -> memref<4096x64xf32, #tpu.memory_space<hbm>>
    tpu.enqueue_indirect_dma source(%dma_start3A_685 : memref<4096x64xf32, #tpu.memory_space<hbm>>) target(%dma_start3A_679 : memref<128x64xf32, #tpu.memory_space<vmem>>) offsets(%dma_start3A_682 : memref<128xi32, #tpu.memory_space<vmem>>) semaphore(%arg17 : memref<!tpu.dma_semaphore, #tpu.memory_space<semaphore_mem>>)
    %dma_start3A_686 = arith.constant 5 : i32
    %dma_start3A_687 = arith.constant 1 : i32
    %dma_start3A_688 = arith.constant 0 : i32
    %dma_start3A_689 = arith.constant 0 : i32
    %dma_start3A_690 = tpu.memref_slice %arg13[%dma_start3A_687, %dma_start3A_688, %dma_start3A_689] : memref<2x64x64xf32, #tpu.memory_space<vmem>> -> memref<1x64x64xf32, #tpu.memory_space<vmem>>
    %dma_start3A_691 = tpu.memref_squeeze %dma_start3A_690 : memref<1x64x64xf32, #tpu.memory_space<vmem>> -> memref<64x64xf32, #tpu.memory_space<vmem>>
    %dma_start3A_692 = arith.constant 0 : i32
    %dma_start3A_693 = tpu.memref_slice %arg10[%dma_start3A_686, %dma_start3A_692] : memref<8x64xi32, #tpu.memory_space<vmem>> -> memref<1x64xi32, #tpu.memory_space<vmem>>
    %dma_start3A_694 = tpu.memref_squeeze %dma_start3A_693 : memref<1x64xi32, #tpu.memory_space<vmem>> -> memref<64xi32, #tpu.memory_space<vmem>>
    %dma_start3A_695 = arith.constant 0 : i32
    %dma_start3A_696 = arith.constant 0 : i32
    %dma_start3A_697 = tpu.memref_slice %arg3[%dma_start3A_695, %dma_start3A_696] : memref<4096x64xf32, #tpu.memory_space<hbm>> -> memref<4096x64xf32, #tpu.memory_space<hbm>>
    tpu.enqueue_indirect_dma source(%dma_start3A_697 : memref<4096x64xf32, #tpu.memory_space<hbm>>) target(%dma_start3A_691 : memref<64x64xf32, #tpu.memory_space<vmem>>) offsets(%dma_start3A_694 : memref<64xi32, #tpu.memory_space<vmem>>) semaphore(%arg17 : memref<!tpu.dma_semaphore, #tpu.memory_space<semaphore_mem>>)
    %scan3A_698 = arith.constant 0 : i32
    %scan3A_699 = arith.constant 0 : i32
    %scan3A_700 = arith.constant 64 : i32
    %scan3A_701 = arith.addi %scan3A_699, %scan3A_700 : i32
    %scan3A_702 = arith.constant 1 : i32
    scf.for %scan3A_1082 = %scan3A_699 to %scan3A_701 step %scan3A_702  : i32 {
      %get3A = arith.constant 0 : i32
      %get3A_1083 = arith.index_cast %get3A : i32 to index
      %get3A_1084 = arith.index_cast %scan3A_1082 : i32 to index
      %get3A_1085 = arith.constant 0 : index
      %get3A_1086 = tpu.vector_load %arg13[%get3A_1083, %get3A_1084, %get3A_1085] {strides = array<i32>} : memref<2x64x64xf32, #tpu.memory_space<vmem>>, vector<16xf32>,
      %get3A_1087 = arith.constant 0 : i32
      %get3A_1088 = arith.index_cast %get3A_1087 : i32 to index
      %get3A_1089 = arith.index_cast %scan3A_1082 : i32 to index
      %get3A_1090 = arith.constant 16 : index
      %get3A_1091 = tpu.vector_load %arg13[%get3A_1088, %get3A_1089, %get3A_1090] {strides = array<i32>} : memref<2x64x64xf32, #tpu.memory_space<vmem>>, vector<16xf32>,
      %get3A_1092 = arith.constant 0 : i32
      %get3A_1093 = arith.index_cast %get3A_1092 : i32 to index
      %get3A_1094 = arith.index_cast %scan3A_1082 : i32 to index
      %get3A_1095 = arith.constant 32 : index
      %get3A_1096 = tpu.vector_load %arg13[%get3A_1093, %get3A_1094, %get3A_1095] {strides = array<i32>} : memref<2x64x64xf32, #tpu.memory_space<vmem>>, vector<16xf32>,
      %get3A_1097 = arith.constant 0 : i32
      %get3A_1098 = arith.index_cast %get3A_1097 : i32 to index
      %get3A_1099 = arith.index_cast %scan3A_1082 : i32 to index
      %get3A_1100 = arith.constant 48 : index
      %get3A_1101 = tpu.vector_load %arg13[%get3A_1098, %get3A_1099, %get3A_1100] {strides = array<i32>} : memref<2x64x64xf32, #tpu.memory_space<vmem>>, vector<16xf32>,
      %mul3A_1102 = arith.constant 2 : i32
      %mul3A_1103 = arith.muli %mul3A_1102, %scan3A_1082 : i32
      %add3A_1104 = arith.constant 0 : i32
      %add3A_1105 = arith.addi %mul3A_1103, %add3A_1104 : i32
      %get3A_1106 = arith.constant 0 : i32
      %get3A_1107 = arith.index_cast %get3A_1106 : i32 to index
      %get3A_1108 = arith.index_cast %add3A_1105 : i32 to index
      %get3A_1109 = arith.constant 0 : index
      %get3A_1110 = tpu.vector_load %arg12[%get3A_1107, %get3A_1108, %get3A_1109] {strides = array<i32>} : memref<2x128x64xf32, #tpu.memory_space<vmem>>, vector<16xf32>,
      %add3A_1111 = arith.addf %get3A_1086, %get3A_1110 : vector<16xf32>
      %mul3A_1112 = arith.constant 2 : i32
      %mul3A_1113 = arith.muli %mul3A_1112, %scan3A_1082 : i32
      %add3A_1114 = arith.constant 0 : i32
      %add3A_1115 = arith.addi %mul3A_1113, %add3A_1114 : i32
      %get3A_1116 = arith.constant 0 : i32
      %get3A_1117 = arith.index_cast %get3A_1116 : i32 to index
      %get3A_1118 = arith.index_cast %add3A_1115 : i32 to index
      %get3A_1119 = arith.constant 16 : index
      %get3A_1120 = tpu.vector_load %arg12[%get3A_1117, %get3A_1118, %get3A_1119] {strides = array<i32>} : memref<2x128x64xf32, #tpu.memory_space<vmem>>, vector<16xf32>,
      %add3A_1121 = arith.addf %get3A_1091, %get3A_1120 : vector<16xf32>
      %mul3A_1122 = arith.constant 2 : i32
      %mul3A_1123 = arith.muli %mul3A_1122, %scan3A_1082 : i32
      %add3A_1124 = arith.constant 0 : i32
      %add3A_1125 = arith.addi %mul3A_1123, %add3A_1124 : i32
      %get3A_1126 = arith.constant 0 : i32
      %get3A_1127 = arith.index_cast %get3A_1126 : i32 to index
      %get3A_1128 = arith.index_cast %add3A_1125 : i32 to index
      %get3A_1129 = arith.constant 32 : index
      %get3A_1130 = tpu.vector_load %arg12[%get3A_1127, %get3A_1128, %get3A_1129] {strides = array<i32>} : memref<2x128x64xf32, #tpu.memory_space<vmem>>, vector<16xf32>,
      %add3A_1131 = arith.addf %get3A_1096, %get3A_1130 : vector<16xf32>
      %mul3A_1132 = arith.constant 2 : i32
      %mul3A_1133 = arith.muli %mul3A_1132, %scan3A_1082 : i32
      %add3A_1134 = arith.constant 0 : i32
      %add3A_1135 = arith.addi %mul3A_1133, %add3A_1134 : i32
      %get3A_1136 = arith.constant 0 : i32
      %get3A_1137 = arith.index_cast %get3A_1136 : i32 to index
      %get3A_1138 = arith.index_cast %add3A_1135 : i32 to index
      %get3A_1139 = arith.constant 48 : index
      %get3A_1140 = tpu.vector_load %arg12[%get3A_1137, %get3A_1138, %get3A_1139] {strides = array<i32>} : memref<2x128x64xf32, #tpu.memory_space<vmem>>, vector<16xf32>,
      %add3A_1141 = arith.addf %get3A_1101, %get3A_1140 : vector<16xf32>
      %mul3A_1142 = arith.constant 4 : i32
      %mul3A_1143 = arith.muli %mul3A_1142, %scan3A_1082 : i32
      %add3A_1144 = arith.constant 0 : i32
      %add3A_1145 = arith.addi %mul3A_1143, %add3A_1144 : i32
      %add3A_1146 = arith.constant 0 : i32
      %add3A_1147 = arith.addi %add3A_1145, %add3A_1146 : i32
      %swap3A = arith.constant 0 : i32
      %swap3A_1148 = arith.index_cast %swap3A : i32 to index
      %swap3A_1149 = arith.index_cast %add3A_1147 : i32 to index
      %swap3A_1150 = arith.constant 0 : index
      %swap3A_1151 = tpu.vector_load %arg11[%swap3A_1148, %swap3A_1149, %swap3A_1150] {strides = array<i32>} : memref<2x256x64xf32, #tpu.memory_space<vmem>>, vector<16xf32>,
      tpu.vector_store %arg11[%swap3A_1148, %swap3A_1149, %swap3A_1150], %add3A_1111 {add = true, strides = array<i32>} : memref<2x256x64xf32, #tpu.memory_space<vmem>>, vector<16xf32>,
      %swap3A_1152 = arith.constant 0 : i32
      %swap3A_1153 = arith.index_cast %swap3A_1152 : i32 to index
      %swap3A_1154 = arith.index_cast %add3A_1147 : i32 to index
      %swap3A_1155 = arith.constant 16 : index
      %swap3A_1156 = tpu.vector_load %arg11[%swap3A_1153, %swap3A_1154, %swap3A_1155] {strides = array<i32>} : memref<2x256x64xf32, #tpu.memory_space<vmem>>, vector<16xf32>,
      tpu.vector_store %arg11[%swap3A_1153, %swap3A_1154, %swap3A_1155], %add3A_1121 {add = true, strides = array<i32>} : memref<2x256x64xf32, #tpu.memory_space<vmem>>, vector<16xf32>,
      %swap3A_1157 = arith.constant 0 : i32
      %swap3A_1158 = arith.index_cast %swap3A_1157 : i32 to index
      %swap3A_1159 = arith.index_cast %add3A_1147 : i32 to index
      %swap3A_1160 = arith.constant 32 : index
      %swap3A_1161 = tpu.vector_load %arg11[%swap3A_1158, %swap3A_1159, %swap3A_1160] {strides = array<i32>} : memref<2x256x64xf32, #tpu.memory_space<vmem>>, vector<16xf32>,
      tpu.vector_store %arg11[%swap3A_1158, %swap3A_1159, %swap3A_1160], %add3A_1131 {add = true, strides = array<i32>} : memref<2x256x64xf32, #tpu.memory_space<vmem>>, vector<16xf32>,
      %swap3A_1162 = arith.constant 0 : i32
      %swap3A_1163 = arith.index_cast %swap3A_1162 : i32 to index
      %swap3A_1164 = arith.index_cast %add3A_1147 : i32 to index
      %swap3A_1165 = arith.constant 48 : index
      %swap3A_1166 = tpu.vector_load %arg11[%swap3A_1163, %swap3A_1164, %swap3A_1165] {strides = array<i32>} : memref<2x256x64xf32, #tpu.memory_space<vmem>>, vector<16xf32>,
      tpu.vector_store %arg11[%swap3A_1163, %swap3A_1164, %swap3A_1165], %add3A_1141 {add = true, strides = array<i32>} : memref<2x256x64xf32, #tpu.memory_space<vmem>>, vector<16xf32>,
      %mul3A_1167 = arith.constant 4 : i32
      %mul3A_1168 = arith.muli %mul3A_1167, %scan3A_1082 : i32
      %add3A_1169 = arith.constant 0 : i32
      %add3A_1170 = arith.addi %mul3A_1168, %add3A_1169 : i32
      %add3A_1171 = arith.constant 1 : i32
      %add3A_1172 = arith.addi %add3A_1170, %add3A_1171 : i32
      %swap3A_1173 = arith.constant 0 : i32
      %swap3A_1174 = arith.index_cast %swap3A_1173 : i32 to index
      %swap3A_1175 = arith.index_cast %add3A_1172 : i32 to index
      %swap3A_1176 = arith.constant 0 : index
      %swap3A_1177 = tpu.vector_load %arg11[%swap3A_1174, %swap3A_1175, %swap3A_1176] {strides = array<i32>} : memref<2x256x64xf32, #tpu.memory_space<vmem>>, vector<16xf32>,
      tpu.vector_store %arg11[%swap3A_1174, %swap3A_1175, %swap3A_1176], %add3A_1111 {add = true, strides = array<i32>} : memref<2x256x64xf32, #tpu.memory_space<vmem>>, vector<16xf32>,
      %swap3A_1178 = arith.constant 0 : i32
      %swap3A_1179 = arith.index_cast %swap3A_1178 : i32 to index
      %swap3A_1180 = arith.index_cast %add3A_1172 : i32 to index
      %swap3A_1181 = arith.constant 16 : index
      %swap3A_1182 = tpu.vector_load %arg11[%swap3A_1179, %swap3A_1180, %swap3A_1181] {strides = array<i32>} : memref<2x256x64xf32, #tpu.memory_space<vmem>>, vector<16xf32>,
      tpu.vector_store %arg11[%swap3A_1179, %swap3A_1180, %swap3A_1181], %add3A_1121 {add = true, strides = array<i32>} : memref<2x256x64xf32, #tpu.memory_space<vmem>>, vector<16xf32>,
      %swap3A_1183 = arith.constant 0 : i32
      %swap3A_1184 = arith.index_cast %swap3A_1183 : i32 to index
      %swap3A_1185 = arith.index_cast %add3A_1172 : i32 to index
      %swap3A_1186 = arith.constant 32 : index
      %swap3A_1187 = tpu.vector_load %arg11[%swap3A_1184, %swap3A_1185, %swap3A_1186] {strides = array<i32>} : memref<2x256x64xf32, #tpu.memory_space<vmem>>, vector<16xf32>,
      tpu.vector_store %arg11[%swap3A_1184, %swap3A_1185, %swap3A_1186], %add3A_1131 {add = true, strides = array<i32>} : memref<2x256x64xf32, #tpu.memory_space<vmem>>, vector<16xf32>,
      %swap3A_1188 = arith.constant 0 : i32
      %swap3A_1189 = arith.index_cast %swap3A_1188 : i32 to index
      %swap3A_1190 = arith.index_cast %add3A_1172 : i32 to index
      %swap3A_1191 = arith.constant 48 : index
      %swap3A_1192 = tpu.vector_load %arg11[%swap3A_1189, %swap3A_1190, %swap3A_1191] {strides = array<i32>} : memref<2x256x64xf32, #tpu.memory_space<vmem>>, vector<16xf32>,
      tpu.vector_store %arg11[%swap3A_1189, %swap3A_1190, %swap3A_1191], %add3A_1141 {add = true, strides = array<i32>} : memref<2x256x64xf32, #tpu.memory_space<vmem>>, vector<16xf32>,
      %mul3A_1193 = arith.constant 2 : i32
      %mul3A_1194 = arith.muli %mul3A_1193, %scan3A_1082 : i32
      %add3A_1195 = arith.constant 1 : i32
      %add3A_1196 = arith.addi %mul3A_1194, %add3A_1195 : i32
      %get3A_1197 = arith.constant 0 : i32
      %get3A_1198 = arith.index_cast %get3A_1197 : i32 to index
      %get3A_1199 = arith.index_cast %add3A_1196 : i32 to index
      %get3A_1200 = arith.constant 0 : index
      %get3A_1201 = tpu.vector_load %arg12[%get3A_1198, %get3A_1199, %get3A_1200] {strides = array<i32>} : memref<2x128x64xf32, #tpu.memory_space<vmem>>, vector<16xf32>,
      %add3A_1202 = arith.addf %get3A_1086, %get3A_1201 : vector<16xf32>
      %mul3A_1203 = arith.constant 2 : i32
      %mul3A_1204 = arith.muli %mul3A_1203, %scan3A_1082 : i32
      %add3A_1205 = arith.constant 1 : i32
      %add3A_1206 = arith.addi %mul3A_1204, %add3A_1205 : i32
      %get3A_1207 = arith.constant 0 : i32
      %get3A_1208 = arith.index_cast %get3A_1207 : i32 to index
      %get3A_1209 = arith.index_cast %add3A_1206 : i32 to index
      %get3A_1210 = arith.constant 16 : index
      %get3A_1211 = tpu.vector_load %arg12[%get3A_1208, %get3A_1209, %get3A_1210] {strides = array<i32>} : memref<2x128x64xf32, #tpu.memory_space<vmem>>, vector<16xf32>,
      %add3A_1212 = arith.addf %get3A_1091, %get3A_1211 : vector<16xf32>
      %mul3A_1213 = arith.constant 2 : i32
      %mul3A_1214 = arith.muli %mul3A_1213, %scan3A_1082 : i32
      %add3A_1215 = arith.constant 1 : i32
      %add3A_1216 = arith.addi %mul3A_1214, %add3A_1215 : i32
      %get3A_1217 = arith.constant 0 : i32
      %get3A_1218 = arith.index_cast %get3A_1217 : i32 to index
      %get3A_1219 = arith.index_cast %add3A_1216 : i32 to index
      %get3A_1220 = arith.constant 32 : index
      %get3A_1221 = tpu.vector_load %arg12[%get3A_1218, %get3A_1219, %get3A_1220] {strides = array<i32>} : memref<2x128x64xf32, #tpu.memory_space<vmem>>, vector<16xf32>,
      %add3A_1222 = arith.addf %get3A_1096, %get3A_1221 : vector<16xf32>
      %mul3A_1223 = arith.constant 2 : i32
      %mul3A_1224 = arith.muli %mul3A_1223, %scan3A_1082 : i32
      %add3A_1225 = arith.constant 1 : i32
      %add3A_1226 = arith.addi %mul3A_1224, %add3A_1225 : i32
      %get3A_1227 = arith.constant 0 : i32
      %get3A_1228 = arith.index_cast %get3A_1227 : i32 to index
      %get3A_1229 = arith.index_cast %add3A_1226 : i32 to index
      %get3A_1230 = arith.constant 48 : index
      %get3A_1231 = tpu.vector_load %arg12[%get3A_1228, %get3A_1229, %get3A_1230] {strides = array<i32>} : memref<2x128x64xf32, #tpu.memory_space<vmem>>, vector<16xf32>,
      %add3A_1232 = arith.addf %get3A_1101, %get3A_1231 : vector<16xf32>
      %mul3A_1233 = arith.constant 4 : i32
      %mul3A_1234 = arith.muli %mul3A_1233, %scan3A_1082 : i32
      %add3A_1235 = arith.constant 2 : i32
      %add3A_1236 = arith.addi %mul3A_1234, %add3A_1235 : i32
      %add3A_1237 = arith.constant 0 : i32
      %add3A_1238 = arith.addi %add3A_1236, %add3A_1237 : i32
      %swap3A_1239 = arith.constant 0 : i32
      %swap3A_1240 = arith.index_cast %swap3A_1239 : i32 to index
      %swap3A_1241 = arith.index_cast %add3A_1238 : i32 to index
      %swap3A_1242 = arith.constant 0 : index
      %swap3A_1243 = tpu.vector_load %arg11[%swap3A_1240, %swap3A_1241, %swap3A_1242] {strides = array<i32>} : memref<2x256x64xf32, #tpu.memory_space<vmem>>, vector<16xf32>,
      tpu.vector_store %arg11[%swap3A_1240, %swap3A_1241, %swap3A_1242], %add3A_1202 {add = true, strides = array<i32>} : memref<2x256x64xf32, #tpu.memory_space<vmem>>, vector<16xf32>,
      %swap3A_1244 = arith.constant 0 : i32
      %swap3A_1245 = arith.index_cast %swap3A_1244 : i32 to index
      %swap3A_1246 = arith.index_cast %add3A_1238 : i32 to index
      %swap3A_1247 = arith.constant 16 : index
      %swap3A_1248 = tpu.vector_load %arg11[%swap3A_1245, %swap3A_1246, %swap3A_1247] {strides = array<i32>} : memref<2x256x64xf32, #tpu.memory_space<vmem>>, vector<16xf32>,
      tpu.vector_store %arg11[%swap3A_1245, %swap3A_1246, %swap3A_1247], %add3A_1212 {add = true, strides = array<i32>} : memref<2x256x64xf32, #tpu.memory_space<vmem>>, vector<16xf32>,
      %swap3A_1249 = arith.constant 0 : i32
      %swap3A_1250 = arith.index_cast %swap3A_1249 : i32 to index
      %swap3A_1251 = arith.index_cast %add3A_1238 : i32 to index
      %swap3A_1252 = arith.constant 32 : index
      %swap3A_1253 = tpu.vector_load %arg11[%swap3A_1250, %swap3A_1251, %swap3A_1252] {strides = array<i32>} : memref<2x256x64xf32, #tpu.memory_space<vmem>>, vector<16xf32>,
      tpu.vector_store %arg11[%swap3A_1250, %swap3A_1251, %swap3A_1252], %add3A_1222 {add = true, strides = array<i32>} : memref<2x256x64xf32, #tpu.memory_space<vmem>>, vector<16xf32>,
      %swap3A_1254 = arith.constant 0 : i32
      %swap3A_1255 = arith.index_cast %swap3A_1254 : i32 to index
      %swap3A_1256 = arith.index_cast %add3A_1238 : i32 to index
      %swap3A_1257 = arith.constant 48 : index
      %swap3A_1258 = tpu.vector_load %arg11[%swap3A_1255, %swap3A_1256, %swap3A_1257] {strides = array<i32>} : memref<2x256x64xf32, #tpu.memory_space<vmem>>, vector<16xf32>,
      tpu.vector_store %arg11[%swap3A_1255, %swap3A_1256, %swap3A_1257], %add3A_1232 {add = true, strides = array<i32>} : memref<2x256x64xf32, #tpu.memory_space<vmem>>, vector<16xf32>,
      %mul3A_1259 = arith.constant 4 : i32
      %mul3A_1260 = arith.muli %mul3A_1259, %scan3A_1082 : i32
      %add3A_1261 = arith.constant 2 : i32
      %add3A_1262 = arith.addi %mul3A_1260, %add3A_1261 : i32
      %add3A_1263 = arith.constant 1 : i32
      %add3A_1264 = arith.addi %add3A_1262, %add3A_1263 : i32
      %swap3A_1265 = arith.constant 0 : i32
      %swap3A_1266 = arith.index_cast %swap3A_1265 : i32 to index
      %swap3A_1267 = arith.index_cast %add3A_1264 : i32 to index
      %swap3A_1268 = arith.constant 0 : index
      %swap3A_1269 = tpu.vector_load %arg11[%swap3A_1266, %swap3A_1267, %swap3A_1268] {strides = array<i32>} : memref<2x256x64xf32, #tpu.memory_space<vmem>>, vector<16xf32>,
      tpu.vector_store %arg11[%swap3A_1266, %swap3A_1267, %swap3A_1268], %add3A_1202 {add = true, strides = array<i32>} : memref<2x256x64xf32, #tpu.memory_space<vmem>>, vector<16xf32>,
      %swap3A_1270 = arith.constant 0 : i32
      %swap3A_1271 = arith.index_cast %swap3A_1270 : i32 to index
      %swap3A_1272 = arith.index_cast %add3A_1264 : i32 to index
      %swap3A_1273 = arith.constant 16 : index
      %swap3A_1274 = tpu.vector_load %arg11[%swap3A_1271, %swap3A_1272, %swap3A_1273] {strides = array<i32>} : memref<2x256x64xf32, #tpu.memory_space<vmem>>, vector<16xf32>,
      tpu.vector_store %arg11[%swap3A_1271, %swap3A_1272, %swap3A_1273], %add3A_1212 {add = true, strides = array<i32>} : memref<2x256x64xf32, #tpu.memory_space<vmem>>, vector<16xf32>,
      %swap3A_1275 = arith.constant 0 : i32
      %swap3A_1276 = arith.index_cast %swap3A_1275 : i32 to index
      %swap3A_1277 = arith.index_cast %add3A_1264 : i32 to index
      %swap3A_1278 = arith.constant 32 : index
      %swap3A_1279 = tpu.vector_load %arg11[%swap3A_1276, %swap3A_1277, %swap3A_1278] {strides = array<i32>} : memref<2x256x64xf32, #tpu.memory_space<vmem>>, vector<16xf32>,
      tpu.vector_store %arg11[%swap3A_1276, %swap3A_1277, %swap3A_1278], %add3A_1222 {add = true, strides = array<i32>} : memref<2x256x64xf32, #tpu.memory_space<vmem>>, vector<16xf32>,
      %swap3A_1280 = arith.constant 0 : i32
      %swap3A_1281 = arith.index_cast %swap3A_1280 : i32 to index
      %swap3A_1282 = arith.index_cast %add3A_1264 : i32 to index
      %swap3A_1283 = arith.constant 48 : index
      %swap3A_1284 = tpu.vector_load %arg11[%swap3A_1281, %swap3A_1282, %swap3A_1283] {strides = array<i32>} : memref<2x256x64xf32, #tpu.memory_space<vmem>>, vector<16xf32>,
      tpu.vector_store %arg11[%swap3A_1281, %swap3A_1282, %swap3A_1283], %add3A_1232 {add = true, strides = array<i32>} : memref<2x256x64xf32, #tpu.memory_space<vmem>>, vector<16xf32>,
    }
    %scan3A_703 = arith.constant 64 : i32
    %mul3A_704 = arith.constant 2048 : i32
    %mul3A_705 = arith.muli %add3A, %mul3A_704 : i32
    %add3A_706 = arith.constant 1024 : i32
    %add3A_707 = arith.addi %mul3A_705, %add3A_706 : i32
    %dma_start3A_708 = arith.constant 0 : i32
    %dma_start3A_709 = arith.constant 0 : i32
    %dma_start3A_710 = arith.constant 0 : i32
    %dma_start3A_711 = tpu.memref_slice %arg11[%dma_start3A_708, %dma_start3A_709, %dma_start3A_710] : memref<2x256x64xf32, #tpu.memory_space<vmem>> -> memref<1x256x64xf32, #tpu.memory_space<vmem>>
    %dma_start3A_712 = tpu.memref_squeeze %dma_start3A_711 : memref<1x256x64xf32, #tpu.memory_space<vmem>> -> memref<256x64xf32, #tpu.memory_space<vmem>>
    %dma_start3A_713 = arith.constant 0 : i32
    %dma_start3A_714 = tpu.memref_slice %arg6[%add3A_707, %dma_start3A_713] : memref<65536x128xf32, #tpu.memory_space<hbm>> -> memref<256x64xf32, #tpu.memory_space<hbm>>
    %dma_start3A_715 = arith.constant 0 : i32
    %dma_start3A_716 = tpu.memref_slice %arg6[%add3A_707, %dma_start3A_715] : memref<65536x128xf32, #tpu.memory_space<hbm>> -> memref<256x64xf32, #tpu.memory_space<hbm>>
    %dma_start3A_717 = arith.constant 0 : i32
    %dma_start3A_718 = arith.constant 0 : i32
    %dma_start3A_719 = tpu.memref_slice %arg11[%dma_start3A_708, %dma_start3A_717, %dma_start3A_718] : memref<2x256x64xf32, #tpu.memory_space<vmem>> -> memref<1x256x64xf32, #tpu.memory_space<vmem>>
    %dma_start3A_720 = tpu.memref_squeeze %dma_start3A_719 : memref<1x256x64xf32, #tpu.memory_space<vmem>> -> memref<256x64xf32, #tpu.memory_space<vmem>>
    tpu.enqueue_dma source(%dma_start3A_720 : memref<256x64xf32, #tpu.memory_space<vmem>>) target(%dma_start3A_716 : memref<256x64xf32, #tpu.memory_space<hbm>>) target_semaphore(%arg18 : memref<!tpu.dma_semaphore, #tpu.memory_space<semaphore_mem>>)
    %dma_wait3A_721 = arith.constant 10 : i32
    %dma_wait3A_722 = arith.constant 1 : i32
    %dma_wait3A_723 = arith.constant 0 : i32
    %dma_wait3A_724 = arith.constant 0 : i32
    %dma_wait3A_725 = tpu.memref_slice %arg11[%dma_wait3A_722, %dma_wait3A_723, %dma_wait3A_724] : memref<2x256x64xf32, #tpu.memory_space<vmem>> -> memref<1x128x64xf32, #tpu.memory_space<vmem>>
    %dma_wait3A_726 = tpu.memref_squeeze %dma_wait3A_725 : memref<1x128x64xf32, #tpu.memory_space<vmem>> -> memref<128x64xf32, #tpu.memory_space<vmem>>
    %dma_wait3A_727 = arith.constant 0 : i32
    %dma_wait3A_728 = tpu.memref_slice %arg8[%dma_wait3A_721, %dma_wait3A_727] : memref<16x128xi32, #tpu.memory_space<vmem>> -> memref<1x128xi32, #tpu.memory_space<vmem>>
    %dma_wait3A_729 = tpu.memref_squeeze %dma_wait3A_728 : memref<1x128xi32, #tpu.memory_space<vmem>> -> memref<128xi32, #tpu.memory_space<vmem>>
    %dma_wait3A_730 = arith.constant 0 : i32
    %dma_wait3A_731 = arith.constant 0 : i32
    %dma_wait3A_732 = tpu.memref_slice %arg5[%dma_wait3A_730, %dma_wait3A_731] : memref<4096x64xf32, #tpu.memory_space<hbm>> -> memref<4096x64xf32, #tpu.memory_space<hbm>>
    tpu.wait_indirect_dma semaphore(%arg16 : memref<!tpu.dma_semaphore, #tpu.memory_space<semaphore_mem>>) src(%dma_wait3A_732 : memref<4096x64xf32, #tpu.memory_space<hbm>>) dst(%dma_wait3A_726 : memref<128x64xf32, #tpu.memory_space<vmem>>)
    %dma_wait3A_733 = arith.constant 11 : i32
    %dma_wait3A_734 = arith.constant 1 : i32
    %dma_wait3A_735 = arith.constant 128 : i32
    %dma_wait3A_736 = arith.constant 0 : i32
    %dma_wait3A_737 = tpu.memref_slice %arg11[%dma_wait3A_734, %dma_wait3A_735, %dma_wait3A_736] : memref<2x256x64xf32, #tpu.memory_space<vmem>> -> memref<1x128x64xf32, #tpu.memory_space<vmem>>
    %dma_wait3A_738 = tpu.memref_squeeze %dma_wait3A_737 : memref<1x128x64xf32, #tpu.memory_space<vmem>> -> memref<128x64xf32, #tpu.memory_space<vmem>>
    %dma_wait3A_739 = arith.constant 0 : i32
    %dma_wait3A_740 = tpu.memref_slice %arg8[%dma_wait3A_733, %dma_wait3A_739] : memref<16x128xi32, #tpu.memory_space<vmem>> -> memref<1x128xi32, #tpu.memory_space<vmem>>
    %dma_wait3A_741 = tpu.memref_squeeze %dma_wait3A_740 : memref<1x128xi32, #tpu.memory_space<vmem>> -> memref<128xi32, #tpu.memory_space<vmem>>
    %dma_wait3A_742 = arith.constant 0 : i32
    %dma_wait3A_743 = arith.constant 0 : i32
    %dma_wait3A_744 = tpu.memref_slice %arg5[%dma_wait3A_742, %dma_wait3A_743] : memref<4096x64xf32, #tpu.memory_space<hbm>> -> memref<4096x64xf32, #tpu.memory_space<hbm>>
    tpu.wait_indirect_dma semaphore(%arg16 : memref<!tpu.dma_semaphore, #tpu.memory_space<semaphore_mem>>) src(%dma_wait3A_744 : memref<4096x64xf32, #tpu.memory_space<hbm>>) dst(%dma_wait3A_738 : memref<128x64xf32, #tpu.memory_space<vmem>>)
    %dma_wait3A_745 = arith.constant 5 : i32
    %dma_wait3A_746 = arith.constant 1 : i32
    %dma_wait3A_747 = arith.constant 0 : i32
    %dma_wait3A_748 = arith.constant 0 : i32
    %dma_wait3A_749 = tpu.memref_slice %arg12[%dma_wait3A_746, %dma_wait3A_747, %dma_wait3A_748] : memref<2x128x64xf32, #tpu.memory_space<vmem>> -> memref<1x128x64xf32, #tpu.memory_space<vmem>>
    %dma_wait3A_750 = tpu.memref_squeeze %dma_wait3A_749 : memref<1x128x64xf32, #tpu.memory_space<vmem>> -> memref<128x64xf32, #tpu.memory_space<vmem>>
    %dma_wait3A_751 = arith.constant 0 : i32
    %dma_wait3A_752 = tpu.memref_slice %arg9[%dma_wait3A_745, %dma_wait3A_751] : memref<8x128xi32, #tpu.memory_space<vmem>> -> memref<1x128xi32, #tpu.memory_space<vmem>>
    %dma_wait3A_753 = tpu.memref_squeeze %dma_wait3A_752 : memref<1x128xi32, #tpu.memory_space<vmem>> -> memref<128xi32, #tpu.memory_space<vmem>>
    %dma_wait3A_754 = arith.constant 0 : i32
    %dma_wait3A_755 = arith.constant 0 : i32
    %dma_wait3A_756 = tpu.memref_slice %arg4[%dma_wait3A_754, %dma_wait3A_755] : memref<4096x64xf32, #tpu.memory_space<hbm>> -> memref<4096x64xf32, #tpu.memory_space<hbm>>
    tpu.wait_indirect_dma semaphore(%arg17 : memref<!tpu.dma_semaphore, #tpu.memory_space<semaphore_mem>>) src(%dma_wait3A_756 : memref<4096x64xf32, #tpu.memory_space<hbm>>) dst(%dma_wait3A_750 : memref<128x64xf32, #tpu.memory_space<vmem>>)
    %dma_wait3A_757 = arith.constant 5 : i32
    %dma_wait3A_758 = arith.constant 1 : i32
    %dma_wait3A_759 = arith.constant 0 : i32
    %dma_wait3A_760 = arith.constant 0 : i32
    %dma_wait3A_761 = tpu.memref_slice %arg13[%dma_wait3A_758, %dma_wait3A_759, %dma_wait3A_760] : memref<2x64x64xf32, #tpu.memory_space<vmem>> -> memref<1x64x64xf32, #tpu.memory_space<vmem>>
    %dma_wait3A_762 = tpu.memref_squeeze %dma_wait3A_761 : memref<1x64x64xf32, #tpu.memory_space<vmem>> -> memref<64x64xf32, #tpu.memory_space<vmem>>
    %dma_wait3A_763 = arith.constant 0 : i32
    %dma_wait3A_764 = tpu.memref_slice %arg10[%dma_wait3A_757, %dma_wait3A_763] : memref<8x64xi32, #tpu.memory_space<vmem>> -> memref<1x64xi32, #tpu.memory_space<vmem>>
    %dma_wait3A_765 = tpu.memref_squeeze %dma_wait3A_764 : memref<1x64xi32, #tpu.memory_space<vmem>> -> memref<64xi32, #tpu.memory_space<vmem>>
    %dma_wait3A_766 = arith.constant 0 : i32
    %dma_wait3A_767 = arith.constant 0 : i32
    %dma_wait3A_768 = tpu.memref_slice %arg3[%dma_wait3A_766, %dma_wait3A_767] : memref<4096x64xf32, #tpu.memory_space<hbm>> -> memref<4096x64xf32, #tpu.memory_space<hbm>>
    tpu.wait_indirect_dma semaphore(%arg17 : memref<!tpu.dma_semaphore, #tpu.memory_space<semaphore_mem>>) src(%dma_wait3A_768 : memref<4096x64xf32, #tpu.memory_space<hbm>>) dst(%dma_wait3A_762 : memref<64x64xf32, #tpu.memory_space<vmem>>)
    %dma_wait3A_769 = arith.constant 0 : i32
    %dma_wait3A_770 = arith.constant 0 : i32
    %dma_wait3A_771 = arith.constant 0 : i32
    %dma_wait3A_772 = tpu.memref_slice %arg11[%dma_wait3A_769, %dma_wait3A_770, %dma_wait3A_771] : memref<2x256x64xf32, #tpu.memory_space<vmem>> -> memref<1x256x64xf32, #tpu.memory_space<vmem>>
    %dma_wait3A_773 = tpu.memref_squeeze %dma_wait3A_772 : memref<1x256x64xf32, #tpu.memory_space<vmem>> -> memref<256x64xf32, #tpu.memory_space<vmem>>
    %dma_wait3A_774 = arith.constant 0 : i32
    %dma_wait3A_775 = tpu.memref_slice %arg6[%add3A_707, %dma_wait3A_774] : memref<65536x128xf32, #tpu.memory_space<hbm>> -> memref<256x64xf32, #tpu.memory_space<hbm>>
    %dma_wait3A_776 = arith.constant 0 : i32
    %dma_wait3A_777 = tpu.memref_slice %arg6[%add3A_707, %dma_wait3A_776] : memref<65536x128xf32, #tpu.memory_space<hbm>> -> memref<256x64xf32, #tpu.memory_space<hbm>>
    %dma_wait3A_778 = arith.constant 0 : i32
    %dma_wait3A_779 = arith.constant 0 : i32
    %dma_wait3A_780 = tpu.memref_slice %arg11[%dma_wait3A_769, %dma_wait3A_778, %dma_wait3A_779] : memref<2x256x64xf32, #tpu.memory_space<vmem>> -> memref<1x256x64xf32, #tpu.memory_space<vmem>>
    %dma_wait3A_781 = tpu.memref_squeeze %dma_wait3A_780 : memref<1x256x64xf32, #tpu.memory_space<vmem>> -> memref<256x64xf32, #tpu.memory_space<vmem>>
    tpu.wait_dma2 semaphore(%arg18 : memref<!tpu.dma_semaphore, #tpu.memory_space<semaphore_mem>>) src(%dma_wait3A_781 : memref<256x64xf32, #tpu.memory_space<vmem>>) dst(%dma_wait3A_777 : memref<256x64xf32, #tpu.memory_space<hbm>>)
    %dma_start3A_782 = arith.constant 12 : i32
    %dma_start3A_783 = arith.constant 0 : i32
    %dma_start3A_784 = arith.constant 0 : i32
    %dma_start3A_785 = arith.constant 0 : i32
    %dma_start3A_786 = tpu.memref_slice %arg11[%dma_start3A_783, %dma_start3A_784, %dma_start3A_785] : memref<2x256x64xf32, #tpu.memory_space<vmem>> -> memref<1x128x64xf32, #tpu.memory_space<vmem>>
    %dma_start3A_787 = tpu.memref_squeeze %dma_start3A_786 : memref<1x128x64xf32, #tpu.memory_space<vmem>> -> memref<128x64xf32, #tpu.memory_space<vmem>>
    %dma_start3A_788 = arith.constant 0 : i32
    %dma_start3A_789 = tpu.memref_slice %arg8[%dma_start3A_782, %dma_start3A_788] : memref<16x128xi32, #tpu.memory_space<vmem>> -> memref<1x128xi32, #tpu.memory_space<vmem>>
    %dma_start3A_790 = tpu.memref_squeeze %dma_start3A_789 : memref<1x128xi32, #tpu.memory_space<vmem>> -> memref<128xi32, #tpu.memory_space<vmem>>
    %dma_start3A_791 = arith.constant 0 : i32
    %dma_start3A_792 = arith.constant 0 : i32
    %dma_start3A_793 = tpu.memref_slice %arg5[%dma_start3A_791, %dma_start3A_792] : memref<4096x64xf32, #tpu.memory_space<hbm>> -> memref<4096x64xf32, #tpu.memory_space<hbm>>
    tpu.enqueue_indirect_dma source(%dma_start3A_793 : memref<4096x64xf32, #tpu.memory_space<hbm>>) target(%dma_start3A_787 : memref<128x64xf32, #tpu.memory_space<vmem>>) offsets(%dma_start3A_790 : memref<128xi32, #tpu.memory_space<vmem>>) semaphore(%arg15 : memref<!tpu.dma_semaphore, #tpu.memory_space<semaphore_mem>>)
    %dma_start3A_794 = arith.constant 13 : i32
    %dma_start3A_795 = arith.constant 0 : i32
    %dma_start3A_796 = arith.constant 128 : i32
    %dma_start3A_797 = arith.constant 0 : i32
    %dma_start3A_798 = tpu.memref_slice %arg11[%dma_start3A_795, %dma_start3A_796, %dma_start3A_797] : memref<2x256x64xf32, #tpu.memory_space<vmem>> -> memref<1x128x64xf32, #tpu.memory_space<vmem>>
    %dma_start3A_799 = tpu.memref_squeeze %dma_start3A_798 : memref<1x128x64xf32, #tpu.memory_space<vmem>> -> memref<128x64xf32, #tpu.memory_space<vmem>>
    %dma_start3A_800 = arith.constant 0 : i32
    %dma_start3A_801 = tpu.memref_slice %arg8[%dma_start3A_794, %dma_start3A_800] : memref<16x128xi32, #tpu.memory_space<vmem>> -> memref<1x128xi32, #tpu.memory_space<vmem>>
    %dma_start3A_802 = tpu.memref_squeeze %dma_start3A_801 : memref<1x128xi32, #tpu.memory_space<vmem>> -> memref<128xi32, #tpu.memory_space<vmem>>
    %dma_start3A_803 = arith.constant 0 : i32
    %dma_start3A_804 = arith.constant 0 : i32
    %dma_start3A_805 = tpu.memref_slice %arg5[%dma_start3A_803, %dma_start3A_804] : memref<4096x64xf32, #tpu.memory_space<hbm>> -> memref<4096x64xf32, #tpu.memory_space<hbm>>
    tpu.enqueue_indirect_dma source(%dma_start3A_805 : memref<4096x64xf32, #tpu.memory_space<hbm>>) target(%dma_start3A_799 : memref<128x64xf32, #tpu.memory_space<vmem>>) offsets(%dma_start3A_802 : memref<128xi32, #tpu.memory_space<vmem>>) semaphore(%arg15 : memref<!tpu.dma_semaphore, #tpu.memory_space<semaphore_mem>>)
    %dma_start3A_806 = arith.constant 6 : i32
    %dma_start3A_807 = arith.constant 0 : i32
    %dma_start3A_808 = arith.constant 0 : i32
    %dma_start3A_809 = arith.constant 0 : i32
    %dma_start3A_810 = tpu.memref_slice %arg12[%dma_start3A_807, %dma_start3A_808, %dma_start3A_809] : memref<2x128x64xf32, #tpu.memory_space<vmem>> -> memref<1x128x64xf32, #tpu.memory_space<vmem>>
    %dma_start3A_811 = tpu.memref_squeeze %dma_start3A_810 : memref<1x128x64xf32, #tpu.memory_space<vmem>> -> memref<128x64xf32, #tpu.memory_space<vmem>>
    %dma_start3A_812 = arith.constant 0 : i32
    %dma_start3A_813 = tpu.memref_slice %arg9[%dma_start3A_806, %dma_start3A_812] : memref<8x128xi32, #tpu.memory_space<vmem>> -> memref<1x128xi32, #tpu.memory_space<vmem>>
    %dma_start3A_814 = tpu.memref_squeeze %dma_start3A_813 : memref<1x128xi32, #tpu.memory_space<vmem>> -> memref<128xi32, #tpu.memory_space<vmem>>
    %dma_start3A_815 = arith.constant 0 : i32
    %dma_start3A_816 = arith.constant 0 : i32
    %dma_start3A_817 = tpu.memref_slice %arg4[%dma_start3A_815, %dma_start3A_816] : memref<4096x64xf32, #tpu.memory_space<hbm>> -> memref<4096x64xf32, #tpu.memory_space<hbm>>
    tpu.enqueue_indirect_dma source(%dma_start3A_817 : memref<4096x64xf32, #tpu.memory_space<hbm>>) target(%dma_start3A_811 : memref<128x64xf32, #tpu.memory_space<vmem>>) offsets(%dma_start3A_814 : memref<128xi32, #tpu.memory_space<vmem>>) semaphore(%arg17 : memref<!tpu.dma_semaphore, #tpu.memory_space<semaphore_mem>>)
    %dma_start3A_818 = arith.constant 6 : i32
    %dma_start3A_819 = arith.constant 0 : i32
    %dma_start3A_820 = arith.constant 0 : i32
    %dma_start3A_821 = arith.constant 0 : i32
    %dma_start3A_822 = tpu.memref_slice %arg13[%dma_start3A_819, %dma_start3A_820, %dma_start3A_821] : memref<2x64x64xf32, #tpu.memory_space<vmem>> -> memref<1x64x64xf32, #tpu.memory_space<vmem>>
    %dma_start3A_823 = tpu.memref_squeeze %dma_start3A_822 : memref<1x64x64xf32, #tpu.memory_space<vmem>> -> memref<64x64xf32, #tpu.memory_space<vmem>>
    %dma_start3A_824 = arith.constant 0 : i32
    %dma_start3A_825 = tpu.memref_slice %arg10[%dma_start3A_818, %dma_start3A_824] : memref<8x64xi32, #tpu.memory_space<vmem>> -> memref<1x64xi32, #tpu.memory_space<vmem>>
    %dma_start3A_826 = tpu.memref_squeeze %dma_start3A_825 : memref<1x64xi32, #tpu.memory_space<vmem>> -> memref<64xi32, #tpu.memory_space<vmem>>
    %dma_start3A_827 = arith.constant 0 : i32
    %dma_start3A_828 = arith.constant 0 : i32
    %dma_start3A_829 = tpu.memref_slice %arg3[%dma_start3A_827, %dma_start3A_828] : memref<4096x64xf32, #tpu.memory_space<hbm>> -> memref<4096x64xf32, #tpu.memory_space<hbm>>
    tpu.enqueue_indirect_dma source(%dma_start3A_829 : memref<4096x64xf32, #tpu.memory_space<hbm>>) target(%dma_start3A_823 : memref<64x64xf32, #tpu.memory_space<vmem>>) offsets(%dma_start3A_826 : memref<64xi32, #tpu.memory_space<vmem>>) semaphore(%arg17 : memref<!tpu.dma_semaphore, #tpu.memory_space<semaphore_mem>>)
    %scan3A_830 = arith.constant 0 : i32
    %scan3A_831 = arith.constant 0 : i32
    %scan3A_832 = arith.constant 64 : i32
    %scan3A_833 = arith.addi %scan3A_831, %scan3A_832 : i32
    %scan3A_834 = arith.constant 1 : i32
    scf.for %scan3A_1082 = %scan3A_831 to %scan3A_833 step %scan3A_834  : i32 {
      %get3A = arith.constant 1 : i32
      %get3A_1083 = arith.index_cast %get3A : i32 to index
      %get3A_1084 = arith.index_cast %scan3A_1082 : i32 to index
      %get3A_1085 = arith.constant 0 : index
      %get3A_1086 = tpu.vector_load %arg13[%get3A_1083, %get3A_1084, %get3A_1085] {strides = array<i32>} : memref<2x64x64xf32, #tpu.memory_space<vmem>>, vector<16xf32>,
      %get3A_1087 = arith.constant 1 : i32
      %get3A_1088 = arith.index_cast %get3A_1087 : i32 to index
      %get3A_1089 = arith.index_cast %scan3A_1082 : i32 to index
      %get3A_1090 = arith.constant 16 : index
      %get3A_1091 = tpu.vector_load %arg13[%get3A_1088, %get3A_1089, %get3A_1090] {strides = array<i32>} : memref<2x64x64xf32, #tpu.memory_space<vmem>>, vector<16xf32>,
      %get3A_1092 = arith.constant 1 : i32
      %get3A_1093 = arith.index_cast %get3A_1092 : i32 to index
      %get3A_1094 = arith.index_cast %scan3A_1082 : i32 to index
      %get3A_1095 = arith.constant 32 : index
      %get3A_1096 = tpu.vector_load %arg13[%get3A_1093, %get3A_1094, %get3A_1095] {strides = array<i32>} : memref<2x64x64xf32, #tpu.memory_space<vmem>>, vector<16xf32>,
      %get3A_1097 = arith.constant 1 : i32
      %get3A_1098 = arith.index_cast %get3A_1097 : i32 to index
      %get3A_1099 = arith.index_cast %scan3A_1082 : i32 to index
      %get3A_1100 = arith.constant 48 : index
      %get3A_1101 = tpu.vector_load %arg13[%get3A_1098, %get3A_1099, %get3A_1100] {strides = array<i32>} : memref<2x64x64xf32, #tpu.memory_space<vmem>>, vector<16xf32>,
      %mul3A_1102 = arith.constant 2 : i32
      %mul3A_1103 = arith.muli %mul3A_1102, %scan3A_1082 : i32
      %add3A_1104 = arith.constant 0 : i32
      %add3A_1105 = arith.addi %mul3A_1103, %add3A_1104 : i32
      %get3A_1106 = arith.constant 1 : i32
      %get3A_1107 = arith.index_cast %get3A_1106 : i32 to index
      %get3A_1108 = arith.index_cast %add3A_1105 : i32 to index
      %get3A_1109 = arith.constant 0 : index
      %get3A_1110 = tpu.vector_load %arg12[%get3A_1107, %get3A_1108, %get3A_1109] {strides = array<i32>} : memref<2x128x64xf32, #tpu.memory_space<vmem>>, vector<16xf32>,
      %add3A_1111 = arith.addf %get3A_1086, %get3A_1110 : vector<16xf32>
      %mul3A_1112 = arith.constant 2 : i32
      %mul3A_1113 = arith.muli %mul3A_1112, %scan3A_1082 : i32
      %add3A_1114 = arith.constant 0 : i32
      %add3A_1115 = arith.addi %mul3A_1113, %add3A_1114 : i32
      %get3A_1116 = arith.constant 1 : i32
      %get3A_1117 = arith.index_cast %get3A_1116 : i32 to index
      %get3A_1118 = arith.index_cast %add3A_1115 : i32 to index
      %get3A_1119 = arith.constant 16 : index
      %get3A_1120 = tpu.vector_load %arg12[%get3A_1117, %get3A_1118, %get3A_1119] {strides = array<i32>} : memref<2x128x64xf32, #tpu.memory_space<vmem>>, vector<16xf32>,
      %add3A_1121 = arith.addf %get3A_1091, %get3A_1120 : vector<16xf32>
      %mul3A_1122 = arith.constant 2 : i32
      %mul3A_1123 = arith.muli %mul3A_1122, %scan3A_1082 : i32
      %add3A_1124 = arith.constant 0 : i32
      %add3A_1125 = arith.addi %mul3A_1123, %add3A_1124 : i32
      %get3A_1126 = arith.constant 1 : i32
      %get3A_1127 = arith.index_cast %get3A_1126 : i32 to index
      %get3A_1128 = arith.index_cast %add3A_1125 : i32 to index
      %get3A_1129 = arith.constant 32 : index
      %get3A_1130 = tpu.vector_load %arg12[%get3A_1127, %get3A_1128, %get3A_1129] {strides = array<i32>} : memref<2x128x64xf32, #tpu.memory_space<vmem>>, vector<16xf32>,
      %add3A_1131 = arith.addf %get3A_1096, %get3A_1130 : vector<16xf32>
      %mul3A_1132 = arith.constant 2 : i32
      %mul3A_1133 = arith.muli %mul3A_1132, %scan3A_1082 : i32
      %add3A_1134 = arith.constant 0 : i32
      %add3A_1135 = arith.addi %mul3A_1133, %add3A_1134 : i32
      %get3A_1136 = arith.constant 1 : i32
      %get3A_1137 = arith.index_cast %get3A_1136 : i32 to index
      %get3A_1138 = arith.index_cast %add3A_1135 : i32 to index
      %get3A_1139 = arith.constant 48 : index
      %get3A_1140 = tpu.vector_load %arg12[%get3A_1137, %get3A_1138, %get3A_1139] {strides = array<i32>} : memref<2x128x64xf32, #tpu.memory_space<vmem>>, vector<16xf32>,
      %add3A_1141 = arith.addf %get3A_1101, %get3A_1140 : vector<16xf32>
      %mul3A_1142 = arith.constant 4 : i32
      %mul3A_1143 = arith.muli %mul3A_1142, %scan3A_1082 : i32
      %add3A_1144 = arith.constant 0 : i32
      %add3A_1145 = arith.addi %mul3A_1143, %add3A_1144 : i32
      %add3A_1146 = arith.constant 0 : i32
      %add3A_1147 = arith.addi %add3A_1145, %add3A_1146 : i32
      %swap3A = arith.constant 1 : i32
      %swap3A_1148 = arith.index_cast %swap3A : i32 to index
      %swap3A_1149 = arith.index_cast %add3A_1147 : i32 to index
      %swap3A_1150 = arith.constant 0 : index
      %swap3A_1151 = tpu.vector_load %arg11[%swap3A_1148, %swap3A_1149, %swap3A_1150] {strides = array<i32>} : memref<2x256x64xf32, #tpu.memory_space<vmem>>, vector<16xf32>,
      tpu.vector_store %arg11[%swap3A_1148, %swap3A_1149, %swap3A_1150], %add3A_1111 {add = true, strides = array<i32>} : memref<2x256x64xf32, #tpu.memory_space<vmem>>, vector<16xf32>,
      %swap3A_1152 = arith.constant 1 : i32
      %swap3A_1153 = arith.index_cast %swap3A_1152 : i32 to index
      %swap3A_1154 = arith.index_cast %add3A_1147 : i32 to index
      %swap3A_1155 = arith.constant 16 : index
      %swap3A_1156 = tpu.vector_load %arg11[%swap3A_1153, %swap3A_1154, %swap3A_1155] {strides = array<i32>} : memref<2x256x64xf32, #tpu.memory_space<vmem>>, vector<16xf32>,
      tpu.vector_store %arg11[%swap3A_1153, %swap3A_1154, %swap3A_1155], %add3A_1121 {add = true, strides = array<i32>} : memref<2x256x64xf32, #tpu.memory_space<vmem>>, vector<16xf32>,
      %swap3A_1157 = arith.constant 1 : i32
      %swap3A_1158 = arith.index_cast %swap3A_1157 : i32 to index
      %swap3A_1159 = arith.index_cast %add3A_1147 : i32 to index
      %swap3A_1160 = arith.constant 32 : index
      %swap3A_1161 = tpu.vector_load %arg11[%swap3A_1158, %swap3A_1159, %swap3A_1160] {strides = array<i32>} : memref<2x256x64xf32, #tpu.memory_space<vmem>>, vector<16xf32>,
      tpu.vector_store %arg11[%swap3A_1158, %swap3A_1159, %swap3A_1160], %add3A_1131 {add = true, strides = array<i32>} : memref<2x256x64xf32, #tpu.memory_space<vmem>>, vector<16xf32>,
      %swap3A_1162 = arith.constant 1 : i32
      %swap3A_1163 = arith.index_cast %swap3A_1162 : i32 to index
      %swap3A_1164 = arith.index_cast %add3A_1147 : i32 to index
      %swap3A_1165 = arith.constant 48 : index
      %swap3A_1166 = tpu.vector_load %arg11[%swap3A_1163, %swap3A_1164, %swap3A_1165] {strides = array<i32>} : memref<2x256x64xf32, #tpu.memory_space<vmem>>, vector<16xf32>,
      tpu.vector_store %arg11[%swap3A_1163, %swap3A_1164, %swap3A_1165], %add3A_1141 {add = true, strides = array<i32>} : memref<2x256x64xf32, #tpu.memory_space<vmem>>, vector<16xf32>,
      %mul3A_1167 = arith.constant 4 : i32
      %mul3A_1168 = arith.muli %mul3A_1167, %scan3A_1082 : i32
      %add3A_1169 = arith.constant 0 : i32
      %add3A_1170 = arith.addi %mul3A_1168, %add3A_1169 : i32
      %add3A_1171 = arith.constant 1 : i32
      %add3A_1172 = arith.addi %add3A_1170, %add3A_1171 : i32
      %swap3A_1173 = arith.constant 1 : i32
      %swap3A_1174 = arith.index_cast %swap3A_1173 : i32 to index
      %swap3A_1175 = arith.index_cast %add3A_1172 : i32 to index
      %swap3A_1176 = arith.constant 0 : index
      %swap3A_1177 = tpu.vector_load %arg11[%swap3A_1174, %swap3A_1175, %swap3A_1176] {strides = array<i32>} : memref<2x256x64xf32, #tpu.memory_space<vmem>>, vector<16xf32>,
      tpu.vector_store %arg11[%swap3A_1174, %swap3A_1175, %swap3A_1176], %add3A_1111 {add = true, strides = array<i32>} : memref<2x256x64xf32, #tpu.memory_space<vmem>>, vector<16xf32>,
      %swap3A_1178 = arith.constant 1 : i32
      %swap3A_1179 = arith.index_cast %swap3A_1178 : i32 to index
      %swap3A_1180 = arith.index_cast %add3A_1172 : i32 to index
      %swap3A_1181 = arith.constant 16 : index
      %swap3A_1182 = tpu.vector_load %arg11[%swap3A_1179, %swap3A_1180, %swap3A_1181] {strides = array<i32>} : memref<2x256x64xf32, #tpu.memory_space<vmem>>, vector<16xf32>,
      tpu.vector_store %arg11[%swap3A_1179, %swap3A_1180, %swap3A_1181], %add3A_1121 {add = true, strides = array<i32>} : memref<2x256x64xf32, #tpu.memory_space<vmem>>, vector<16xf32>,
      %swap3A_1183 = arith.constant 1 : i32
      %swap3A_1184 = arith.index_cast %swap3A_1183 : i32 to index
      %swap3A_1185 = arith.index_cast %add3A_1172 : i32 to index
      %swap3A_1186 = arith.constant 32 : index
      %swap3A_1187 = tpu.vector_load %arg11[%swap3A_1184, %swap3A_1185, %swap3A_1186] {strides = array<i32>} : memref<2x256x64xf32, #tpu.memory_space<vmem>>, vector<16xf32>,
      tpu.vector_store %arg11[%swap3A_1184, %swap3A_1185, %swap3A_1186], %add3A_1131 {add = true, strides = array<i32>} : memref<2x256x64xf32, #tpu.memory_space<vmem>>, vector<16xf32>,
      %swap3A_1188 = arith.constant 1 : i32
      %swap3A_1189 = arith.index_cast %swap3A_1188 : i32 to index
      %swap3A_1190 = arith.index_cast %add3A_1172 : i32 to index
      %swap3A_1191 = arith.constant 48 : index
      %swap3A_1192 = tpu.vector_load %arg11[%swap3A_1189, %swap3A_1190, %swap3A_1191] {strides = array<i32>} : memref<2x256x64xf32, #tpu.memory_space<vmem>>, vector<16xf32>,
      tpu.vector_store %arg11[%swap3A_1189, %swap3A_1190, %swap3A_1191], %add3A_1141 {add = true, strides = array<i32>} : memref<2x256x64xf32, #tpu.memory_space<vmem>>, vector<16xf32>,
      %mul3A_1193 = arith.constant 2 : i32
      %mul3A_1194 = arith.muli %mul3A_1193, %scan3A_1082 : i32
      %add3A_1195 = arith.constant 1 : i32
      %add3A_1196 = arith.addi %mul3A_1194, %add3A_1195 : i32
      %get3A_1197 = arith.constant 1 : i32
      %get3A_1198 = arith.index_cast %get3A_1197 : i32 to index
      %get3A_1199 = arith.index_cast %add3A_1196 : i32 to index
      %get3A_1200 = arith.constant 0 : index
      %get3A_1201 = tpu.vector_load %arg12[%get3A_1198, %get3A_1199, %get3A_1200] {strides = array<i32>} : memref<2x128x64xf32, #tpu.memory_space<vmem>>, vector<16xf32>,
      %add3A_1202 = arith.addf %get3A_1086, %get3A_1201 : vector<16xf32>
      %mul3A_1203 = arith.constant 2 : i32
      %mul3A_1204 = arith.muli %mul3A_1203, %scan3A_1082 : i32
      %add3A_1205 = arith.constant 1 : i32
      %add3A_1206 = arith.addi %mul3A_1204, %add3A_1205 : i32
      %get3A_1207 = arith.constant 1 : i32
      %get3A_1208 = arith.index_cast %get3A_1207 : i32 to index
      %get3A_1209 = arith.index_cast %add3A_1206 : i32 to index
      %get3A_1210 = arith.constant 16 : index
      %get3A_1211 = tpu.vector_load %arg12[%get3A_1208, %get3A_1209, %get3A_1210] {strides = array<i32>} : memref<2x128x64xf32, #tpu.memory_space<vmem>>, vector<16xf32>,
      %add3A_1212 = arith.addf %get3A_1091, %get3A_1211 : vector<16xf32>
      %mul3A_1213 = arith.constant 2 : i32
      %mul3A_1214 = arith.muli %mul3A_1213, %scan3A_1082 : i32
      %add3A_1215 = arith.constant 1 : i32
      %add3A_1216 = arith.addi %mul3A_1214, %add3A_1215 : i32
      %get3A_1217 = arith.constant 1 : i32
      %get3A_1218 = arith.index_cast %get3A_1217 : i32 to index
      %get3A_1219 = arith.index_cast %add3A_1216 : i32 to index
      %get3A_1220 = arith.constant 32 : index
      %get3A_1221 = tpu.vector_load %arg12[%get3A_1218, %get3A_1219, %get3A_1220] {strides = array<i32>} : memref<2x128x64xf32, #tpu.memory_space<vmem>>, vector<16xf32>,
      %add3A_1222 = arith.addf %get3A_1096, %get3A_1221 : vector<16xf32>
      %mul3A_1223 = arith.constant 2 : i32
      %mul3A_1224 = arith.muli %mul3A_1223, %scan3A_1082 : i32
      %add3A_1225 = arith.constant 1 : i32
      %add3A_1226 = arith.addi %mul3A_1224, %add3A_1225 : i32
      %get3A_1227 = arith.constant 1 : i32
      %get3A_1228 = arith.index_cast %get3A_1227 : i32 to index
      %get3A_1229 = arith.index_cast %add3A_1226 : i32 to index
      %get3A_1230 = arith.constant 48 : index
      %get3A_1231 = tpu.vector_load %arg12[%get3A_1228, %get3A_1229, %get3A_1230] {strides = array<i32>} : memref<2x128x64xf32, #tpu.memory_space<vmem>>, vector<16xf32>,
      %add3A_1232 = arith.addf %get3A_1101, %get3A_1231 : vector<16xf32>
      %mul3A_1233 = arith.constant 4 : i32
      %mul3A_1234 = arith.muli %mul3A_1233, %scan3A_1082 : i32
      %add3A_1235 = arith.constant 2 : i32
      %add3A_1236 = arith.addi %mul3A_1234, %add3A_1235 : i32
      %add3A_1237 = arith.constant 0 : i32
      %add3A_1238 = arith.addi %add3A_1236, %add3A_1237 : i32
      %swap3A_1239 = arith.constant 1 : i32
      %swap3A_1240 = arith.index_cast %swap3A_1239 : i32 to index
      %swap3A_1241 = arith.index_cast %add3A_1238 : i32 to index
      %swap3A_1242 = arith.constant 0 : index
      %swap3A_1243 = tpu.vector_load %arg11[%swap3A_1240, %swap3A_1241, %swap3A_1242] {strides = array<i32>} : memref<2x256x64xf32, #tpu.memory_space<vmem>>, vector<16xf32>,
      tpu.vector_store %arg11[%swap3A_1240, %swap3A_1241, %swap3A_1242], %add3A_1202 {add = true, strides = array<i32>} : memref<2x256x64xf32, #tpu.memory_space<vmem>>, vector<16xf32>,
      %swap3A_1244 = arith.constant 1 : i32
      %swap3A_1245 = arith.index_cast %swap3A_1244 : i32 to index
      %swap3A_1246 = arith.index_cast %add3A_1238 : i32 to index
      %swap3A_1247 = arith.constant 16 : index
      %swap3A_1248 = tpu.vector_load %arg11[%swap3A_1245, %swap3A_1246, %swap3A_1247] {strides = array<i32>} : memref<2x256x64xf32, #tpu.memory_space<vmem>>, vector<16xf32>,
      tpu.vector_store %arg11[%swap3A_1245, %swap3A_1246, %swap3A_1247], %add3A_1212 {add = true, strides = array<i32>} : memref<2x256x64xf32, #tpu.memory_space<vmem>>, vector<16xf32>,
      %swap3A_1249 = arith.constant 1 : i32
      %swap3A_1250 = arith.index_cast %swap3A_1249 : i32 to index
      %swap3A_1251 = arith.index_cast %add3A_1238 : i32 to index
      %swap3A_1252 = arith.constant 32 : index
      %swap3A_1253 = tpu.vector_load %arg11[%swap3A_1250, %swap3A_1251, %swap3A_1252] {strides = array<i32>} : memref<2x256x64xf32, #tpu.memory_space<vmem>>, vector<16xf32>,
      tpu.vector_store %arg11[%swap3A_1250, %swap3A_1251, %swap3A_1252], %add3A_1222 {add = true, strides = array<i32>} : memref<2x256x64xf32, #tpu.memory_space<vmem>>, vector<16xf32>,
      %swap3A_1254 = arith.constant 1 : i32
      %swap3A_1255 = arith.index_cast %swap3A_1254 : i32 to index
      %swap3A_1256 = arith.index_cast %add3A_1238 : i32 to index
      %swap3A_1257 = arith.constant 48 : index
      %swap3A_1258 = tpu.vector_load %arg11[%swap3A_1255, %swap3A_1256, %swap3A_1257] {strides = array<i32>} : memref<2x256x64xf32, #tpu.memory_space<vmem>>, vector<16xf32>,
      tpu.vector_store %arg11[%swap3A_1255, %swap3A_1256, %swap3A_1257], %add3A_1232 {add = true, strides = array<i32>} : memref<2x256x64xf32, #tpu.memory_space<vmem>>, vector<16xf32>,
      %mul3A_1259 = arith.constant 4 : i32
      %mul3A_1260 = arith.muli %mul3A_1259, %scan3A_1082 : i32
      %add3A_1261 = arith.constant 2 : i32
      %add3A_1262 = arith.addi %mul3A_1260, %add3A_1261 : i32
      %add3A_1263 = arith.constant 1 : i32
      %add3A_1264 = arith.addi %add3A_1262, %add3A_1263 : i32
      %swap3A_1265 = arith.constant 1 : i32
      %swap3A_1266 = arith.index_cast %swap3A_1265 : i32 to index
      %swap3A_1267 = arith.index_cast %add3A_1264 : i32 to index
      %swap3A_1268 = arith.constant 0 : index
      %swap3A_1269 = tpu.vector_load %arg11[%swap3A_1266, %swap3A_1267, %swap3A_1268] {strides = array<i32>} : memref<2x256x64xf32, #tpu.memory_space<vmem>>, vector<16xf32>,
      tpu.vector_store %arg11[%swap3A_1266, %swap3A_1267, %swap3A_1268], %add3A_1202 {add = true, strides = array<i32>} : memref<2x256x64xf32, #tpu.memory_space<vmem>>, vector<16xf32>,
      %swap3A_1270 = arith.constant 1 : i32
      %swap3A_1271 = arith.index_cast %swap3A_1270 : i32 to index
      %swap3A_1272 = arith.index_cast %add3A_1264 : i32 to index
      %swap3A_1273 = arith.constant 16 : index
      %swap3A_1274 = tpu.vector_load %arg11[%swap3A_1271, %swap3A_1272, %swap3A_1273] {strides = array<i32>} : memref<2x256x64xf32, #tpu.memory_space<vmem>>, vector<16xf32>,
      tpu.vector_store %arg11[%swap3A_1271, %swap3A_1272, %swap3A_1273], %add3A_1212 {add = true, strides = array<i32>} : memref<2x256x64xf32, #tpu.memory_space<vmem>>, vector<16xf32>,
      %swap3A_1275 = arith.constant 1 : i32
      %swap3A_1276 = arith.index_cast %swap3A_1275 : i32 to index
      %swap3A_1277 = arith.index_cast %add3A_1264 : i32 to index
      %swap3A_1278 = arith.constant 32 : index
      %swap3A_1279 = tpu.vector_load %arg11[%swap3A_1276, %swap3A_1277, %swap3A_1278] {strides = array<i32>} : memref<2x256x64xf32, #tpu.memory_space<vmem>>, vector<16xf32>,
      tpu.vector_store %arg11[%swap3A_1276, %swap3A_1277, %swap3A_1278], %add3A_1222 {add = true, strides = array<i32>} : memref<2x256x64xf32, #tpu.memory_space<vmem>>, vector<16xf32>,
      %swap3A_1280 = arith.constant 1 : i32
      %swap3A_1281 = arith.index_cast %swap3A_1280 : i32 to index
      %swap3A_1282 = arith.index_cast %add3A_1264 : i32 to index
      %swap3A_1283 = arith.constant 48 : index
      %swap3A_1284 = tpu.vector_load %arg11[%swap3A_1281, %swap3A_1282, %swap3A_1283] {strides = array<i32>} : memref<2x256x64xf32, #tpu.memory_space<vmem>>, vector<16xf32>,
      tpu.vector_store %arg11[%swap3A_1281, %swap3A_1282, %swap3A_1283], %add3A_1232 {add = true, strides = array<i32>} : memref<2x256x64xf32, #tpu.memory_space<vmem>>, vector<16xf32>,
    }
    %scan3A_835 = arith.constant 64 : i32
    %mul3A_836 = arith.constant 2048 : i32
    %mul3A_837 = arith.muli %add3A, %mul3A_836 : i32
    %add3A_838 = arith.constant 1280 : i32
    %add3A_839 = arith.addi %mul3A_837, %add3A_838 : i32
    %dma_start3A_840 = arith.constant 1 : i32
    %dma_start3A_841 = arith.constant 0 : i32
    %dma_start3A_842 = arith.constant 0 : i32
    %dma_start3A_843 = tpu.memref_slice %arg11[%dma_start3A_840, %dma_start3A_841, %dma_start3A_842] : memref<2x256x64xf32, #tpu.memory_space<vmem>> -> memref<1x256x64xf32, #tpu.memory_space<vmem>>
    %dma_start3A_844 = tpu.memref_squeeze %dma_start3A_843 : memref<1x256x64xf32, #tpu.memory_space<vmem>> -> memref<256x64xf32, #tpu.memory_space<vmem>>
    %dma_start3A_845 = arith.constant 0 : i32
    %dma_start3A_846 = tpu.memref_slice %arg6[%add3A_839, %dma_start3A_845] : memref<65536x128xf32, #tpu.memory_space<hbm>> -> memref<256x64xf32, #tpu.memory_space<hbm>>
    %dma_start3A_847 = arith.constant 0 : i32
    %dma_start3A_848 = tpu.memref_slice %arg6[%add3A_839, %dma_start3A_847] : memref<65536x128xf32, #tpu.memory_space<hbm>> -> memref<256x64xf32, #tpu.memory_space<hbm>>
    %dma_start3A_849 = arith.constant 0 : i32
    %dma_start3A_850 = arith.constant 0 : i32
    %dma_start3A_851 = tpu.memref_slice %arg11[%dma_start3A_840, %dma_start3A_849, %dma_start3A_850] : memref<2x256x64xf32, #tpu.memory_space<vmem>> -> memref<1x256x64xf32, #tpu.memory_space<vmem>>
    %dma_start3A_852 = tpu.memref_squeeze %dma_start3A_851 : memref<1x256x64xf32, #tpu.memory_space<vmem>> -> memref<256x64xf32, #tpu.memory_space<vmem>>
    tpu.enqueue_dma source(%dma_start3A_852 : memref<256x64xf32, #tpu.memory_space<vmem>>) target(%dma_start3A_848 : memref<256x64xf32, #tpu.memory_space<hbm>>) target_semaphore(%arg18 : memref<!tpu.dma_semaphore, #tpu.memory_space<semaphore_mem>>)
    %dma_wait3A_853 = arith.constant 12 : i32
    %dma_wait3A_854 = arith.constant 0 : i32
    %dma_wait3A_855 = arith.constant 0 : i32
    %dma_wait3A_856 = arith.constant 0 : i32
    %dma_wait3A_857 = tpu.memref_slice %arg11[%dma_wait3A_854, %dma_wait3A_855, %dma_wait3A_856] : memref<2x256x64xf32, #tpu.memory_space<vmem>> -> memref<1x128x64xf32, #tpu.memory_space<vmem>>
    %dma_wait3A_858 = tpu.memref_squeeze %dma_wait3A_857 : memref<1x128x64xf32, #tpu.memory_space<vmem>> -> memref<128x64xf32, #tpu.memory_space<vmem>>
    %dma_wait3A_859 = arith.constant 0 : i32
    %dma_wait3A_860 = tpu.memref_slice %arg8[%dma_wait3A_853, %dma_wait3A_859] : memref<16x128xi32, #tpu.memory_space<vmem>> -> memref<1x128xi32, #tpu.memory_space<vmem>>
    %dma_wait3A_861 = tpu.memref_squeeze %dma_wait3A_860 : memref<1x128xi32, #tpu.memory_space<vmem>> -> memref<128xi32, #tpu.memory_space<vmem>>
    %dma_wait3A_862 = arith.constant 0 : i32
    %dma_wait3A_863 = arith.constant 0 : i32
    %dma_wait3A_864 = tpu.memref_slice %arg5[%dma_wait3A_862, %dma_wait3A_863] : memref<4096x64xf32, #tpu.memory_space<hbm>> -> memref<4096x64xf32, #tpu.memory_space<hbm>>
    tpu.wait_indirect_dma semaphore(%arg15 : memref<!tpu.dma_semaphore, #tpu.memory_space<semaphore_mem>>) src(%dma_wait3A_864 : memref<4096x64xf32, #tpu.memory_space<hbm>>) dst(%dma_wait3A_858 : memref<128x64xf32, #tpu.memory_space<vmem>>)
    %dma_wait3A_865 = arith.constant 13 : i32
    %dma_wait3A_866 = arith.constant 0 : i32
    %dma_wait3A_867 = arith.constant 128 : i32
    %dma_wait3A_868 = arith.constant 0 : i32
    %dma_wait3A_869 = tpu.memref_slice %arg11[%dma_wait3A_866, %dma_wait3A_867, %dma_wait3A_868] : memref<2x256x64xf32, #tpu.memory_space<vmem>> -> memref<1x128x64xf32, #tpu.memory_space<vmem>>
    %dma_wait3A_870 = tpu.memref_squeeze %dma_wait3A_869 : memref<1x128x64xf32, #tpu.memory_space<vmem>> -> memref<128x64xf32, #tpu.memory_space<vmem>>
    %dma_wait3A_871 = arith.constant 0 : i32
    %dma_wait3A_872 = tpu.memref_slice %arg8[%dma_wait3A_865, %dma_wait3A_871] : memref<16x128xi32, #tpu.memory_space<vmem>> -> memref<1x128xi32, #tpu.memory_space<vmem>>
    %dma_wait3A_873 = tpu.memref_squeeze %dma_wait3A_872 : memref<1x128xi32, #tpu.memory_space<vmem>> -> memref<128xi32, #tpu.memory_space<vmem>>
    %dma_wait3A_874 = arith.constant 0 : i32
    %dma_wait3A_875 = arith.constant 0 : i32
    %dma_wait3A_876 = tpu.memref_slice %arg5[%dma_wait3A_874, %dma_wait3A_875] : memref<4096x64xf32, #tpu.memory_space<hbm>> -> memref<4096x64xf32, #tpu.memory_space<hbm>>
    tpu.wait_indirect_dma semaphore(%arg15 : memref<!tpu.dma_semaphore, #tpu.memory_space<semaphore_mem>>) src(%dma_wait3A_876 : memref<4096x64xf32, #tpu.memory_space<hbm>>) dst(%dma_wait3A_870 : memref<128x64xf32, #tpu.memory_space<vmem>>)
    %dma_wait3A_877 = arith.constant 6 : i32
    %dma_wait3A_878 = arith.constant 0 : i32
    %dma_wait3A_879 = arith.constant 0 : i32
    %dma_wait3A_880 = arith.constant 0 : i32
    %dma_wait3A_881 = tpu.memref_slice %arg12[%dma_wait3A_878, %dma_wait3A_879, %dma_wait3A_880] : memref<2x128x64xf32, #tpu.memory_space<vmem>> -> memref<1x128x64xf32, #tpu.memory_space<vmem>>
    %dma_wait3A_882 = tpu.memref_squeeze %dma_wait3A_881 : memref<1x128x64xf32, #tpu.memory_space<vmem>> -> memref<128x64xf32, #tpu.memory_space<vmem>>
    %dma_wait3A_883 = arith.constant 0 : i32
    %dma_wait3A_884 = tpu.memref_slice %arg9[%dma_wait3A_877, %dma_wait3A_883] : memref<8x128xi32, #tpu.memory_space<vmem>> -> memref<1x128xi32, #tpu.memory_space<vmem>>
    %dma_wait3A_885 = tpu.memref_squeeze %dma_wait3A_884 : memref<1x128xi32, #tpu.memory_space<vmem>> -> memref<128xi32, #tpu.memory_space<vmem>>
    %dma_wait3A_886 = arith.constant 0 : i32
    %dma_wait3A_887 = arith.constant 0 : i32
    %dma_wait3A_888 = tpu.memref_slice %arg4[%dma_wait3A_886, %dma_wait3A_887] : memref<4096x64xf32, #tpu.memory_space<hbm>> -> memref<4096x64xf32, #tpu.memory_space<hbm>>
    tpu.wait_indirect_dma semaphore(%arg17 : memref<!tpu.dma_semaphore, #tpu.memory_space<semaphore_mem>>) src(%dma_wait3A_888 : memref<4096x64xf32, #tpu.memory_space<hbm>>) dst(%dma_wait3A_882 : memref<128x64xf32, #tpu.memory_space<vmem>>)
    %dma_wait3A_889 = arith.constant 6 : i32
    %dma_wait3A_890 = arith.constant 0 : i32
    %dma_wait3A_891 = arith.constant 0 : i32
    %dma_wait3A_892 = arith.constant 0 : i32
    %dma_wait3A_893 = tpu.memref_slice %arg13[%dma_wait3A_890, %dma_wait3A_891, %dma_wait3A_892] : memref<2x64x64xf32, #tpu.memory_space<vmem>> -> memref<1x64x64xf32, #tpu.memory_space<vmem>>
    %dma_wait3A_894 = tpu.memref_squeeze %dma_wait3A_893 : memref<1x64x64xf32, #tpu.memory_space<vmem>> -> memref<64x64xf32, #tpu.memory_space<vmem>>
    %dma_wait3A_895 = arith.constant 0 : i32
    %dma_wait3A_896 = tpu.memref_slice %arg10[%dma_wait3A_889, %dma_wait3A_895] : memref<8x64xi32, #tpu.memory_space<vmem>> -> memref<1x64xi32, #tpu.memory_space<vmem>>
    %dma_wait3A_897 = tpu.memref_squeeze %dma_wait3A_896 : memref<1x64xi32, #tpu.memory_space<vmem>> -> memref<64xi32, #tpu.memory_space<vmem>>
    %dma_wait3A_898 = arith.constant 0 : i32
    %dma_wait3A_899 = arith.constant 0 : i32
    %dma_wait3A_900 = tpu.memref_slice %arg3[%dma_wait3A_898, %dma_wait3A_899] : memref<4096x64xf32, #tpu.memory_space<hbm>> -> memref<4096x64xf32, #tpu.memory_space<hbm>>
    tpu.wait_indirect_dma semaphore(%arg17 : memref<!tpu.dma_semaphore, #tpu.memory_space<semaphore_mem>>) src(%dma_wait3A_900 : memref<4096x64xf32, #tpu.memory_space<hbm>>) dst(%dma_wait3A_894 : memref<64x64xf32, #tpu.memory_space<vmem>>)
    %dma_wait3A_901 = arith.constant 1 : i32
    %dma_wait3A_902 = arith.constant 0 : i32
    %dma_wait3A_903 = arith.constant 0 : i32
    %dma_wait3A_904 = tpu.memref_slice %arg11[%dma_wait3A_901, %dma_wait3A_902, %dma_wait3A_903] : memref<2x256x64xf32, #tpu.memory_space<vmem>> -> memref<1x256x64xf32, #tpu.memory_space<vmem>>
    %dma_wait3A_905 = tpu.memref_squeeze %dma_wait3A_904 : memref<1x256x64xf32, #tpu.memory_space<vmem>> -> memref<256x64xf32, #tpu.memory_space<vmem>>
    %dma_wait3A_906 = arith.constant 0 : i32
    %dma_wait3A_907 = tpu.memref_slice %arg6[%add3A_839, %dma_wait3A_906] : memref<65536x128xf32, #tpu.memory_space<hbm>> -> memref<256x64xf32, #tpu.memory_space<hbm>>
    %dma_wait3A_908 = arith.constant 0 : i32
    %dma_wait3A_909 = tpu.memref_slice %arg6[%add3A_839, %dma_wait3A_908] : memref<65536x128xf32, #tpu.memory_space<hbm>> -> memref<256x64xf32, #tpu.memory_space<hbm>>
    %dma_wait3A_910 = arith.constant 0 : i32
    %dma_wait3A_911 = arith.constant 0 : i32
    %dma_wait3A_912 = tpu.memref_slice %arg11[%dma_wait3A_901, %dma_wait3A_910, %dma_wait3A_911] : memref<2x256x64xf32, #tpu.memory_space<vmem>> -> memref<1x256x64xf32, #tpu.memory_space<vmem>>
    %dma_wait3A_913 = tpu.memref_squeeze %dma_wait3A_912 : memref<1x256x64xf32, #tpu.memory_space<vmem>> -> memref<256x64xf32, #tpu.memory_space<vmem>>
    tpu.wait_dma2 semaphore(%arg18 : memref<!tpu.dma_semaphore, #tpu.memory_space<semaphore_mem>>) src(%dma_wait3A_913 : memref<256x64xf32, #tpu.memory_space<vmem>>) dst(%dma_wait3A_909 : memref<256x64xf32, #tpu.memory_space<hbm>>)
    %dma_start3A_914 = arith.constant 14 : i32
    %dma_start3A_915 = arith.constant 1 : i32
    %dma_start3A_916 = arith.constant 0 : i32
    %dma_start3A_917 = arith.constant 0 : i32
    %dma_start3A_918 = tpu.memref_slice %arg11[%dma_start3A_915, %dma_start3A_916, %dma_start3A_917] : memref<2x256x64xf32, #tpu.memory_space<vmem>> -> memref<1x128x64xf32, #tpu.memory_space<vmem>>
    %dma_start3A_919 = tpu.memref_squeeze %dma_start3A_918 : memref<1x128x64xf32, #tpu.memory_space<vmem>> -> memref<128x64xf32, #tpu.memory_space<vmem>>
    %dma_start3A_920 = arith.constant 0 : i32
    %dma_start3A_921 = tpu.memref_slice %arg8[%dma_start3A_914, %dma_start3A_920] : memref<16x128xi32, #tpu.memory_space<vmem>> -> memref<1x128xi32, #tpu.memory_space<vmem>>
    %dma_start3A_922 = tpu.memref_squeeze %dma_start3A_921 : memref<1x128xi32, #tpu.memory_space<vmem>> -> memref<128xi32, #tpu.memory_space<vmem>>
    %dma_start3A_923 = arith.constant 0 : i32
    %dma_start3A_924 = arith.constant 0 : i32
    %dma_start3A_925 = tpu.memref_slice %arg5[%dma_start3A_923, %dma_start3A_924] : memref<4096x64xf32, #tpu.memory_space<hbm>> -> memref<4096x64xf32, #tpu.memory_space<hbm>>
    tpu.enqueue_indirect_dma source(%dma_start3A_925 : memref<4096x64xf32, #tpu.memory_space<hbm>>) target(%dma_start3A_919 : memref<128x64xf32, #tpu.memory_space<vmem>>) offsets(%dma_start3A_922 : memref<128xi32, #tpu.memory_space<vmem>>) semaphore(%arg16 : memref<!tpu.dma_semaphore, #tpu.memory_space<semaphore_mem>>)
    %dma_start3A_926 = arith.constant 15 : i32
    %dma_start3A_927 = arith.constant 1 : i32
    %dma_start3A_928 = arith.constant 128 : i32
    %dma_start3A_929 = arith.constant 0 : i32
    %dma_start3A_930 = tpu.memref_slice %arg11[%dma_start3A_927, %dma_start3A_928, %dma_start3A_929] : memref<2x256x64xf32, #tpu.memory_space<vmem>> -> memref<1x128x64xf32, #tpu.memory_space<vmem>>
    %dma_start3A_931 = tpu.memref_squeeze %dma_start3A_930 : memref<1x128x64xf32, #tpu.memory_space<vmem>> -> memref<128x64xf32, #tpu.memory_space<vmem>>
    %dma_start3A_932 = arith.constant 0 : i32
    %dma_start3A_933 = tpu.memref_slice %arg8[%dma_start3A_926, %dma_start3A_932] : memref<16x128xi32, #tpu.memory_space<vmem>> -> memref<1x128xi32, #tpu.memory_space<vmem>>
    %dma_start3A_934 = tpu.memref_squeeze %dma_start3A_933 : memref<1x128xi32, #tpu.memory_space<vmem>> -> memref<128xi32, #tpu.memory_space<vmem>>
    %dma_start3A_935 = arith.constant 0 : i32
    %dma_start3A_936 = arith.constant 0 : i32
    %dma_start3A_937 = tpu.memref_slice %arg5[%dma_start3A_935, %dma_start3A_936] : memref<4096x64xf32, #tpu.memory_space<hbm>> -> memref<4096x64xf32, #tpu.memory_space<hbm>>
    tpu.enqueue_indirect_dma source(%dma_start3A_937 : memref<4096x64xf32, #tpu.memory_space<hbm>>) target(%dma_start3A_931 : memref<128x64xf32, #tpu.memory_space<vmem>>) offsets(%dma_start3A_934 : memref<128xi32, #tpu.memory_space<vmem>>) semaphore(%arg16 : memref<!tpu.dma_semaphore, #tpu.memory_space<semaphore_mem>>)
    %dma_start3A_938 = arith.constant 7 : i32
    %dma_start3A_939 = arith.constant 1 : i32
    %dma_start3A_940 = arith.constant 0 : i32
    %dma_start3A_941 = arith.constant 0 : i32
    %dma_start3A_942 = tpu.memref_slice %arg12[%dma_start3A_939, %dma_start3A_940, %dma_start3A_941] : memref<2x128x64xf32, #tpu.memory_space<vmem>> -> memref<1x128x64xf32, #tpu.memory_space<vmem>>
    %dma_start3A_943 = tpu.memref_squeeze %dma_start3A_942 : memref<1x128x64xf32, #tpu.memory_space<vmem>> -> memref<128x64xf32, #tpu.memory_space<vmem>>
    %dma_start3A_944 = arith.constant 0 : i32
    %dma_start3A_945 = tpu.memref_slice %arg9[%dma_start3A_938, %dma_start3A_944] : memref<8x128xi32, #tpu.memory_space<vmem>> -> memref<1x128xi32, #tpu.memory_space<vmem>>
    %dma_start3A_946 = tpu.memref_squeeze %dma_start3A_945 : memref<1x128xi32, #tpu.memory_space<vmem>> -> memref<128xi32, #tpu.memory_space<vmem>>
    %dma_start3A_947 = arith.constant 0 : i32
    %dma_start3A_948 = arith.constant 0 : i32
    %dma_start3A_949 = tpu.memref_slice %arg4[%dma_start3A_947, %dma_start3A_948] : memref<4096x64xf32, #tpu.memory_space<hbm>> -> memref<4096x64xf32, #tpu.memory_space<hbm>>
    tpu.enqueue_indirect_dma source(%dma_start3A_949 : memref<4096x64xf32, #tpu.memory_space<hbm>>) target(%dma_start3A_943 : memref<128x64xf32, #tpu.memory_space<vmem>>) offsets(%dma_start3A_946 : memref<128xi32, #tpu.memory_space<vmem>>) semaphore(%arg17 : memref<!tpu.dma_semaphore, #tpu.memory_space<semaphore_mem>>)
    %dma_start3A_950 = arith.constant 7 : i32
    %dma_start3A_951 = arith.constant 1 : i32
    %dma_start3A_952 = arith.constant 0 : i32
    %dma_start3A_953 = arith.constant 0 : i32
    %dma_start3A_954 = tpu.memref_slice %arg13[%dma_start3A_951, %dma_start3A_952, %dma_start3A_953] : memref<2x64x64xf32, #tpu.memory_space<vmem>> -> memref<1x64x64xf32, #tpu.memory_space<vmem>>
    %dma_start3A_955 = tpu.memref_squeeze %dma_start3A_954 : memref<1x64x64xf32, #tpu.memory_space<vmem>> -> memref<64x64xf32, #tpu.memory_space<vmem>>
    %dma_start3A_956 = arith.constant 0 : i32
    %dma_start3A_957 = tpu.memref_slice %arg10[%dma_start3A_950, %dma_start3A_956] : memref<8x64xi32, #tpu.memory_space<vmem>> -> memref<1x64xi32, #tpu.memory_space<vmem>>
    %dma_start3A_958 = tpu.memref_squeeze %dma_start3A_957 : memref<1x64xi32, #tpu.memory_space<vmem>> -> memref<64xi32, #tpu.memory_space<vmem>>
    %dma_start3A_959 = arith.constant 0 : i32
    %dma_start3A_960 = arith.constant 0 : i32
    %dma_start3A_961 = tpu.memref_slice %arg3[%dma_start3A_959, %dma_start3A_960] : memref<4096x64xf32, #tpu.memory_space<hbm>> -> memref<4096x64xf32, #tpu.memory_space<hbm>>
    tpu.enqueue_indirect_dma source(%dma_start3A_961 : memref<4096x64xf32, #tpu.memory_space<hbm>>) target(%dma_start3A_955 : memref<64x64xf32, #tpu.memory_space<vmem>>) offsets(%dma_start3A_958 : memref<64xi32, #tpu.memory_space<vmem>>) semaphore(%arg17 : memref<!tpu.dma_semaphore, #tpu.memory_space<semaphore_mem>>)
    %scan3A_962 = arith.constant 0 : i32
    %scan3A_963 = arith.constant 0 : i32
    %scan3A_964 = arith.constant 64 : i32
    %scan3A_965 = arith.addi %scan3A_963, %scan3A_964 : i32
    %scan3A_966 = arith.constant 1 : i32
    scf.for %scan3A_1082 = %scan3A_963 to %scan3A_965 step %scan3A_966  : i32 {
      %get3A = arith.constant 0 : i32
      %get3A_1083 = arith.index_cast %get3A : i32 to index
      %get3A_1084 = arith.index_cast %scan3A_1082 : i32 to index
      %get3A_1085 = arith.constant 0 : index
      %get3A_1086 = tpu.vector_load %arg13[%get3A_1083, %get3A_1084, %get3A_1085] {strides = array<i32>} : memref<2x64x64xf32, #tpu.memory_space<vmem>>, vector<16xf32>,
      %get3A_1087 = arith.constant 0 : i32
      %get3A_1088 = arith.index_cast %get3A_1087 : i32 to index
      %get3A_1089 = arith.index_cast %scan3A_1082 : i32 to index
      %get3A_1090 = arith.constant 16 : index
      %get3A_1091 = tpu.vector_load %arg13[%get3A_1088, %get3A_1089, %get3A_1090] {strides = array<i32>} : memref<2x64x64xf32, #tpu.memory_space<vmem>>, vector<16xf32>,
      %get3A_1092 = arith.constant 0 : i32
      %get3A_1093 = arith.index_cast %get3A_1092 : i32 to index
      %get3A_1094 = arith.index_cast %scan3A_1082 : i32 to index
      %get3A_1095 = arith.constant 32 : index
      %get3A_1096 = tpu.vector_load %arg13[%get3A_1093, %get3A_1094, %get3A_1095] {strides = array<i32>} : memref<2x64x64xf32, #tpu.memory_space<vmem>>, vector<16xf32>,
      %get3A_1097 = arith.constant 0 : i32
      %get3A_1098 = arith.index_cast %get3A_1097 : i32 to index
      %get3A_1099 = arith.index_cast %scan3A_1082 : i32 to index
      %get3A_1100 = arith.constant 48 : index
      %get3A_1101 = tpu.vector_load %arg13[%get3A_1098, %get3A_1099, %get3A_1100] {strides = array<i32>} : memref<2x64x64xf32, #tpu.memory_space<vmem>>, vector<16xf32>,
      %mul3A_1102 = arith.constant 2 : i32
      %mul3A_1103 = arith.muli %mul3A_1102, %scan3A_1082 : i32
      %add3A_1104 = arith.constant 0 : i32
      %add3A_1105 = arith.addi %mul3A_1103, %add3A_1104 : i32
      %get3A_1106 = arith.constant 0 : i32
      %get3A_1107 = arith.index_cast %get3A_1106 : i32 to index
      %get3A_1108 = arith.index_cast %add3A_1105 : i32 to index
      %get3A_1109 = arith.constant 0 : index
      %get3A_1110 = tpu.vector_load %arg12[%get3A_1107, %get3A_1108, %get3A_1109] {strides = array<i32>} : memref<2x128x64xf32, #tpu.memory_space<vmem>>, vector<16xf32>,
      %add3A_1111 = arith.addf %get3A_1086, %get3A_1110 : vector<16xf32>
      %mul3A_1112 = arith.constant 2 : i32
      %mul3A_1113 = arith.muli %mul3A_1112, %scan3A_1082 : i32
      %add3A_1114 = arith.constant 0 : i32
      %add3A_1115 = arith.addi %mul3A_1113, %add3A_1114 : i32
      %get3A_1116 = arith.constant 0 : i32
      %get3A_1117 = arith.index_cast %get3A_1116 : i32 to index
      %get3A_1118 = arith.index_cast %add3A_1115 : i32 to index
      %get3A_1119 = arith.constant 16 : index
      %get3A_1120 = tpu.vector_load %arg12[%get3A_1117, %get3A_1118, %get3A_1119] {strides = array<i32>} : memref<2x128x64xf32, #tpu.memory_space<vmem>>, vector<16xf32>,
      %add3A_1121 = arith.addf %get3A_1091, %get3A_1120 : vector<16xf32>
      %mul3A_1122 = arith.constant 2 : i32
      %mul3A_1123 = arith.muli %mul3A_1122, %scan3A_1082 : i32
      %add3A_1124 = arith.constant 0 : i32
      %add3A_1125 = arith.addi %mul3A_1123, %add3A_1124 : i32
      %get3A_1126 = arith.constant 0 : i32
      %get3A_1127 = arith.index_cast %get3A_1126 : i32 to index
      %get3A_1128 = arith.index_cast %add3A_1125 : i32 to index
      %get3A_1129 = arith.constant 32 : index
      %get3A_1130 = tpu.vector_load %arg12[%get3A_1127, %get3A_1128, %get3A_1129] {strides = array<i32>} : memref<2x128x64xf32, #tpu.memory_space<vmem>>, vector<16xf32>,
      %add3A_1131 = arith.addf %get3A_1096, %get3A_1130 : vector<16xf32>
      %mul3A_1132 = arith.constant 2 : i32
      %mul3A_1133 = arith.muli %mul3A_1132, %scan3A_1082 : i32
      %add3A_1134 = arith.constant 0 : i32
      %add3A_1135 = arith.addi %mul3A_1133, %add3A_1134 : i32
      %get3A_1136 = arith.constant 0 : i32
      %get3A_1137 = arith.index_cast %get3A_1136 : i32 to index
      %get3A_1138 = arith.index_cast %add3A_1135 : i32 to index
      %get3A_1139 = arith.constant 48 : index
      %get3A_1140 = tpu.vector_load %arg12[%get3A_1137, %get3A_1138, %get3A_1139] {strides = array<i32>} : memref<2x128x64xf32, #tpu.memory_space<vmem>>, vector<16xf32>,
      %add3A_1141 = arith.addf %get3A_1101, %get3A_1140 : vector<16xf32>
      %mul3A_1142 = arith.constant 4 : i32
      %mul3A_1143 = arith.muli %mul3A_1142, %scan3A_1082 : i32
      %add3A_1144 = arith.constant 0 : i32
      %add3A_1145 = arith.addi %mul3A_1143, %add3A_1144 : i32
      %add3A_1146 = arith.constant 0 : i32
      %add3A_1147 = arith.addi %add3A_1145, %add3A_1146 : i32
      %swap3A = arith.constant 0 : i32
      %swap3A_1148 = arith.index_cast %swap3A : i32 to index
      %swap3A_1149 = arith.index_cast %add3A_1147 : i32 to index
      %swap3A_1150 = arith.constant 0 : index
      %swap3A_1151 = tpu.vector_load %arg11[%swap3A_1148, %swap3A_1149, %swap3A_1150] {strides = array<i32>} : memref<2x256x64xf32, #tpu.memory_space<vmem>>, vector<16xf32>,
      tpu.vector_store %arg11[%swap3A_1148, %swap3A_1149, %swap3A_1150], %add3A_1111 {add = true, strides = array<i32>} : memref<2x256x64xf32, #tpu.memory_space<vmem>>, vector<16xf32>,
      %swap3A_1152 = arith.constant 0 : i32
      %swap3A_1153 = arith.index_cast %swap3A_1152 : i32 to index
      %swap3A_1154 = arith.index_cast %add3A_1147 : i32 to index
      %swap3A_1155 = arith.constant 16 : index
      %swap3A_1156 = tpu.vector_load %arg11[%swap3A_1153, %swap3A_1154, %swap3A_1155] {strides = array<i32>} : memref<2x256x64xf32, #tpu.memory_space<vmem>>, vector<16xf32>,
      tpu.vector_store %arg11[%swap3A_1153, %swap3A_1154, %swap3A_1155], %add3A_1121 {add = true, strides = array<i32>} : memref<2x256x64xf32, #tpu.memory_space<vmem>>, vector<16xf32>,
      %swap3A_1157 = arith.constant 0 : i32
      %swap3A_1158 = arith.index_cast %swap3A_1157 : i32 to index
      %swap3A_1159 = arith.index_cast %add3A_1147 : i32 to index
      %swap3A_1160 = arith.constant 32 : index
      %swap3A_1161 = tpu.vector_load %arg11[%swap3A_1158, %swap3A_1159, %swap3A_1160] {strides = array<i32>} : memref<2x256x64xf32, #tpu.memory_space<vmem>>, vector<16xf32>,
      tpu.vector_store %arg11[%swap3A_1158, %swap3A_1159, %swap3A_1160], %add3A_1131 {add = true, strides = array<i32>} : memref<2x256x64xf32, #tpu.memory_space<vmem>>, vector<16xf32>,
      %swap3A_1162 = arith.constant 0 : i32
      %swap3A_1163 = arith.index_cast %swap3A_1162 : i32 to index
      %swap3A_1164 = arith.index_cast %add3A_1147 : i32 to index
      %swap3A_1165 = arith.constant 48 : index
      %swap3A_1166 = tpu.vector_load %arg11[%swap3A_1163, %swap3A_1164, %swap3A_1165] {strides = array<i32>} : memref<2x256x64xf32, #tpu.memory_space<vmem>>, vector<16xf32>,
      tpu.vector_store %arg11[%swap3A_1163, %swap3A_1164, %swap3A_1165], %add3A_1141 {add = true, strides = array<i32>} : memref<2x256x64xf32, #tpu.memory_space<vmem>>, vector<16xf32>,
      %mul3A_1167 = arith.constant 4 : i32
      %mul3A_1168 = arith.muli %mul3A_1167, %scan3A_1082 : i32
      %add3A_1169 = arith.constant 0 : i32
      %add3A_1170 = arith.addi %mul3A_1168, %add3A_1169 : i32
      %add3A_1171 = arith.constant 1 : i32
      %add3A_1172 = arith.addi %add3A_1170, %add3A_1171 : i32
      %swap3A_1173 = arith.constant 0 : i32
      %swap3A_1174 = arith.index_cast %swap3A_1173 : i32 to index
      %swap3A_1175 = arith.index_cast %add3A_1172 : i32 to index
      %swap3A_1176 = arith.constant 0 : index
      %swap3A_1177 = tpu.vector_load %arg11[%swap3A_1174, %swap3A_1175, %swap3A_1176] {strides = array<i32>} : memref<2x256x64xf32, #tpu.memory_space<vmem>>, vector<16xf32>,
      tpu.vector_store %arg11[%swap3A_1174, %swap3A_1175, %swap3A_1176], %add3A_1111 {add = true, strides = array<i32>} : memref<2x256x64xf32, #tpu.memory_space<vmem>>, vector<16xf32>,
      %swap3A_1178 = arith.constant 0 : i32
      %swap3A_1179 = arith.index_cast %swap3A_1178 : i32 to index
      %swap3A_1180 = arith.index_cast %add3A_1172 : i32 to index
      %swap3A_1181 = arith.constant 16 : index
      %swap3A_1182 = tpu.vector_load %arg11[%swap3A_1179, %swap3A_1180, %swap3A_1181] {strides = array<i32>} : memref<2x256x64xf32, #tpu.memory_space<vmem>>, vector<16xf32>,
      tpu.vector_store %arg11[%swap3A_1179, %swap3A_1180, %swap3A_1181], %add3A_1121 {add = true, strides = array<i32>} : memref<2x256x64xf32, #tpu.memory_space<vmem>>, vector<16xf32>,
      %swap3A_1183 = arith.constant 0 : i32
      %swap3A_1184 = arith.index_cast %swap3A_1183 : i32 to index
      %swap3A_1185 = arith.index_cast %add3A_1172 : i32 to index
      %swap3A_1186 = arith.constant 32 : index
      %swap3A_1187 = tpu.vector_load %arg11[%swap3A_1184, %swap3A_1185, %swap3A_1186] {strides = array<i32>} : memref<2x256x64xf32, #tpu.memory_space<vmem>>, vector<16xf32>,
      tpu.vector_store %arg11[%swap3A_1184, %swap3A_1185, %swap3A_1186], %add3A_1131 {add = true, strides = array<i32>} : memref<2x256x64xf32, #tpu.memory_space<vmem>>, vector<16xf32>,
      %swap3A_1188 = arith.constant 0 : i32
      %swap3A_1189 = arith.index_cast %swap3A_1188 : i32 to index
      %swap3A_1190 = arith.index_cast %add3A_1172 : i32 to index
      %swap3A_1191 = arith.constant 48 : index
      %swap3A_1192 = tpu.vector_load %arg11[%swap3A_1189, %swap3A_1190, %swap3A_1191] {strides = array<i32>} : memref<2x256x64xf32, #tpu.memory_space<vmem>>, vector<16xf32>,
      tpu.vector_store %arg11[%swap3A_1189, %swap3A_1190, %swap3A_1191], %add3A_1141 {add = true, strides = array<i32>} : memref<2x256x64xf32, #tpu.memory_space<vmem>>, vector<16xf32>,
      %mul3A_1193 = arith.constant 2 : i32
      %mul3A_1194 = arith.muli %mul3A_1193, %scan3A_1082 : i32
      %add3A_1195 = arith.constant 1 : i32
      %add3A_1196 = arith.addi %mul3A_1194, %add3A_1195 : i32
      %get3A_1197 = arith.constant 0 : i32
      %get3A_1198 = arith.index_cast %get3A_1197 : i32 to index
      %get3A_1199 = arith.index_cast %add3A_1196 : i32 to index
      %get3A_1200 = arith.constant 0 : index
      %get3A_1201 = tpu.vector_load %arg12[%get3A_1198, %get3A_1199, %get3A_1200] {strides = array<i32>} : memref<2x128x64xf32, #tpu.memory_space<vmem>>, vector<16xf32>,
      %add3A_1202 = arith.addf %get3A_1086, %get3A_1201 : vector<16xf32>
      %mul3A_1203 = arith.constant 2 : i32
      %mul3A_1204 = arith.muli %mul3A_1203, %scan3A_1082 : i32
      %add3A_1205 = arith.constant 1 : i32
      %add3A_1206 = arith.addi %mul3A_1204, %add3A_1205 : i32
      %get3A_1207 = arith.constant 0 : i32
      %get3A_1208 = arith.index_cast %get3A_1207 : i32 to index
      %get3A_1209 = arith.index_cast %add3A_1206 : i32 to index
      %get3A_1210 = arith.constant 16 : index
      %get3A_1211 = tpu.vector_load %arg12[%get3A_1208, %get3A_1209, %get3A_1210] {strides = array<i32>} : memref<2x128x64xf32, #tpu.memory_space<vmem>>, vector<16xf32>,
      %add3A_1212 = arith.addf %get3A_1091, %get3A_1211 : vector<16xf32>
      %mul3A_1213 = arith.constant 2 : i32
      %mul3A_1214 = arith.muli %mul3A_1213, %scan3A_1082 : i32
      %add3A_1215 = arith.constant 1 : i32
      %add3A_1216 = arith.addi %mul3A_1214, %add3A_1215 : i32
      %get3A_1217 = arith.constant 0 : i32
      %get3A_1218 = arith.index_cast %get3A_1217 : i32 to index
      %get3A_1219 = arith.index_cast %add3A_1216 : i32 to index
      %get3A_1220 = arith.constant 32 : index
      %get3A_1221 = tpu.vector_load %arg12[%get3A_1218, %get3A_1219, %get3A_1220] {strides = array<i32>} : memref<2x128x64xf32, #tpu.memory_space<vmem>>, vector<16xf32>,
      %add3A_1222 = arith.addf %get3A_1096, %get3A_1221 : vector<16xf32>
      %mul3A_1223 = arith.constant 2 : i32
      %mul3A_1224 = arith.muli %mul3A_1223, %scan3A_1082 : i32
      %add3A_1225 = arith.constant 1 : i32
      %add3A_1226 = arith.addi %mul3A_1224, %add3A_1225 : i32
      %get3A_1227 = arith.constant 0 : i32
      %get3A_1228 = arith.index_cast %get3A_1227 : i32 to index
      %get3A_1229 = arith.index_cast %add3A_1226 : i32 to index
      %get3A_1230 = arith.constant 48 : index
      %get3A_1231 = tpu.vector_load %arg12[%get3A_1228, %get3A_1229, %get3A_1230] {strides = array<i32>} : memref<2x128x64xf32, #tpu.memory_space<vmem>>, vector<16xf32>,
      %add3A_1232 = arith.addf %get3A_1101, %get3A_1231 : vector<16xf32>
      %mul3A_1233 = arith.constant 4 : i32
      %mul3A_1234 = arith.muli %mul3A_1233, %scan3A_1082 : i32
      %add3A_1235 = arith.constant 2 : i32
      %add3A_1236 = arith.addi %mul3A_1234, %add3A_1235 : i32
      %add3A_1237 = arith.constant 0 : i32
      %add3A_1238 = arith.addi %add3A_1236, %add3A_1237 : i32
      %swap3A_1239 = arith.constant 0 : i32
      %swap3A_1240 = arith.index_cast %swap3A_1239 : i32 to index
      %swap3A_1241 = arith.index_cast %add3A_1238 : i32 to index
      %swap3A_1242 = arith.constant 0 : index
      %swap3A_1243 = tpu.vector_load %arg11[%swap3A_1240, %swap3A_1241, %swap3A_1242] {strides = array<i32>} : memref<2x256x64xf32, #tpu.memory_space<vmem>>, vector<16xf32>,
      tpu.vector_store %arg11[%swap3A_1240, %swap3A_1241, %swap3A_1242], %add3A_1202 {add = true, strides = array<i32>} : memref<2x256x64xf32, #tpu.memory_space<vmem>>, vector<16xf32>,
      %swap3A_1244 = arith.constant 0 : i32
      %swap3A_1245 = arith.index_cast %swap3A_1244 : i32 to index
      %swap3A_1246 = arith.index_cast %add3A_1238 : i32 to index
      %swap3A_1247 = arith.constant 16 : index
      %swap3A_1248 = tpu.vector_load %arg11[%swap3A_1245, %swap3A_1246, %swap3A_1247] {strides = array<i32>} : memref<2x256x64xf32, #tpu.memory_space<vmem>>, vector<16xf32>,
      tpu.vector_store %arg11[%swap3A_1245, %swap3A_1246, %swap3A_1247], %add3A_1212 {add = true, strides = array<i32>} : memref<2x256x64xf32, #tpu.memory_space<vmem>>, vector<16xf32>,
      %swap3A_1249 = arith.constant 0 : i32
      %swap3A_1250 = arith.index_cast %swap3A_1249 : i32 to index
      %swap3A_1251 = arith.index_cast %add3A_1238 : i32 to index
      %swap3A_1252 = arith.constant 32 : index
      %swap3A_1253 = tpu.vector_load %arg11[%swap3A_1250, %swap3A_1251, %swap3A_1252] {strides = array<i32>} : memref<2x256x64xf32, #tpu.memory_space<vmem>>, vector<16xf32>,
      tpu.vector_store %arg11[%swap3A_1250, %swap3A_1251, %swap3A_1252], %add3A_1222 {add = true, strides = array<i32>} : memref<2x256x64xf32, #tpu.memory_space<vmem>>, vector<16xf32>,
      %swap3A_1254 = arith.constant 0 : i32
      %swap3A_1255 = arith.index_cast %swap3A_1254 : i32 to index
      %swap3A_1256 = arith.index_cast %add3A_1238 : i32 to index
      %swap3A_1257 = arith.constant 48 : index
      %swap3A_1258 = tpu.vector_load %arg11[%swap3A_1255, %swap3A_1256, %swap3A_1257] {strides = array<i32>} : memref<2x256x64xf32, #tpu.memory_space<vmem>>, vector<16xf32>,
      tpu.vector_store %arg11[%swap3A_1255, %swap3A_1256, %swap3A_1257], %add3A_1232 {add = true, strides = array<i32>} : memref<2x256x64xf32, #tpu.memory_space<vmem>>, vector<16xf32>,
      %mul3A_1259 = arith.constant 4 : i32
      %mul3A_1260 = arith.muli %mul3A_1259, %scan3A_1082 : i32
      %add3A_1261 = arith.constant 2 : i32
      %add3A_1262 = arith.addi %mul3A_1260, %add3A_1261 : i32
      %add3A_1263 = arith.constant 1 : i32
      %add3A_1264 = arith.addi %add3A_1262, %add3A_1263 : i32
      %swap3A_1265 = arith.constant 0 : i32
      %swap3A_1266 = arith.index_cast %swap3A_1265 : i32 to index
      %swap3A_1267 = arith.index_cast %add3A_1264 : i32 to index
      %swap3A_1268 = arith.constant 0 : index
      %swap3A_1269 = tpu.vector_load %arg11[%swap3A_1266, %swap3A_1267, %swap3A_1268] {strides = array<i32>} : memref<2x256x64xf32, #tpu.memory_space<vmem>>, vector<16xf32>,
      tpu.vector_store %arg11[%swap3A_1266, %swap3A_1267, %swap3A_1268], %add3A_1202 {add = true, strides = array<i32>} : memref<2x256x64xf32, #tpu.memory_space<vmem>>, vector<16xf32>,
      %swap3A_1270 = arith.constant 0 : i32
      %swap3A_1271 = arith.index_cast %swap3A_1270 : i32 to index
      %swap3A_1272 = arith.index_cast %add3A_1264 : i32 to index
      %swap3A_1273 = arith.constant 16 : index
      %swap3A_1274 = tpu.vector_load %arg11[%swap3A_1271, %swap3A_1272, %swap3A_1273] {strides = array<i32>} : memref<2x256x64xf32, #tpu.memory_space<vmem>>, vector<16xf32>,
      tpu.vector_store %arg11[%swap3A_1271, %swap3A_1272, %swap3A_1273], %add3A_1212 {add = true, strides = array<i32>} : memref<2x256x64xf32, #tpu.memory_space<vmem>>, vector<16xf32>,
      %swap3A_1275 = arith.constant 0 : i32
      %swap3A_1276 = arith.index_cast %swap3A_1275 : i32 to index
      %swap3A_1277 = arith.index_cast %add3A_1264 : i32 to index
      %swap3A_1278 = arith.constant 32 : index
      %swap3A_1279 = tpu.vector_load %arg11[%swap3A_1276, %swap3A_1277, %swap3A_1278] {strides = array<i32>} : memref<2x256x64xf32, #tpu.memory_space<vmem>>, vector<16xf32>,
      tpu.vector_store %arg11[%swap3A_1276, %swap3A_1277, %swap3A_1278], %add3A_1222 {add = true, strides = array<i32>} : memref<2x256x64xf32, #tpu.memory_space<vmem>>, vector<16xf32>,
      %swap3A_1280 = arith.constant 0 : i32
      %swap3A_1281 = arith.index_cast %swap3A_1280 : i32 to index
      %swap3A_1282 = arith.index_cast %add3A_1264 : i32 to index
      %swap3A_1283 = arith.constant 48 : index
      %swap3A_1284 = tpu.vector_load %arg11[%swap3A_1281, %swap3A_1282, %swap3A_1283] {strides = array<i32>} : memref<2x256x64xf32, #tpu.memory_space<vmem>>, vector<16xf32>,
      tpu.vector_store %arg11[%swap3A_1281, %swap3A_1282, %swap3A_1283], %add3A_1232 {add = true, strides = array<i32>} : memref<2x256x64xf32, #tpu.memory_space<vmem>>, vector<16xf32>,
    }
    %scan3A_967 = arith.constant 64 : i32
    %mul3A_968 = arith.constant 2048 : i32
    %mul3A_969 = arith.muli %add3A, %mul3A_968 : i32
    %add3A_970 = arith.constant 1536 : i32
    %add3A_971 = arith.addi %mul3A_969, %add3A_970 : i32
    %dma_start3A_972 = arith.constant 0 : i32
    %dma_start3A_973 = arith.constant 0 : i32
    %dma_start3A_974 = arith.constant 0 : i32
    %dma_start3A_975 = tpu.memref_slice %arg11[%dma_start3A_972, %dma_start3A_973, %dma_start3A_974] : memref<2x256x64xf32, #tpu.memory_space<vmem>> -> memref<1x256x64xf32, #tpu.memory_space<vmem>>
    %dma_start3A_976 = tpu.memref_squeeze %dma_start3A_975 : memref<1x256x64xf32, #tpu.memory_space<vmem>> -> memref<256x64xf32, #tpu.memory_space<vmem>>
    %dma_start3A_977 = arith.constant 0 : i32
    %dma_start3A_978 = tpu.memref_slice %arg6[%add3A_971, %dma_start3A_977] : memref<65536x128xf32, #tpu.memory_space<hbm>> -> memref<256x64xf32, #tpu.memory_space<hbm>>
    %dma_start3A_979 = arith.constant 0 : i32
    %dma_start3A_980 = tpu.memref_slice %arg6[%add3A_971, %dma_start3A_979] : memref<65536x128xf32, #tpu.memory_space<hbm>> -> memref<256x64xf32, #tpu.memory_space<hbm>>
    %dma_start3A_981 = arith.constant 0 : i32
    %dma_start3A_982 = arith.constant 0 : i32
    %dma_start3A_983 = tpu.memref_slice %arg11[%dma_start3A_972, %dma_start3A_981, %dma_start3A_982] : memref<2x256x64xf32, #tpu.memory_space<vmem>> -> memref<1x256x64xf32, #tpu.memory_space<vmem>>
    %dma_start3A_984 = tpu.memref_squeeze %dma_start3A_983 : memref<1x256x64xf32, #tpu.memory_space<vmem>> -> memref<256x64xf32, #tpu.memory_space<vmem>>
    tpu.enqueue_dma source(%dma_start3A_984 : memref<256x64xf32, #tpu.memory_space<vmem>>) target(%dma_start3A_980 : memref<256x64xf32, #tpu.memory_space<hbm>>) target_semaphore(%arg18 : memref<!tpu.dma_semaphore, #tpu.memory_space<semaphore_mem>>)
    %dma_wait3A_985 = arith.constant 14 : i32
    %dma_wait3A_986 = arith.constant 1 : i32
    %dma_wait3A_987 = arith.constant 0 : i32
    %dma_wait3A_988 = arith.constant 0 : i32
    %dma_wait3A_989 = tpu.memref_slice %arg11[%dma_wait3A_986, %dma_wait3A_987, %dma_wait3A_988] : memref<2x256x64xf32, #tpu.memory_space<vmem>> -> memref<1x128x64xf32, #tpu.memory_space<vmem>>
    %dma_wait3A_990 = tpu.memref_squeeze %dma_wait3A_989 : memref<1x128x64xf32, #tpu.memory_space<vmem>> -> memref<128x64xf32, #tpu.memory_space<vmem>>
    %dma_wait3A_991 = arith.constant 0 : i32
    %dma_wait3A_992 = tpu.memref_slice %arg8[%dma_wait3A_985, %dma_wait3A_991] : memref<16x128xi32, #tpu.memory_space<vmem>> -> memref<1x128xi32, #tpu.memory_space<vmem>>
    %dma_wait3A_993 = tpu.memref_squeeze %dma_wait3A_992 : memref<1x128xi32, #tpu.memory_space<vmem>> -> memref<128xi32, #tpu.memory_space<vmem>>
    %dma_wait3A_994 = arith.constant 0 : i32
    %dma_wait3A_995 = arith.constant 0 : i32
    %dma_wait3A_996 = tpu.memref_slice %arg5[%dma_wait3A_994, %dma_wait3A_995] : memref<4096x64xf32, #tpu.memory_space<hbm>> -> memref<4096x64xf32, #tpu.memory_space<hbm>>
    tpu.wait_indirect_dma semaphore(%arg16 : memref<!tpu.dma_semaphore, #tpu.memory_space<semaphore_mem>>) src(%dma_wait3A_996 : memref<4096x64xf32, #tpu.memory_space<hbm>>) dst(%dma_wait3A_990 : memref<128x64xf32, #tpu.memory_space<vmem>>)
    %dma_wait3A_997 = arith.constant 15 : i32
    %dma_wait3A_998 = arith.constant 1 : i32
    %dma_wait3A_999 = arith.constant 128 : i32
    %dma_wait3A_1000 = arith.constant 0 : i32
    %dma_wait3A_1001 = tpu.memref_slice %arg11[%dma_wait3A_998, %dma_wait3A_999, %dma_wait3A_1000] : memref<2x256x64xf32, #tpu.memory_space<vmem>> -> memref<1x128x64xf32, #tpu.memory_space<vmem>>
    %dma_wait3A_1002 = tpu.memref_squeeze %dma_wait3A_1001 : memref<1x128x64xf32, #tpu.memory_space<vmem>> -> memref<128x64xf32, #tpu.memory_space<vmem>>
    %dma_wait3A_1003 = arith.constant 0 : i32
    %dma_wait3A_1004 = tpu.memref_slice %arg8[%dma_wait3A_997, %dma_wait3A_1003] : memref<16x128xi32, #tpu.memory_space<vmem>> -> memref<1x128xi32, #tpu.memory_space<vmem>>
    %dma_wait3A_1005 = tpu.memref_squeeze %dma_wait3A_1004 : memref<1x128xi32, #tpu.memory_space<vmem>> -> memref<128xi32, #tpu.memory_space<vmem>>
    %dma_wait3A_1006 = arith.constant 0 : i32
    %dma_wait3A_1007 = arith.constant 0 : i32
    %dma_wait3A_1008 = tpu.memref_slice %arg5[%dma_wait3A_1006, %dma_wait3A_1007] : memref<4096x64xf32, #tpu.memory_space<hbm>> -> memref<4096x64xf32, #tpu.memory_space<hbm>>
    tpu.wait_indirect_dma semaphore(%arg16 : memref<!tpu.dma_semaphore, #tpu.memory_space<semaphore_mem>>) src(%dma_wait3A_1008 : memref<4096x64xf32, #tpu.memory_space<hbm>>) dst(%dma_wait3A_1002 : memref<128x64xf32, #tpu.memory_space<vmem>>)
    %dma_wait3A_1009 = arith.constant 7 : i32
    %dma_wait3A_1010 = arith.constant 1 : i32
    %dma_wait3A_1011 = arith.constant 0 : i32
    %dma_wait3A_1012 = arith.constant 0 : i32
    %dma_wait3A_1013 = tpu.memref_slice %arg12[%dma_wait3A_1010, %dma_wait3A_1011, %dma_wait3A_1012] : memref<2x128x64xf32, #tpu.memory_space<vmem>> -> memref<1x128x64xf32, #tpu.memory_space<vmem>>
    %dma_wait3A_1014 = tpu.memref_squeeze %dma_wait3A_1013 : memref<1x128x64xf32, #tpu.memory_space<vmem>> -> memref<128x64xf32, #tpu.memory_space<vmem>>
    %dma_wait3A_1015 = arith.constant 0 : i32
    %dma_wait3A_1016 = tpu.memref_slice %arg9[%dma_wait3A_1009, %dma_wait3A_1015] : memref<8x128xi32, #tpu.memory_space<vmem>> -> memref<1x128xi32, #tpu.memory_space<vmem>>
    %dma_wait3A_1017 = tpu.memref_squeeze %dma_wait3A_1016 : memref<1x128xi32, #tpu.memory_space<vmem>> -> memref<128xi32, #tpu.memory_space<vmem>>
    %dma_wait3A_1018 = arith.constant 0 : i32
    %dma_wait3A_1019 = arith.constant 0 : i32
    %dma_wait3A_1020 = tpu.memref_slice %arg4[%dma_wait3A_1018, %dma_wait3A_1019] : memref<4096x64xf32, #tpu.memory_space<hbm>> -> memref<4096x64xf32, #tpu.memory_space<hbm>>
    tpu.wait_indirect_dma semaphore(%arg17 : memref<!tpu.dma_semaphore, #tpu.memory_space<semaphore_mem>>) src(%dma_wait3A_1020 : memref<4096x64xf32, #tpu.memory_space<hbm>>) dst(%dma_wait3A_1014 : memref<128x64xf32, #tpu.memory_space<vmem>>)
    %dma_wait3A_1021 = arith.constant 7 : i32
    %dma_wait3A_1022 = arith.constant 1 : i32
    %dma_wait3A_1023 = arith.constant 0 : i32
    %dma_wait3A_1024 = arith.constant 0 : i32
    %dma_wait3A_1025 = tpu.memref_slice %arg13[%dma_wait3A_1022, %dma_wait3A_1023, %dma_wait3A_1024] : memref<2x64x64xf32, #tpu.memory_space<vmem>> -> memref<1x64x64xf32, #tpu.memory_space<vmem>>
    %dma_wait3A_1026 = tpu.memref_squeeze %dma_wait3A_1025 : memref<1x64x64xf32, #tpu.memory_space<vmem>> -> memref<64x64xf32, #tpu.memory_space<vmem>>
    %dma_wait3A_1027 = arith.constant 0 : i32
    %dma_wait3A_1028 = tpu.memref_slice %arg10[%dma_wait3A_1021, %dma_wait3A_1027] : memref<8x64xi32, #tpu.memory_space<vmem>> -> memref<1x64xi32, #tpu.memory_space<vmem>>
    %dma_wait3A_1029 = tpu.memref_squeeze %dma_wait3A_1028 : memref<1x64xi32, #tpu.memory_space<vmem>> -> memref<64xi32, #tpu.memory_space<vmem>>
    %dma_wait3A_1030 = arith.constant 0 : i32
    %dma_wait3A_1031 = arith.constant 0 : i32
    %dma_wait3A_1032 = tpu.memref_slice %arg3[%dma_wait3A_1030, %dma_wait3A_1031] : memref<4096x64xf32, #tpu.memory_space<hbm>> -> memref<4096x64xf32, #tpu.memory_space<hbm>>
    tpu.wait_indirect_dma semaphore(%arg17 : memref<!tpu.dma_semaphore, #tpu.memory_space<semaphore_mem>>) src(%dma_wait3A_1032 : memref<4096x64xf32, #tpu.memory_space<hbm>>) dst(%dma_wait3A_1026 : memref<64x64xf32, #tpu.memory_space<vmem>>)
    %scan3A_1033 = arith.constant 0 : i32
    %scan3A_1034 = arith.constant 0 : i32
    %scan3A_1035 = arith.constant 64 : i32
    %scan3A_1036 = arith.addi %scan3A_1034, %scan3A_1035 : i32
    %scan3A_1037 = arith.constant 1 : i32
    scf.for %scan3A_1082 = %scan3A_1034 to %scan3A_1036 step %scan3A_1037  : i32 {
      %get3A = arith.constant 1 : i32
      %get3A_1083 = arith.index_cast %get3A : i32 to index
      %get3A_1084 = arith.index_cast %scan3A_1082 : i32 to index
      %get3A_1085 = arith.constant 0 : index
      %get3A_1086 = tpu.vector_load %arg13[%get3A_1083, %get3A_1084, %get3A_1085] {strides = array<i32>} : memref<2x64x64xf32, #tpu.memory_space<vmem>>, vector<16xf32>,
      %get3A_1087 = arith.constant 1 : i32
      %get3A_1088 = arith.index_cast %get3A_1087 : i32 to index
      %get3A_1089 = arith.index_cast %scan3A_1082 : i32 to index
      %get3A_1090 = arith.constant 16 : index
      %get3A_1091 = tpu.vector_load %arg13[%get3A_1088, %get3A_1089, %get3A_1090] {strides = array<i32>} : memref<2x64x64xf32, #tpu.memory_space<vmem>>, vector<16xf32>,
      %get3A_1092 = arith.constant 1 : i32
      %get3A_1093 = arith.index_cast %get3A_1092 : i32 to index
      %get3A_1094 = arith.index_cast %scan3A_1082 : i32 to index
      %get3A_1095 = arith.constant 32 : index
      %get3A_1096 = tpu.vector_load %arg13[%get3A_1093, %get3A_1094, %get3A_1095] {strides = array<i32>} : memref<2x64x64xf32, #tpu.memory_space<vmem>>, vector<16xf32>,
      %get3A_1097 = arith.constant 1 : i32
      %get3A_1098 = arith.index_cast %get3A_1097 : i32 to index
      %get3A_1099 = arith.index_cast %scan3A_1082 : i32 to index
      %get3A_1100 = arith.constant 48 : index
      %get3A_1101 = tpu.vector_load %arg13[%get3A_1098, %get3A_1099, %get3A_1100] {strides = array<i32>} : memref<2x64x64xf32, #tpu.memory_space<vmem>>, vector<16xf32>,
      %mul3A_1102 = arith.constant 2 : i32
      %mul3A_1103 = arith.muli %mul3A_1102, %scan3A_1082 : i32
      %add3A_1104 = arith.constant 0 : i32
      %add3A_1105 = arith.addi %mul3A_1103, %add3A_1104 : i32
      %get3A_1106 = arith.constant 1 : i32
      %get3A_1107 = arith.index_cast %get3A_1106 : i32 to index
      %get3A_1108 = arith.index_cast %add3A_1105 : i32 to index
      %get3A_1109 = arith.constant 0 : index
      %get3A_1110 = tpu.vector_load %arg12[%get3A_1107, %get3A_1108, %get3A_1109] {strides = array<i32>} : memref<2x128x64xf32, #tpu.memory_space<vmem>>, vector<16xf32>,
      %add3A_1111 = arith.addf %get3A_1086, %get3A_1110 : vector<16xf32>
      %mul3A_1112 = arith.constant 2 : i32
      %mul3A_1113 = arith.muli %mul3A_1112, %scan3A_1082 : i32
      %add3A_1114 = arith.constant 0 : i32
      %add3A_1115 = arith.addi %mul3A_1113, %add3A_1114 : i32
      %get3A_1116 = arith.constant 1 : i32
      %get3A_1117 = arith.index_cast %get3A_1116 : i32 to index
      %get3A_1118 = arith.index_cast %add3A_1115 : i32 to index
      %get3A_1119 = arith.constant 16 : index
      %get3A_1120 = tpu.vector_load %arg12[%get3A_1117, %get3A_1118, %get3A_1119] {strides = array<i32>} : memref<2x128x64xf32, #tpu.memory_space<vmem>>, vector<16xf32>,
      %add3A_1121 = arith.addf %get3A_1091, %get3A_1120 : vector<16xf32>
      %mul3A_1122 = arith.constant 2 : i32
      %mul3A_1123 = arith.muli %mul3A_1122, %scan3A_1082 : i32
      %add3A_1124 = arith.constant 0 : i32
      %add3A_1125 = arith.addi %mul3A_1123, %add3A_1124 : i32
      %get3A_1126 = arith.constant 1 : i32
      %get3A_1127 = arith.index_cast %get3A_1126 : i32 to index
      %get3A_1128 = arith.index_cast %add3A_1125 : i32 to index
      %get3A_1129 = arith.constant 32 : index
      %get3A_1130 = tpu.vector_load %arg12[%get3A_1127, %get3A_1128, %get3A_1129] {strides = array<i32>} : memref<2x128x64xf32, #tpu.memory_space<vmem>>, vector<16xf32>,
      %add3A_1131 = arith.addf %get3A_1096, %get3A_1130 : vector<16xf32>
      %mul3A_1132 = arith.constant 2 : i32
      %mul3A_1133 = arith.muli %mul3A_1132, %scan3A_1082 : i32
      %add3A_1134 = arith.constant 0 : i32
      %add3A_1135 = arith.addi %mul3A_1133, %add3A_1134 : i32
      %get3A_1136 = arith.constant 1 : i32
      %get3A_1137 = arith.index_cast %get3A_1136 : i32 to index
      %get3A_1138 = arith.index_cast %add3A_1135 : i32 to index
      %get3A_1139 = arith.constant 48 : index
      %get3A_1140 = tpu.vector_load %arg12[%get3A_1137, %get3A_1138, %get3A_1139] {strides = array<i32>} : memref<2x128x64xf32, #tpu.memory_space<vmem>>, vector<16xf32>,
      %add3A_1141 = arith.addf %get3A_1101, %get3A_1140 : vector<16xf32>
      %mul3A_1142 = arith.constant 4 : i32
      %mul3A_1143 = arith.muli %mul3A_1142, %scan3A_1082 : i32
      %add3A_1144 = arith.constant 0 : i32
      %add3A_1145 = arith.addi %mul3A_1143, %add3A_1144 : i32
      %add3A_1146 = arith.constant 0 : i32
      %add3A_1147 = arith.addi %add3A_1145, %add3A_1146 : i32
      %swap3A = arith.constant 1 : i32
      %swap3A_1148 = arith.index_cast %swap3A : i32 to index
      %swap3A_1149 = arith.index_cast %add3A_1147 : i32 to index
      %swap3A_1150 = arith.constant 0 : index
      %swap3A_1151 = tpu.vector_load %arg11[%swap3A_1148, %swap3A_1149, %swap3A_1150] {strides = array<i32>} : memref<2x256x64xf32, #tpu.memory_space<vmem>>, vector<16xf32>,
      tpu.vector_store %arg11[%swap3A_1148, %swap3A_1149, %swap3A_1150], %add3A_1111 {add = true, strides = array<i32>} : memref<2x256x64xf32, #tpu.memory_space<vmem>>, vector<16xf32>,
      %swap3A_1152 = arith.constant 1 : i32
      %swap3A_1153 = arith.index_cast %swap3A_1152 : i32 to index
      %swap3A_1154 = arith.index_cast %add3A_1147 : i32 to index
      %swap3A_1155 = arith.constant 16 : index
      %swap3A_1156 = tpu.vector_load %arg11[%swap3A_1153, %swap3A_1154, %swap3A_1155] {strides = array<i32>} : memref<2x256x64xf32, #tpu.memory_space<vmem>>, vector<16xf32>,
      tpu.vector_store %arg11[%swap3A_1153, %swap3A_1154, %swap3A_1155], %add3A_1121 {add = true, strides = array<i32>} : memref<2x256x64xf32, #tpu.memory_space<vmem>>, vector<16xf32>,
      %swap3A_1157 = arith.constant 1 : i32
      %swap3A_1158 = arith.index_cast %swap3A_1157 : i32 to index
      %swap3A_1159 = arith.index_cast %add3A_1147 : i32 to index
      %swap3A_1160 = arith.constant 32 : index
      %swap3A_1161 = tpu.vector_load %arg11[%swap3A_1158, %swap3A_1159, %swap3A_1160] {strides = array<i32>} : memref<2x256x64xf32, #tpu.memory_space<vmem>>, vector<16xf32>,
      tpu.vector_store %arg11[%swap3A_1158, %swap3A_1159, %swap3A_1160], %add3A_1131 {add = true, strides = array<i32>} : memref<2x256x64xf32, #tpu.memory_space<vmem>>, vector<16xf32>,
      %swap3A_1162 = arith.constant 1 : i32
      %swap3A_1163 = arith.index_cast %swap3A_1162 : i32 to index
      %swap3A_1164 = arith.index_cast %add3A_1147 : i32 to index
      %swap3A_1165 = arith.constant 48 : index
      %swap3A_1166 = tpu.vector_load %arg11[%swap3A_1163, %swap3A_1164, %swap3A_1165] {strides = array<i32>} : memref<2x256x64xf32, #tpu.memory_space<vmem>>, vector<16xf32>,
      tpu.vector_store %arg11[%swap3A_1163, %swap3A_1164, %swap3A_1165], %add3A_1141 {add = true, strides = array<i32>} : memref<2x256x64xf32, #tpu.memory_space<vmem>>, vector<16xf32>,
      %mul3A_1167 = arith.constant 4 : i32
      %mul3A_1168 = arith.muli %mul3A_1167, %scan3A_1082 : i32
      %add3A_1169 = arith.constant 0 : i32
      %add3A_1170 = arith.addi %mul3A_1168, %add3A_1169 : i32
      %add3A_1171 = arith.constant 1 : i32
      %add3A_1172 = arith.addi %add3A_1170, %add3A_1171 : i32
      %swap3A_1173 = arith.constant 1 : i32
      %swap3A_1174 = arith.index_cast %swap3A_1173 : i32 to index
      %swap3A_1175 = arith.index_cast %add3A_1172 : i32 to index
      %swap3A_1176 = arith.constant 0 : index
      %swap3A_1177 = tpu.vector_load %arg11[%swap3A_1174, %swap3A_1175, %swap3A_1176] {strides = array<i32>} : memref<2x256x64xf32, #tpu.memory_space<vmem>>, vector<16xf32>,
      tpu.vector_store %arg11[%swap3A_1174, %swap3A_1175, %swap3A_1176], %add3A_1111 {add = true, strides = array<i32>} : memref<2x256x64xf32, #tpu.memory_space<vmem>>, vector<16xf32>,
      %swap3A_1178 = arith.constant 1 : i32
      %swap3A_1179 = arith.index_cast %swap3A_1178 : i32 to index
      %swap3A_1180 = arith.index_cast %add3A_1172 : i32 to index
      %swap3A_1181 = arith.constant 16 : index
      %swap3A_1182 = tpu.vector_load %arg11[%swap3A_1179, %swap3A_1180, %swap3A_1181] {strides = array<i32>} : memref<2x256x64xf32, #tpu.memory_space<vmem>>, vector<16xf32>,
      tpu.vector_store %arg11[%swap3A_1179, %swap3A_1180, %swap3A_1181], %add3A_1121 {add = true, strides = array<i32>} : memref<2x256x64xf32, #tpu.memory_space<vmem>>, vector<16xf32>,
      %swap3A_1183 = arith.constant 1 : i32
      %swap3A_1184 = arith.index_cast %swap3A_1183 : i32 to index
      %swap3A_1185 = arith.index_cast %add3A_1172 : i32 to index
      %swap3A_1186 = arith.constant 32 : index
      %swap3A_1187 = tpu.vector_load %arg11[%swap3A_1184, %swap3A_1185, %swap3A_1186] {strides = array<i32>} : memref<2x256x64xf32, #tpu.memory_space<vmem>>, vector<16xf32>,
      tpu.vector_store %arg11[%swap3A_1184, %swap3A_1185, %swap3A_1186], %add3A_1131 {add = true, strides = array<i32>} : memref<2x256x64xf32, #tpu.memory_space<vmem>>, vector<16xf32>,
      %swap3A_1188 = arith.constant 1 : i32
      %swap3A_1189 = arith.index_cast %swap3A_1188 : i32 to index
      %swap3A_1190 = arith.index_cast %add3A_1172 : i32 to index
      %swap3A_1191 = arith.constant 48 : index
      %swap3A_1192 = tpu.vector_load %arg11[%swap3A_1189, %swap3A_1190, %swap3A_1191] {strides = array<i32>} : memref<2x256x64xf32, #tpu.memory_space<vmem>>, vector<16xf32>,
      tpu.vector_store %arg11[%swap3A_1189, %swap3A_1190, %swap3A_1191], %add3A_1141 {add = true, strides = array<i32>} : memref<2x256x64xf32, #tpu.memory_space<vmem>>, vector<16xf32>,
      %mul3A_1193 = arith.constant 2 : i32
      %mul3A_1194 = arith.muli %mul3A_1193, %scan3A_1082 : i32
      %add3A_1195 = arith.constant 1 : i32
      %add3A_1196 = arith.addi %mul3A_1194, %add3A_1195 : i32
      %get3A_1197 = arith.constant 1 : i32
      %get3A_1198 = arith.index_cast %get3A_1197 : i32 to index
      %get3A_1199 = arith.index_cast %add3A_1196 : i32 to index
      %get3A_1200 = arith.constant 0 : index
      %get3A_1201 = tpu.vector_load %arg12[%get3A_1198, %get3A_1199, %get3A_1200] {strides = array<i32>} : memref<2x128x64xf32, #tpu.memory_space<vmem>>, vector<16xf32>,
      %add3A_1202 = arith.addf %get3A_1086, %get3A_1201 : vector<16xf32>
      %mul3A_1203 = arith.constant 2 : i32
      %mul3A_1204 = arith.muli %mul3A_1203, %scan3A_1082 : i32
      %add3A_1205 = arith.constant 1 : i32
      %add3A_1206 = arith.addi %mul3A_1204, %add3A_1205 : i32
      %get3A_1207 = arith.constant 1 : i32
      %get3A_1208 = arith.index_cast %get3A_1207 : i32 to index
      %get3A_1209 = arith.index_cast %add3A_1206 : i32 to index
      %get3A_1210 = arith.constant 16 : index
      %get3A_1211 = tpu.vector_load %arg12[%get3A_1208, %get3A_1209, %get3A_1210] {strides = array<i32>} : memref<2x128x64xf32, #tpu.memory_space<vmem>>, vector<16xf32>,
      %add3A_1212 = arith.addf %get3A_1091, %get3A_1211 : vector<16xf32>
      %mul3A_1213 = arith.constant 2 : i32
      %mul3A_1214 = arith.muli %mul3A_1213, %scan3A_1082 : i32
      %add3A_1215 = arith.constant 1 : i32
      %add3A_1216 = arith.addi %mul3A_1214, %add3A_1215 : i32
      %get3A_1217 = arith.constant 1 : i32
      %get3A_1218 = arith.index_cast %get3A_1217 : i32 to index
      %get3A_1219 = arith.index_cast %add3A_1216 : i32 to index
      %get3A_1220 = arith.constant 32 : index
      %get3A_1221 = tpu.vector_load %arg12[%get3A_1218, %get3A_1219, %get3A_1220] {strides = array<i32>} : memref<2x128x64xf32, #tpu.memory_space<vmem>>, vector<16xf32>,
      %add3A_1222 = arith.addf %get3A_1096, %get3A_1221 : vector<16xf32>
      %mul3A_1223 = arith.constant 2 : i32
      %mul3A_1224 = arith.muli %mul3A_1223, %scan3A_1082 : i32
      %add3A_1225 = arith.constant 1 : i32
      %add3A_1226 = arith.addi %mul3A_1224, %add3A_1225 : i32
      %get3A_1227 = arith.constant 1 : i32
      %get3A_1228 = arith.index_cast %get3A_1227 : i32 to index
      %get3A_1229 = arith.index_cast %add3A_1226 : i32 to index
      %get3A_1230 = arith.constant 48 : index
      %get3A_1231 = tpu.vector_load %arg12[%get3A_1228, %get3A_1229, %get3A_1230] {strides = array<i32>} : memref<2x128x64xf32, #tpu.memory_space<vmem>>, vector<16xf32>,
      %add3A_1232 = arith.addf %get3A_1101, %get3A_1231 : vector<16xf32>
      %mul3A_1233 = arith.constant 4 : i32
      %mul3A_1234 = arith.muli %mul3A_1233, %scan3A_1082 : i32
      %add3A_1235 = arith.constant 2 : i32
      %add3A_1236 = arith.addi %mul3A_1234, %add3A_1235 : i32
      %add3A_1237 = arith.constant 0 : i32
      %add3A_1238 = arith.addi %add3A_1236, %add3A_1237 : i32
      %swap3A_1239 = arith.constant 1 : i32
      %swap3A_1240 = arith.index_cast %swap3A_1239 : i32 to index
      %swap3A_1241 = arith.index_cast %add3A_1238 : i32 to index
      %swap3A_1242 = arith.constant 0 : index
      %swap3A_1243 = tpu.vector_load %arg11[%swap3A_1240, %swap3A_1241, %swap3A_1242] {strides = array<i32>} : memref<2x256x64xf32, #tpu.memory_space<vmem>>, vector<16xf32>,
      tpu.vector_store %arg11[%swap3A_1240, %swap3A_1241, %swap3A_1242], %add3A_1202 {add = true, strides = array<i32>} : memref<2x256x64xf32, #tpu.memory_space<vmem>>, vector<16xf32>,
      %swap3A_1244 = arith.constant 1 : i32
      %swap3A_1245 = arith.index_cast %swap3A_1244 : i32 to index
      %swap3A_1246 = arith.index_cast %add3A_1238 : i32 to index
      %swap3A_1247 = arith.constant 16 : index
      %swap3A_1248 = tpu.vector_load %arg11[%swap3A_1245, %swap3A_1246, %swap3A_1247] {strides = array<i32>} : memref<2x256x64xf32, #tpu.memory_space<vmem>>, vector<16xf32>,
      tpu.vector_store %arg11[%swap3A_1245, %swap3A_1246, %swap3A_1247], %add3A_1212 {add = true, strides = array<i32>} : memref<2x256x64xf32, #tpu.memory_space<vmem>>, vector<16xf32>,
      %swap3A_1249 = arith.constant 1 : i32
      %swap3A_1250 = arith.index_cast %swap3A_1249 : i32 to index
      %swap3A_1251 = arith.index_cast %add3A_1238 : i32 to index
      %swap3A_1252 = arith.constant 32 : index
      %swap3A_1253 = tpu.vector_load %arg11[%swap3A_1250, %swap3A_1251, %swap3A_1252] {strides = array<i32>} : memref<2x256x64xf32, #tpu.memory_space<vmem>>, vector<16xf32>,
      tpu.vector_store %arg11[%swap3A_1250, %swap3A_1251, %swap3A_1252], %add3A_1222 {add = true, strides = array<i32>} : memref<2x256x64xf32, #tpu.memory_space<vmem>>, vector<16xf32>,
      %swap3A_1254 = arith.constant 1 : i32
      %swap3A_1255 = arith.index_cast %swap3A_1254 : i32 to index
      %swap3A_1256 = arith.index_cast %add3A_1238 : i32 to index
      %swap3A_1257 = arith.constant 48 : index
      %swap3A_1258 = tpu.vector_load %arg11[%swap3A_1255, %swap3A_1256, %swap3A_1257] {strides = array<i32>} : memref<2x256x64xf32, #tpu.memory_space<vmem>>, vector<16xf32>,
      tpu.vector_store %arg11[%swap3A_1255, %swap3A_1256, %swap3A_1257], %add3A_1232 {add = true, strides = array<i32>} : memref<2x256x64xf32, #tpu.memory_space<vmem>>, vector<16xf32>,
      %mul3A_1259 = arith.constant 4 : i32
      %mul3A_1260 = arith.muli %mul3A_1259, %scan3A_1082 : i32
      %add3A_1261 = arith.constant 2 : i32
      %add3A_1262 = arith.addi %mul3A_1260, %add3A_1261 : i32
      %add3A_1263 = arith.constant 1 : i32
      %add3A_1264 = arith.addi %add3A_1262, %add3A_1263 : i32
      %swap3A_1265 = arith.constant 1 : i32
      %swap3A_1266 = arith.index_cast %swap3A_1265 : i32 to index
      %swap3A_1267 = arith.index_cast %add3A_1264 : i32 to index
      %swap3A_1268 = arith.constant 0 : index
      %swap3A_1269 = tpu.vector_load %arg11[%swap3A_1266, %swap3A_1267, %swap3A_1268] {strides = array<i32>} : memref<2x256x64xf32, #tpu.memory_space<vmem>>, vector<16xf32>,
      tpu.vector_store %arg11[%swap3A_1266, %swap3A_1267, %swap3A_1268], %add3A_1202 {add = true, strides = array<i32>} : memref<2x256x64xf32, #tpu.memory_space<vmem>>, vector<16xf32>,
      %swap3A_1270 = arith.constant 1 : i32
      %swap3A_1271 = arith.index_cast %swap3A_1270 : i32 to index
      %swap3A_1272 = arith.index_cast %add3A_1264 : i32 to index
      %swap3A_1273 = arith.constant 16 : index
      %swap3A_1274 = tpu.vector_load %arg11[%swap3A_1271, %swap3A_1272, %swap3A_1273] {strides = array<i32>} : memref<2x256x64xf32, #tpu.memory_space<vmem>>, vector<16xf32>,
      tpu.vector_store %arg11[%swap3A_1271, %swap3A_1272, %swap3A_1273], %add3A_1212 {add = true, strides = array<i32>} : memref<2x256x64xf32, #tpu.memory_space<vmem>>, vector<16xf32>,
      %swap3A_1275 = arith.constant 1 : i32
      %swap3A_1276 = arith.index_cast %swap3A_1275 : i32 to index
      %swap3A_1277 = arith.index_cast %add3A_1264 : i32 to index
      %swap3A_1278 = arith.constant 32 : index
      %swap3A_1279 = tpu.vector_load %arg11[%swap3A_1276, %swap3A_1277, %swap3A_1278] {strides = array<i32>} : memref<2x256x64xf32, #tpu.memory_space<vmem>>, vector<16xf32>,
      tpu.vector_store %arg11[%swap3A_1276, %swap3A_1277, %swap3A_1278], %add3A_1222 {add = true, strides = array<i32>} : memref<2x256x64xf32, #tpu.memory_space<vmem>>, vector<16xf32>,
      %swap3A_1280 = arith.constant 1 : i32
      %swap3A_1281 = arith.index_cast %swap3A_1280 : i32 to index
      %swap3A_1282 = arith.index_cast %add3A_1264 : i32 to index
      %swap3A_1283 = arith.constant 48 : index
      %swap3A_1284 = tpu.vector_load %arg11[%swap3A_1281, %swap3A_1282, %swap3A_1283] {strides = array<i32>} : memref<2x256x64xf32, #tpu.memory_space<vmem>>, vector<16xf32>,
      tpu.vector_store %arg11[%swap3A_1281, %swap3A_1282, %swap3A_1283], %add3A_1232 {add = true, strides = array<i32>} : memref<2x256x64xf32, #tpu.memory_space<vmem>>, vector<16xf32>,
    }
    %scan3A_1038 = arith.constant 64 : i32
    %mul3A_1039 = arith.constant 2048 : i32
    %mul3A_1040 = arith.muli %add3A, %mul3A_1039 : i32
    %add3A_1041 = arith.constant 1792 : i32
    %add3A_1042 = arith.addi %mul3A_1040, %add3A_1041 : i32
    %dma_start3A_1043 = arith.constant 1 : i32
    %dma_start3A_1044 = arith.constant 0 : i32
    %dma_start3A_1045 = arith.constant 0 : i32
    %dma_start3A_1046 = tpu.memref_slice %arg11[%dma_start3A_1043, %dma_start3A_1044, %dma_start3A_1045] : memref<2x256x64xf32, #tpu.memory_space<vmem>> -> memref<1x256x64xf32, #tpu.memory_space<vmem>>
    %dma_start3A_1047 = tpu.memref_squeeze %dma_start3A_1046 : memref<1x256x64xf32, #tpu.memory_space<vmem>> -> memref<256x64xf32, #tpu.memory_space<vmem>>
    %dma_start3A_1048 = arith.constant 0 : i32
    %dma_start3A_1049 = tpu.memref_slice %arg6[%add3A_1042, %dma_start3A_1048] : memref<65536x128xf32, #tpu.memory_space<hbm>> -> memref<256x64xf32, #tpu.memory_space<hbm>>
    %dma_start3A_1050 = arith.constant 0 : i32
    %dma_start3A_1051 = tpu.memref_slice %arg6[%add3A_1042, %dma_start3A_1050] : memref<65536x128xf32, #tpu.memory_space<hbm>> -> memref<256x64xf32, #tpu.memory_space<hbm>>
    %dma_start3A_1052 = arith.constant 0 : i32
    %dma_start3A_1053 = arith.constant 0 : i32
    %dma_start3A_1054 = tpu.memref_slice %arg11[%dma_start3A_1043, %dma_start3A_1052, %dma_start3A_1053] : memref<2x256x64xf32, #tpu.memory_space<vmem>> -> memref<1x256x64xf32, #tpu.memory_space<vmem>>
    %dma_start3A_1055 = tpu.memref_squeeze %dma_start3A_1054 : memref<1x256x64xf32, #tpu.memory_space<vmem>> -> memref<256x64xf32, #tpu.memory_space<vmem>>
    tpu.enqueue_dma source(%dma_start3A_1055 : memref<256x64xf32, #tpu.memory_space<vmem>>) target(%dma_start3A_1051 : memref<256x64xf32, #tpu.memory_space<hbm>>) target_semaphore(%arg18 : memref<!tpu.dma_semaphore, #tpu.memory_space<semaphore_mem>>)
    %dma_wait3A_1056 = arith.constant 0 : i32
    %dma_wait3A_1057 = arith.constant 0 : i32
    %dma_wait3A_1058 = arith.constant 0 : i32
    %dma_wait3A_1059 = tpu.memref_slice %arg11[%dma_wait3A_1056, %dma_wait3A_1057, %dma_wait3A_1058] : memref<2x256x64xf32, #tpu.memory_space<vmem>> -> memref<1x256x64xf32, #tpu.memory_space<vmem>>
    %dma_wait3A_1060 = tpu.memref_squeeze %dma_wait3A_1059 : memref<1x256x64xf32, #tpu.memory_space<vmem>> -> memref<256x64xf32, #tpu.memory_space<vmem>>
    %dma_wait3A_1061 = arith.constant 0 : i32
    %dma_wait3A_1062 = tpu.memref_slice %arg6[%add3A_971, %dma_wait3A_1061] : memref<65536x128xf32, #tpu.memory_space<hbm>> -> memref<256x64xf32, #tpu.memory_space<hbm>>
    %dma_wait3A_1063 = arith.constant 0 : i32
    %dma_wait3A_1064 = tpu.memref_slice %arg6[%add3A_971, %dma_wait3A_1063] : memref<65536x128xf32, #tpu.memory_space<hbm>> -> memref<256x64xf32, #tpu.memory_space<hbm>>
    %dma_wait3A_1065 = arith.constant 0 : i32
    %dma_wait3A_1066 = arith.constant 0 : i32
    %dma_wait3A_1067 = tpu.memref_slice %arg11[%dma_wait3A_1056, %dma_wait3A_1065, %dma_wait3A_1066] : memref<2x256x64xf32, #tpu.memory_space<vmem>> -> memref<1x256x64xf32, #tpu.memory_space<vmem>>
    %dma_wait3A_1068 = tpu.memref_squeeze %dma_wait3A_1067 : memref<1x256x64xf32, #tpu.memory_space<vmem>> -> memref<256x64xf32, #tpu.memory_space<vmem>>
    tpu.wait_dma2 semaphore(%arg18 : memref<!tpu.dma_semaphore, #tpu.memory_space<semaphore_mem>>) src(%dma_wait3A_1068 : memref<256x64xf32, #tpu.memory_space<vmem>>) dst(%dma_wait3A_1064 : memref<256x64xf32, #tpu.memory_space<hbm>>)
    %dma_wait3A_1069 = arith.constant 1 : i32
    %dma_wait3A_1070 = arith.constant 0 : i32
    %dma_wait3A_1071 = arith.constant 0 : i32
    %dma_wait3A_1072 = tpu.memref_slice %arg11[%dma_wait3A_1069, %dma_wait3A_1070, %dma_wait3A_1071] : memref<2x256x64xf32, #tpu.memory_space<vmem>> -> memref<1x256x64xf32, #tpu.memory_space<vmem>>
    %dma_wait3A_1073 = tpu.memref_squeeze %dma_wait3A_1072 : memref<1x256x64xf32, #tpu.memory_space<vmem>> -> memref<256x64xf32, #tpu.memory_space<vmem>>
    %dma_wait3A_1074 = arith.constant 0 : i32
    %dma_wait3A_1075 = tpu.memref_slice %arg6[%add3A_1042, %dma_wait3A_1074] : memref<65536x128xf32, #tpu.memory_space<hbm>> -> memref<256x64xf32, #tpu.memory_space<hbm>>
    %dma_wait3A_1076 = arith.constant 0 : i32
    %dma_wait3A_1077 = tpu.memref_slice %arg6[%add3A_1042, %dma_wait3A_1076] : memref<65536x128xf32, #tpu.memory_space<hbm>> -> memref<256x64xf32, #tpu.memory_space<hbm>>
    %dma_wait3A_1078 = arith.constant 0 : i32
    %dma_wait3A_1079 = arith.constant 0 : i32
    %dma_wait3A_1080 = tpu.memref_slice %arg11[%dma_wait3A_1069, %dma_wait3A_1078, %dma_wait3A_1079] : memref<2x256x64xf32, #tpu.memory_space<vmem>> -> memref<1x256x64xf32, #tpu.memory_space<vmem>>
    %dma_wait3A_1081 = tpu.memref_squeeze %dma_wait3A_1080 : memref<1x256x64xf32, #tpu.memory_space<vmem>> -> memref<256x64xf32, #tpu.memory_space<vmem>>
    tpu.wait_dma2 semaphore(%arg18 : memref<!tpu.dma_semaphore, #tpu.memory_space<semaphore_mem>>) src(%dma_wait3A_1081 : memref<256x64xf32, #tpu.memory_space<vmem>>) dst(%dma_wait3A_1077 : memref<256x64xf32, #tpu.memory_space<hbm>>)
    return
  }
}

module attributes {stable_mosaic.version = 14 : i64} {
  func.func @_tc_body(%arg0: i32, %arg1: memref<16384x128xf32, #tpu.memory_space<vmem>>, %arg2: memref<64x128xf32, #tpu.memory_space<vmem>>, %arg3: memref<1x128xf32, #tpu.memory_space<vmem>>, %arg4: memref<16384x128xf32, #tpu.memory_space<vmem>>) attributes {dimension_semantics = [#tpu.dimension_semantics<arbitrary>], iteration_bounds = array<i64: 4>, scalar_prefetch = 0 : i64, scratch_operands = 0 : i64, tpu.core_type = #tpu.core_type<tc>, window_params = [{transform_indices = @transform_0, window_bounds = array<i64: 16384, 128>}, {pipeline_mode = #tpu.pipeline_mode<synchronous>, transform_indices = @transform_1, window_bounds = array<i64: 64, 128>}, {pipeline_mode = #tpu.pipeline_mode<synchronous>, transform_indices = @transform_2, window_bounds = array<i64: 1, 128>}, {transform_indices = @transform_3, window_bounds = array<i64: 16384, 128>}]} {
    %get3A = arith.constant 0 : index
    %get3A_0 = arith.constant 0 : index
    %get3A_1 = vector.load %arg1[%get3A, %get3A_0] : memref<16384x128xf32, #tpu.memory_space<vmem>>, vector<16384x64xf32>
    %get3A_2 = arith.constant 0 : index
    %get3A_3 = arith.constant 0 : index
    %get3A_4 = vector.load %arg2[%get3A_2, %get3A_3] : memref<64x128xf32, #tpu.memory_space<vmem>>, vector<64x128xf32>
    %dot_general3A = arith.constant dense<0.000000e+00> : vector<16384x128xf32>
    %dot_general3A_5 = tpu.matmul %get3A_1, %get3A_4, %dot_general3A {dimension_numbers = #tpu.dot_dimension_numbers<[1], [0], [0], [1], [0, 0, 1, 1], [], []>, transpose_lhs_hint = false} : vector<16384x64xf32>, vector<64x128xf32>, vector<16384x128xf32> -> vector<16384x128xf32>
    %get3A_6 = arith.constant 0 : index
    %get3A_7 = arith.constant 0 : index
    %get3A_8 = vector.load %arg3[%get3A_6, %get3A_7] : memref<1x128xf32, #tpu.memory_space<vmem>>, vector<1x128xf32>
    %add3A = vector.broadcast %get3A_8 : vector<1x128xf32> to vector<16384x128xf32>
    %add3A_9 = arith.addf %dot_general3A_5, %add3A : vector<16384x128xf32>
    %tanh3A = math.tanh %add3A_9 : vector<16384x128xf32>
    %swap3A = arith.constant 0 : index
    %swap3A_10 = arith.constant 0 : index
    %swap3A_11 = vector.load %arg4[%swap3A, %swap3A_10] : memref<16384x128xf32, #tpu.memory_space<vmem>>, vector<16384x128xf32>
    tpu.vector_store %arg4[%swap3A, %swap3A_10], %tanh3A {strides = array<i32>} : memref<16384x128xf32, #tpu.memory_space<vmem>>, vector<16384x128xf32>,
    return
  }
  func.func @transform_0(%arg0: i32) -> (i32, i32) {
    %c0_i32 = arith.constant 0 : i32
    %c0_i32_0 = arith.constant 0 : i32
    return %arg0, %c0_i32 : i32, i32
  }
  func.func @transform_1(%arg0: i32) -> (i32, i32) {
    %c0_i32 = arith.constant 0 : i32
    %c0_i32_0 = arith.constant 0 : i32
    %c0_i32_1 = arith.constant 0 : i32
    return %c0_i32, %c0_i32_0 : i32, i32
  }
  func.func @transform_2(%arg0: i32) -> (i32, i32) {
    %c0_i32 = arith.constant 0 : i32
    %c0_i32_0 = arith.constant 0 : i32
    %c0_i32_1 = arith.constant 0 : i32
    return %c0_i32, %c0_i32_0 : i32, i32
  }
  func.func @transform_3(%arg0: i32) -> (i32, i32) {
    %c0_i32 = arith.constant 0 : i32
    %c0_i32_0 = arith.constant 0 : i32
    return %arg0, %c0_i32 : i32, i32
  }
}

</mosaic_0001>

<sc_bundles>
// kernel: kernel.4.cloned.1.call-start
scs
__scs_entry_jumppad:
0x0: {  	(pc) =	sbr.rel $0x88, $3  }
0x1: {  	(tag) =	ssettag $0x0;
	lr =	simm.s32 $0x1  }
0x2: {  	[smem:$0x3F9B] =	sst lr;
	_ =	strace $0xD0000000  }
0x3: {  	_ = 	snop  }
0x4: {  	_ = 	snop  }
0x5: {  	_ = 	snop  }
0x6: {  	_ = 	snop  }
0x7: {  	_ = 	snop  }
__scs_overlays_trampoline_lowered:
0x8: {  	[smem:$0x3FAA] =	sst s0  }
0x9: {  	[smem:$0x3FAB] =	sst s1  }
0xa: {  	[smem:$0x3FAC] =	sst s2  }
0xb: {  	[smem:$0x3FAD] =	sst s3  }
0xc: {  	[smem:$0x3FAE] =	sst s4  }
0xd: {  	[smem:$0x3FAF] =	sst s5  }
0xe: {  	[smem:$0x3FB0] =	sst s6  }
0xf: {  	[smem:$0x3FB1] =	sst s7  }
0x10: {  	[smem:$0x3FB2] =	sst s8  }
0x11: {  	[smem:$0x3FB3] =	sst s9;
	s0 =	simm.s32 @!p0 $0x0  }
0x12: {  	s1 =	sld [smem:$0x3F99];
	s0 =	simm.s32 @p0 $0x1  }
0x13: {  	[smem:$0x3FB4] =	sst s0;
	s0 =	simm.s32 @!p1 $0x0  }
0x14: {  	s2 =	sld [smem:$0x3F98];
	s0 =	simm.s32 @p1 $0x1  }
0x15: {  	[smem:$0x3FB5] =	sst s0;
	s0 =	simm.s32 @!p2 $0x0  }
0x16: {  	s3 =	sld [smem:$0x3FDB];
	s0 =	simm.s32 @p2 $0x1  }
0x17: {  	s4 =	simm.s32 $0x1BF5;
	[smem:$0x3FB7] =	sst s0  }
0x18: {  	s0 =	sld [smem:$0x3F9A];
	_ =	swait.ge [sflag:s4], $0x0  }
0x19: {  	s7 =	sld [smem:$0x3F9B]  }
0x1a: {  	s8 =	sadd.s32 $0xFFFFE003, lr  }
0x1b: {  	s9 =	sadd.s32 $0xFFFFFEF7, lr;
	s5 =	simm.s32 $0xFFFFFFFF;
	p2 =	slt.u32 s8, $0xFFFFF086  }
0x1c: {  	p1 =	slt.u32 s9, $0xF7A;
	s5 =	simm.s32 @!p2 $0x0  }
0x1d: {  	s5 =	simm.s32 @p1 $0x1;
	p0 =	seq.s32 s7, s2  }
0x1e: {  	s7 =	smul.u32 @!p0 $0xF7A, s2;
	p2 =	seq.s32 @!p0 s5, $0x0  }
0x1f: {  	s9 =	smul.u32 $0xF7A, s1;
	s8 =	simm.s32 @!p0 $0x1BF5;
	p2 =	por !p2, p0  }
0x20: {  	[sflag:s8] =	ssyncset.s32 @!p0 $0xFFFFF086;
	s6 =	sadd.s32 @!p0 s3, s7;
	s7 =	simm.s32 @!p0 $0x108  }
0x21: {  	s3 =	sadd.s32 s3, s9;
	s6 =	sadd.s32 @!p0 $0x88, s6;
	s7 =	simm.s32 @p2 $0x1082  }
0x22: {  	[simem:s7], [sflag:s8] =	dma.local @!p0 [hbm:s6], $0xF7A  }
0x23: {  	s9 =	sor.u32 $0xD0000000, s2;
	s6 =	simm.s32 $0x108;
	_ =	swait.ge @!p0 [sflag:s8], $0x0  }
0x24: {  	s3 =	sadd.s32 $0x88, s3;
	s6 =	simm.s32 @!p1 $0x1082;
	[sflag:s4] =	ssyncset.s32 $0xFFFFF086  }
0x25: {  	[simem:s6], [sflag:s4] =	dma.local [hbm:s3], $0xF7A  }
0x26: {  	[smem:$0x3F9B] =	sst s1;
	(tag) =	ssettag s2;
	_ =	strace s9  }
0x27: {  	s1 =	sld [smem:$0x3FAB]  }
0x28: {  	s2 =	sld [smem:$0x3FAC]  }
0x29: {  	s4 =	sld [smem:$0x3FAE]  }
0x2a: {  	p0 =	seq.s32 s5, $0x0;
	s5 =	sld [smem:$0x3FAF]  }
0x2b: {  	s6 =	sld [smem:$0x3FB0]  }
0x2c: {  	s7 =	sld [smem:$0x3FB1]  }
0x2d: {  	s3 =	simm.s32 $0x108;
	s8 =	sld [smem:$0x3FB2]  }
0x2e: {  	s3 =	simm.s32 @!p0 $0x1082;
	s9 =	sld [smem:$0x3FB3]  }
0x2f: {  	lr =	sadd.s32 s0, s3;
	s0 =	sld [smem:$0x3FAA]  }
0x30: {  	s3 =	sld [smem:$0x3FAD]  }
0x31: {  	[smem:$0x3FB6] =	sst s10  }
0x32: {  	s10 =	sld [smem:$0x3FB4];
	_ =	sdelay $0x3  }
0x33: {  	p0 =	seq.s32 s10, $0x1;
	s10 =	sld [smem:$0x3FB6];
	_ =	sdelay $0x3  }
0x34: {  	[smem:$0x3FB6] =	sst s10  }
0x35: {  	s10 =	sld [smem:$0x3FB5];
	_ =	sdelay $0x3  }
0x36: {  	p1 =	seq.s32 s10, $0x1;
	s10 =	sld [smem:$0x3FB6];
	_ =	sdelay $0x3  }
0x37: {  	[smem:$0x3FB6] =	sst s10  }
0x38: {  	s10 =	sld [smem:$0x3FB7]  }
0x39: {  	_ = 	snop;
	(pc) =	sbr.ind lr, $3  }
0x3a: {  	_ = 	snop  }
0x3b: {  	_ = 	snop  }
0x3c: {  	p2 =	seq.s32 s10, $0x1;
	s10 =	sld [smem:$0x3FB6]  }
0x3d: {  	_ =	shalt  }
0x3e: {  	_ =	shalt  }
0x3f: {  	_ =	shalt  }
0x40: {  	_ =	shalt  }
0x41: {  	_ =	shalt  }
0x42: {  	_ =	shalt  }
0x43: {  	_ =	shalt  }
0x44: {  	_ =	shalt  }
0x45: {  	_ =	shalt  }
0x46: {  	_ =	shalt  }
0x47: {  	_ =	shalt  }
0x48: {  	_ =	shalt  }
0x49: {  	_ =	shalt  }
0x4a: {  	_ =	shalt  }
0x4b: {  	_ =	shalt  }
0x4c: {  	_ =	shalt  }
0x4d: {  	_ =	shalt  }
0x4e: {  	_ =	shalt  }
0x4f: {  	_ =	shalt  }
0x50: {  	_ =	shalt  }
0x51: {  	_ =	shalt  }
0x52: {  	_ =	shalt  }
0x53: {  	_ =	shalt  }
0x54: {  	_ =	shalt  }
0x55: {  	_ =	shalt  }
0x56: {  	_ =	shalt  }
0x57: {  	_ =	shalt  }
0x58: {  	_ =	shalt  }
0x59: {  	_ =	shalt  }
0x5a: {  	_ =	shalt  }
0x5b: {  	_ =	shalt  }
0x5c: {  	_ =	shalt  }
0x5d: {  	_ =	shalt  }
0x5e: {  	_ =	shalt  }
0x5f: {  	_ =	shalt  }
0x60: {  	_ =	shalt  }
0x61: {  	_ =	shalt  }
0x62: {  	_ =	shalt  }
0x63: {  	_ =	shalt  }
0x64: {  	_ =	shalt  }
0x65: {  	_ =	shalt  }
0x66: {  	_ =	shalt  }
0x67: {  	_ =	shalt  }
0x68: {  	_ =	shalt  }
0x69: {  	_ =	shalt  }
0x6a: {  	_ =	shalt  }
0x6b: {  	_ =	shalt  }
0x6c: {  	_ =	shalt  }
0x6d: {  	_ =	shalt  }
0x6e: {  	_ =	shalt  }
0x6f: {  	_ =	shalt  }
0x70: {  	_ =	shalt  }
0x71: {  	_ =	shalt  }
0x72: {  	_ =	shalt  }
0x73: {  	_ =	shalt  }
0x74: {  	_ =	shalt  }
0x75: {  	_ =	shalt  }
0x76: {  	_ =	shalt  }
0x77: {  	_ =	shalt  }
0x78: {  	_ =	shalt  }
0x79: {  	_ =	shalt  }
0x7a: {  	_ =	shalt  }
0x7b: {  	_ =	shalt  }
0x7c: {  	_ =	shalt  }
0x7d: {  	_ =	shalt  }
0x7e: {  	_ =	shalt  }
0x7f: {  	_ =	shalt  }
0x80: {  	_ =	shalt  }
0x81: {  	_ =	shalt  }
0x82: {  	_ =	shalt  }
0x83: {  	_ =	shalt  }
0x84: {  	_ =	shalt  }
0x85: {  	_ =	shalt  }
0x86: {  	_ =	shalt  }
0x87: {  	_ =	shalt  }
.Lfunc_end0:
.L_simem_size_0:
called_computation_lowered:
.L_overlay_start_0:
0x88: {  	s2 =	sld [smem:$0x3FD9]  }
0x89: {  	s3 =	sld [smem:$0x3FFE];
	_ =	sdelay $0x1  }
0x8a: {  	s1 =	srdreg.scid  }
0x8b: {  	s0 =	sand.u32 $0x1, s1  }
0x8c: {  	s17 =	sshll.u32 s0, $0xA;
	s2 =	sadd.s32 s3, s2  }
0x8d: {  	s2 =	sadd.s32 s2, s17  }
0x8e: {  	[smem:$0x3FC2] =	sst s2  }
0x8f: {  	_ = 	snop  }
0x90: {  	s2 =	sld [smem:$0x3FD0];
	(tm) =	ssettm $0x1  }
0x91: {  	s18 =	sld [smem:$0x3FFB];
	_ =	sdelay $0x3  }
0x92: {  	_ =	strace s18  }
0x93: {  	s3 =	sld [smem:$0x3FFC];
	_ =	sdelay $0x3  }
0x94: {  	_ =	strace s3  }
0x95: {  	s3 =	sld [smem:$0x3FFD];
	_ =	sdelay $0x3  }
0x96: {  	_ =	strace s3  }
0x97: {  	_ =	strace $0x8FFFFFFF  }
0x98: {  	s19 =	sld [smem:$0x3FDB];
	_ =	sdelay $0x1  }
0x99: {  	s4 =	simm.s32 $_scs_section_size  }
0x9a: {  	s5 =	simm.s32 $_size__tile_overlayer_lowered;
	s6 =	simm.s32 $_tile_overlayer_lowered  }
0x9b: {  	s22 =	simm.s32 $0x1BFF;
	s21 =	sshll.u32 s6, $0x1;
	s3 =	sadd.s32 s4, s19  }
0x9c: {  	s7 =	simm.s32 $0x0;
	s20 =	sshll.u32 s5, $0x1;
	s5 =	sadd.s32 s21, s3  }
0x9d: {  	[timem:s7], [sflag:s22] =	dma.local [hbm:s5], s20  }
0x9e: {  	_ =	swait.ge [sflag:s22], s20  }
0x9f: {  	s4 =	ssub.s32 $0x0, s20;
	[sflag:s22] =	ssyncset.done $0x0  }
0xa0: {  	[sflag:s22] =	ssyncadd.s32 s4;
	_ =	sdelay $0x1  }
0xa1: {  	s23 =	simm.s32 $0x1B8B  }
0xa2: {  	_ =	swait.ge [sflag:s23], $0x1  }
0xa3: {  	[sflag:s23] =	ssyncset.done $0x0  }
0xa4: {  	s25 =	simm.s32 $0x1B8E;
	s24 =	sld [smem:$0x3FFE];
	[sflag:s23] =	ssyncadd.s32 $0xFFFFFFFF  }
0xa5: {  	s26 =	simm.s32 $execute0_lowered;
	[smem:$0x3FD2] =	sst s25  }
0xa6: {  	s5 =	sshll.u32 s26, $0x1;
	_ =	strace $0x80000046;
	[dreg:$0x1] =	wrdreg $0xFFFFFFFF  }
0xa7: {  	s28 =	simm.s32 $_size_execute0_lowered;
	s3 =	sadd.s32 s3, s5;
	[dreg:$0x0] =	wrdreg $0x0  }
0xa8: {  	s5 =	sshll.u32 s28, $0x1;
	[dreg:$0x2] =	wrdreg s3  }
0xa9: {  	[dreg:$0x3] =	wrdreg s5  }
0xaa: {  	[dreg:$0x4] =	wrdreg $0xC0  }
0xab: {  	_ =	task [dreg:s7], $0x5FFFF  }
0xac: {  	[dreg:$0x1] =	wrdreg $0xFFFFFFFF  }
0xad: {  	[dreg:$0x0] =	wrdreg $0x60  }
0xae: {  	[dreg:$0x2] =	wrdreg s24  }
0xaf: {  	[dreg:$0x3] =	wrdreg s2  }
0xb0: {  	[dreg:$0x4] =	wrdreg $0x9  }
0xb1: {  	_ =	task.clear_ibuf [dreg:s7], $0x5FFFF;
	_ =	strace $0x90000046  }
0xb2: {  	s29 =	simm.s32 $0x9;
	_ =	strace $0x80000048  }
0xb3: {  	_ =	swait.ge [sflag:s29], $0x1  }
0xb4: {  	[sflag:s29] =	ssyncadd.s32 $0xFFFFFFFF  }
0xb5: {  	_ =	strace $0x90000048  }
0xb6: {  	_ =	sfence  }
0xb7: {  	s30 =	sld [smem:$0x0];
	_ =	sdelay $0x2  }
0xb8: {  	s31 =	sshll.u32 s1, $0xD;
	s1 =	sshrl.u32 s1, $0x2  }
0xb9: {  	s3 =	sand.u32 $0x4000, s31;
	s1 =	sadd.s32 s1, s30  }
0xba: {  	s0 =	sor.u32 s3, s0;
	s1 =	sshll.u32 s1, $0x11  }
0xbb: {  	s0 =	sor.u32 s1, s0  }
0xbc: {  	s0 =	sadd.s32 $0x8F2B, s0  }
0xbd: {  	[sflag:s0] =	ssyncadd.remote.s32 $0x1  }
0xbe: {  	_ =	sfence.sel $0xFFFF  }
0xbf: {  	[dreg:$0x0] =	wrdreg $0xFFFFFFFF;
	(pc) =	sbr.abs _section_cstart, $3  }
0xc0: {  	[dreg:$0x1] =	wrdreg $0xFFFFFFFF  }
0xc1: {  	_ =	task.clear_ibuf [dreg:s7], $0x2FFFF;
	_ =	strace $0x9FFFFFFF  }
0xc2: {  	(tm) =	ssettm $0x7FFFFFFF  }
0xc3: {  	_ =	shalt  }
tec
execute0_lowered:
.L_overlay_start_1:
0x0: {  	(tag) =	ssettag $0x1  }
0x1: {  	s0 =	rddreg [dreg:$0x0];
	s1 =	srdreg.scid  }
0x2: {  	s3 =	stileid.u32;
	s2 =	rddreg [dreg:$0x1];
	s16 =	simm.s32 $0x1  }
0x3: {  	s17 =	simm.s32 $0x80;
	s1 =	sand.u32 $0x1, s1;
	s4 =	sshll.u32 s3, $0x1  }
0x4: {  	s28 =	simm.s32 $0x2;
	s29 =	simm.s32 $0x4;
	s6 =	sor.u32 s1, s4  }
0x5: {  	s31 =	simm.s32 $0x5C00;
	s30 =	simm.s32 $0x3;
	s4 =	smul.u32 $0x1C0, s6  }
0x6: {  	s18 =	simm.s32 $0x0;
	s3 =	simm.s32 $0x0;
	s5 =	sadd.s32 $0xC400, s0  }
0x7: {  	[smem:$0x7FF] =	sst s3;
	s6 =	sshll.u32 s6, $0xF;
	s7 =	sadd.s32 s4, s0  }
0x8: {  	s4 =	sadd.s32 $0x4400, s0;
	s0 =	sadd.s32 s6, s0;
	s19 =	sadd.s32 $0xC00, s7  }
0x9: {  	_ =	strace $0x80000047;
	s20 =	sadd.s32 $0x14400, s0;
	[dreg:$0x3] =	wrdreg s19  }
0xa: {  	s1 =	ssub.s32 $0x2, s1;
	s21 =	sadd.s32 $0x15400, s0;
	[dreg:$0x4] =	wrdreg s20  }
0xb: {  	s8 =	sshrl.u32 s1, $0x1;
	s22 =	sadd.s32 $0x16400, s0;
	[dreg:$0x5] =	wrdreg s21  }
0xc: {  	s1 =	ssub.s32 s1, s8;
	s23 =	sadd.s32 $0x17400, s0;
	[dreg:$0x6] =	wrdreg s22  }
0xd: {  	s15 =	smax.u32 s1, $0x1;
	s24 =	sadd.s32 $0x18400, s0;
	[dreg:$0x7] =	wrdreg s23  }
0xe: {  	s1 =	simm.s32 $0x5;
	s25 =	sadd.s32 $0x19400, s0;
	[dreg:$0x8] =	wrdreg s24  }
0xf: {  	v0 =	vlaneseq.u32;
	v1 =	vimm.s32 $0x12345670;
	s26 =	sadd.s32 $0x1A400, s0;
	s14 =	sadd.s32 $0x1B400, s0;
	[dreg:$0x9] =	wrdreg s25  }
0x10: {  	v2 =	vand.u32 $0x3, v0;
	v4 =	vunpack.c.l.s4.s8 v1;
	s0 =	simm.s32 $0x7C00;
	[dreg:$0xa] =	wrdreg s26;
	s19 =	simm.s32 $0x1C00  }
0x11: {  	v1 =	vadd.s32 $0x3, v2;
	v2 =	vand.u32 $0x1, v0;
	s21 =	simm.s32 $0x3C00;
	s23 =	simm.s32 $0x9C00;
	s24 =	simm.s32 $0x40  }
0x12: {  	v3 =	vmul.u32 $0x7, v0;
	v2 =	vadd.s32 $0x1, v2;
	v4 =	vunpack.c.0.s8.s32 v4;
	s26 =	simm.s32 $0xDC00;
	s20 =	simm.s32 $0xBC00;
	s25 =	simm.s32 $0xEC00  }
.LBB2_1:
0x13: {  	v5 =	vor.u32 s3, v0  }
0x14: {  	v5 =	vshrl.u32 v5, $0x2  }
0x15: {  	v5 =	vmul.u32 $0x7, v5;
	_ =	sdelay $0x1  }
0x16: {  	s6 =	rddreg [dreg:$0x3];
	v5 =	vadd.s32 v1, v5  }
0x17: {  	[tilespmem:s3], [sflag:$0x1] =	stream.linear.gather [hbm4b:s6+s3], $0xE00, $0x38;
	[tilespmem:$0xFC00] =	vst v63  }
0x18: {  	_ =	swait.ge [sflag:s16], $0xE00  }
0x19: {  	s8 =	simm.s32 $0x20;
	s6 =	simm.s32 $0x10;
	[sflag:s16] =	ssyncset.done $0x0  }
0x1a: {  	s9 =	simm.s32 $0x0;
	s7 =	simm.s32 $0x0;
	v6 =	vor.u32 s6, v0;
	[sflag:s16] =	ssyncadd.s32 $0xFFFFF200  }
.LBB2_2:
0x1b: {  	p0 =	sne.s32 s8, $0x7F0;
	v6 =	vshrl.u32 v6, $0x2;
	v7 =	vld.idx.msk [tilespmem:v5+s9+$0x0], $0xffff  }
0x1c: {  	v5 =	vmul.u32 $0x7, v6;
	_ =	sdelay $0x1  }
.Ltmp0:
0x1d: {  	v5 =	vadd.s32 v1, v5;
	(pc) =	sbr.rel @p0 .LBB2_2-.Ltmp0, $3  }
0x1e: {  	_ =	sdelay $0x1  }
0x1f: {  	s10 =	sand.u32 $0x7F0, s7;
	s7 =	smov.u32 s6;
	s6 =	smov.u32 s8;
	v7 =	vadd.s32 $0xFFFFE000, v7  }
0x20: {  	s8 =	sadd.s32 $0x10, s8;
	s9 =	simm.s32 $0x0;
	v6 =	vor.u32 s6, v0;
	[tilespmem:s10+$0xE00] =	vst v7  }
0x21: {  	_ =	sdelay $0x2  }
0x22: {  	v6 =	vshrl.u32 v6, $0x2  }
0x23: {  	v5 =	vld.idx.msk [tilespmem:v5+s9+$0x0], $0xffff;
	v6 =	vmul.u32 $0x7, v6;
	_ =	sdelay $0x1  }
0x24: {  	v6 =	vadd.s32 v1, v6;
	_ =	sdelay $0x2  }
0x25: {  	s7 =	sand.u32 $0x7F0, s7;
	v5 =	vadd.s32 $0xFFFFE000, v5  }
0x26: {  	s22 =	simm.s32 $0x0;
	[tilespmem:s7+$0xE00] =	vst v5  }
0x27: {  	v5 =	vld.idx.msk [tilespmem:v6+s22+$0x0], $0xffff  }
0x28: {  	p1 =	por $0x1, $0x1  }
.Ltmp1:
0x29: {  	_ = 	snop;
	(pc) =	sbr.rel @!p1 .LBB2_4-.Ltmp1, $3  }
0x2a: {  	_ =	sdelay $0x1  }
0x2b: {  	s6 =	sand.u32 $0x7F0, s6;
	v5 =	vadd.s32 $0xFFFFE000, v5  }
0x2c: {  	p0 =	por $0x0, $0x0;
	v6 =	vor.u32 s22, v0;
	[tilespmem:s6+$0xE00] =	vst v5;
	s6 =	simm.s32 $0x10  }
0x2d: {  	v5 =	vshrl.u32 v6, $0x1  }
0x2e: {  	v5 =	vmul.u32 $0x7, v5  }
0x2f: {  	p2 =	por $0x1, $0x1  }
.Ltmp2:
0x30: {  	v5 =	vadd.s32 v2, v5;
	(pc) =	sbr.rel @!p2 .LBB2_6-.Ltmp2, $3  }
0x31: {  	_ =	sdelay $0x1  }
0x32: {  	s9 =	simm.s32 $0x20  }
0x33: {  	v6 =	vor.u32 s6, v0;
	p1 =	por $0x1, $0x1;
	s8 =	simm.s32 $0x0;
	s7 =	simm.s32 $0x10  }
.LBB2_7:
0x34: {  	p2 =	sne.s32 s9, $0x3F0;
	v6 =	vshrl.u32 v6, $0x1;
	v7 =	vld.idx.msk [tilespmem:v5+s22+$0x0], $0xffff  }
0x35: {  	v5 =	vmul.u32 $0x7, v6;
	_ =	sdelay $0x1  }
.Ltmp3:
0x36: {  	v5 =	vadd.s32 v2, v5;
	(pc) =	sbr.rel @p2 .LBB2_7-.Ltmp3, $3  }
0x37: {  	_ =	sdelay $0x1  }
0x38: {  	s10 =	sand.u32 $0x3F0, s8;
	s8 =	smov.u32 s7;
	s7 =	smov.u32 s9;
	v7 =	vadd.s32 $0xFFFFF000, v7  }
0x39: {  	s9 =	sadd.s32 $0x10, s9;
	v6 =	vor.u32 s7, v0;
	[tilespmem:s10+$0x1600] =	vst v7  }
.LBB2_8:
0x3a: {  	_ =	sdelay $0x2  }
0x3b: {  	v6 =	vshrl.u32 v6, $0x1  }
0x3c: {  	v5 =	vld.idx.msk @p1 [tilespmem:v5+s22+$0x0], $0xffff;
	v6 =	vmul.u32 $0x7, v6;
	_ =	sdelay $0x1  }
0x3d: {  	v6 =	vadd.s32 v2, v6;
	_ =	sdelay $0x2  }
0x3e: {  	s8 =	sand.u32 @p1 $0x3F0, s8;
	v5 =	vadd.s32 @p1 $0xFFFFF000, v5  }
0x3f: {  	[tilespmem:s8+$0x1600] =	vst @p1 v5  }
0x40: {  	v5 =	vld.idx.msk [tilespmem:v6+s22+$0x0], $0xffff  }
0x41: {  	p1 =	por $0x1, $0x1  }
.Ltmp4:
0x42: {  	_ = 	snop;
	(pc) =	sbr.rel @!p1 .LBB2_9-.Ltmp4, $3  }
0x43: {  	_ =	sdelay $0x1  }
0x44: {  	s7 =	sand.u32 $0x3F0, s7;
	v5 =	vadd.s32 $0xFFFFF000, v5  }
0x45: {  	v7 =	vmov s22;
	[tilespmem:s7+$0x1600] =	vst v5  }
0x46: {  	v5 =	vmul.u32 $0x7, v7  }
0x47: {  	p2 =	por $0x1, $0x1  }
.Ltmp5:
0x48: {  	v5 =	vbroadcast v5, $0x0;
	(pc) =	sbr.rel @!p2 .LBB2_11-.Ltmp5, $4  }
0x49: {  	_ = 	snop  }
0x4a: {  	v5 =	vadd.s32 v3, v5  }
0x4b: {  	v5 =	vand.u32 $0xFFFFFFF8, v5  }
0x4c: {  	v7 =	vmov s6;
	s7 =	simm.s32 $0x20;
	p1 =	por $0x1, $0x1;
	v5 =	vor.u32 v4, v5  }
0x4d: {  	v6 =	vmul.u32 $0x7, v7  }
0x4e: {  	p2 =	por $0x1, $0x1  }
.Ltmp6:
0x4f: {  	v6 =	vbroadcast v6, $0x0;
	(pc) =	sbr.rel @!p2 .LBB2_13-.Ltmp6, $4  }
0x50: {  	_ = 	snop  }
0x51: {  	v7 =	vadd.s32 v3, v6  }
0x52: {  	v6 =	vld.idx.msk [tilespmem:v5+s3+$0x0], $0xffff;
	v5 =	vand.u32 $0xFFFFFFF8, v7  }
0x53: {  	s8 =	simm.s32 $0x30;
	p0 =	por $0x1, $0x1;
	v7 =	vmov s7;
	v5 =	vor.u32 v4, v5  }
.LBB2_14:
0x54: {  	p2 =	sne.s32 s8, $0x1F0;
	v7 =	vmul.u32 $0x7, v7;
	_ =	sdelay $0x1  }
.Ltmp7:
0x55: {  	s9 =	sand.u32 $0x1F0, s22;
	s22 =	smov.u32 s6;
	v7 =	vbroadcast v7, $0x0;
	(pc) =	sbr.rel @p2 .LBB2_14-.Ltmp7, $4  }
0x56: {  	s6 =	smov.u32 s7;
	s7 =	smov.u32 s8;
	[tilespmem:s9+$0x1A00] =	vst v6  }
0x57: {  	v7 =	vadd.s32 v3, v7;
	v6 =	vld.idx.msk [tilespmem:v5+s3+$0x0], $0xffff  }
0x58: {  	v5 =	vand.u32 $0xFFFFFFF8, v7  }
0x59: {  	s8 =	sadd.s32 $0x10, s8;
	v7 =	vmov s7;
	v5 =	vor.u32 v4, v5  }
0x5a: {  	s8 =	smov.u32 s22;
	s22 =	smov.u32 s7  }
.LBB2_16:
0x5b: {  	v7 =	vmul.u32 $0x7, v7;
	_ =	sdelay $0x1  }
0x5c: {  	s7 =	sand.u32 @p0 $0x1F0, s8;
	v7 =	vbroadcast v7, $0x0  }
0x5d: {  	[tilespmem:s7+$0x1A00] =	vst @p0 v6  }
0x5e: {  	v5 =	vld.idx.msk @p1 [tilespmem:v5+s3+$0x0], $0xffff;
	v6 =	vadd.s32 v3, v7  }
0x5f: {  	v6 =	vand.u32 $0xFFFFFFF8, v6  }
0x60: {  	v6 =	vor.u32 v4, v6;
	_ =	sdelay $0x1  }
0x61: {  	s6 =	smov.u32 @p1 s6  }
0x62: {  	s6 =	sand.u32 @p1 $0x1F0, s6;
	v5 =	vpsel p1, v5, v0  }
0x63: {  	[tilespmem:s6+$0x1A00] =	vst @p1 v5  }
0x64: {  	v5 =	vld.idx.msk [tilespmem:v6+s3+$0x0], $0xffff;
	_ =	sdelay $0x3  }
0x65: {  	s13 =	sand.u32 $0x1F0, s22  }
0x66: {  	s22 =	simm.s32 $0xE00;
	[tilespmem:s13+$0x1A00] =	vst v5  }
0x67: {  	[tilespmem:s19], [sflag:$0x2] =	stream.indirect.gather [hbm4b:s5+s17], $0x40, s22, s17, $0xb8;
	[tilespmem:$0xFC00] =	vst v63  }
0x68: {  	s7 =	simm.s32 $0xE80  }
0x69: {  	[tilespmem:s21], [sflag:$0x2] =	stream.indirect.gather [hbm4b:s5+s17], $0x40, s7, s17, $0xb8;
	[tilespmem:$0xFC00] =	vst v63  }
0x6a: {  	s8 =	simm.s32 $0x1600  }
0x6b: {  	[tilespmem:s23], [sflag:$0x4] =	stream.indirect.gather [hbm4b:s4+s17], $0x40, s8, s17, $0xb8;
	[tilespmem:$0xFC00] =	vst v63  }
0x6c: {  	s9 =	simm.s32 $0x1A00  }
0x6d: {  	[tilespmem:s26], [sflag:$0x4] =	stream.indirect.gather [hbm4b:s2+s24], $0x40, s9, s24, $0xb8;
	[tilespmem:$0xFC00] =	vst v63  }
0x6e: {  	_ =	swait.ge [sflag:s28], $0x2000  }
0x6f: {  	[sflag:s28] =	ssyncset.done $0x0  }
0x70: {  	[sflag:s28] =	ssyncadd.s32 $0xFFFFE000  }
0x71: {  	_ =	swait.ge [sflag:s28], $0x2000  }
0x72: {  	[sflag:s28] =	ssyncset.done $0x0  }
0x73: {  	[sflag:s28] =	ssyncadd.s32 $0xFFFFE000  }
0x74: {  	_ =	swait.ge [sflag:s29], $0x2000  }
0x75: {  	[sflag:s29] =	ssyncset.done $0x0  }
0x76: {  	[sflag:s29] =	ssyncadd.s32 $0xFFFFE000  }
0x77: {  	_ =	swait.ge [sflag:s29], $0x1000  }
0x78: {  	[sflag:s29] =	ssyncset.done $0x0  }
0x79: {  	s10 =	simm.s32 $0xF00;
	[sflag:s29] =	ssyncadd.s32 $0xFFFFF000  }
0x7a: {  	[tilespmem:s31], [sflag:$0x3] =	stream.indirect.gather [hbm4b:s5+s17], $0x40, s10, s17, $0xb8;
	[tilespmem:$0xFC00] =	vst v63  }
0x7b: {  	s11 =	simm.s32 $0xF80  }
0x7c: {  	[tilespmem:s0], [sflag:$0x3] =	stream.indirect.gather [hbm4b:s5+s17], $0x40, s11, s17, $0xb8;
	[tilespmem:$0xFC00] =	vst v63  }
0x7d: {  	s12 =	simm.s32 $0x1680  }
0x7e: {  	[tilespmem:s20], [sflag:$0x4] =	stream.indirect.gather [hbm4b:s4+s17], $0x40, s12, s17, $0xb8;
	[tilespmem:$0xFC00] =	vst v63  }
0x7f: {  	s13 =	simm.s32 $0x1A40;
	s22 =	simm.s32 $0xDC20  }
0x80: {  	[tilespmem:s25], [sflag:$0x4] =	stream.indirect.gather [hbm4b:s2+s24], $0x40, s13, s24, $0xb8;
	[tilespmem:$0xFC00] =	vst v63  }
0x81: {  	s7 =	simm.s32 $0x9C40;
	v6 =	vld [tilespmem:s22+$0xFFFFFFE0]  }
0x82: {  	v8 =	vld [tilespmem:s7+$0xFFFFFFC0]  }
0x83: {  	v5 =	vld [tilespmem:s22+$0x10]  }
0x84: {  	v10 =	vld [tilespmem:s7+$0xFFFFFFF0]  }
0x85: {  	v7 =	vld [tilespmem:s22+$0x0]  }
0x86: {  	v11 =	vld [tilespmem:s7+$0xFFFFFFE0]  }
0x87: {  	v9 =	vld [tilespmem:s7+$0xFFFFFFD0];
	v12 =	vadd.f32 v8, v6  }
0x88: {  	s9 =	simm.s32 $0x0;
	v8 =	vld [tilespmem:s22+$0xFFFFFFF0]  }
0x89: {  	v10 =	vadd.f32 v10, v5;
	[tilespmem:s9+$0x1C40] =	vst.add.f32.msk $0xffff, v12  }
0x8a: {  	s6 =	simm.s32 $0x9CC0;
	s8 =	simm.s32 $0xDC60;
	s10 =	simm.s32 $0xDC60;
	[tilespmem:s9+$0x1C00] =	vst.add.f32.msk $0xffff, v12  }
0x8b: {  	s11 =	simm.s32 $0x9CC0;
	s12 =	simm.s32 $0x800;
	s22 =	simm.s32 $0x400;
	v11 =	vadd.f32 v11, v7;
	[tilespmem:s9+$0x1C30] =	vst.add.f32.msk $0xffff, v10  }
.LBB2_17:
0x8c: {  	p0 =	sne.s32 s12, $0xFC00;
	s10 =	sadd.s32 $0x40, s10;
	s11 =	sadd.s32 $0x80, s11;
	[tilespmem:s9+$0x1C70] =	vst.add.f32.msk $0xffff, v10  }
0x8d: {  	s13 =	smov.u32 s12;
	s12 =	sadd.s32 $0x400, s12;
	v9 =	vadd.f32 v9, v8;
	[tilespmem:s9+$0x1C20] =	vst.add.f32.msk $0xffff, v11  }
0x8e: {  	[tilespmem:s9+$0x1C60] =	vst.add.f32.msk $0xffff, v11  }
0x8f: {  	[tilespmem:s9+$0x1C10] =	vst.add.f32.msk $0xffff, v9  }
0x90: {  	[tilespmem:s9+$0x1C50] =	vst.add.f32.msk $0xffff, v9  }
0x91: {  	v9 =	vld [tilespmem:s7+$0x0]  }
0x92: {  	v10 =	vld [tilespmem:s7+$0x10]  }
0x93: {  	v11 =	vld [tilespmem:s7+$0x20]  }
0x94: {  	v12 =	vld [tilespmem:s7+$0x30];
	s7 =	smov.u32 s6;
	s6 =	smov.u32 s11;
	_ =	sdelay $0x1  }
0x95: {  	v6 =	vadd.f32 v9, v6  }
0x96: {  	v8 =	vadd.f32 v10, v8  }
0x97: {  	v7 =	vadd.f32 v11, v7;
	[tilespmem:s9+$0x1C80] =	vst.add.f32.msk $0xffff, v6  }
0x98: {  	v5 =	vadd.f32 v12, v5;
	[tilespmem:s9+$0x1C90] =	vst.add.f32.msk $0xffff, v8  }
0x99: {  	[tilespmem:s9+$0x1CA0] =	vst.add.f32.msk $0xffff, v7  }
0x9a: {  	[tilespmem:s9+$0x1CF0] =	vst.add.f32.msk $0xffff, v5  }
0x9b: {  	[tilespmem:s9+$0x1CB0] =	vst.add.f32.msk $0xffff, v5  }
0x9c: {  	[tilespmem:s9+$0x1CC0] =	vst.add.f32.msk $0xffff, v6  }
0x9d: {  	[tilespmem:s9+$0x1CD0] =	vst.add.f32.msk $0xffff, v8  }
0x9e: {  	[tilespmem:s9+$0x1CE0] =	vst.add.f32.msk $0xffff, v7  }
0x9f: {  	v6 =	vld [tilespmem:s8+$0xFFFFFFE0]  }
0xa0: {  	v8 =	vld [tilespmem:s7+$0xFFFFFFC0]  }
0xa1: {  	v5 =	vld [tilespmem:s8+$0x10]  }
0xa2: {  	v10 =	vld [tilespmem:s7+$0xFFFFFFF0]  }
0xa3: {  	v7 =	vld [tilespmem:s8+$0x0]  }
0xa4: {  	v11 =	vld [tilespmem:s7+$0xFFFFFFE0]  }
.Ltmp8:
0xa5: {  	v12 =	vadd.f32 v8, v6;
	v9 =	vld [tilespmem:s7+$0xFFFFFFD0];
	(pc) =	sbr.rel @p0 .LBB2_17-.Ltmp8, $4  }
0xa6: {  	s9 =	sshra.s32 s22, $0x2;
	s22 =	smov.u32 s13;
	v8 =	vld [tilespmem:s8+$0xFFFFFFF0];
	s8 =	smov.u32 s10  }
0xa7: {  	v10 =	vadd.f32 v10, v5;
	[tilespmem:s9+$0x1C40] =	vst.add.f32.msk $0xffff, v12  }
0xa8: {  	[tilespmem:s9+$0x1C00] =	vst.add.f32.msk $0xffff, v12  }
0xa9: {  	v11 =	vadd.f32 v11, v7;
	[tilespmem:s9+$0x1C30] =	vst.add.f32.msk $0xffff, v10  }
0xaa: {  	[tilespmem:s9+$0x1C70] =	vst.add.f32.msk $0xffff, v10  }
0xab: {  	v9 =	vadd.f32 v9, v8;
	[tilespmem:s9+$0x1C20] =	vst.add.f32.msk $0xffff, v11  }
0xac: {  	[tilespmem:s9+$0x1C60] =	vst.add.f32.msk $0xffff, v11  }
0xad: {  	[tilespmem:s9+$0x1C10] =	vst.add.f32.msk $0xffff, v9  }
0xae: {  	[tilespmem:s9+$0x1C50] =	vst.add.f32.msk $0xffff, v9  }
0xaf: {  	v9 =	vld [tilespmem:s7+$0x0]  }
0xb0: {  	v10 =	vld [tilespmem:s7+$0x10]  }
0xb1: {  	v11 =	vld [tilespmem:s7+$0x20]  }
0xb2: {  	v12 =	vld [tilespmem:s7+$0x30];
	_ =	sdelay $0x1  }
0xb3: {  	v6 =	vadd.f32 v9, v6  }
0xb4: {  	v8 =	vadd.f32 v10, v8  }
0xb5: {  	v7 =	vadd.f32 v11, v7;
	[tilespmem:s9+$0x1C80] =	vst.add.f32.msk $0xffff, v6  }
0xb6: {  	v5 =	vadd.f32 v12, v5;
	[tilespmem:s9+$0x1C90] =	vst.add.f32.msk $0xffff, v8  }
0xb7: {  	[tilespmem:s9+$0x1CA0] =	vst.add.f32.msk $0xffff, v7  }
0xb8: {  	[tilespmem:s9+$0x1CF0] =	vst.add.f32.msk $0xffff, v5  }
0xb9: {  	[tilespmem:s9+$0x1CB0] =	vst.add.f32.msk $0xffff, v5  }
0xba: {  	[tilespmem:s9+$0x1CC0] =	vst.add.f32.msk $0xffff, v6  }
0xbb: {  	[tilespmem:s9+$0x1CD0] =	vst.add.f32.msk $0xffff, v8  }
0xbc: {  	[tilespmem:s9+$0x1CE0] =	vst.add.f32.msk $0xffff, v7  }
0xbd: {  	v5 =	vld [tilespmem:s8+$0xFFFFFFE0]  }
0xbe: {  	v6 =	vld [tilespmem:s6+$0xFFFFFFC0]  }
0xbf: {  	v7 =	vld [tilespmem:s8+$0x10]  }
0xc0: {  	v8 =	vld [tilespmem:s6+$0xFFFFFFF0]  }
0xc1: {  	v9 =	vld [tilespmem:s8+$0x0]  }
0xc2: {  	v10 =	vld [tilespmem:s6+$0xFFFFFFE0]  }
0xc3: {  	v11 =	vld [tilespmem:s6+$0xFFFFFFD0];
	v6 =	vadd.f32 v6, v5  }
0xc4: {  	v62 =	vld [tilespmem:s8+$0xFFFFFFF0];
	s8 =	sshra.s32 s22, $0x2  }
0xc5: {  	v8 =	vadd.f32 v8, v7;
	[tilespmem:s8+$0x1C40] =	vst.add.f32.msk $0xffff, v6  }
0xc6: {  	[tilespmem:s8+$0x1C00] =	vst.add.f32.msk $0xffff, v6  }
0xc7: {  	v6 =	vadd.f32 v10, v9;
	[tilespmem:s8+$0x1C30] =	vst.add.f32.msk $0xffff, v8  }
0xc8: {  	[tilespmem:s8+$0x1C70] =	vst.add.f32.msk $0xffff, v8  }
0xc9: {  	v8 =	vadd.f32 v11, v62;
	[tilespmem:s8+$0x1C20] =	vst.add.f32.msk $0xffff, v6  }
0xca: {  	[tilespmem:s8+$0x1C60] =	vst.add.f32.msk $0xffff, v6  }
0xcb: {  	[tilespmem:s8+$0x1C10] =	vst.add.f32.msk $0xffff, v8  }
0xcc: {  	[tilespmem:s8+$0x1C50] =	vst.add.f32.msk $0xffff, v8  }
0xcd: {  	v6 =	vld [tilespmem:s6+$0x0]  }
0xce: {  	v8 =	vld [tilespmem:s6+$0x10]  }
0xcf: {  	v10 =	vld [tilespmem:s6+$0x20]  }
0xd0: {  	v11 =	vld [tilespmem:s6+$0x30];
	_ =	sdelay $0x1  }
0xd1: {  	v5 =	vadd.f32 v6, v5  }
0xd2: {  	v6 =	vadd.f32 v8, v62  }
0xd3: {  	v8 =	vadd.f32 v10, v9;
	[tilespmem:s8+$0x1C80] =	vst.add.f32.msk $0xffff, v5  }
0xd4: {  	v7 =	vadd.f32 v11, v7;
	[tilespmem:s8+$0x1C90] =	vst.add.f32.msk $0xffff, v6  }
0xd5: {  	[tilespmem:s8+$0x1CA0] =	vst.add.f32.msk $0xffff, v8  }
0xd6: {  	[tilespmem:s8+$0x1CF0] =	vst.add.f32.msk $0xffff, v7  }
0xd7: {  	[tilespmem:s8+$0x1CB0] =	vst.add.f32.msk $0xffff, v7  }
0xd8: {  	[tilespmem:s8+$0x1CC0] =	vst.add.f32.msk $0xffff, v5  }
0xd9: {  	[tilespmem:s8+$0x1CD0] =	vst.add.f32.msk $0xffff, v6  }
0xda: {  	s9 =	rddreg [dreg:$0x4];
	[tilespmem:s8+$0x1CE0] =	vst.add.f32.msk $0xffff, v8  }
0xdb: {  	[hbm4b:s9+s24] =	stream.strided.scatter [tilespmem:s19], [sflag:$0x5], $0x4000, s17, s24, $0x38;
	[tilespmem:$0xFC00] =	vst v63  }
0xdc: {  	_ =	swait.ge [sflag:s30], $0x2000  }
0xdd: {  	[sflag:s30] =	ssyncset.done $0x0  }
0xde: {  	[sflag:s30] =	ssyncadd.s32 $0xFFFFE000  }
0xdf: {  	_ =	swait.ge [sflag:s30], $0x2000  }
0xe0: {  	[sflag:s30] =	ssyncset.done $0x0  }
0xe1: {  	[sflag:s30] =	ssyncadd.s32 $0xFFFFE000  }
0xe2: {  	_ =	swait.ge [sflag:s29], $0x2000  }
0xe3: {  	[sflag:s29] =	ssyncset.done $0x0  }
0xe4: {  	[sflag:s29] =	ssyncadd.s32 $0xFFFFE000  }
0xe5: {  	_ =	swait.ge [sflag:s29], $0x1000  }
0xe6: {  	[sflag:s29] =	ssyncset.done $0x0  }
0xe7: {  	[sflag:s29] =	ssyncadd.s32 $0xFFFFF000  }
0xe8: {  	_ =	swait.ge [sflag:s1], $0x4000  }
0xe9: {  	[sflag:s1] =	ssyncset.done $0x0  }
0xea: {  	s10 =	simm.s32 $0x1000;
	[sflag:s1] =	ssyncadd.s32 $0xFFFFC000  }
0xeb: {  	[tilespmem:s19], [sflag:$0x2] =	stream.indirect.gather [hbm4b:s5+s17], $0x40, s10, s17, $0xb8;
	[tilespmem:$0xFC00] =	vst v63  }
0xec: {  	s11 =	simm.s32 $0x1080  }
0xed: {  	[tilespmem:s21], [sflag:$0x2] =	stream.indirect.gather [hbm4b:s5+s17], $0x40, s11, s17, $0xb8;
	[tilespmem:$0xFC00] =	vst v63  }
0xee: {  	s12 =	simm.s32 $0x1700  }
0xef: {  	[tilespmem:s23], [sflag:$0x4] =	stream.indirect.gather [hbm4b:s4+s17], $0x40, s12, s17, $0xb8;
	[tilespmem:$0xFC00] =	vst v63  }
0xf0: {  	s13 =	simm.s32 $0x1A80;
	s22 =	simm.s32 $0xEC30  }
0xf1: {  	[tilespmem:s26], [sflag:$0x4] =	stream.indirect.gather [hbm4b:s2+s24], $0x40, s13, s24, $0xb8;
	[tilespmem:$0xFC00] =	vst v63  }
0xf2: {  	s7 =	simm.s32 $0xBC70;
	v6 =	vld [tilespmem:s22+$0xFFFFFFD0]  }
0xf3: {  	v8 =	vld [tilespmem:s7+$0xFFFFFF90]  }
0xf4: {  	v5 =	vld [tilespmem:s22+$0x0]  }
0xf5: {  	v10 =	vld [tilespmem:s7+$0xFFFFFFC0]  }
0xf6: {  	v7 =	vld [tilespmem:s22+$0xFFFFFFF0]  }
0xf7: {  	v11 =	vld [tilespmem:s7+$0xFFFFFFB0]  }
0xf8: {  	v9 =	vld [tilespmem:s7+$0xFFFFFFA0];
	v63 =	vadd.f32 v8, v6  }
0xf9: {  	s9 =	simm.s32 $0x0;
	v8 =	vld [tilespmem:s22+$0xFFFFFFE0]  }
0xfa: {  	v10 =	vadd.f32 v10, v5;
	[tilespmem:s9+$0x5C40] =	vst.add.f32.msk $0xffff, v63  }
0xfb: {  	s6 =	simm.s32 $0xBCF0;
	s8 =	simm.s32 $0xEC70;
	s10 =	simm.s32 $0xEC70;
	[tilespmem:s9+$0x5C00] =	vst.add.f32.msk $0xffff, v63  }
0xfc: {  	s11 =	simm.s32 $0xBCF0;
	s12 =	simm.s32 $0x800;
	s22 =	simm.s32 $0x400;
	v11 =	vadd.f32 v11, v7;
	[tilespmem:s9+$0x5C30] =	vst.add.f32.msk $0xffff, v10  }
.LBB2_19:
0xfd: {  	p0 =	sne.s32 s12, $0xFC00;
	s10 =	sadd.s32 $0x40, s10;
	s11 =	sadd.s32 $0x80, s11;
	[tilespmem:s9+$0x5C70] =	vst.add.f32.msk $0xffff, v10  }
0xfe: {  	s13 =	smov.u32 s12;
	s12 =	sadd.s32 $0x400, s12;
	v9 =	vadd.f32 v9, v8;
	[tilespmem:s9+$0x5C20] =	vst.add.f32.msk $0xffff, v11  }
0xff: {  	[tilespmem:s9+$0x5C60] =	vst.add.f32.msk $0xffff, v11  }
0x100: {  	[tilespmem:s9+$0x5C10] =	vst.add.f32.msk $0xffff, v9  }
0x101: {  	[tilespmem:s9+$0x5C50] =	vst.add.f32.msk $0xffff, v9  }
0x102: {  	v9 =	vld [tilespmem:s7+$0xFFFFFFD0]  }
0x103: {  	v10 =	vld [tilespmem:s7+$0xFFFFFFE0]  }
0x104: {  	v11 =	vld [tilespmem:s7+$0xFFFFFFF0]  }
0x105: {  	v12 =	vld [tilespmem:s7+$0x0];
	s7 =	smov.u32 s6;
	s6 =	smov.u32 s11;
	_ =	sdelay $0x1  }
0x106: {  	v6 =	vadd.f32 v9, v6  }
0x107: {  	v8 =	vadd.f32 v10, v8  }
0x108: {  	v7 =	vadd.f32 v11, v7;
	[tilespmem:s9+$0x5C80] =	vst.add.f32.msk $0xffff, v6  }
0x109: {  	v5 =	vadd.f32 v12, v5;
	[tilespmem:s9+$0x5C90] =	vst.add.f32.msk $0xffff, v8  }
0x10a: {  	[tilespmem:s9+$0x5CA0] =	vst.add.f32.msk $0xffff, v7  }
0x10b: {  	[tilespmem:s9+$0x5CF0] =	vst.add.f32.msk $0xffff, v5  }
0x10c: {  	[tilespmem:s9+$0x5CB0] =	vst.add.f32.msk $0xffff, v5  }
0x10d: {  	[tilespmem:s9+$0x5CC0] =	vst.add.f32.msk $0xffff, v6  }
0x10e: {  	[tilespmem:s9+$0x5CD0] =	vst.add.f32.msk $0xffff, v8  }
0x10f: {  	[tilespmem:s9+$0x5CE0] =	vst.add.f32.msk $0xffff, v7  }
0x110: {  	v6 =	vld [tilespmem:s8+$0xFFFFFFD0]  }
0x111: {  	v8 =	vld [tilespmem:s7+$0xFFFFFF90]  }
0x112: {  	v5 =	vld [tilespmem:s8+$0x0]  }
0x113: {  	v10 =	vld [tilespmem:s7+$0xFFFFFFC0]  }
0x114: {  	v7 =	vld [tilespmem:s8+$0xFFFFFFF0]  }
0x115: {  	v11 =	vld [tilespmem:s7+$0xFFFFFFB0]  }
.Ltmp9:
0x116: {  	v12 =	vadd.f32 v8, v6;
	v9 =	vld [tilespmem:s7+$0xFFFFFFA0];
	(pc) =	sbr.rel @p0 .LBB2_19-.Ltmp9, $4  }
0x117: {  	s9 =	sshra.s32 s22, $0x2;
	s22 =	smov.u32 s13;
	v8 =	vld [tilespmem:s8+$0xFFFFFFE0];
	s8 =	smov.u32 s10  }
0x118: {  	v10 =	vadd.f32 v10, v5;
	[tilespmem:s9+$0x5C40] =	vst.add.f32.msk $0xffff, v12  }
0x119: {  	[tilespmem:s9+$0x5C00] =	vst.add.f32.msk $0xffff, v12  }
0x11a: {  	v11 =	vadd.f32 v11, v7;
	[tilespmem:s9+$0x5C30] =	vst.add.f32.msk $0xffff, v10  }
0x11b: {  	[tilespmem:s9+$0x5C70] =	vst.add.f32.msk $0xffff, v10  }
0x11c: {  	v9 =	vadd.f32 v9, v8;
	[tilespmem:s9+$0x5C20] =	vst.add.f32.msk $0xffff, v11  }
0x11d: {  	[tilespmem:s9+$0x5C60] =	vst.add.f32.msk $0xffff, v11  }
0x11e: {  	[tilespmem:s9+$0x5C10] =	vst.add.f32.msk $0xffff, v9  }
0x11f: {  	[tilespmem:s9+$0x5C50] =	vst.add.f32.msk $0xffff, v9  }
0x120: {  	v9 =	vld [tilespmem:s7+$0xFFFFFFD0]  }
0x121: {  	v10 =	vld [tilespmem:s7+$0xFFFFFFE0]  }
0x122: {  	v11 =	vld [tilespmem:s7+$0xFFFFFFF0]  }
0x123: {  	v12 =	vld [tilespmem:s7+$0x0];
	_ =	sdelay $0x1  }
0x124: {  	v6 =	vadd.f32 v9, v6  }
0x125: {  	v8 =	vadd.f32 v10, v8  }
0x126: {  	v7 =	vadd.f32 v11, v7;
	[tilespmem:s9+$0x5C80] =	vst.add.f32.msk $0xffff, v6  }
0x127: {  	v5 =	vadd.f32 v12, v5;
	[tilespmem:s9+$0x5C90] =	vst.add.f32.msk $0xffff, v8  }
0x128: {  	[tilespmem:s9+$0x5CA0] =	vst.add.f32.msk $0xffff, v7  }
0x129: {  	[tilespmem:s9+$0x5CF0] =	vst.add.f32.msk $0xffff, v5  }
0x12a: {  	[tilespmem:s9+$0x5CB0] =	vst.add.f32.msk $0xffff, v5  }
0x12b: {  	[tilespmem:s9+$0x5CC0] =	vst.add.f32.msk $0xffff, v6  }
0x12c: {  	[tilespmem:s9+$0x5CD0] =	vst.add.f32.msk $0xffff, v8  }
0x12d: {  	[tilespmem:s9+$0x5CE0] =	vst.add.f32.msk $0xffff, v7  }
0x12e: {  	v5 =	vld [tilespmem:s8+$0xFFFFFFD0]  }
0x12f: {  	v6 =	vld [tilespmem:s6+$0xFFFFFF90]  }
0x130: {  	v7 =	vld [tilespmem:s8+$0x0]  }
0x131: {  	v8 =	vld [tilespmem:s6+$0xFFFFFFC0]  }
0x132: {  	v9 =	vld [tilespmem:s8+$0xFFFFFFF0]  }
0x133: {  	v10 =	vld [tilespmem:s6+$0xFFFFFFB0]  }
0x134: {  	v11 =	vld [tilespmem:s6+$0xFFFFFFA0];
	v6 =	vadd.f32 v6, v5  }
0x135: {  	v62 =	vld [tilespmem:s8+$0xFFFFFFE0];
	s8 =	sshra.s32 s22, $0x2  }
0x136: {  	v8 =	vadd.f32 v8, v7;
	[tilespmem:s8+$0x5C40] =	vst.add.f32.msk $0xffff, v6  }
0x137: {  	[tilespmem:s8+$0x5C00] =	vst.add.f32.msk $0xffff, v6  }
0x138: {  	v6 =	vadd.f32 v10, v9;
	[tilespmem:s8+$0x5C30] =	vst.add.f32.msk $0xffff, v8  }
0x139: {  	[tilespmem:s8+$0x5C70] =	vst.add.f32.msk $0xffff, v8  }
0x13a: {  	v8 =	vadd.f32 v11, v62;
	[tilespmem:s8+$0x5C20] =	vst.add.f32.msk $0xffff, v6  }
0x13b: {  	[tilespmem:s8+$0x5C60] =	vst.add.f32.msk $0xffff, v6  }
0x13c: {  	[tilespmem:s8+$0x5C10] =	vst.add.f32.msk $0xffff, v8  }
0x13d: {  	[tilespmem:s8+$0x5C50] =	vst.add.f32.msk $0xffff, v8  }
0x13e: {  	v6 =	vld [tilespmem:s6+$0xFFFFFFD0]  }
0x13f: {  	v8 =	vld [tilespmem:s6+$0xFFFFFFE0]  }
0x140: {  	v10 =	vld [tilespmem:s6+$0xFFFFFFF0]  }
0x141: {  	v11 =	vld [tilespmem:s6+$0x0];
	_ =	sdelay $0x1  }
0x142: {  	v5 =	vadd.f32 v6, v5  }
0x143: {  	v6 =	vadd.f32 v8, v62  }
0x144: {  	v8 =	vadd.f32 v10, v9;
	[tilespmem:s8+$0x5C80] =	vst.add.f32.msk $0xffff, v5  }
0x145: {  	v7 =	vadd.f32 v11, v7;
	[tilespmem:s8+$0x5C90] =	vst.add.f32.msk $0xffff, v6  }
0x146: {  	[tilespmem:s8+$0x5CA0] =	vst.add.f32.msk $0xffff, v8  }
0x147: {  	[tilespmem:s8+$0x5CF0] =	vst.add.f32.msk $0xffff, v7  }
0x148: {  	[tilespmem:s8+$0x5CB0] =	vst.add.f32.msk $0xffff, v7  }
0x149: {  	[tilespmem:s8+$0x5CC0] =	vst.add.f32.msk $0xffff, v5  }
0x14a: {  	[tilespmem:s8+$0x5CD0] =	vst.add.f32.msk $0xffff, v6  }
0x14b: {  	s9 =	rddreg [dreg:$0x5];
	[tilespmem:s8+$0x5CE0] =	vst.add.f32.msk $0xffff, v8  }
0x14c: {  	[hbm4b:s9+s24] =	stream.strided.scatter [tilespmem:s31], [sflag:$0x5], $0x4000, s17, s24, $0x38;
	[tilespmem:$0xFC00] =	vst v63  }
0x14d: {  	_ =	swait.ge [sflag:s28], $0x2000  }
0x14e: {  	[sflag:s28] =	ssyncset.done $0x0  }
0x14f: {  	[sflag:s28] =	ssyncadd.s32 $0xFFFFE000  }
0x150: {  	_ =	swait.ge [sflag:s28], $0x2000  }
0x151: {  	[sflag:s28] =	ssyncset.done $0x0  }
0x152: {  	[sflag:s28] =	ssyncadd.s32 $0xFFFFE000  }
0x153: {  	_ =	swait.ge [sflag:s29], $0x2000  }
0x154: {  	[sflag:s29] =	ssyncset.done $0x0  }
0x155: {  	[sflag:s29] =	ssyncadd.s32 $0xFFFFE000  }
0x156: {  	_ =	swait.ge [sflag:s29], $0x1000  }
0x157: {  	[sflag:s29] =	ssyncset.done $0x0  }
0x158: {  	[sflag:s29] =	ssyncadd.s32 $0xFFFFF000  }
0x159: {  	_ =	swait.ge [sflag:s1], $0x4000  }
0x15a: {  	[sflag:s1] =	ssyncset.done $0x0  }
0x15b: {  	s10 =	simm.s32 $0x1100;
	[sflag:s1] =	ssyncadd.s32 $0xFFFFC000  }
0x15c: {  	[tilespmem:s31], [sflag:$0x3] =	stream.indirect.gather [hbm4b:s5+s17], $0x40, s10, s17, $0xb8;
	[tilespmem:$0xFC00] =	vst v63  }
0x15d: {  	s11 =	simm.s32 $0x1180  }
0x15e: {  	[tilespmem:s0], [sflag:$0x3] =	stream.indirect.gather [hbm4b:s5+s17], $0x40, s11, s17, $0xb8;
	[tilespmem:$0xFC00] =	vst v63  }
0x15f: {  	s12 =	simm.s32 $0x1780  }
0x160: {  	[tilespmem:s20], [sflag:$0x4] =	stream.indirect.gather [hbm4b:s4+s17], $0x40, s12, s17, $0xb8;
	[tilespmem:$0xFC00] =	vst v63  }
0x161: {  	s13 =	simm.s32 $0x1AC0;
	s22 =	simm.s32 $0xDC20  }
0x162: {  	[tilespmem:s25], [sflag:$0x4] =	stream.indirect.gather [hbm4b:s2+s24], $0x40, s13, s24, $0xb8;
	[tilespmem:$0xFC00] =	vst v63  }
0x163: {  	s7 =	simm.s32 $0x9C40;
	v6 =	vld [tilespmem:s22+$0xFFFFFFE0]  }
0x164: {  	v8 =	vld [tilespmem:s7+$0xFFFFFFC0]  }
0x165: {  	v5 =	vld [tilespmem:s22+$0x10]  }
0x166: {  	v10 =	vld [tilespmem:s7+$0xFFFFFFF0]  }
0x167: {  	v7 =	vld [tilespmem:s22+$0x0]  }
0x168: {  	v11 =	vld [tilespmem:s7+$0xFFFFFFE0]  }
0x169: {  	v9 =	vld [tilespmem:s7+$0xFFFFFFD0];
	v63 =	vadd.f32 v8, v6  }
0x16a: {  	s9 =	simm.s32 $0x0;
	v8 =	vld [tilespmem:s22+$0xFFFFFFF0]  }
0x16b: {  	v10 =	vadd.f32 v10, v5;
	[tilespmem:s9+$0x1C40] =	vst.add.f32.msk $0xffff, v63  }
0x16c: {  	s6 =	simm.s32 $0x9CC0;
	s8 =	simm.s32 $0xDC60;
	s10 =	simm.s32 $0xDC60;
	[tilespmem:s9+$0x1C00] =	vst.add.f32.msk $0xffff, v63  }
0x16d: {  	s11 =	simm.s32 $0x9CC0;
	s12 =	simm.s32 $0x800;
	s22 =	simm.s32 $0x400;
	v11 =	vadd.f32 v11, v7;
	[tilespmem:s9+$0x1C30] =	vst.add.f32.msk $0xffff, v10  }
.LBB2_21:
0x16e: {  	p0 =	sne.s32 s12, $0xFC00;
	s10 =	sadd.s32 $0x40, s10;
	s11 =	sadd.s32 $0x80, s11;
	[tilespmem:s9+$0x1C70] =	vst.add.f32.msk $0xffff, v10  }
0x16f: {  	s13 =	smov.u32 s12;
	s12 =	sadd.s32 $0x400, s12;
	v9 =	vadd.f32 v9, v8;
	[tilespmem:s9+$0x1C20] =	vst.add.f32.msk $0xffff, v11  }
0x170: {  	[tilespmem:s9+$0x1C60] =	vst.add.f32.msk $0xffff, v11  }
0x171: {  	[tilespmem:s9+$0x1C10] =	vst.add.f32.msk $0xffff, v9  }
0x172: {  	[tilespmem:s9+$0x1C50] =	vst.add.f32.msk $0xffff, v9  }
0x173: {  	v9 =	vld [tilespmem:s7+$0x0]  }
0x174: {  	v10 =	vld [tilespmem:s7+$0x10]  }
0x175: {  	v11 =	vld [tilespmem:s7+$0x20]  }
0x176: {  	v12 =	vld [tilespmem:s7+$0x30];
	s7 =	smov.u32 s6;
	s6 =	smov.u32 s11;
	_ =	sdelay $0x1  }
0x177: {  	v6 =	vadd.f32 v9, v6  }
0x178: {  	v8 =	vadd.f32 v10, v8  }
0x179: {  	v7 =	vadd.f32 v11, v7;
	[tilespmem:s9+$0x1C80] =	vst.add.f32.msk $0xffff, v6  }
0x17a: {  	v5 =	vadd.f32 v12, v5;
	[tilespmem:s9+$0x1C90] =	vst.add.f32.msk $0xffff, v8  }
0x17b: {  	[tilespmem:s9+$0x1CA0] =	vst.add.f32.msk $0xffff, v7  }
0x17c: {  	[tilespmem:s9+$0x1CF0] =	vst.add.f32.msk $0xffff, v5  }
0x17d: {  	[tilespmem:s9+$0x1CB0] =	vst.add.f32.msk $0xffff, v5  }
0x17e: {  	[tilespmem:s9+$0x1CC0] =	vst.add.f32.msk $0xffff, v6  }
0x17f: {  	[tilespmem:s9+$0x1CD0] =	vst.add.f32.msk $0xffff, v8  }
0x180: {  	[tilespmem:s9+$0x1CE0] =	vst.add.f32.msk $0xffff, v7  }
0x181: {  	v6 =	vld [tilespmem:s8+$0xFFFFFFE0]  }
0x182: {  	v8 =	vld [tilespmem:s7+$0xFFFFFFC0]  }
0x183: {  	v5 =	vld [tilespmem:s8+$0x10]  }
0x184: {  	v10 =	vld [tilespmem:s7+$0xFFFFFFF0]  }
0x185: {  	v7 =	vld [tilespmem:s8+$0x0]  }
0x186: {  	v11 =	vld [tilespmem:s7+$0xFFFFFFE0]  }
.Ltmp10:
0x187: {  	v12 =	vadd.f32 v8, v6;
	v9 =	vld [tilespmem:s7+$0xFFFFFFD0];
	(pc) =	sbr.rel @p0 .LBB2_21-.Ltmp10, $4  }
0x188: {  	s9 =	sshra.s32 s22, $0x2;
	s22 =	smov.u32 s13;
	v8 =	vld [tilespmem:s8+$0xFFFFFFF0];
	s8 =	smov.u32 s10  }
0x189: {  	v10 =	vadd.f32 v10, v5;
	[tilespmem:s9+$0x1C40] =	vst.add.f32.msk $0xffff, v12  }
0x18a: {  	[tilespmem:s9+$0x1C00] =	vst.add.f32.msk $0xffff, v12  }
0x18b: {  	v11 =	vadd.f32 v11, v7;
	[tilespmem:s9+$0x1C30] =	vst.add.f32.msk $0xffff, v10  }
0x18c: {  	[tilespmem:s9+$0x1C70] =	vst.add.f32.msk $0xffff, v10  }
0x18d: {  	v9 =	vadd.f32 v9, v8;
	[tilespmem:s9+$0x1C20] =	vst.add.f32.msk $0xffff, v11  }
0x18e: {  	[tilespmem:s9+$0x1C60] =	vst.add.f32.msk $0xffff, v11  }
0x18f: {  	[tilespmem:s9+$0x1C10] =	vst.add.f32.msk $0xffff, v9  }
0x190: {  	[tilespmem:s9+$0x1C50] =	vst.add.f32.msk $0xffff, v9  }
0x191: {  	v9 =	vld [tilespmem:s7+$0x0]  }
0x192: {  	v10 =	vld [tilespmem:s7+$0x10]  }
0x193: {  	v11 =	vld [tilespmem:s7+$0x20]  }
0x194: {  	v12 =	vld [tilespmem:s7+$0x30];
	_ =	sdelay $0x1  }
0x195: {  	v6 =	vadd.f32 v9, v6  }
0x196: {  	v8 =	vadd.f32 v10, v8  }
0x197: {  	v7 =	vadd.f32 v11, v7;
	[tilespmem:s9+$0x1C80] =	vst.add.f32.msk $0xffff, v6  }
0x198: {  	v5 =	vadd.f32 v12, v5;
	[tilespmem:s9+$0x1C90] =	vst.add.f32.msk $0xffff, v8  }
0x199: {  	[tilespmem:s9+$0x1CA0] =	vst.add.f32.msk $0xffff, v7  }
0x19a: {  	[tilespmem:s9+$0x1CF0] =	vst.add.f32.msk $0xffff, v5  }
0x19b: {  	[tilespmem:s9+$0x1CB0] =	vst.add.f32.msk $0xffff, v5  }
0x19c: {  	[tilespmem:s9+$0x1CC0] =	vst.add.f32.msk $0xffff, v6  }
0x19d: {  	[tilespmem:s9+$0x1CD0] =	vst.add.f32.msk $0xffff, v8  }
0x19e: {  	[tilespmem:s9+$0x1CE0] =	vst.add.f32.msk $0xffff, v7  }
0x19f: {  	v5 =	vld [tilespmem:s8+$0xFFFFFFE0]  }
0x1a0: {  	v6 =	vld [tilespmem:s6+$0xFFFFFFC0]  }
0x1a1: {  	v7 =	vld [tilespmem:s8+$0x10]  }
0x1a2: {  	v8 =	vld [tilespmem:s6+$0xFFFFFFF0]  }
0x1a3: {  	v9 =	vld [tilespmem:s8+$0x0]  }
0x1a4: {  	v10 =	vld [tilespmem:s6+$0xFFFFFFE0]  }
0x1a5: {  	v11 =	vld [tilespmem:s6+$0xFFFFFFD0];
	v6 =	vadd.f32 v6, v5  }
0x1a6: {  	v62 =	vld [tilespmem:s8+$0xFFFFFFF0];
	s8 =	sshra.s32 s22, $0x2  }
0x1a7: {  	v8 =	vadd.f32 v8, v7;
	[tilespmem:s8+$0x1C40] =	vst.add.f32.msk $0xffff, v6  }
0x1a8: {  	[tilespmem:s8+$0x1C00] =	vst.add.f32.msk $0xffff, v6  }
0x1a9: {  	v6 =	vadd.f32 v10, v9;
	[tilespmem:s8+$0x1C30] =	vst.add.f32.msk $0xffff, v8  }
0x1aa: {  	[tilespmem:s8+$0x1C70] =	vst.add.f32.msk $0xffff, v8  }
0x1ab: {  	v8 =	vadd.f32 v11, v62;
	[tilespmem:s8+$0x1C20] =	vst.add.f32.msk $0xffff, v6  }
0x1ac: {  	[tilespmem:s8+$0x1C60] =	vst.add.f32.msk $0xffff, v6  }
0x1ad: {  	[tilespmem:s8+$0x1C10] =	vst.add.f32.msk $0xffff, v8  }
0x1ae: {  	[tilespmem:s8+$0x1C50] =	vst.add.f32.msk $0xffff, v8  }
0x1af: {  	v6 =	vld [tilespmem:s6+$0x0]  }
0x1b0: {  	v8 =	vld [tilespmem:s6+$0x10]  }
0x1b1: {  	v10 =	vld [tilespmem:s6+$0x20]  }
0x1b2: {  	v11 =	vld [tilespmem:s6+$0x30];
	_ =	sdelay $0x1  }
0x1b3: {  	v5 =	vadd.f32 v6, v5  }
0x1b4: {  	v6 =	vadd.f32 v8, v62  }
0x1b5: {  	v8 =	vadd.f32 v10, v9;
	[tilespmem:s8+$0x1C80] =	vst.add.f32.msk $0xffff, v5  }
0x1b6: {  	v7 =	vadd.f32 v11, v7;
	[tilespmem:s8+$0x1C90] =	vst.add.f32.msk $0xffff, v6  }
0x1b7: {  	[tilespmem:s8+$0x1CA0] =	vst.add.f32.msk $0xffff, v8  }
0x1b8: {  	[tilespmem:s8+$0x1CF0] =	vst.add.f32.msk $0xffff, v7  }
0x1b9: {  	[tilespmem:s8+$0x1CB0] =	vst.add.f32.msk $0xffff, v7  }
0x1ba: {  	[tilespmem:s8+$0x1CC0] =	vst.add.f32.msk $0xffff, v5  }
0x1bb: {  	[tilespmem:s8+$0x1CD0] =	vst.add.f32.msk $0xffff, v6  }
0x1bc: {  	s9 =	rddreg [dreg:$0x6];
	[tilespmem:s8+$0x1CE0] =	vst.add.f32.msk $0xffff, v8  }
0x1bd: {  	[hbm4b:s9+s24] =	stream.strided.scatter [tilespmem:s19], [sflag:$0x5], $0x4000, s17, s24, $0x38;
	[tilespmem:$0xFC00] =	vst v63  }
0x1be: {  	_ =	swait.ge [sflag:s30], $0x2000  }
0x1bf: {  	[sflag:s30] =	ssyncset.done $0x0  }
0x1c0: {  	[sflag:s30] =	ssyncadd.s32 $0xFFFFE000  }
0x1c1: {  	_ =	swait.ge [sflag:s30], $0x2000  }
0x1c2: {  	[sflag:s30] =	ssyncset.done $0x0  }
0x1c3: {  	[sflag:s30] =	ssyncadd.s32 $0xFFFFE000  }
0x1c4: {  	_ =	swait.ge [sflag:s29], $0x2000  }
0x1c5: {  	[sflag:s29] =	ssyncset.done $0x0  }
0x1c6: {  	[sflag:s29] =	ssyncadd.s32 $0xFFFFE000  }
0x1c7: {  	_ =	swait.ge [sflag:s29], $0x1000  }
0x1c8: {  	[sflag:s29] =	ssyncset.done $0x0  }
0x1c9: {  	[sflag:s29] =	ssyncadd.s32 $0xFFFFF000  }
0x1ca: {  	_ =	swait.ge [sflag:s1], $0x4000  }
0x1cb: {  	[sflag:s1] =	ssyncset.done $0x0  }
0x1cc: {  	s10 =	simm.s32 $0x1200;
	[sflag:s1] =	ssyncadd.s32 $0xFFFFC000  }
0x1cd: {  	[tilespmem:s19], [sflag:$0x2] =	stream.indirect.gather [hbm4b:s5+s17], $0x40, s10, s17, $0xb8;
	[tilespmem:$0xFC00] =	vst v63  }
0x1ce: {  	s11 =	simm.s32 $0x1280  }
0x1cf: {  	[tilespmem:s21], [sflag:$0x2] =	stream.indirect.gather [hbm4b:s5+s17], $0x40, s11, s17, $0xb8;
	[tilespmem:$0xFC00] =	vst v63  }
0x1d0: {  	s12 =	simm.s32 $0x1800  }
0x1d1: {  	[tilespmem:s23], [sflag:$0x4] =	stream.indirect.gather [hbm4b:s4+s17], $0x40, s12, s17, $0xb8;
	[tilespmem:$0xFC00] =	vst v63  }
0x1d2: {  	s13 =	simm.s32 $0x1B00;
	s22 =	simm.s32 $0xEC30  }
0x1d3: {  	[tilespmem:s26], [sflag:$0x4] =	stream.indirect.gather [hbm4b:s2+s24], $0x40, s13, s24, $0xb8;
	[tilespmem:$0xFC00] =	vst v63  }
0x1d4: {  	s7 =	simm.s32 $0xBC70;
	v6 =	vld [tilespmem:s22+$0xFFFFFFD0]  }
0x1d5: {  	v8 =	vld [tilespmem:s7+$0xFFFFFF90]  }
0x1d6: {  	v5 =	vld [tilespmem:s22+$0x0]  }
0x1d7: {  	v10 =	vld [tilespmem:s7+$0xFFFFFFC0]  }
0x1d8: {  	v7 =	vld [tilespmem:s22+$0xFFFFFFF0]  }
0x1d9: {  	v11 =	vld [tilespmem:s7+$0xFFFFFFB0]  }
0x1da: {  	v9 =	vld [tilespmem:s7+$0xFFFFFFA0];
	v63 =	vadd.f32 v8, v6  }
0x1db: {  	s9 =	simm.s32 $0x0;
	v8 =	vld [tilespmem:s22+$0xFFFFFFE0]  }
0x1dc: {  	v10 =	vadd.f32 v10, v5;
	[tilespmem:s9+$0x5C40] =	vst.add.f32.msk $0xffff, v63  }
0x1dd: {  	s6 =	simm.s32 $0xBCF0;
	s8 =	simm.s32 $0xEC70;
	s10 =	simm.s32 $0xEC70;
	[tilespmem:s9+$0x5C00] =	vst.add.f32.msk $0xffff, v63  }
0x1de: {  	s11 =	simm.s32 $0xBCF0;
	s12 =	simm.s32 $0x800;
	s22 =	simm.s32 $0x400;
	v11 =	vadd.f32 v11, v7;
	[tilespmem:s9+$0x5C30] =	vst.add.f32.msk $0xffff, v10  }
.LBB2_23:
0x1df: {  	p0 =	sne.s32 s12, $0xFC00;
	s10 =	sadd.s32 $0x40, s10;
	s11 =	sadd.s32 $0x80, s11;
	[tilespmem:s9+$0x5C70] =	vst.add.f32.msk $0xffff, v10  }
0x1e0: {  	s13 =	smov.u32 s12;
	s12 =	sadd.s32 $0x400, s12;
	v9 =	vadd.f32 v9, v8;
	[tilespmem:s9+$0x5C20] =	vst.add.f32.msk $0xffff, v11  }
0x1e1: {  	[tilespmem:s9+$0x5C60] =	vst.add.f32.msk $0xffff, v11  }
0x1e2: {  	[tilespmem:s9+$0x5C10] =	vst.add.f32.msk $0xffff, v9  }
0x1e3: {  	[tilespmem:s9+$0x5C50] =	vst.add.f32.msk $0xffff, v9  }
0x1e4: {  	v9 =	vld [tilespmem:s7+$0xFFFFFFD0]  }
0x1e5: {  	v10 =	vld [tilespmem:s7+$0xFFFFFFE0]  }
0x1e6: {  	v11 =	vld [tilespmem:s7+$0xFFFFFFF0]  }
0x1e7: {  	v12 =	vld [tilespmem:s7+$0x0];
	s7 =	smov.u32 s6;
	s6 =	smov.u32 s11;
	_ =	sdelay $0x1  }
0x1e8: {  	v6 =	vadd.f32 v9, v6  }
0x1e9: {  	v8 =	vadd.f32 v10, v8  }
0x1ea: {  	v7 =	vadd.f32 v11, v7;
	[tilespmem:s9+$0x5C80] =	vst.add.f32.msk $0xffff, v6  }
0x1eb: {  	v5 =	vadd.f32 v12, v5;
	[tilespmem:s9+$0x5C90] =	vst.add.f32.msk $0xffff, v8  }
0x1ec: {  	[tilespmem:s9+$0x5CA0] =	vst.add.f32.msk $0xffff, v7  }
0x1ed: {  	[tilespmem:s9+$0x5CF0] =	vst.add.f32.msk $0xffff, v5  }
0x1ee: {  	[tilespmem:s9+$0x5CB0] =	vst.add.f32.msk $0xffff, v5  }
0x1ef: {  	[tilespmem:s9+$0x5CC0] =	vst.add.f32.msk $0xffff, v6  }
0x1f0: {  	[tilespmem:s9+$0x5CD0] =	vst.add.f32.msk $0xffff, v8  }
0x1f1: {  	[tilespmem:s9+$0x5CE0] =	vst.add.f32.msk $0xffff, v7  }
0x1f2: {  	v6 =	vld [tilespmem:s8+$0xFFFFFFD0]  }
0x1f3: {  	v8 =	vld [tilespmem:s7+$0xFFFFFF90]  }
0x1f4: {  	v5 =	vld [tilespmem:s8+$0x0]  }
0x1f5: {  	v10 =	vld [tilespmem:s7+$0xFFFFFFC0]  }
0x1f6: {  	v7 =	vld [tilespmem:s8+$0xFFFFFFF0]  }
0x1f7: {  	v11 =	vld [tilespmem:s7+$0xFFFFFFB0]  }
.Ltmp11:
0x1f8: {  	v12 =	vadd.f32 v8, v6;
	v9 =	vld [tilespmem:s7+$0xFFFFFFA0];
	(pc) =	sbr.rel @p0 .LBB2_23-.Ltmp11, $4  }
0x1f9: {  	s9 =	sshra.s32 s22, $0x2;
	s22 =	smov.u32 s13;
	v8 =	vld [tilespmem:s8+$0xFFFFFFE0];
	s8 =	smov.u32 s10  }
0x1fa: {  	v10 =	vadd.f32 v10, v5;
	[tilespmem:s9+$0x5C40] =	vst.add.f32.msk $0xffff, v12  }
0x1fb: {  	[tilespmem:s9+$0x5C00] =	vst.add.f32.msk $0xffff, v12  }
0x1fc: {  	v11 =	vadd.f32 v11, v7;
	[tilespmem:s9+$0x5C30] =	vst.add.f32.msk $0xffff, v10  }
0x1fd: {  	[tilespmem:s9+$0x5C70] =	vst.add.f32.msk $0xffff, v10  }
0x1fe: {  	v9 =	vadd.f32 v9, v8;
	[tilespmem:s9+$0x5C20] =	vst.add.f32.msk $0xffff, v11  }
0x1ff: {  	[tilespmem:s9+$0x5C60] =	vst.add.f32.msk $0xffff, v11  }
0x200: {  	[tilespmem:s9+$0x5C10] =	vst.add.f32.msk $0xffff, v9  }
0x201: {  	[tilespmem:s9+$0x5C50] =	vst.add.f32.msk $0xffff, v9  }
0x202: {  	v9 =	vld [tilespmem:s7+$0xFFFFFFD0]  }
0x203: {  	v10 =	vld [tilespmem:s7+$0xFFFFFFE0]  }
0x204: {  	v11 =	vld [tilespmem:s7+$0xFFFFFFF0]  }
0x205: {  	v12 =	vld [tilespmem:s7+$0x0];
	_ =	sdelay $0x1  }
0x206: {  	v6 =	vadd.f32 v9, v6  }
0x207: {  	v8 =	vadd.f32 v10, v8  }
0x208: {  	v7 =	vadd.f32 v11, v7;
	[tilespmem:s9+$0x5C80] =	vst.add.f32.msk $0xffff, v6  }
0x209: {  	v5 =	vadd.f32 v12, v5;
	[tilespmem:s9+$0x5C90] =	vst.add.f32.msk $0xffff, v8  }
0x20a: {  	[tilespmem:s9+$0x5CA0] =	vst.add.f32.msk $0xffff, v7  }
0x20b: {  	[tilespmem:s9+$0x5CF0] =	vst.add.f32.msk $0xffff, v5  }
0x20c: {  	[tilespmem:s9+$0x5CB0] =	vst.add.f32.msk $0xffff, v5  }
0x20d: {  	[tilespmem:s9+$0x5CC0] =	vst.add.f32.msk $0xffff, v6  }
0x20e: {  	[tilespmem:s9+$0x5CD0] =	vst.add.f32.msk $0xffff, v8  }
0x20f: {  	[tilespmem:s9+$0x5CE0] =	vst.add.f32.msk $0xffff, v7  }
0x210: {  	v5 =	vld [tilespmem:s8+$0xFFFFFFD0]  }
0x211: {  	v6 =	vld [tilespmem:s6+$0xFFFFFF90]  }
0x212: {  	v7 =	vld [tilespmem:s8+$0x0]  }
0x213: {  	v8 =	vld [tilespmem:s6+$0xFFFFFFC0]  }
0x214: {  	v9 =	vld [tilespmem:s8+$0xFFFFFFF0]  }
0x215: {  	v10 =	vld [tilespmem:s6+$0xFFFFFFB0]  }
0x216: {  	v11 =	vld [tilespmem:s6+$0xFFFFFFA0];
	v6 =	vadd.f32 v6, v5  }
0x217: {  	v62 =	vld [tilespmem:s8+$0xFFFFFFE0];
	s8 =	sshra.s32 s22, $0x2  }
0x218: {  	v8 =	vadd.f32 v8, v7;
	[tilespmem:s8+$0x5C40] =	vst.add.f32.msk $0xffff, v6  }
0x219: {  	[tilespmem:s8+$0x5C00] =	vst.add.f32.msk $0xffff, v6  }
0x21a: {  	v6 =	vadd.f32 v10, v9;
	[tilespmem:s8+$0x5C30] =	vst.add.f32.msk $0xffff, v8  }
0x21b: {  	[tilespmem:s8+$0x5C70] =	vst.add.f32.msk $0xffff, v8  }
0x21c: {  	v8 =	vadd.f32 v11, v62;
	[tilespmem:s8+$0x5C20] =	vst.add.f32.msk $0xffff, v6  }
0x21d: {  	[tilespmem:s8+$0x5C60] =	vst.add.f32.msk $0xffff, v6  }
0x21e: {  	[tilespmem:s8+$0x5C10] =	vst.add.f32.msk $0xffff, v8  }
0x21f: {  	[tilespmem:s8+$0x5C50] =	vst.add.f32.msk $0xffff, v8  }
0x220: {  	v6 =	vld [tilespmem:s6+$0xFFFFFFD0]  }
0x221: {  	v8 =	vld [tilespmem:s6+$0xFFFFFFE0]  }
0x222: {  	v10 =	vld [tilespmem:s6+$0xFFFFFFF0]  }
0x223: {  	v11 =	vld [tilespmem:s6+$0x0];
	_ =	sdelay $0x1  }
0x224: {  	v5 =	vadd.f32 v6, v5  }
0x225: {  	v6 =	vadd.f32 v8, v62  }
0x226: {  	v8 =	vadd.f32 v10, v9;
	[tilespmem:s8+$0x5C80] =	vst.add.f32.msk $0xffff, v5  }
0x227: {  	v7 =	vadd.f32 v11, v7;
	[tilespmem:s8+$0x5C90] =	vst.add.f32.msk $0xffff, v6  }
0x228: {  	[tilespmem:s8+$0x5CA0] =	vst.add.f32.msk $0xffff, v8  }
0x229: {  	[tilespmem:s8+$0x5CF0] =	vst.add.f32.msk $0xffff, v7  }
0x22a: {  	[tilespmem:s8+$0x5CB0] =	vst.add.f32.msk $0xffff, v7  }
0x22b: {  	[tilespmem:s8+$0x5CC0] =	vst.add.f32.msk $0xffff, v5  }
0x22c: {  	[tilespmem:s8+$0x5CD0] =	vst.add.f32.msk $0xffff, v6  }
0x22d: {  	s9 =	rddreg [dreg:$0x7];
	[tilespmem:s8+$0x5CE0] =	vst.add.f32.msk $0xffff, v8  }
0x22e: {  	[hbm4b:s9+s24] =	stream.strided.scatter [tilespmem:s31], [sflag:$0x5], $0x4000, s17, s24, $0x38;
	[tilespmem:$0xFC00] =	vst v63  }
0x22f: {  	_ =	swait.ge [sflag:s28], $0x2000  }
0x230: {  	[sflag:s28] =	ssyncset.done $0x0  }
0x231: {  	[sflag:s28] =	ssyncadd.s32 $0xFFFFE000  }
0x232: {  	_ =	swait.ge [sflag:s28], $0x2000  }
0x233: {  	[sflag:s28] =	ssyncset.done $0x0  }
0x234: {  	[sflag:s28] =	ssyncadd.s32 $0xFFFFE000  }
0x235: {  	_ =	swait.ge [sflag:s29], $0x2000  }
0x236: {  	[sflag:s29] =	ssyncset.done $0x0  }
0x237: {  	[sflag:s29] =	ssyncadd.s32 $0xFFFFE000  }
0x238: {  	_ =	swait.ge [sflag:s29], $0x1000  }
0x239: {  	[sflag:s29] =	ssyncset.done $0x0  }
0x23a: {  	[sflag:s29] =	ssyncadd.s32 $0xFFFFF000  }
0x23b: {  	_ =	swait.ge [sflag:s1], $0x4000  }
0x23c: {  	[sflag:s1] =	ssyncset.done $0x0  }
0x23d: {  	s10 =	simm.s32 $0x1300;
	[sflag:s1] =	ssyncadd.s32 $0xFFFFC000  }
0x23e: {  	[tilespmem:s31], [sflag:$0x3] =	stream.indirect.gather [hbm4b:s5+s17], $0x40, s10, s17, $0xb8;
	[tilespmem:$0xFC00] =	vst v63  }
0x23f: {  	s11 =	simm.s32 $0x1380  }
0x240: {  	[tilespmem:s0], [sflag:$0x3] =	stream.indirect.gather [hbm4b:s5+s17], $0x40, s11, s17, $0xb8;
	[tilespmem:$0xFC00] =	vst v63  }
0x241: {  	s12 =	simm.s32 $0x1880  }
0x242: {  	[tilespmem:s20], [sflag:$0x4] =	stream.indirect.gather [hbm4b:s4+s17], $0x40, s12, s17, $0xb8;
	[tilespmem:$0xFC00] =	vst v63  }
0x243: {  	s13 =	simm.s32 $0x1B40;
	s22 =	simm.s32 $0xDC20  }
0x244: {  	[tilespmem:s25], [sflag:$0x4] =	stream.indirect.gather [hbm4b:s2+s24], $0x40, s13, s24, $0xb8;
	[tilespmem:$0xFC00] =	vst v63  }
0x245: {  	s7 =	simm.s32 $0x9C40;
	v6 =	vld [tilespmem:s22+$0xFFFFFFE0]  }
0x246: {  	v8 =	vld [tilespmem:s7+$0xFFFFFFC0]  }
0x247: {  	v5 =	vld [tilespmem:s22+$0x10]  }
0x248: {  	v10 =	vld [tilespmem:s7+$0xFFFFFFF0]  }
0x249: {  	v7 =	vld [tilespmem:s22+$0x0]  }
0x24a: {  	v11 =	vld [tilespmem:s7+$0xFFFFFFE0]  }
0x24b: {  	v9 =	vld [tilespmem:s7+$0xFFFFFFD0];
	v63 =	vadd.f32 v8, v6  }
0x24c: {  	s9 =	simm.s32 $0x0;
	v8 =	vld [tilespmem:s22+$0xFFFFFFF0]  }
0x24d: {  	v10 =	vadd.f32 v10, v5;
	[tilespmem:s9+$0x1C40] =	vst.add.f32.msk $0xffff, v63  }
0x24e: {  	s6 =	simm.s32 $0x9CC0;
	s8 =	simm.s32 $0xDC60;
	s10 =	simm.s32 $0xDC60;
	[tilespmem:s9+$0x1C00] =	vst.add.f32.msk $0xffff, v63  }
0x24f: {  	s11 =	simm.s32 $0x9CC0;
	s12 =	simm.s32 $0x800;
	s22 =	simm.s32 $0x400;
	v11 =	vadd.f32 v11, v7;
	[tilespmem:s9+$0x1C30] =	vst.add.f32.msk $0xffff, v10  }
.LBB2_25:
0x250: {  	p0 =	sne.s32 s12, $0xFC00;
	s10 =	sadd.s32 $0x40, s10;
	s11 =	sadd.s32 $0x80, s11;
	[tilespmem:s9+$0x1C70] =	vst.add.f32.msk $0xffff, v10  }
0x251: {  	s13 =	smov.u32 s12;
	s12 =	sadd.s32 $0x400, s12;
	v9 =	vadd.f32 v9, v8;
	[tilespmem:s9+$0x1C20] =	vst.add.f32.msk $0xffff, v11  }
0x252: {  	[tilespmem:s9+$0x1C60] =	vst.add.f32.msk $0xffff, v11  }
0x253: {  	[tilespmem:s9+$0x1C10] =	vst.add.f32.msk $0xffff, v9  }
0x254: {  	[tilespmem:s9+$0x1C50] =	vst.add.f32.msk $0xffff, v9  }
0x255: {  	v9 =	vld [tilespmem:s7+$0x0]  }
0x256: {  	v10 =	vld [tilespmem:s7+$0x10]  }
0x257: {  	v11 =	vld [tilespmem:s7+$0x20]  }
0x258: {  	v12 =	vld [tilespmem:s7+$0x30];
	s7 =	smov.u32 s6;
	s6 =	smov.u32 s11;
	_ =	sdelay $0x1  }
0x259: {  	v6 =	vadd.f32 v9, v6  }
0x25a: {  	v8 =	vadd.f32 v10, v8  }
0x25b: {  	v7 =	vadd.f32 v11, v7;
	[tilespmem:s9+$0x1C80] =	vst.add.f32.msk $0xffff, v6  }
0x25c: {  	v5 =	vadd.f32 v12, v5;
	[tilespmem:s9+$0x1C90] =	vst.add.f32.msk $0xffff, v8  }
0x25d: {  	[tilespmem:s9+$0x1CA0] =	vst.add.f32.msk $0xffff, v7  }
0x25e: {  	[tilespmem:s9+$0x1CF0] =	vst.add.f32.msk $0xffff, v5  }
0x25f: {  	[tilespmem:s9+$0x1CB0] =	vst.add.f32.msk $0xffff, v5  }
0x260: {  	[tilespmem:s9+$0x1CC0] =	vst.add.f32.msk $0xffff, v6  }
0x261: {  	[tilespmem:s9+$0x1CD0] =	vst.add.f32.msk $0xffff, v8  }
0x262: {  	[tilespmem:s9+$0x1CE0] =	vst.add.f32.msk $0xffff, v7  }
0x263: {  	v6 =	vld [tilespmem:s8+$0xFFFFFFE0]  }
0x264: {  	v8 =	vld [tilespmem:s7+$0xFFFFFFC0]  }
0x265: {  	v5 =	vld [tilespmem:s8+$0x10]  }
0x266: {  	v10 =	vld [tilespmem:s7+$0xFFFFFFF0]  }
0x267: {  	v7 =	vld [tilespmem:s8+$0x0]  }
0x268: {  	v11 =	vld [tilespmem:s7+$0xFFFFFFE0]  }
.Ltmp12:
0x269: {  	v12 =	vadd.f32 v8, v6;
	v9 =	vld [tilespmem:s7+$0xFFFFFFD0];
	(pc) =	sbr.rel @p0 .LBB2_25-.Ltmp12, $4  }
0x26a: {  	s9 =	sshra.s32 s22, $0x2;
	s22 =	smov.u32 s13;
	v8 =	vld [tilespmem:s8+$0xFFFFFFF0];
	s8 =	smov.u32 s10  }
0x26b: {  	v10 =	vadd.f32 v10, v5;
	[tilespmem:s9+$0x1C40] =	vst.add.f32.msk $0xffff, v12  }
0x26c: {  	[tilespmem:s9+$0x1C00] =	vst.add.f32.msk $0xffff, v12  }
0x26d: {  	v11 =	vadd.f32 v11, v7;
	[tilespmem:s9+$0x1C30] =	vst.add.f32.msk $0xffff, v10  }
0x26e: {  	[tilespmem:s9+$0x1C70] =	vst.add.f32.msk $0xffff, v10  }
0x26f: {  	v9 =	vadd.f32 v9, v8;
	[tilespmem:s9+$0x1C20] =	vst.add.f32.msk $0xffff, v11  }
0x270: {  	[tilespmem:s9+$0x1C60] =	vst.add.f32.msk $0xffff, v11  }
0x271: {  	[tilespmem:s9+$0x1C10] =	vst.add.f32.msk $0xffff, v9  }
0x272: {  	[tilespmem:s9+$0x1C50] =	vst.add.f32.msk $0xffff, v9  }
0x273: {  	v9 =	vld [tilespmem:s7+$0x0]  }
0x274: {  	v10 =	vld [tilespmem:s7+$0x10]  }
0x275: {  	v11 =	vld [tilespmem:s7+$0x20]  }
0x276: {  	v12 =	vld [tilespmem:s7+$0x30];
	_ =	sdelay $0x1  }
0x277: {  	v6 =	vadd.f32 v9, v6  }
0x278: {  	v8 =	vadd.f32 v10, v8  }
0x279: {  	v7 =	vadd.f32 v11, v7;
	[tilespmem:s9+$0x1C80] =	vst.add.f32.msk $0xffff, v6  }
0x27a: {  	v5 =	vadd.f32 v12, v5;
	[tilespmem:s9+$0x1C90] =	vst.add.f32.msk $0xffff, v8  }
0x27b: {  	[tilespmem:s9+$0x1CA0] =	vst.add.f32.msk $0xffff, v7  }
0x27c: {  	[tilespmem:s9+$0x1CF0] =	vst.add.f32.msk $0xffff, v5  }
0x27d: {  	[tilespmem:s9+$0x1CB0] =	vst.add.f32.msk $0xffff, v5  }
0x27e: {  	[tilespmem:s9+$0x1CC0] =	vst.add.f32.msk $0xffff, v6  }
0x27f: {  	[tilespmem:s9+$0x1CD0] =	vst.add.f32.msk $0xffff, v8  }
0x280: {  	[tilespmem:s9+$0x1CE0] =	vst.add.f32.msk $0xffff, v7  }
0x281: {  	v5 =	vld [tilespmem:s8+$0xFFFFFFE0]  }
0x282: {  	v6 =	vld [tilespmem:s6+$0xFFFFFFC0]  }
0x283: {  	v7 =	vld [tilespmem:s8+$0x10]  }
0x284: {  	v8 =	vld [tilespmem:s6+$0xFFFFFFF0]  }
0x285: {  	v9 =	vld [tilespmem:s8+$0x0]  }
0x286: {  	v10 =	vld [tilespmem:s6+$0xFFFFFFE0]  }
0x287: {  	v11 =	vld [tilespmem:s6+$0xFFFFFFD0];
	v6 =	vadd.f32 v6, v5  }
0x288: {  	v62 =	vld [tilespmem:s8+$0xFFFFFFF0];
	s8 =	sshra.s32 s22, $0x2  }
0x289: {  	v8 =	vadd.f32 v8, v7;
	[tilespmem:s8+$0x1C40] =	vst.add.f32.msk $0xffff, v6  }
0x28a: {  	[tilespmem:s8+$0x1C00] =	vst.add.f32.msk $0xffff, v6  }
0x28b: {  	v6 =	vadd.f32 v10, v9;
	[tilespmem:s8+$0x1C30] =	vst.add.f32.msk $0xffff, v8  }
0x28c: {  	[tilespmem:s8+$0x1C70] =	vst.add.f32.msk $0xffff, v8  }
0x28d: {  	v8 =	vadd.f32 v11, v62;
	[tilespmem:s8+$0x1C20] =	vst.add.f32.msk $0xffff, v6  }
0x28e: {  	[tilespmem:s8+$0x1C60] =	vst.add.f32.msk $0xffff, v6  }
0x28f: {  	[tilespmem:s8+$0x1C10] =	vst.add.f32.msk $0xffff, v8  }
0x290: {  	[tilespmem:s8+$0x1C50] =	vst.add.f32.msk $0xffff, v8  }
0x291: {  	v6 =	vld [tilespmem:s6+$0x0]  }
0x292: {  	v8 =	vld [tilespmem:s6+$0x10]  }
0x293: {  	v10 =	vld [tilespmem:s6+$0x20]  }
0x294: {  	v11 =	vld [tilespmem:s6+$0x30];
	_ =	sdelay $0x1  }
0x295: {  	v5 =	vadd.f32 v6, v5  }
0x296: {  	v6 =	vadd.f32 v8, v62  }
0x297: {  	v8 =	vadd.f32 v10, v9;
	[tilespmem:s8+$0x1C80] =	vst.add.f32.msk $0xffff, v5  }
0x298: {  	v7 =	vadd.f32 v11, v7;
	[tilespmem:s8+$0x1C90] =	vst.add.f32.msk $0xffff, v6  }
0x299: {  	[tilespmem:s8+$0x1CA0] =	vst.add.f32.msk $0xffff, v8  }
0x29a: {  	[tilespmem:s8+$0x1CF0] =	vst.add.f32.msk $0xffff, v7  }
0x29b: {  	[tilespmem:s8+$0x1CB0] =	vst.add.f32.msk $0xffff, v7  }
0x29c: {  	[tilespmem:s8+$0x1CC0] =	vst.add.f32.msk $0xffff, v5  }
0x29d: {  	[tilespmem:s8+$0x1CD0] =	vst.add.f32.msk $0xffff, v6  }
0x29e: {  	s9 =	rddreg [dreg:$0x8];
	[tilespmem:s8+$0x1CE0] =	vst.add.f32.msk $0xffff, v8  }
0x29f: {  	[hbm4b:s9+s24] =	stream.strided.scatter [tilespmem:s19], [sflag:$0x5], $0x4000, s17, s24, $0x38;
	[tilespmem:$0xFC00] =	vst v63  }
0x2a0: {  	_ =	swait.ge [sflag:s30], $0x2000  }
0x2a1: {  	[sflag:s30] =	ssyncset.done $0x0  }
0x2a2: {  	[sflag:s30] =	ssyncadd.s32 $0xFFFFE000  }
0x2a3: {  	_ =	swait.ge [sflag:s30], $0x2000  }
0x2a4: {  	[sflag:s30] =	ssyncset.done $0x0  }
0x2a5: {  	[sflag:s30] =	ssyncadd.s32 $0xFFFFE000  }
0x2a6: {  	_ =	swait.ge [sflag:s29], $0x2000  }
0x2a7: {  	[sflag:s29] =	ssyncset.done $0x0  }
0x2a8: {  	[sflag:s29] =	ssyncadd.s32 $0xFFFFE000  }
0x2a9: {  	_ =	swait.ge [sflag:s29], $0x1000  }
0x2aa: {  	[sflag:s29] =	ssyncset.done $0x0  }
0x2ab: {  	[sflag:s29] =	ssyncadd.s32 $0xFFFFF000  }
0x2ac: {  	_ =	swait.ge [sflag:s1], $0x4000  }
0x2ad: {  	[sflag:s1] =	ssyncset.done $0x0  }
0x2ae: {  	s10 =	simm.s32 $0x1400;
	[sflag:s1] =	ssyncadd.s32 $0xFFFFC000  }
0x2af: {  	[tilespmem:s19], [sflag:$0x2] =	stream.indirect.gather [hbm4b:s5+s17], $0x40, s10, s17, $0xb8;
	[tilespmem:$0xFC00] =	vst v63  }
0x2b0: {  	s11 =	simm.s32 $0x1480  }
0x2b1: {  	[tilespmem:s21], [sflag:$0x2] =	stream.indirect.gather [hbm4b:s5+s17], $0x40, s11, s17, $0xb8;
	[tilespmem:$0xFC00] =	vst v63  }
0x2b2: {  	s12 =	simm.s32 $0x1900  }
0x2b3: {  	[tilespmem:s23], [sflag:$0x4] =	stream.indirect.gather [hbm4b:s4+s17], $0x40, s12, s17, $0xb8;
	[tilespmem:$0xFC00] =	vst v63  }
0x2b4: {  	s13 =	simm.s32 $0x1B80;
	s22 =	simm.s32 $0xEC30  }
0x2b5: {  	[tilespmem:s26], [sflag:$0x4] =	stream.indirect.gather [hbm4b:s2+s24], $0x40, s13, s24, $0xb8;
	[tilespmem:$0xFC00] =	vst v63  }
0x2b6: {  	s7 =	simm.s32 $0xBC70;
	v6 =	vld [tilespmem:s22+$0xFFFFFFD0]  }
0x2b7: {  	v8 =	vld [tilespmem:s7+$0xFFFFFF90]  }
0x2b8: {  	v5 =	vld [tilespmem:s22+$0x0]  }
0x2b9: {  	v10 =	vld [tilespmem:s7+$0xFFFFFFC0]  }
0x2ba: {  	v7 =	vld [tilespmem:s22+$0xFFFFFFF0]  }
0x2bb: {  	v11 =	vld [tilespmem:s7+$0xFFFFFFB0]  }
0x2bc: {  	v9 =	vld [tilespmem:s7+$0xFFFFFFA0];
	v63 =	vadd.f32 v8, v6  }
0x2bd: {  	s9 =	simm.s32 $0x0;
	v8 =	vld [tilespmem:s22+$0xFFFFFFE0]  }
0x2be: {  	v10 =	vadd.f32 v10, v5;
	[tilespmem:s9+$0x5C40] =	vst.add.f32.msk $0xffff, v63  }
0x2bf: {  	s6 =	simm.s32 $0xBCF0;
	s8 =	simm.s32 $0xEC70;
	s10 =	simm.s32 $0xEC70;
	[tilespmem:s9+$0x5C00] =	vst.add.f32.msk $0xffff, v63  }
0x2c0: {  	s11 =	simm.s32 $0xBCF0;
	s12 =	simm.s32 $0x800;
	s22 =	simm.s32 $0x400;
	v11 =	vadd.f32 v11, v7;
	[tilespmem:s9+$0x5C30] =	vst.add.f32.msk $0xffff, v10  }
.LBB2_27:
0x2c1: {  	p0 =	sne.s32 s12, $0xFC00;
	s10 =	sadd.s32 $0x40, s10;
	s11 =	sadd.s32 $0x80, s11;
	[tilespmem:s9+$0x5C70] =	vst.add.f32.msk $0xffff, v10  }
0x2c2: {  	s13 =	smov.u32 s12;
	s12 =	sadd.s32 $0x400, s12;
	v9 =	vadd.f32 v9, v8;
	[tilespmem:s9+$0x5C20] =	vst.add.f32.msk $0xffff, v11  }
0x2c3: {  	[tilespmem:s9+$0x5C60] =	vst.add.f32.msk $0xffff, v11  }
0x2c4: {  	[tilespmem:s9+$0x5C10] =	vst.add.f32.msk $0xffff, v9  }
0x2c5: {  	[tilespmem:s9+$0x5C50] =	vst.add.f32.msk $0xffff, v9  }
0x2c6: {  	v9 =	vld [tilespmem:s7+$0xFFFFFFD0]  }
0x2c7: {  	v10 =	vld [tilespmem:s7+$0xFFFFFFE0]  }
0x2c8: {  	v11 =	vld [tilespmem:s7+$0xFFFFFFF0]  }
0x2c9: {  	v12 =	vld [tilespmem:s7+$0x0];
	s7 =	smov.u32 s6;
	s6 =	smov.u32 s11;
	_ =	sdelay $0x1  }
0x2ca: {  	v6 =	vadd.f32 v9, v6  }
0x2cb: {  	v8 =	vadd.f32 v10, v8  }
0x2cc: {  	v7 =	vadd.f32 v11, v7;
	[tilespmem:s9+$0x5C80] =	vst.add.f32.msk $0xffff, v6  }
0x2cd: {  	v5 =	vadd.f32 v12, v5;
	[tilespmem:s9+$0x5C90] =	vst.add.f32.msk $0xffff, v8  }
0x2ce: {  	[tilespmem:s9+$0x5CA0] =	vst.add.f32.msk $0xffff, v7  }
0x2cf: {  	[tilespmem:s9+$0x5CF0] =	vst.add.f32.msk $0xffff, v5  }
0x2d0: {  	[tilespmem:s9+$0x5CB0] =	vst.add.f32.msk $0xffff, v5  }
0x2d1: {  	[tilespmem:s9+$0x5CC0] =	vst.add.f32.msk $0xffff, v6  }
0x2d2: {  	[tilespmem:s9+$0x5CD0] =	vst.add.f32.msk $0xffff, v8  }
0x2d3: {  	[tilespmem:s9+$0x5CE0] =	vst.add.f32.msk $0xffff, v7  }
0x2d4: {  	v6 =	vld [tilespmem:s8+$0xFFFFFFD0]  }
0x2d5: {  	v8 =	vld [tilespmem:s7+$0xFFFFFF90]  }
0x2d6: {  	v5 =	vld [tilespmem:s8+$0x0]  }
0x2d7: {  	v10 =	vld [tilespmem:s7+$0xFFFFFFC0]  }
0x2d8: {  	v7 =	vld [tilespmem:s8+$0xFFFFFFF0]  }
0x2d9: {  	v11 =	vld [tilespmem:s7+$0xFFFFFFB0]  }
.Ltmp13:
0x2da: {  	v12 =	vadd.f32 v8, v6;
	v9 =	vld [tilespmem:s7+$0xFFFFFFA0];
	(pc) =	sbr.rel @p0 .LBB2_27-.Ltmp13, $4  }
0x2db: {  	s9 =	sshra.s32 s22, $0x2;
	s22 =	smov.u32 s13;
	v8 =	vld [tilespmem:s8+$0xFFFFFFE0];
	s8 =	smov.u32 s10  }
0x2dc: {  	v10 =	vadd.f32 v10, v5;
	[tilespmem:s9+$0x5C40] =	vst.add.f32.msk $0xffff, v12  }
0x2dd: {  	[tilespmem:s9+$0x5C00] =	vst.add.f32.msk $0xffff, v12  }
0x2de: {  	v11 =	vadd.f32 v11, v7;
	[tilespmem:s9+$0x5C30] =	vst.add.f32.msk $0xffff, v10  }
0x2df: {  	[tilespmem:s9+$0x5C70] =	vst.add.f32.msk $0xffff, v10  }
0x2e0: {  	v9 =	vadd.f32 v9, v8;
	[tilespmem:s9+$0x5C20] =	vst.add.f32.msk $0xffff, v11  }
0x2e1: {  	[tilespmem:s9+$0x5C60] =	vst.add.f32.msk $0xffff, v11  }
0x2e2: {  	[tilespmem:s9+$0x5C10] =	vst.add.f32.msk $0xffff, v9  }
0x2e3: {  	[tilespmem:s9+$0x5C50] =	vst.add.f32.msk $0xffff, v9  }
0x2e4: {  	v9 =	vld [tilespmem:s7+$0xFFFFFFD0]  }
0x2e5: {  	v10 =	vld [tilespmem:s7+$0xFFFFFFE0]  }
0x2e6: {  	v11 =	vld [tilespmem:s7+$0xFFFFFFF0]  }
0x2e7: {  	v12 =	vld [tilespmem:s7+$0x0];
	_ =	sdelay $0x1  }
0x2e8: {  	v6 =	vadd.f32 v9, v6  }
0x2e9: {  	v8 =	vadd.f32 v10, v8  }
0x2ea: {  	v7 =	vadd.f32 v11, v7;
	[tilespmem:s9+$0x5C80] =	vst.add.f32.msk $0xffff, v6  }
0x2eb: {  	v5 =	vadd.f32 v12, v5;
	[tilespmem:s9+$0x5C90] =	vst.add.f32.msk $0xffff, v8  }
0x2ec: {  	[tilespmem:s9+$0x5CA0] =	vst.add.f32.msk $0xffff, v7  }
0x2ed: {  	[tilespmem:s9+$0x5CF0] =	vst.add.f32.msk $0xffff, v5  }
0x2ee: {  	[tilespmem:s9+$0x5CB0] =	vst.add.f32.msk $0xffff, v5  }
0x2ef: {  	[tilespmem:s9+$0x5CC0] =	vst.add.f32.msk $0xffff, v6  }
0x2f0: {  	[tilespmem:s9+$0x5CD0] =	vst.add.f32.msk $0xffff, v8  }
0x2f1: {  	[tilespmem:s9+$0x5CE0] =	vst.add.f32.msk $0xffff, v7  }
0x2f2: {  	v5 =	vld [tilespmem:s8+$0xFFFFFFD0]  }
0x2f3: {  	v6 =	vld [tilespmem:s6+$0xFFFFFF90]  }
0x2f4: {  	v7 =	vld [tilespmem:s8+$0x0]  }
0x2f5: {  	v8 =	vld [tilespmem:s6+$0xFFFFFFC0]  }
0x2f6: {  	v9 =	vld [tilespmem:s8+$0xFFFFFFF0]  }
0x2f7: {  	v10 =	vld [tilespmem:s6+$0xFFFFFFB0]  }
0x2f8: {  	v11 =	vld [tilespmem:s6+$0xFFFFFFA0];
	v6 =	vadd.f32 v6, v5  }
0x2f9: {  	v62 =	vld [tilespmem:s8+$0xFFFFFFE0];
	s8 =	sshra.s32 s22, $0x2  }
0x2fa: {  	v8 =	vadd.f32 v8, v7;
	[tilespmem:s8+$0x5C40] =	vst.add.f32.msk $0xffff, v6  }
0x2fb: {  	[tilespmem:s8+$0x5C00] =	vst.add.f32.msk $0xffff, v6  }
0x2fc: {  	v6 =	vadd.f32 v10, v9;
	[tilespmem:s8+$0x5C30] =	vst.add.f32.msk $0xffff, v8  }
0x2fd: {  	[tilespmem:s8+$0x5C70] =	vst.add.f32.msk $0xffff, v8  }
0x2fe: {  	v8 =	vadd.f32 v11, v62;
	[tilespmem:s8+$0x5C20] =	vst.add.f32.msk $0xffff, v6  }
0x2ff: {  	[tilespmem:s8+$0x5C60] =	vst.add.f32.msk $0xffff, v6  }
0x300: {  	[tilespmem:s8+$0x5C10] =	vst.add.f32.msk $0xffff, v8  }
0x301: {  	[tilespmem:s8+$0x5C50] =	vst.add.f32.msk $0xffff, v8  }
0x302: {  	v6 =	vld [tilespmem:s6+$0xFFFFFFD0]  }
0x303: {  	v8 =	vld [tilespmem:s6+$0xFFFFFFE0]  }
0x304: {  	v10 =	vld [tilespmem:s6+$0xFFFFFFF0]  }
0x305: {  	v11 =	vld [tilespmem:s6+$0x0];
	_ =	sdelay $0x1  }
0x306: {  	v5 =	vadd.f32 v6, v5  }
0x307: {  	v6 =	vadd.f32 v8, v62  }
0x308: {  	v8 =	vadd.f32 v10, v9;
	[tilespmem:s8+$0x5C80] =	vst.add.f32.msk $0xffff, v5  }
0x309: {  	v7 =	vadd.f32 v11, v7;
	[tilespmem:s8+$0x5C90] =	vst.add.f32.msk $0xffff, v6  }
0x30a: {  	[tilespmem:s8+$0x5CA0] =	vst.add.f32.msk $0xffff, v8  }
0x30b: {  	[tilespmem:s8+$0x5CF0] =	vst.add.f32.msk $0xffff, v7  }
0x30c: {  	[tilespmem:s8+$0x5CB0] =	vst.add.f32.msk $0xffff, v7  }
0x30d: {  	[tilespmem:s8+$0x5CC0] =	vst.add.f32.msk $0xffff, v5  }
0x30e: {  	[tilespmem:s8+$0x5CD0] =	vst.add.f32.msk $0xffff, v6  }
0x30f: {  	s9 =	rddreg [dreg:$0x9];
	[tilespmem:s8+$0x5CE0] =	vst.add.f32.msk $0xffff, v8  }
0x310: {  	[hbm4b:s9+s24] =	stream.strided.scatter [tilespmem:s31], [sflag:$0x5], $0x4000, s17, s24, $0x38;
	[tilespmem:$0xFC00] =	vst v63  }
0x311: {  	_ =	swait.ge [sflag:s28], $0x2000  }
0x312: {  	[sflag:s28] =	ssyncset.done $0x0  }
0x313: {  	[sflag:s28] =	ssyncadd.s32 $0xFFFFE000  }
0x314: {  	_ =	swait.ge [sflag:s28], $0x2000  }
0x315: {  	[sflag:s28] =	ssyncset.done $0x0  }
0x316: {  	[sflag:s28] =	ssyncadd.s32 $0xFFFFE000  }
0x317: {  	_ =	swait.ge [sflag:s29], $0x2000  }
0x318: {  	[sflag:s29] =	ssyncset.done $0x0  }
0x319: {  	[sflag:s29] =	ssyncadd.s32 $0xFFFFE000  }
0x31a: {  	_ =	swait.ge [sflag:s29], $0x1000  }
0x31b: {  	[sflag:s29] =	ssyncset.done $0x0  }
0x31c: {  	[sflag:s29] =	ssyncadd.s32 $0xFFFFF000  }
0x31d: {  	_ =	swait.ge [sflag:s1], $0x4000  }
0x31e: {  	[sflag:s1] =	ssyncset.done $0x0  }
0x31f: {  	s10 =	simm.s32 $0x1500;
	[sflag:s1] =	ssyncadd.s32 $0xFFFFC000  }
0x320: {  	[tilespmem:s31], [sflag:$0x3] =	stream.indirect.gather [hbm4b:s5+s17], $0x40, s10, s17, $0xb8;
	[tilespmem:$0xFC00] =	vst v63  }
0x321: {  	s11 =	simm.s32 $0x1580  }
0x322: {  	[tilespmem:s0], [sflag:$0x3] =	stream.indirect.gather [hbm4b:s5+s17], $0x40, s11, s17, $0xb8;
	[tilespmem:$0xFC00] =	vst v63  }
0x323: {  	s12 =	simm.s32 $0x1980  }
0x324: {  	[tilespmem:s20], [sflag:$0x4] =	stream.indirect.gather [hbm4b:s4+s17], $0x40, s12, s17, $0xb8;
	[tilespmem:$0xFC00] =	vst v63  }
0x325: {  	s13 =	simm.s32 $0x1BC0;
	s22 =	simm.s32 $0xDC20  }
0x326: {  	[tilespmem:s25], [sflag:$0x4] =	stream.indirect.gather [hbm4b:s2+s24], $0x40, s13, s24, $0xb8;
	[tilespmem:$0xFC00] =	vst v63  }
0x327: {  	s7 =	simm.s32 $0x9C40;
	v6 =	vld [tilespmem:s22+$0xFFFFFFE0]  }
0x328: {  	v8 =	vld [tilespmem:s7+$0xFFFFFFC0]  }
0x329: {  	v5 =	vld [tilespmem:s22+$0x10]  }
0x32a: {  	v10 =	vld [tilespmem:s7+$0xFFFFFFF0]  }
0x32b: {  	v7 =	vld [tilespmem:s22+$0x0]  }
0x32c: {  	v11 =	vld [tilespmem:s7+$0xFFFFFFE0]  }
0x32d: {  	v9 =	vld [tilespmem:s7+$0xFFFFFFD0];
	v63 =	vadd.f32 v8, v6  }
0x32e: {  	s9 =	simm.s32 $0x0;
	v8 =	vld [tilespmem:s22+$0xFFFFFFF0]  }
0x32f: {  	v10 =	vadd.f32 v10, v5;
	[tilespmem:s9+$0x1C40] =	vst.add.f32.msk $0xffff, v63  }
0x330: {  	s6 =	simm.s32 $0x9CC0;
	s8 =	simm.s32 $0xDC60;
	s10 =	simm.s32 $0xDC60;
	[tilespmem:s9+$0x1C00] =	vst.add.f32.msk $0xffff, v63  }
0x331: {  	s11 =	simm.s32 $0x9CC0;
	s12 =	simm.s32 $0x800;
	s22 =	simm.s32 $0x400;
	v11 =	vadd.f32 v11, v7;
	[tilespmem:s9+$0x1C30] =	vst.add.f32.msk $0xffff, v10  }
.LBB2_29:
0x332: {  	p0 =	sne.s32 s12, $0xFC00;
	s10 =	sadd.s32 $0x40, s10;
	s11 =	sadd.s32 $0x80, s11;
	[tilespmem:s9+$0x1C70] =	vst.add.f32.msk $0xffff, v10  }
0x333: {  	s13 =	smov.u32 s12;
	s12 =	sadd.s32 $0x400, s12;
	v9 =	vadd.f32 v9, v8;
	[tilespmem:s9+$0x1C20] =	vst.add.f32.msk $0xffff, v11  }
0x334: {  	[tilespmem:s9+$0x1C60] =	vst.add.f32.msk $0xffff, v11  }
0x335: {  	[tilespmem:s9+$0x1C10] =	vst.add.f32.msk $0xffff, v9  }
0x336: {  	[tilespmem:s9+$0x1C50] =	vst.add.f32.msk $0xffff, v9  }
0x337: {  	v9 =	vld [tilespmem:s7+$0x0]  }
0x338: {  	v10 =	vld [tilespmem:s7+$0x10]  }
0x339: {  	v11 =	vld [tilespmem:s7+$0x20]  }
0x33a: {  	v12 =	vld [tilespmem:s7+$0x30];
	s7 =	smov.u32 s6;
	s6 =	smov.u32 s11;
	_ =	sdelay $0x1  }
0x33b: {  	v6 =	vadd.f32 v9, v6  }
0x33c: {  	v8 =	vadd.f32 v10, v8  }
0x33d: {  	v7 =	vadd.f32 v11, v7;
	[tilespmem:s9+$0x1C80] =	vst.add.f32.msk $0xffff, v6  }
0x33e: {  	v5 =	vadd.f32 v12, v5;
	[tilespmem:s9+$0x1C90] =	vst.add.f32.msk $0xffff, v8  }
0x33f: {  	[tilespmem:s9+$0x1CA0] =	vst.add.f32.msk $0xffff, v7  }
0x340: {  	[tilespmem:s9+$0x1CF0] =	vst.add.f32.msk $0xffff, v5  }
0x341: {  	[tilespmem:s9+$0x1CB0] =	vst.add.f32.msk $0xffff, v5  }
0x342: {  	[tilespmem:s9+$0x1CC0] =	vst.add.f32.msk $0xffff, v6  }
0x343: {  	[tilespmem:s9+$0x1CD0] =	vst.add.f32.msk $0xffff, v8  }
0x344: {  	[tilespmem:s9+$0x1CE0] =	vst.add.f32.msk $0xffff, v7  }
0x345: {  	v6 =	vld [tilespmem:s8+$0xFFFFFFE0]  }
0x346: {  	v8 =	vld [tilespmem:s7+$0xFFFFFFC0]  }
0x347: {  	v5 =	vld [tilespmem:s8+$0x10]  }
0x348: {  	v10 =	vld [tilespmem:s7+$0xFFFFFFF0]  }
0x349: {  	v7 =	vld [tilespmem:s8+$0x0]  }
0x34a: {  	v11 =	vld [tilespmem:s7+$0xFFFFFFE0]  }
.Ltmp14:
0x34b: {  	v12 =	vadd.f32 v8, v6;
	v9 =	vld [tilespmem:s7+$0xFFFFFFD0];
	(pc) =	sbr.rel @p0 .LBB2_29-.Ltmp14, $4  }
0x34c: {  	s9 =	sshra.s32 s22, $0x2;
	s22 =	smov.u32 s13;
	v8 =	vld [tilespmem:s8+$0xFFFFFFF0];
	s8 =	smov.u32 s10  }
0x34d: {  	v10 =	vadd.f32 v10, v5;
	[tilespmem:s9+$0x1C40] =	vst.add.f32.msk $0xffff, v12  }
0x34e: {  	[tilespmem:s9+$0x1C00] =	vst.add.f32.msk $0xffff, v12  }
0x34f: {  	v11 =	vadd.f32 v11, v7;
	[tilespmem:s9+$0x1C30] =	vst.add.f32.msk $0xffff, v10  }
0x350: {  	[tilespmem:s9+$0x1C70] =	vst.add.f32.msk $0xffff, v10  }
0x351: {  	v9 =	vadd.f32 v9, v8;
	[tilespmem:s9+$0x1C20] =	vst.add.f32.msk $0xffff, v11  }
0x352: {  	[tilespmem:s9+$0x1C60] =	vst.add.f32.msk $0xffff, v11  }
0x353: {  	[tilespmem:s9+$0x1C10] =	vst.add.f32.msk $0xffff, v9  }
0x354: {  	[tilespmem:s9+$0x1C50] =	vst.add.f32.msk $0xffff, v9  }
0x355: {  	v9 =	vld [tilespmem:s7+$0x0]  }
0x356: {  	v10 =	vld [tilespmem:s7+$0x10]  }
0x357: {  	v11 =	vld [tilespmem:s7+$0x20]  }
0x358: {  	v12 =	vld [tilespmem:s7+$0x30];
	_ =	sdelay $0x1  }
0x359: {  	v6 =	vadd.f32 v9, v6  }
0x35a: {  	v8 =	vadd.f32 v10, v8  }
0x35b: {  	v7 =	vadd.f32 v11, v7;
	[tilespmem:s9+$0x1C80] =	vst.add.f32.msk $0xffff, v6  }
0x35c: {  	v5 =	vadd.f32 v12, v5;
	[tilespmem:s9+$0x1C90] =	vst.add.f32.msk $0xffff, v8  }
0x35d: {  	[tilespmem:s9+$0x1CA0] =	vst.add.f32.msk $0xffff, v7  }
0x35e: {  	[tilespmem:s9+$0x1CF0] =	vst.add.f32.msk $0xffff, v5  }
0x35f: {  	[tilespmem:s9+$0x1CB0] =	vst.add.f32.msk $0xffff, v5  }
0x360: {  	[tilespmem:s9+$0x1CC0] =	vst.add.f32.msk $0xffff, v6  }
0x361: {  	[tilespmem:s9+$0x1CD0] =	vst.add.f32.msk $0xffff, v8  }
0x362: {  	[tilespmem:s9+$0x1CE0] =	vst.add.f32.msk $0xffff, v7  }
0x363: {  	v5 =	vld [tilespmem:s8+$0xFFFFFFE0]  }
0x364: {  	v6 =	vld [tilespmem:s6+$0xFFFFFFC0]  }
0x365: {  	v7 =	vld [tilespmem:s8+$0x10]  }
0x366: {  	v8 =	vld [tilespmem:s6+$0xFFFFFFF0]  }
0x367: {  	v9 =	vld [tilespmem:s8+$0x0]  }
0x368: {  	v10 =	vld [tilespmem:s6+$0xFFFFFFE0]  }
0x369: {  	v11 =	vld [tilespmem:s6+$0xFFFFFFD0];
	v6 =	vadd.f32 v6, v5  }
0x36a: {  	s12 =	sshra.s32 s22, $0x2;
	v62 =	vld [tilespmem:s8+$0xFFFFFFF0]  }
0x36b: {  	v8 =	vadd.f32 v8, v7;
	[tilespmem:s12+$0x1C40] =	vst.add.f32.msk $0xffff, v6  }
0x36c: {  	[tilespmem:s12+$0x1C00] =	vst.add.f32.msk $0xffff, v6  }
0x36d: {  	v6 =	vadd.f32 v10, v9;
	[tilespmem:s12+$0x1C30] =	vst.add.f32.msk $0xffff, v8  }
0x36e: {  	[tilespmem:s12+$0x1C70] =	vst.add.f32.msk $0xffff, v8  }
0x36f: {  	v8 =	vadd.f32 v11, v62;
	[tilespmem:s12+$0x1C20] =	vst.add.f32.msk $0xffff, v6  }
0x370: {  	[tilespmem:s12+$0x1C60] =	vst.add.f32.msk $0xffff, v6  }
0x371: {  	[tilespmem:s12+$0x1C10] =	vst.add.f32.msk $0xffff, v8  }
0x372: {  	[tilespmem:s12+$0x1C50] =	vst.add.f32.msk $0xffff, v8  }
0x373: {  	v6 =	vld [tilespmem:s6+$0x0]  }
0x374: {  	v8 =	vld [tilespmem:s6+$0x10]  }
0x375: {  	v10 =	vld [tilespmem:s6+$0x20]  }
0x376: {  	v11 =	vld [tilespmem:s6+$0x30];
	_ =	sdelay $0x1  }
0x377: {  	v5 =	vadd.f32 v6, v5  }
0x378: {  	v6 =	vadd.f32 v8, v62  }
0x379: {  	v8 =	vadd.f32 v10, v9;
	[tilespmem:s12+$0x1C80] =	vst.add.f32.msk $0xffff, v5  }
0x37a: {  	v7 =	vadd.f32 v11, v7;
	[tilespmem:s12+$0x1C90] =	vst.add.f32.msk $0xffff, v6  }
0x37b: {  	[tilespmem:s12+$0x1CA0] =	vst.add.f32.msk $0xffff, v8  }
0x37c: {  	[tilespmem:s12+$0x1CF0] =	vst.add.f32.msk $0xffff, v7  }
0x37d: {  	[tilespmem:s12+$0x1CB0] =	vst.add.f32.msk $0xffff, v7  }
0x37e: {  	[tilespmem:s12+$0x1CC0] =	vst.add.f32.msk $0xffff, v5  }
0x37f: {  	[tilespmem:s12+$0x1CD0] =	vst.add.f32.msk $0xffff, v6  }
0x380: {  	s13 =	rddreg [dreg:$0xa];
	[tilespmem:s12+$0x1CE0] =	vst.add.f32.msk $0xffff, v8  }
0x381: {  	[hbm4b:s13+s24] =	stream.strided.scatter [tilespmem:s19], [sflag:$0x5], $0x4000, s17, s24, $0x38;
	[tilespmem:$0xFC00] =	vst v63  }
0x382: {  	_ =	swait.ge [sflag:s30], $0x2000  }
0x383: {  	[sflag:s30] =	ssyncset.done $0x0  }
0x384: {  	[sflag:s30] =	ssyncadd.s32 $0xFFFFE000  }
0x385: {  	_ =	swait.ge [sflag:s30], $0x2000  }
0x386: {  	[sflag:s30] =	ssyncset.done $0x0  }
0x387: {  	[sflag:s30] =	ssyncadd.s32 $0xFFFFE000  }
0x388: {  	_ =	swait.ge [sflag:s29], $0x2000  }
0x389: {  	[sflag:s29] =	ssyncset.done $0x0  }
0x38a: {  	[sflag:s29] =	ssyncadd.s32 $0xFFFFE000  }
0x38b: {  	_ =	swait.ge [sflag:s29], $0x1000  }
0x38c: {  	[sflag:s29] =	ssyncset.done $0x0  }
0x38d: {  	s22 =	simm.s32 $0xEC30;
	[sflag:s29] =	ssyncadd.s32 $0xFFFFF000  }
0x38e: {  	s7 =	simm.s32 $0xBC70;
	v6 =	vld [tilespmem:s22+$0xFFFFFFD0]  }
0x38f: {  	v8 =	vld [tilespmem:s7+$0xFFFFFF90]  }
0x390: {  	v5 =	vld [tilespmem:s22+$0x0]  }
0x391: {  	v10 =	vld [tilespmem:s7+$0xFFFFFFC0]  }
0x392: {  	v7 =	vld [tilespmem:s22+$0xFFFFFFF0]  }
0x393: {  	v11 =	vld [tilespmem:s7+$0xFFFFFFB0]  }
0x394: {  	v9 =	vld [tilespmem:s7+$0xFFFFFFA0];
	v63 =	vadd.f32 v8, v6  }
0x395: {  	s9 =	simm.s32 $0x0;
	v8 =	vld [tilespmem:s22+$0xFFFFFFE0]  }
0x396: {  	v10 =	vadd.f32 v10, v5;
	[tilespmem:s9+$0x5C40] =	vst.add.f32.msk $0xffff, v63  }
0x397: {  	s10 =	simm.s32 $0xEC70;
	s11 =	simm.s32 $0xBCF0;
	s8 =	simm.s32 $0xEC70;
	[tilespmem:s9+$0x5C00] =	vst.add.f32.msk $0xffff, v63  }
0x398: {  	s6 =	simm.s32 $0xBCF0;
	s12 =	simm.s32 $0x800;
	s22 =	simm.s32 $0x400;
	v11 =	vadd.f32 v11, v7;
	[tilespmem:s9+$0x5C30] =	vst.add.f32.msk $0xffff, v10  }
.LBB2_31:
0x399: {  	p0 =	sne.s32 s12, $0xFC00;
	s10 =	sadd.s32 $0x40, s10;
	s11 =	sadd.s32 $0x80, s11;
	[tilespmem:s9+$0x5C70] =	vst.add.f32.msk $0xffff, v10  }
0x39a: {  	s13 =	smov.u32 s12;
	s12 =	sadd.s32 $0x400, s12;
	v9 =	vadd.f32 v9, v8;
	[tilespmem:s9+$0x5C20] =	vst.add.f32.msk $0xffff, v11  }
0x39b: {  	[tilespmem:s9+$0x5C60] =	vst.add.f32.msk $0xffff, v11  }
0x39c: {  	[tilespmem:s9+$0x5C10] =	vst.add.f32.msk $0xffff, v9  }
0x39d: {  	[tilespmem:s9+$0x5C50] =	vst.add.f32.msk $0xffff, v9  }
0x39e: {  	v9 =	vld [tilespmem:s7+$0xFFFFFFD0]  }
0x39f: {  	v10 =	vld [tilespmem:s7+$0xFFFFFFE0]  }
0x3a0: {  	v11 =	vld [tilespmem:s7+$0xFFFFFFF0]  }
0x3a1: {  	v12 =	vld [tilespmem:s7+$0x0];
	s7 =	smov.u32 s6;
	s6 =	smov.u32 s11;
	_ =	sdelay $0x1  }
0x3a2: {  	v6 =	vadd.f32 v9, v6  }
0x3a3: {  	v8 =	vadd.f32 v10, v8  }
0x3a4: {  	v7 =	vadd.f32 v11, v7;
	[tilespmem:s9+$0x5C80] =	vst.add.f32.msk $0xffff, v6  }
0x3a5: {  	v5 =	vadd.f32 v12, v5;
	[tilespmem:s9+$0x5C90] =	vst.add.f32.msk $0xffff, v8  }
0x3a6: {  	[tilespmem:s9+$0x5CA0] =	vst.add.f32.msk $0xffff, v7  }
0x3a7: {  	[tilespmem:s9+$0x5CF0] =	vst.add.f32.msk $0xffff, v5  }
0x3a8: {  	[tilespmem:s9+$0x5CB0] =	vst.add.f32.msk $0xffff, v5  }
0x3a9: {  	[tilespmem:s9+$0x5CC0] =	vst.add.f32.msk $0xffff, v6  }
0x3aa: {  	[tilespmem:s9+$0x5CD0] =	vst.add.f32.msk $0xffff, v8  }
0x3ab: {  	[tilespmem:s9+$0x5CE0] =	vst.add.f32.msk $0xffff, v7  }
0x3ac: {  	v6 =	vld [tilespmem:s8+$0xFFFFFFD0]  }
0x3ad: {  	v8 =	vld [tilespmem:s7+$0xFFFFFF90]  }
0x3ae: {  	v5 =	vld [tilespmem:s8+$0x0]  }
0x3af: {  	v10 =	vld [tilespmem:s7+$0xFFFFFFC0]  }
0x3b0: {  	v7 =	vld [tilespmem:s8+$0xFFFFFFF0]  }
0x3b1: {  	v11 =	vld [tilespmem:s7+$0xFFFFFFB0]  }
.Ltmp15:
0x3b2: {  	v12 =	vadd.f32 v8, v6;
	v9 =	vld [tilespmem:s7+$0xFFFFFFA0];
	(pc) =	sbr.rel @p0 .LBB2_31-.Ltmp15, $4  }
0x3b3: {  	s9 =	sshra.s32 s22, $0x2;
	s22 =	smov.u32 s13;
	v8 =	vld [tilespmem:s8+$0xFFFFFFE0];
	s8 =	smov.u32 s10  }
0x3b4: {  	v10 =	vadd.f32 v10, v5;
	[tilespmem:s9+$0x5C40] =	vst.add.f32.msk $0xffff, v12  }
0x3b5: {  	[tilespmem:s9+$0x5C00] =	vst.add.f32.msk $0xffff, v12  }
0x3b6: {  	v11 =	vadd.f32 v11, v7;
	[tilespmem:s9+$0x5C30] =	vst.add.f32.msk $0xffff, v10  }
0x3b7: {  	[tilespmem:s9+$0x5C70] =	vst.add.f32.msk $0xffff, v10  }
0x3b8: {  	v9 =	vadd.f32 v9, v8;
	[tilespmem:s9+$0x5C20] =	vst.add.f32.msk $0xffff, v11  }
0x3b9: {  	[tilespmem:s9+$0x5C60] =	vst.add.f32.msk $0xffff, v11  }
0x3ba: {  	[tilespmem:s9+$0x5C10] =	vst.add.f32.msk $0xffff, v9  }
0x3bb: {  	[tilespmem:s9+$0x5C50] =	vst.add.f32.msk $0xffff, v9  }
0x3bc: {  	v9 =	vld [tilespmem:s7+$0xFFFFFFD0]  }
0x3bd: {  	v10 =	vld [tilespmem:s7+$0xFFFFFFE0]  }
0x3be: {  	v11 =	vld [tilespmem:s7+$0xFFFFFFF0]  }
0x3bf: {  	v12 =	vld [tilespmem:s7+$0x0];
	_ =	sdelay $0x1  }
0x3c0: {  	v6 =	vadd.f32 v9, v6  }
0x3c1: {  	v55 =	vadd.f32 v10, v8  }
0x3c2: {  	v7 =	vadd.f32 v11, v7;
	[tilespmem:s9+$0x5C80] =	vst.add.f32.msk $0xffff, v6  }
0x3c3: {  	v5 =	vadd.f32 v12, v5;
	[tilespmem:s9+$0x5C90] =	vst.add.f32.msk $0xffff, v55  }
0x3c4: {  	[tilespmem:s9+$0x5CA0] =	vst.add.f32.msk $0xffff, v7  }
0x3c5: {  	[tilespmem:s9+$0x5CF0] =	vst.add.f32.msk $0xffff, v5  }
0x3c6: {  	[tilespmem:s9+$0x5CB0] =	vst.add.f32.msk $0xffff, v5  }
0x3c7: {  	[tilespmem:s9+$0x5CC0] =	vst.add.f32.msk $0xffff, v6  }
0x3c8: {  	[tilespmem:s9+$0x5CD0] =	vst.add.f32.msk $0xffff, v55  }
0x3c9: {  	[tilespmem:s9+$0x5CE0] =	vst.add.f32.msk $0xffff, v7  }
0x3ca: {  	v5 =	vld [tilespmem:s8+$0xFFFFFFD0]  }
0x3cb: {  	v6 =	vld [tilespmem:s6+$0xFFFFFF90]  }
0x3cc: {  	v7 =	vld [tilespmem:s8+$0x0]  }
0x3cd: {  	v8 =	vld [tilespmem:s6+$0xFFFFFFC0]  }
0x3ce: {  	v58 =	vld [tilespmem:s6+$0xFFFFFFA0]  }
0x3cf: {  	v59 =	vld [tilespmem:s8+$0xFFFFFFE0]  }
0x3d0: {  	v56 =	vld [tilespmem:s8+$0xFFFFFFF0];
	v6 =	vadd.f32 v6, v5  }
0x3d1: {  	s22 =	sshra.s32 s22, $0x2;
	v57 =	vld [tilespmem:s6+$0xFFFFFFB0]  }
0x3d2: {  	v8 =	vadd.f32 v8, v7;
	[tilespmem:s22+$0x5C40] =	vst.add.f32.msk $0xffff, v6  }
0x3d3: {  	[tilespmem:s22+$0x5C00] =	vst.add.f32.msk $0xffff, v6  }
0x3d4: {  	v60 =	vadd.f32 v58, v59;
	[tilespmem:s22+$0x5C30] =	vst.add.f32.msk $0xffff, v8  }
0x3d5: {  	[tilespmem:s22+$0x5C70] =	vst.add.f32.msk $0xffff, v8  }
0x3d6: {  	v6 =	vadd.f32 v57, v56;
	[tilespmem:s22+$0x5C10] =	vst.add.f32.msk $0xffff, v60  }
0x3d7: {  	[tilespmem:s22+$0x5C50] =	vst.add.f32.msk $0xffff, v60  }
0x3d8: {  	[tilespmem:s22+$0x5C20] =	vst.add.f32.msk $0xffff, v6  }
0x3d9: {  	[tilespmem:s22+$0x5C60] =	vst.add.f32.msk $0xffff, v6  }
0x3da: {  	v6 =	vld [tilespmem:s6+$0xFFFFFFD0]  }
0x3db: {  	v8 =	vld [tilespmem:s6+$0xFFFFFFE0]  }
0x3dc: {  	v61 =	vld [tilespmem:s6+$0xFFFFFFF0]  }
0x3dd: {  	v62 =	vld [tilespmem:s6+$0x0];
	_ =	sdelay $0x1  }
0x3de: {  	v5 =	vadd.f32 v6, v5  }
0x3df: {  	v6 =	vadd.f32 v8, v59  }
0x3e0: {  	v63 =	vadd.f32 v61, v56;
	[tilespmem:s22+$0x5C80] =	vst.add.f32.msk $0xffff, v5  }
0x3e1: {  	v7 =	vadd.f32 v62, v7;
	[tilespmem:s22+$0x5C90] =	vst.add.f32.msk $0xffff, v6  }
0x3e2: {  	[tilespmem:s22+$0x5CA0] =	vst.add.f32.msk $0xffff, v63  }
0x3e3: {  	[tilespmem:s22+$0x5CF0] =	vst.add.f32.msk $0xffff, v7  }
0x3e4: {  	[tilespmem:s22+$0x5CB0] =	vst.add.f32.msk $0xffff, v7  }
0x3e5: {  	[tilespmem:s22+$0x5CC0] =	vst.add.f32.msk $0xffff, v5  }
0x3e6: {  	[tilespmem:s22+$0x5CD0] =	vst.add.f32.msk $0xffff, v6  }
0x3e7: {  	s18 =	sadd.s32 $0x1, s18;
	[tilespmem:s22+$0x5CE0] =	vst.add.f32.msk $0xffff, v63  }
0x3e8: {  	[hbm4b:s14+s24] =	stream.strided.scatter [tilespmem:s31], [sflag:$0x5], $0x4000, s17, s24, $0x38;
	[tilespmem:$0xFC00] =	vst v63  }
0x3e9: {  	p0 =	sne.s32 s18, s15;
	_ =	swait.ge [sflag:s1], $0x4000  }
.Ltmp16:
0x3ea: {  	[sflag:s1] =	ssyncset.done $0x0;
	(pc) =	sbr.rel @p0 .LBB2_1-.Ltmp16, $4  }
.Ltmp17:
0x3eb: {  	[sflag:s1] =	ssyncadd.s32 $0xFFFFC000;
	(pc) =	sbr.rel @!p0 .LBB2_33-.Ltmp17, $4  }
0x3ec: {  	_ =	swait.ge [sflag:s1], $0x4000  }
0x3ed: {  	[sflag:s1] =	ssyncset.done $0x0  }
0x3ee: {  	[sflag:s1] =	ssyncadd.s32 $0xFFFFC000  }
0x3ef: {  	_ = 	snop  }
.LBB2_4:
.Ltmp18:
0x3f0: {  	(pc) =	sbr.rel .LBB2_8-.Ltmp18, $2  }
0x3f1: {  	_ =	sdelay $0x2  }
0x3f2: {  	s7 =	simm.s32 $0x0;
	p1 =	por $0x0, $0x0  }
.LBB2_9:
.Ltmp19:
0x3f3: {  	(pc) =	sbr.rel .LBB2_16-.Ltmp19, $2  }
0x3f4: {  	_ =	sdelay $0x2  }
0x3f5: {  	p1 =	por $0x0, $0x0  }
.LBB2_6:
.Ltmp20:
0x3f6: {  	(pc) =	sbr.rel .LBB2_8-.Ltmp20, $2  }
0x3f7: {  	_ =	sdelay $0x2  }
0x3f8: {  	s8 =	simm.s32 $0x0;
	s7 =	simm.s32 $0x10  }
.LBB2_11:
.Ltmp21:
0x3f9: {  	(pc) =	sbr.rel .LBB2_16-.Ltmp21, $2  }
0x3fa: {  	_ =	sdelay $0x2  }
0x3fb: {  	s6 =	simm.s32 $0x0;
	s22 =	simm.s32 $0x10  }
.LBB2_13:
.Ltmp22:
0x3fc: {  	(pc) =	sbr.rel .LBB2_16-.Ltmp22, $2  }
0x3fd: {  	_ =	sdelay $0x2  }
0x3fe: {  	s8 =	simm.s32 $0x0;
	s22 =	simm.s32 $0x20  }
.LBB2_33:
0x3ff: {  	_ =	sfence.sel $0x180000  }
0x400: {  	[bflag:$0x0] =	sbarrier.arrive $0xFFFF  }
0x401: {  	_ =	strace $0x90000047  }
0x402: {  	s0 =	stileid.u32;
	[bflag:$0x2] =	sbarrier.arrive $0xFFFF  }
0x403: {  	p0 =	sne.s32 s0, $0x0;
	s0 =	rddreg [dreg:$0x2]  }
0x404: {  	s0 =	sadd.s32 @!p0 $0x100000, s0  }
0x405: {  	[sflag:s0] =	ssyncadd.tile.s32 @!p0 $0x1;
	_ =	shalt  }
.Lfunc_end2:
_tile_overlayer_lowered:
.L_overlay_start_2:
0x406: {  	(tag) =	ssettag $0x2  }
0x407: {  	s0 =	rddreg [dreg:$0x0];
	s2 =	stileid.u32  }
0x408: {  	s1 =	rddreg [dreg:$0x1];
	p0 =	sne.s32 s2, $0x0  }
0x409: {  	s3 =	rddreg [dreg:$0x2];
	[bflag:$0x3] =	sbarrier.arrive $0xFFFF;
	s2 =	simm.s32 @!p0 $0x1C06  }
0x40a: {  	[timem:s3], [sflag:s2] =	dma.local @!p0 [hbm:s0], s1  }
0x40b: {  	s0 =	simm.s32 @!p0 $0x6  }
0x40c: {  	_ =	swait.ge @!p0 [sflag:s0], s1  }
0x40d: {  	s1 =	ssub.s32 @!p0 $0x0, s1;
	[sflag:s0] =	ssyncset.done @!p0 $0x0  }
0x40e: {  	[sflag:s0] =	ssyncadd.s32 @!p0 s1  }
0x40f: {  	[bflag:$0x3] =	sbarrier.arrive $0xFFFF  }
0x410: {  	_ =	shalt  }

</sc_bundles>
